<compile_context>
chip_gen: v7x
topology: tpu7x:2x2x1
jax: 0.10.2.dev20260603
libtpu: 0.0.44.dev20260713+nightly
codegen_flags: <defaults>
</compile_context>

<pallas_src>
import functools

import jax
import jax.numpy as jnp
from jax import lax
from jax.experimental import pallas as pl
from jax.experimental.pallas import tpu as pltpu
from jax.experimental.pallas import tpu_sc as plsc

N_NODES = 10000
N_EDGES = 320000
D = 128
BATCH = 2000

NC = 2
NS = 16
NW = NC * NS
EPW = N_EDGES // NW
CH = 80
NCHUNK = EPW // CH
NBUF = 4
SUB_ROWS = 624
TAIL0 = NS * SUB_ROWS
TAIL_ROWS = N_NODES - TAIL0


def _sc_agg_body(with_cnt, h_hbm, src_hbm, dst_hbm, z2_hbm, *rest):
    if with_cnt:
        acc_out, cnt_out = rest[0], rest[1]
        rest = rest[2:]
    else:
        acc_out = rest[0]
        rest = rest[1:]
    srcv = rest[0:NBUF]
    dstv = rest[NBUF:2 * NBUF]
    rowsv = rest[2 * NBUF:3 * NBUF]
    onesv, zv, acc_sh, cnt_sh = rest[3 * NBUF:4 + 3 * NBUF]
    sems = rest[4 + 3 * NBUF:]
    sem_g = sems[0:NBUF]
    sem_s = sems[NBUF:2 * NBUF]
    sem_d = sems[2 * NBUF:3 * NBUF]
    sem_c = sems[3 * NBUF:4 * NBUF]
    sem_r = sems[4 * NBUF:5 * NBUF]

    c = lax.axis_index("c")
    s = lax.axis_index("s")
    r0 = pl.multiple_of(s * SUB_ROWS, 8)
    rows = pl.ds(r0, SUB_ROWS)
    tail = pl.ds(TAIL0, TAIL_ROWS)

    pltpu.sync_copy(z2_hbm.at[rows], acc_sh.at[rows])

    @pl.when(s == 0)
    def _zero_tail():
        pltpu.sync_copy(z2_hbm.at[tail], acc_sh.at[tail])

    if with_cnt:
        for j in range(SUB_ROWS // 16):
            zv[pl.ds(j * 16, 16)] = jnp.zeros((16,), jnp.float32)
        pltpu.sync_copy(zv, cnt_sh.at[rows])

        @pl.when(s == 0)
        def _zero_cnt_tail():
            pltpu.sync_copy(zv.at[pl.ds(0, TAIL_ROWS)], cnt_sh.at[tail])

        for j in range(CH // 16):
            onesv[pl.ds(j * 16, 16)] = jnp.full((16,), 1.0, jnp.float32)
    plsc.subcore_barrier()

    ebase = (c * NS + s) * EPW

    def slot(k, b):
        @pl.when(jnp.logical_and(k >= NBUF, k < NCHUNK + NBUF))
        def _wait_scatter():
            pltpu.make_async_copy(rowsv[b], acc_sh.at[dstv[b]], sem_s[b]).wait()
            if with_cnt:
                pltpu.make_async_copy(onesv, cnt_sh.at[dstv[b]], sem_c[b]).wait()

        @pl.when(k < NCHUNK)
        def _issue_idx():
            eoff = pl.multiple_of(ebase + k * CH, 8)
            pltpu.async_copy(src_hbm.at[pl.ds(eoff, CH)], srcv[b], sem_r[b])
            pltpu.async_copy(dst_hbm.at[pl.ds(eoff, CH)], dstv[b], sem_d[b])

        @pl.when(jnp.logical_and(k >= 1, k < NCHUNK + 1))
        def _gather_prev():
            p = (b + NBUF - 1) % NBUF
            pltpu.make_async_copy(
                src_hbm.at[pl.ds(0, CH)], srcv[p], sem_r[p]).wait()
            pltpu.async_copy(h_hbm.at[srcv[p]], rowsv[p], sem_g[p])

        @pl.when(jnp.logical_and(k >= 2, k < NCHUNK + 2))
        def _scatter_prev2():
            p = (b + NBUF - 2) % NBUF
            pltpu.make_async_copy(
                h_hbm.at[srcv[p]], rowsv[p], sem_g[p]).wait()
            pltpu.make_async_copy(
                dst_hbm.at[pl.ds(0, CH)], dstv[p], sem_d[p]).wait()
            pltpu.async_copy(rowsv[p], acc_sh.at[dstv[p]], sem_s[p], add=True)
            if with_cnt:
                pltpu.async_copy(onesv, cnt_sh.at[dstv[p]], sem_c[p], add=True)

    NSLOT = NCHUNK + NBUF
    NITER = (NSLOT + NBUF - 1) // NBUF

    def group(kk, carry):
        k0 = kk * NBUF
        for b in range(NBUF):
            slot(k0 + b, b)
        return carry

    lax.fori_loop(0, NITER, group, 0)
    plsc.subcore_barrier()

    pltpu.sync_copy(acc_sh.at[rows], acc_out.at[c, rows])

    @pl.when(s == 0)
    def _out_tail():
        pltpu.sync_copy(acc_sh.at[tail], acc_out.at[c, tail])

    if with_cnt:
        cbase = c * N_NODES
        pltpu.sync_copy(cnt_sh.at[rows], zv)
        pltpu.sync_copy(zv, cnt_out.at[pl.ds(pl.multiple_of(cbase + r0, 8),
                                             SUB_ROWS)])

        @pl.when(s == 0)
        def _out_cnt_tail():
            pltpu.sync_copy(cnt_sh.at[tail], zv.at[pl.ds(0, TAIL_ROWS)])
            pltpu.sync_copy(
                zv.at[pl.ds(0, TAIL_ROWS)],
                cnt_out.at[pl.ds(pl.multiple_of(cbase + TAIL0, 8), TAIL_ROWS)])


def _make_sc_agg(with_cnt):
    mesh = plsc.VectorSubcoreMesh(core_axis_name="c", subcore_axis_name="s")
    out_type = [jax.ShapeDtypeStruct((NC, N_NODES, D), jnp.float32)]
    if with_cnt:
        out_type.append(jax.ShapeDtypeStruct((NC * N_NODES,), jnp.float32))
    scratch = (
        [pltpu.VMEM((CH,), jnp.int32)] * NBUF
        + [pltpu.VMEM((CH,), jnp.int32)] * NBUF
        + [pltpu.VMEM((CH, D), jnp.float32)] * NBUF
        + [
            pltpu.VMEM((CH,), jnp.float32),
            pltpu.VMEM((SUB_ROWS,), jnp.float32),
            pltpu.VMEM_SHARED((N_NODES, D), jnp.float32),
            pltpu.VMEM_SHARED((N_NODES,), jnp.float32),
        ]
        + [pltpu.SemaphoreType.DMA] * (5 * NBUF)
    )
    return pl.kernel(
        functools.partial(_sc_agg_body, with_cnt),
        out_type=out_type,
        mesh=mesh,
        scratch_types=scratch,
    )


_sc_agg_cnt = _make_sc_agg(True)
_sc_agg = _make_sc_agg(False)


def _tc_pre_body(x_ref, wr_ref, bl_ref, o_ref):
    o_ref[...] = (
        jnp.dot(x_ref[...], wr_ref[...], preferred_element_type=jnp.float32)
        + bl_ref[...]
    )


def _tc_pre(x, Wr, bl, block_rows=2000):
    R = block_rows
    return pl.pallas_call(
        _tc_pre_body,
        grid=(N_NODES // R,),
        in_specs=[
            pl.BlockSpec((R, D), lambda i: (i, 0)),
            pl.BlockSpec((D, D), lambda i: (0, 0)),
            pl.BlockSpec((1, D), lambda i: (0, 0)),
        ],
        out_specs=pl.BlockSpec((R, D), lambda i: (i, 0)),
        out_shape=jax.ShapeDtypeStruct((N_NODES, D), jnp.float32),
    )(x, Wr, bl.reshape(1, D))


def _tc_post_body(acc_ref, cnt_ref, p_ref, wl_ref, o_ref):
    a = acc_ref[0] + acc_ref[1]
    inv = 1.0 / jnp.maximum(cnt_ref[0] + cnt_ref[1], 1.0)
    mean = a * inv
    o_ref[...] = jnp.maximum(
        jnp.dot(mean, wl_ref[...], preferred_element_type=jnp.float32)
        + p_ref[...],
        0.0,
    )


def _tc_post(acc, cnt3, p, Wl, block_rows=2000):
    R = block_rows
    return pl.pallas_call(
        _tc_post_body,
        grid=(N_NODES // R,),
        in_specs=[
            pl.BlockSpec((2, R, D), lambda i: (0, i, 0)),
            pl.BlockSpec((2, R, 1), lambda i: (0, i, 0)),
            pl.BlockSpec((R, D), lambda i: (i, 0)),
            pl.BlockSpec((D, D), lambda i: (0, 0)),
        ],
        out_specs=pl.BlockSpec((R, D), lambda i: (i, 0)),
        out_shape=jax.ShapeDtypeStruct((N_NODES, D), jnp.float32),
    )(acc, cnt3, p, Wl)


def _tc_fc_body(h_ref, w_ref, b_ref, o_ref):
    o_ref[...] = (
        jnp.dot(h_ref[...], w_ref[...], preferred_element_type=jnp.float32)
        + b_ref[...]
    )


def _tc_fc(h2, Wfc, bfc, block_rows=1000):
    R = block_rows
    K = 5 * D
    return pl.pallas_call(
        _tc_fc_body,
        grid=(BATCH // R,),
        in_specs=[
            pl.BlockSpec((R, K), lambda i: (i, 0)),
            pl.BlockSpec((K, D), lambda i: (0, 0)),
            pl.BlockSpec((1, D), lambda i: (0, 0)),
        ],
        out_specs=pl.BlockSpec((R, D), lambda i: (i, 0)),
        out_shape=jax.ShapeDtypeStruct((BATCH, D), jnp.float32),
    )(h2, Wfc, bfc.reshape(1, D))


def kernel(x, edge_index, Wl1, bl1, Wr1, Wl2, bl2, Wr2, Wl3, bl3, Wr3,
           Wl4, bl4, Wr4, Wl5, bl5, Wr5, Wfc, bfc):
    src = edge_index[0].astype(jnp.int32)
    dst = edge_index[1].astype(jnp.int32)
    z2 = jnp.zeros((N_NODES, D), jnp.float32)

    acc, cnt = _sc_agg_cnt(x, src, dst, z2)
    p = _tc_pre(x, Wr1, bl1)
    cnt3 = cnt.reshape(NC, N_NODES, 1)
    h = _tc_post(acc, cnt3, p, Wl1)
    for Wl, bl, Wr in ((Wl2, bl2, Wr2), (Wl3, bl3, Wr3), (Wl4, bl4, Wr4),
                       (Wl5, bl5, Wr5)):
        p = _tc_pre(h, Wr, bl)
        (acc,) = _sc_agg(h, src, dst, z2)
        h = _tc_post(acc, cnt3, p, Wl)

    return _tc_fc(h.reshape(BATCH, 5 * D), Wfc, bfc)

# --- scband reference (transcript-rebuilt; emitter-appended) ---
"""Pipeline reference for scband-graph-sage-area-sobel-77180562309266 (READ-ONLY COPY).

The authoritative reference and input builder live on the scoring server;
editing this copy changes nothing except your own understanding.
"""

import jax, jax.numpy as jnp
import numpy as np

N_NODES = 10000
N_EDGES = 320000
D_IN = 128
D_HID = 128
D_OUT = 128
BATCH = 2000


def setup_inputs(seed: int = 0) -> dict:
    key = jax.random.key(seed)
    ks = jax.random.split(key, 16)
    inp = {}
    inp['x'] = jax.random.normal(ks[0], (N_NODES, D_IN), dtype=jnp.float32)
    inp['edge_index'] = jax.random.randint(ks[1], (2, N_EDGES), 0, N_NODES, dtype=jnp.int64)
    dims = [(D_IN, D_HID), (D_HID, D_HID), (D_HID, D_HID), (D_HID, D_HID), (D_HID, D_HID)]
    for i, (di, do) in enumerate(dims):
        s = 1.0 / np.sqrt(di)
        inp[f'Wl{i+1}'] = jax.random.normal(ks[2 + 2 * i], (di, do), dtype=jnp.float32) * s
        inp[f'bl{i+1}'] = jnp.zeros((do,), dtype=jnp.float32)
        inp[f'Wr{i+1}'] = jax.random.normal(ks[3 + 2 * i], (di, do), dtype=jnp.float32) * s
    sf = 1.0 / np.sqrt(D_HID * 5)
    inp['Wfc'] = jax.random.normal(ks[12], (D_HID * 5, D_OUT), dtype=jnp.float32) * sf
    inp['bfc'] = jnp.zeros((D_OUT,), dtype=jnp.float32)
    return inp


def _sage_conv(x, edge_index, Wl, bl, Wr):
    # PyG SAGEConv (mean aggr): out = lin_l(mean_{j in N(i)} x_j) + lin_r(x_i)
    src = edge_index[0]
    dst = edge_index[1]
    msg = jnp.take(x, src, axis=0)
    agg = jax.ops.segment_sum(msg, dst, num_segments=N_NODES)
    cnt = jax.ops.segment_sum(jnp.ones((msg.shape[0], 1), dtype=x.dtype), dst, num_segments=N_NODES)
    mean = agg / jnp.maximum(cnt, 1.0)
    return mean @ Wl + bl + x @ Wr


def reference(x, edge_index, Wl1, bl1, Wr1, Wl2, bl2, Wr2, Wl3, bl3, Wr3, Wl4, bl4, Wr4, Wl5, bl5, Wr5, Wfc, bfc):
    h = jax.nn.relu(_sage_conv(x, edge_index, Wl1, bl1, Wr1))
    h = jax.nn.relu(_sage_conv(h, edge_index, Wl2, bl2, Wr2))
    h = jax.nn.relu(_sage_conv(h, edge_index, Wl3, bl3, Wr3))
    h = jax.nn.relu(_sage_conv(h, edge_index, Wl4, bl4, Wr4))
    h = jax.nn.relu(_sage_conv(h, edge_index, Wl5, bl5, Wr5))
    h = h.reshape(BATCH, -1, h.shape[-1])
    h = h.reshape(BATCH, -1)
    out = h @ Wfc + bfc
    return out

if __name__ == "__main__":
    import jax
    _d = setup_inputs()
    print(jax.jit(kernel)(*tuple(_d.values())))

</pallas_src>

<mosaic_0001>
#map = affine_map<(d0, d1) -> (0, 0)>
#map1 = affine_map<(d0, d1) -> (0)>
#map2 = affine_map<(d0, d1) -> (0, 0, 0)>
module attributes {stable_mosaic.version = 14 : i64} {
  func.func @_sc_agg_body(%arg0: i32, %arg1: i32, %arg2: memref<10000x128xf32, #tpu.memory_space<hbm>>, %arg3: memref<320000xi32, #tpu.memory_space<hbm>>, %arg4: memref<320000xi32, #tpu.memory_space<hbm>>, %arg5: memref<10000x128xf32, #tpu.memory_space<hbm>>, %arg6: memref<2x10000x128xf32, #tpu.memory_space<hbm>>, %arg7: memref<80xi32, #tpu.memory_space<vmem>>, %arg8: memref<80xi32, #tpu.memory_space<vmem>>, %arg9: memref<80xi32, #tpu.memory_space<vmem>>, %arg10: memref<80xi32, #tpu.memory_space<vmem>>, %arg11: memref<80xi32, #tpu.memory_space<vmem>>, %arg12: memref<80xi32, #tpu.memory_space<vmem>>, %arg13: memref<80xi32, #tpu.memory_space<vmem>>, %arg14: memref<80xi32, #tpu.memory_space<vmem>>, %arg15: memref<80x128xf32, #tpu.memory_space<vmem>>, %arg16: memref<80x128xf32, #tpu.memory_space<vmem>>, %arg17: memref<80x128xf32, #tpu.memory_space<vmem>>, %arg18: memref<80x128xf32, #tpu.memory_space<vmem>>, %arg19: memref<80xf32, #tpu.memory_space<vmem>>, %arg20: memref<624xf32, #tpu.memory_space<vmem>>, %arg21: memref<10000x128xf32, #tpu.memory_space<vmem_shared>>, %arg22: memref<10000xf32, #tpu.memory_space<vmem_shared>>, %arg23: memref<!tpu.dma_semaphore, #tpu.memory_space<semaphore_mem>>, %arg24: memref<!tpu.dma_semaphore, #tpu.memory_space<semaphore_mem>>, %arg25: memref<!tpu.dma_semaphore, #tpu.memory_space<semaphore_mem>>, %arg26: memref<!tpu.dma_semaphore, #tpu.memory_space<semaphore_mem>>, %arg27: memref<!tpu.dma_semaphore, #tpu.memory_space<semaphore_mem>>, %arg28: memref<!tpu.dma_semaphore, #tpu.memory_space<semaphore_mem>>, %arg29: memref<!tpu.dma_semaphore, #tpu.memory_space<semaphore_mem>>, %arg30: memref<!tpu.dma_semaphore, #tpu.memory_space<semaphore_mem>>, %arg31: memref<!tpu.dma_semaphore, #tpu.memory_space<semaphore_mem>>, %arg32: memref<!tpu.dma_semaphore, #tpu.memory_space<semaphore_mem>>, %arg33: memref<!tpu.dma_semaphore, #tpu.memory_space<semaphore_mem>>, %arg34: memref<!tpu.dma_semaphore, #tpu.memory_space<semaphore_mem>>, %arg35: memref<!tpu.dma_semaphore, #tpu.memory_space<semaphore_mem>>, %arg36: memref<!tpu.dma_semaphore, #tpu.memory_space<semaphore_mem>>, %arg37: memref<!tpu.dma_semaphore, #tpu.memory_space<semaphore_mem>>, %arg38: memref<!tpu.dma_semaphore, #tpu.memory_space<semaphore_mem>>, %arg39: memref<!tpu.dma_semaphore, #tpu.memory_space<semaphore_mem>>, %arg40: memref<!tpu.dma_semaphore, #tpu.memory_space<semaphore_mem>>, %arg41: memref<!tpu.dma_semaphore, #tpu.memory_space<semaphore_mem>>, %arg42: memref<!tpu.dma_semaphore, #tpu.memory_space<semaphore_mem>>) attributes {dimension_semantics = [#tpu.dimension_semantics<core_parallel>, #tpu.dimension_semantics<subcore_parallel>], iteration_bounds = array<i64: 2, 16>, scalar_prefetch = 0 : i64, scratch_operands = 36 : i64, tpu.core_type = #tpu.core_type<sc_vector_subcore>, window_params = [{transform_indices = #map}, {transform_indices = #map1}, {transform_indices = #map1}, {transform_indices = #map}, {transform_indices = #map2}]} {
    %mul3A = arith.constant 624 : i32
    %mul3A_0 = arith.muli %arg1, %mul3A : i32
    %multiple_of3A = tpu.assume_multiple %mul3A_0, 8 : i32
    "tpu.region"() ({
      %run_scoped3A = tpu.sem_alloc : memref<!tpu.dma_semaphore, #tpu.memory_space<semaphore_mem>>
      %dma_start3A = arith.constant 0 : i32
      %dma_start3A_18 = tpu.memref_slice %arg21[%multiple_of3A, %dma_start3A] : memref<10000x128xf32, #tpu.memory_space<vmem_shared>> -> memref<624x128xf32, #tpu.memory_space<vmem_shared>>
      %dma_start3A_19 = arith.constant 0 : i32
      %dma_start3A_20 = tpu.memref_slice %arg5[%multiple_of3A, %dma_start3A_19] : memref<10000x128xf32, #tpu.memory_space<hbm>> -> memref<624x128xf32, #tpu.memory_space<hbm>>
      tpu.enqueue_dma source(%dma_start3A_20 : memref<624x128xf32, #tpu.memory_space<hbm>>) target(%dma_start3A_18 : memref<624x128xf32, #tpu.memory_space<vmem_shared>>) target_semaphore(%run_scoped3A : memref<!tpu.dma_semaphore, #tpu.memory_space<semaphore_mem>>)
      %dma_wait3A = arith.constant 0 : i32
      %dma_wait3A_21 = tpu.memref_slice %arg21[%multiple_of3A, %dma_wait3A] : memref<10000x128xf32, #tpu.memory_space<vmem_shared>> -> memref<624x128xf32, #tpu.memory_space<vmem_shared>>
      %dma_wait3A_22 = arith.constant 0 : i32
      %dma_wait3A_23 = tpu.memref_slice %arg5[%multiple_of3A, %dma_wait3A_22] : memref<10000x128xf32, #tpu.memory_space<hbm>> -> memref<624x128xf32, #tpu.memory_space<hbm>>
      tpu.wait_dma2 semaphore(%run_scoped3A : memref<!tpu.dma_semaphore, #tpu.memory_space<semaphore_mem>>) src(%dma_wait3A_23 : memref<624x128xf32, #tpu.memory_space<hbm>>) dst(%dma_wait3A_21 : memref<624x128xf32, #tpu.memory_space<vmem_shared>>)
      tpu.yield
    }) : () -> ()
    %eq3A = arith.constant 0 : i32
    %eq3A_1 = arith.cmpi eq, %arg1, %eq3A : i32
    %convert_element_type3A = arith.extui %eq3A_1 : i1 to i32
    %cond3A = arith.constant 0 : i32
    %cond3A_2 = arith.cmpi ne, %convert_element_type3A, %cond3A : i32
    scf.if %cond3A_2 {
      "tpu.region"() ({
        %run_scoped3A = tpu.sem_alloc : memref<!tpu.dma_semaphore, #tpu.memory_space<semaphore_mem>>
        %dma_start3A = arith.constant 9984 : i32
        %dma_start3A_18 = arith.constant 0 : i32
        %dma_start3A_19 = tpu.memref_slice %arg21[%dma_start3A, %dma_start3A_18] : memref<10000x128xf32, #tpu.memory_space<vmem_shared>> -> memref<16x128xf32, #tpu.memory_space<vmem_shared>>
        %dma_start3A_20 = arith.constant 9984 : i32
        %dma_start3A_21 = arith.constant 0 : i32
        %dma_start3A_22 = tpu.memref_slice %arg5[%dma_start3A_20, %dma_start3A_21] : memref<10000x128xf32, #tpu.memory_space<hbm>> -> memref<16x128xf32, #tpu.memory_space<hbm>>
        tpu.enqueue_dma source(%dma_start3A_22 : memref<16x128xf32, #tpu.memory_space<hbm>>) target(%dma_start3A_19 : memref<16x128xf32, #tpu.memory_space<vmem_shared>>) target_semaphore(%run_scoped3A : memref<!tpu.dma_semaphore, #tpu.memory_space<semaphore_mem>>)
        %dma_wait3A = arith.constant 9984 : i32
        %dma_wait3A_23 = arith.constant 0 : i32
        %dma_wait3A_24 = tpu.memref_slice %arg21[%dma_wait3A, %dma_wait3A_23] : memref<10000x128xf32, #tpu.memory_space<vmem_shared>> -> memref<16x128xf32, #tpu.memory_space<vmem_shared>>
        %dma_wait3A_25 = arith.constant 9984 : i32
        %dma_wait3A_26 = arith.constant 0 : i32
        %dma_wait3A_27 = tpu.memref_slice %arg5[%dma_wait3A_25, %dma_wait3A_26] : memref<10000x128xf32, #tpu.memory_space<hbm>> -> memref<16x128xf32, #tpu.memory_space<hbm>>
        tpu.wait_dma2 semaphore(%run_scoped3A : memref<!tpu.dma_semaphore, #tpu.memory_space<semaphore_mem>>) src(%dma_wait3A_27 : memref<16x128xf32, #tpu.memory_space<hbm>>) dst(%dma_wait3A_24 : memref<16x128xf32, #tpu.memory_space<vmem_shared>>)
        tpu.yield
      }) : () -> ()
    } else {
    }
    %barrier3A = arith.constant 0 : index
    tpu.barrier barrier_id(%barrier3A)
    %mul3A_3 = arith.constant 16 : i32
    %mul3A_4 = arith.muli %arg0, %mul3A_3 : i32
    %add3A = arith.addi %mul3A_4, %arg1 : i32
    %mul3A_5 = arith.constant 10000 : i32
    %mul3A_6 = arith.muli %add3A, %mul3A_5 : i32
    %scan3A = arith.constant 0 : i32
    %scan3A_7 = arith.constant 0 : i32
    %scan3A_8 = arith.constant 33 : i32
    %scan3A_9 = arith.addi %scan3A_7, %scan3A_8 : i32
    %scan3A_10 = arith.constant 1 : i32
    scf.for %scan3A_18 = %scan3A_7 to %scan3A_9 step %scan3A_10  : i32 {
      %mul3A_19 = arith.constant 4 : i32
      %mul3A_20 = arith.muli %scan3A_18, %mul3A_19 : i32
      %add3A_21 = arith.constant 0 : i32
      %add3A_22 = arith.addi %mul3A_20, %add3A_21 : i32
      %ge3A = arith.constant 4 : i32
      %ge3A_23 = arith.cmpi sge, %add3A_22, %ge3A : i32
      %lt3A = arith.constant 129 : i32
      %lt3A_24 = arith.cmpi slt, %add3A_22, %lt3A : i32
      %and3A = arith.andi %ge3A_23, %lt3A_24 : i1
      %convert_element_type3A_25 = arith.extui %and3A : i1 to i32
      %cond3A_26 = arith.constant 0 : i32
      %cond3A_27 = arith.cmpi ne, %convert_element_type3A_25, %cond3A_26 : i32
      scf.if %cond3A_27 {
        %dma_wait3A = arith.constant 0 : i32
        %dma_wait3A_142 = arith.constant 0 : i32
        %dma_wait3A_143 = tpu.memref_slice %arg21[%dma_wait3A, %dma_wait3A_142] : memref<10000x128xf32, #tpu.memory_space<vmem_shared>> -> memref<10000x128xf32, #tpu.memory_space<vmem_shared>>
        tpu.wait_indirect_dma semaphore(%arg27 : memref<!tpu.dma_semaphore, #tpu.memory_space<semaphore_mem>>) src(%arg15 : memref<80x128xf32, #tpu.memory_space<vmem>>) dst(%dma_wait3A_143 : memref<10000x128xf32, #tpu.memory_space<vmem_shared>>)
      } else {
      }
      %lt3A_28 = arith.constant 125 : i32
      %lt3A_29 = arith.cmpi slt, %add3A_22, %lt3A_28 : i32
      %convert_element_type3A_30 = arith.extui %lt3A_29 : i1 to i32
      %cond3A_31 = arith.constant 0 : i32
      %cond3A_32 = arith.cmpi ne, %convert_element_type3A_30, %cond3A_31 : i32
      scf.if %cond3A_32 {
        %mul3A_142 = arith.constant 80 : i32
        %mul3A_143 = arith.muli %add3A_22, %mul3A_142 : i32
        %add3A_144 = arith.addi %mul3A_6, %mul3A_143 : i32
        %multiple_of3A_145 = tpu.assume_multiple %add3A_144, 8 : i32
        %dma_start3A = tpu.memref_slice %arg3[%multiple_of3A_145] : memref<320000xi32, #tpu.memory_space<hbm>> -> memref<80xi32, #tpu.memory_space<hbm>>
        %dma_start3A_146 = tpu.memref_slice %arg3[%multiple_of3A_145] : memref<320000xi32, #tpu.memory_space<hbm>> -> memref<80xi32, #tpu.memory_space<hbm>>
        tpu.enqueue_dma source(%dma_start3A_146 : memref<80xi32, #tpu.memory_space<hbm>>) target(%arg7 : memref<80xi32, #tpu.memory_space<vmem>>) target_semaphore(%arg39 : memref<!tpu.dma_semaphore, #tpu.memory_space<semaphore_mem>>)
        %dma_start3A_147 = tpu.memref_slice %arg4[%multiple_of3A_145] : memref<320000xi32, #tpu.memory_space<hbm>> -> memref<80xi32, #tpu.memory_space<hbm>>
        %dma_start3A_148 = tpu.memref_slice %arg4[%multiple_of3A_145] : memref<320000xi32, #tpu.memory_space<hbm>> -> memref<80xi32, #tpu.memory_space<hbm>>
        tpu.enqueue_dma source(%dma_start3A_148 : memref<80xi32, #tpu.memory_space<hbm>>) target(%arg11 : memref<80xi32, #tpu.memory_space<vmem>>) target_semaphore(%arg31 : memref<!tpu.dma_semaphore, #tpu.memory_space<semaphore_mem>>)
      } else {
      }
      %ge3A_33 = arith.constant 1 : i32
      %ge3A_34 = arith.cmpi sge, %add3A_22, %ge3A_33 : i32
      %lt3A_35 = arith.constant 126 : i32
      %lt3A_36 = arith.cmpi slt, %add3A_22, %lt3A_35 : i32
      %and3A_37 = arith.andi %ge3A_34, %lt3A_36 : i1
      %convert_element_type3A_38 = arith.extui %and3A_37 : i1 to i32
      %cond3A_39 = arith.constant 0 : i32
      %cond3A_40 = arith.cmpi ne, %convert_element_type3A_38, %cond3A_39 : i32
      scf.if %cond3A_40 {
        %dma_wait3A = arith.constant 0 : i32
        %dma_wait3A_142 = tpu.memref_slice %arg3[%dma_wait3A] : memref<320000xi32, #tpu.memory_space<hbm>> -> memref<80xi32, #tpu.memory_space<hbm>>
        %dma_wait3A_143 = arith.constant 0 : i32
        %dma_wait3A_144 = tpu.memref_slice %arg3[%dma_wait3A_143] : memref<320000xi32, #tpu.memory_space<hbm>> -> memref<80xi32, #tpu.memory_space<hbm>>
        tpu.wait_dma2 semaphore(%arg42 : memref<!tpu.dma_semaphore, #tpu.memory_space<semaphore_mem>>) src(%dma_wait3A_144 : memref<80xi32, #tpu.memory_space<hbm>>) dst(%arg10 : memref<80xi32, #tpu.memory_space<vmem>>)
        %dma_start3A = arith.constant 0 : i32
        %dma_start3A_145 = arith.constant 0 : i32
        %dma_start3A_146 = tpu.memref_slice %arg2[%dma_start3A, %dma_start3A_145] : memref<10000x128xf32, #tpu.memory_space<hbm>> -> memref<10000x128xf32, #tpu.memory_space<hbm>>
        tpu.enqueue_indirect_dma source(%dma_start3A_146 : memref<10000x128xf32, #tpu.memory_space<hbm>>) target(%arg18 : memref<80x128xf32, #tpu.memory_space<vmem>>) offsets(%arg10 : memref<80xi32, #tpu.memory_space<vmem>>) semaphore(%arg26 : memref<!tpu.dma_semaphore, #tpu.memory_space<semaphore_mem>>)
      } else {
      }
      %ge3A_41 = arith.constant 2 : i32
      %ge3A_42 = arith.cmpi sge, %add3A_22, %ge3A_41 : i32
      %lt3A_43 = arith.constant 127 : i32
      %lt3A_44 = arith.cmpi slt, %add3A_22, %lt3A_43 : i32
      %and3A_45 = arith.andi %ge3A_42, %lt3A_44 : i1
      %convert_element_type3A_46 = arith.extui %and3A_45 : i1 to i32
      %cond3A_47 = arith.constant 0 : i32
      %cond3A_48 = arith.cmpi ne, %convert_element_type3A_46, %cond3A_47 : i32
      scf.if %cond3A_48 {
        %dma_wait3A = arith.constant 0 : i32
        %dma_wait3A_142 = arith.constant 0 : i32
        %dma_wait3A_143 = tpu.memref_slice %arg2[%dma_wait3A, %dma_wait3A_142] : memref<10000x128xf32, #tpu.memory_space<hbm>> -> memref<10000x128xf32, #tpu.memory_space<hbm>>
        tpu.wait_indirect_dma semaphore(%arg25 : memref<!tpu.dma_semaphore, #tpu.memory_space<semaphore_mem>>) src(%dma_wait3A_143 : memref<10000x128xf32, #tpu.memory_space<hbm>>) dst(%arg17 : memref<80x128xf32, #tpu.memory_space<vmem>>)
        %dma_wait3A_144 = arith.constant 0 : i32
        %dma_wait3A_145 = tpu.memref_slice %arg4[%dma_wait3A_144] : memref<320000xi32, #tpu.memory_space<hbm>> -> memref<80xi32, #tpu.memory_space<hbm>>
        %dma_wait3A_146 = arith.constant 0 : i32
        %dma_wait3A_147 = tpu.memref_slice %arg4[%dma_wait3A_146] : memref<320000xi32, #tpu.memory_space<hbm>> -> memref<80xi32, #tpu.memory_space<hbm>>
        tpu.wait_dma2 semaphore(%arg33 : memref<!tpu.dma_semaphore, #tpu.memory_space<semaphore_mem>>) src(%dma_wait3A_147 : memref<80xi32, #tpu.memory_space<hbm>>) dst(%arg13 : memref<80xi32, #tpu.memory_space<vmem>>)
        %dma_start3A = arith.constant 0 : i32
        %dma_start3A_148 = arith.constant 0 : i32
        %dma_start3A_149 = tpu.memref_slice %arg21[%dma_start3A, %dma_start3A_148] : memref<10000x128xf32, #tpu.memory_space<vmem_shared>> -> memref<10000x128xf32, #tpu.memory_space<vmem_shared>>
        tpu.enqueue_indirect_dma source(%arg17 : memref<80x128xf32, #tpu.memory_space<vmem>>) target(%dma_start3A_149 : memref<10000x128xf32, #tpu.memory_space<vmem_shared>>) offsets(%arg13 : memref<80xi32, #tpu.memory_space<vmem>>) semaphore(%arg29 : memref<!tpu.dma_semaphore, #tpu.memory_space<semaphore_mem>>) {add = true}
      } else {
      }
      %add3A_49 = arith.constant 1 : i32
      %add3A_50 = arith.addi %mul3A_20, %add3A_49 : i32
      %ge3A_51 = arith.constant 4 : i32
      %ge3A_52 = arith.cmpi sge, %add3A_50, %ge3A_51 : i32
      %lt3A_53 = arith.constant 129 : i32
      %lt3A_54 = arith.cmpi slt, %add3A_50, %lt3A_53 : i32
      %and3A_55 = arith.andi %ge3A_52, %lt3A_54 : i1
      %convert_element_type3A_56 = arith.extui %and3A_55 : i1 to i32
      %cond3A_57 = arith.constant 0 : i32
      %cond3A_58 = arith.cmpi ne, %convert_element_type3A_56, %cond3A_57 : i32
      scf.if %cond3A_58 {
        %dma_wait3A = arith.constant 0 : i32
        %dma_wait3A_142 = arith.constant 0 : i32
        %dma_wait3A_143 = tpu.memref_slice %arg21[%dma_wait3A, %dma_wait3A_142] : memref<10000x128xf32, #tpu.memory_space<vmem_shared>> -> memref<10000x128xf32, #tpu.memory_space<vmem_shared>>
        tpu.wait_indirect_dma semaphore(%arg28 : memref<!tpu.dma_semaphore, #tpu.memory_space<semaphore_mem>>) src(%arg16 : memref<80x128xf32, #tpu.memory_space<vmem>>) dst(%dma_wait3A_143 : memref<10000x128xf32, #tpu.memory_space<vmem_shared>>)
      } else {
      }
      %lt3A_59 = arith.constant 125 : i32
      %lt3A_60 = arith.cmpi slt, %add3A_50, %lt3A_59 : i32
      %convert_element_type3A_61 = arith.extui %lt3A_60 : i1 to i32
      %cond3A_62 = arith.constant 0 : i32
      %cond3A_63 = arith.cmpi ne, %convert_element_type3A_61, %cond3A_62 : i32
      scf.if %cond3A_63 {
        %mul3A_142 = arith.constant 80 : i32
        %mul3A_143 = arith.muli %add3A_50, %mul3A_142 : i32
        %add3A_144 = arith.addi %mul3A_6, %mul3A_143 : i32
        %multiple_of3A_145 = tpu.assume_multiple %add3A_144, 8 : i32
        %dma_start3A = tpu.memref_slice %arg3[%multiple_of3A_145] : memref<320000xi32, #tpu.memory_space<hbm>> -> memref<80xi32, #tpu.memory_space<hbm>>
        %dma_start3A_146 = tpu.memref_slice %arg3[%multiple_of3A_145] : memref<320000xi32, #tpu.memory_space<hbm>> -> memref<80xi32, #tpu.memory_space<hbm>>
        tpu.enqueue_dma source(%dma_start3A_146 : memref<80xi32, #tpu.memory_space<hbm>>) target(%arg8 : memref<80xi32, #tpu.memory_space<vmem>>) target_semaphore(%arg40 : memref<!tpu.dma_semaphore, #tpu.memory_space<semaphore_mem>>)
        %dma_start3A_147 = tpu.memref_slice %arg4[%multiple_of3A_145] : memref<320000xi32, #tpu.memory_space<hbm>> -> memref<80xi32, #tpu.memory_space<hbm>>
        %dma_start3A_148 = tpu.memref_slice %arg4[%multiple_of3A_145] : memref<320000xi32, #tpu.memory_space<hbm>> -> memref<80xi32, #tpu.memory_space<hbm>>
        tpu.enqueue_dma source(%dma_start3A_148 : memref<80xi32, #tpu.memory_space<hbm>>) target(%arg12 : memref<80xi32, #tpu.memory_space<vmem>>) target_semaphore(%arg32 : memref<!tpu.dma_semaphore, #tpu.memory_space<semaphore_mem>>)
      } else {
      }
      %ge3A_64 = arith.constant 1 : i32
      %ge3A_65 = arith.cmpi sge, %add3A_50, %ge3A_64 : i32
      %lt3A_66 = arith.constant 126 : i32
      %lt3A_67 = arith.cmpi slt, %add3A_50, %lt3A_66 : i32
      %and3A_68 = arith.andi %ge3A_65, %lt3A_67 : i1
      %convert_element_type3A_69 = arith.extui %and3A_68 : i1 to i32
      %cond3A_70 = arith.constant 0 : i32
      %cond3A_71 = arith.cmpi ne, %convert_element_type3A_69, %cond3A_70 : i32
      scf.if %cond3A_71 {
        %dma_wait3A = arith.constant 0 : i32
        %dma_wait3A_142 = tpu.memref_slice %arg3[%dma_wait3A] : memref<320000xi32, #tpu.memory_space<hbm>> -> memref<80xi32, #tpu.memory_space<hbm>>
        %dma_wait3A_143 = arith.constant 0 : i32
        %dma_wait3A_144 = tpu.memref_slice %arg3[%dma_wait3A_143] : memref<320000xi32, #tpu.memory_space<hbm>> -> memref<80xi32, #tpu.memory_space<hbm>>
        tpu.wait_dma2 semaphore(%arg39 : memref<!tpu.dma_semaphore, #tpu.memory_space<semaphore_mem>>) src(%dma_wait3A_144 : memref<80xi32, #tpu.memory_space<hbm>>) dst(%arg7 : memref<80xi32, #tpu.memory_space<vmem>>)
        %dma_start3A = arith.constant 0 : i32
        %dma_start3A_145 = arith.constant 0 : i32
        %dma_start3A_146 = tpu.memref_slice %arg2[%dma_start3A, %dma_start3A_145] : memref<10000x128xf32, #tpu.memory_space<hbm>> -> memref<10000x128xf32, #tpu.memory_space<hbm>>
        tpu.enqueue_indirect_dma source(%dma_start3A_146 : memref<10000x128xf32, #tpu.memory_space<hbm>>) target(%arg15 : memref<80x128xf32, #tpu.memory_space<vmem>>) offsets(%arg7 : memref<80xi32, #tpu.memory_space<vmem>>) semaphore(%arg23 : memref<!tpu.dma_semaphore, #tpu.memory_space<semaphore_mem>>)
      } else {
      }
      %ge3A_72 = arith.constant 2 : i32
      %ge3A_73 = arith.cmpi sge, %add3A_50, %ge3A_72 : i32
      %lt3A_74 = arith.constant 127 : i32
      %lt3A_75 = arith.cmpi slt, %add3A_50, %lt3A_74 : i32
      %and3A_76 = arith.andi %ge3A_73, %lt3A_75 : i1
      %convert_element_type3A_77 = arith.extui %and3A_76 : i1 to i32
      %cond3A_78 = arith.constant 0 : i32
      %cond3A_79 = arith.cmpi ne, %convert_element_type3A_77, %cond3A_78 : i32
      scf.if %cond3A_79 {
        %dma_wait3A = arith.constant 0 : i32
        %dma_wait3A_142 = arith.constant 0 : i32
        %dma_wait3A_143 = tpu.memref_slice %arg2[%dma_wait3A, %dma_wait3A_142] : memref<10000x128xf32, #tpu.memory_space<hbm>> -> memref<10000x128xf32, #tpu.memory_space<hbm>>
        tpu.wait_indirect_dma semaphore(%arg26 : memref<!tpu.dma_semaphore, #tpu.memory_space<semaphore_mem>>) src(%dma_wait3A_143 : memref<10000x128xf32, #tpu.memory_space<hbm>>) dst(%arg18 : memref<80x128xf32, #tpu.memory_space<vmem>>)
        %dma_wait3A_144 = arith.constant 0 : i32
        %dma_wait3A_145 = tpu.memref_slice %arg4[%dma_wait3A_144] : memref<320000xi32, #tpu.memory_space<hbm>> -> memref<80xi32, #tpu.memory_space<hbm>>
        %dma_wait3A_146 = arith.constant 0 : i32
        %dma_wait3A_147 = tpu.memref_slice %arg4[%dma_wait3A_146] : memref<320000xi32, #tpu.memory_space<hbm>> -> memref<80xi32, #tpu.memory_space<hbm>>
        tpu.wait_dma2 semaphore(%arg34 : memref<!tpu.dma_semaphore, #tpu.memory_space<semaphore_mem>>) src(%dma_wait3A_147 : memref<80xi32, #tpu.memory_space<hbm>>) dst(%arg14 : memref<80xi32, #tpu.memory_space<vmem>>)
        %dma_start3A = arith.constant 0 : i32
        %dma_start3A_148 = arith.constant 0 : i32
        %dma_start3A_149 = tpu.memref_slice %arg21[%dma_start3A, %dma_start3A_148] : memref<10000x128xf32, #tpu.memory_space<vmem_shared>> -> memref<10000x128xf32, #tpu.memory_space<vmem_shared>>
        tpu.enqueue_indirect_dma source(%arg18 : memref<80x128xf32, #tpu.memory_space<vmem>>) target(%dma_start3A_149 : memref<10000x128xf32, #tpu.memory_space<vmem_shared>>) offsets(%arg14 : memref<80xi32, #tpu.memory_space<vmem>>) semaphore(%arg30 : memref<!tpu.dma_semaphore, #tpu.memory_space<semaphore_mem>>) {add = true}
      } else {
      }
      %add3A_80 = arith.constant 2 : i32
      %add3A_81 = arith.addi %mul3A_20, %add3A_80 : i32
      %ge3A_82 = arith.constant 4 : i32
      %ge3A_83 = arith.cmpi sge, %add3A_81, %ge3A_82 : i32
      %lt3A_84 = arith.constant 129 : i32
      %lt3A_85 = arith.cmpi slt, %add3A_81, %lt3A_84 : i32
      %and3A_86 = arith.andi %ge3A_83, %lt3A_85 : i1
      %convert_element_type3A_87 = arith.extui %and3A_86 : i1 to i32
      %cond3A_88 = arith.constant 0 : i32
      %cond3A_89 = arith.cmpi ne, %convert_element_type3A_87, %cond3A_88 : i32
      scf.if %cond3A_89 {
        %dma_wait3A = arith.constant 0 : i32
        %dma_wait3A_142 = arith.constant 0 : i32
        %dma_wait3A_143 = tpu.memref_slice %arg21[%dma_wait3A, %dma_wait3A_142] : memref<10000x128xf32, #tpu.memory_space<vmem_shared>> -> memref<10000x128xf32, #tpu.memory_space<vmem_shared>>
        tpu.wait_indirect_dma semaphore(%arg29 : memref<!tpu.dma_semaphore, #tpu.memory_space<semaphore_mem>>) src(%arg17 : memref<80x128xf32, #tpu.memory_space<vmem>>) dst(%dma_wait3A_143 : memref<10000x128xf32, #tpu.memory_space<vmem_shared>>)
      } else {
      }
      %lt3A_90 = arith.constant 125 : i32
      %lt3A_91 = arith.cmpi slt, %add3A_81, %lt3A_90 : i32
      %convert_element_type3A_92 = arith.extui %lt3A_91 : i1 to i32
      %cond3A_93 = arith.constant 0 : i32
      %cond3A_94 = arith.cmpi ne, %convert_element_type3A_92, %cond3A_93 : i32
      scf.if %cond3A_94 {
        %mul3A_142 = arith.constant 80 : i32
        %mul3A_143 = arith.muli %add3A_81, %mul3A_142 : i32
        %add3A_144 = arith.addi %mul3A_6, %mul3A_143 : i32
        %multiple_of3A_145 = tpu.assume_multiple %add3A_144, 8 : i32
        %dma_start3A = tpu.memref_slice %arg3[%multiple_of3A_145] : memref<320000xi32, #tpu.memory_space<hbm>> -> memref<80xi32, #tpu.memory_space<hbm>>
        %dma_start3A_146 = tpu.memref_slice %arg3[%multiple_of3A_145] : memref<320000xi32, #tpu.memory_space<hbm>> -> memref<80xi32, #tpu.memory_space<hbm>>
        tpu.enqueue_dma source(%dma_start3A_146 : memref<80xi32, #tpu.memory_space<hbm>>) target(%arg9 : memref<80xi32, #tpu.memory_space<vmem>>) target_semaphore(%arg41 : memref<!tpu.dma_semaphore, #tpu.memory_space<semaphore_mem>>)
        %dma_start3A_147 = tpu.memref_slice %arg4[%multiple_of3A_145] : memref<320000xi32, #tpu.memory_space<hbm>> -> memref<80xi32, #tpu.memory_space<hbm>>
        %dma_start3A_148 = tpu.memref_slice %arg4[%multiple_of3A_145] : memref<320000xi32, #tpu.memory_space<hbm>> -> memref<80xi32, #tpu.memory_space<hbm>>
        tpu.enqueue_dma source(%dma_start3A_148 : memref<80xi32, #tpu.memory_space<hbm>>) target(%arg13 : memref<80xi32, #tpu.memory_space<vmem>>) target_semaphore(%arg33 : memref<!tpu.dma_semaphore, #tpu.memory_space<semaphore_mem>>)
      } else {
      }
      %ge3A_95 = arith.constant 1 : i32
      %ge3A_96 = arith.cmpi sge, %add3A_81, %ge3A_95 : i32
      %lt3A_97 = arith.constant 126 : i32
      %lt3A_98 = arith.cmpi slt, %add3A_81, %lt3A_97 : i32
      %and3A_99 = arith.andi %ge3A_96, %lt3A_98 : i1
      %convert_element_type3A_100 = arith.extui %and3A_99 : i1 to i32
      %cond3A_101 = arith.constant 0 : i32
      %cond3A_102 = arith.cmpi ne, %convert_element_type3A_100, %cond3A_101 : i32
      scf.if %cond3A_102 {
        %dma_wait3A = arith.constant 0 : i32
        %dma_wait3A_142 = tpu.memref_slice %arg3[%dma_wait3A] : memref<320000xi32, #tpu.memory_space<hbm>> -> memref<80xi32, #tpu.memory_space<hbm>>
        %dma_wait3A_143 = arith.constant 0 : i32
        %dma_wait3A_144 = tpu.memref_slice %arg3[%dma_wait3A_143] : memref<320000xi32, #tpu.memory_space<hbm>> -> memref<80xi32, #tpu.memory_space<hbm>>
        tpu.wait_dma2 semaphore(%arg40 : memref<!tpu.dma_semaphore, #tpu.memory_space<semaphore_mem>>) src(%dma_wait3A_144 : memref<80xi32, #tpu.memory_space<hbm>>) dst(%arg8 : memref<80xi32, #tpu.memory_space<vmem>>)
        %dma_start3A = arith.constant 0 : i32
        %dma_start3A_145 = arith.constant 0 : i32
        %dma_start3A_146 = tpu.memref_slice %arg2[%dma_start3A, %dma_start3A_145] : memref<10000x128xf32, #tpu.memory_space<hbm>> -> memref<10000x128xf32, #tpu.memory_space<hbm>>
        tpu.enqueue_indirect_dma source(%dma_start3A_146 : memref<10000x128xf32, #tpu.memory_space<hbm>>) target(%arg16 : memref<80x128xf32, #tpu.memory_space<vmem>>) offsets(%arg8 : memref<80xi32, #tpu.memory_space<vmem>>) semaphore(%arg24 : memref<!tpu.dma_semaphore, #tpu.memory_space<semaphore_mem>>)
      } else {
      }
      %ge3A_103 = arith.constant 2 : i32
      %ge3A_104 = arith.cmpi sge, %add3A_81, %ge3A_103 : i32
      %lt3A_105 = arith.constant 127 : i32
      %lt3A_106 = arith.cmpi slt, %add3A_81, %lt3A_105 : i32
      %and3A_107 = arith.andi %ge3A_104, %lt3A_106 : i1
      %convert_element_type3A_108 = arith.extui %and3A_107 : i1 to i32
      %cond3A_109 = arith.constant 0 : i32
      %cond3A_110 = arith.cmpi ne, %convert_element_type3A_108, %cond3A_109 : i32
      scf.if %cond3A_110 {
        %dma_wait3A = arith.constant 0 : i32
        %dma_wait3A_142 = arith.constant 0 : i32
        %dma_wait3A_143 = tpu.memref_slice %arg2[%dma_wait3A, %dma_wait3A_142] : memref<10000x128xf32, #tpu.memory_space<hbm>> -> memref<10000x128xf32, #tpu.memory_space<hbm>>
        tpu.wait_indirect_dma semaphore(%arg23 : memref<!tpu.dma_semaphore, #tpu.memory_space<semaphore_mem>>) src(%dma_wait3A_143 : memref<10000x128xf32, #tpu.memory_space<hbm>>) dst(%arg15 : memref<80x128xf32, #tpu.memory_space<vmem>>)
        %dma_wait3A_144 = arith.constant 0 : i32
        %dma_wait3A_145 = tpu.memref_slice %arg4[%dma_wait3A_144] : memref<320000xi32, #tpu.memory_space<hbm>> -> memref<80xi32, #tpu.memory_space<hbm>>
        %dma_wait3A_146 = arith.constant 0 : i32
        %dma_wait3A_147 = tpu.memref_slice %arg4[%dma_wait3A_146] : memref<320000xi32, #tpu.memory_space<hbm>> -> memref<80xi32, #tpu.memory_space<hbm>>
        tpu.wait_dma2 semaphore(%arg31 : memref<!tpu.dma_semaphore, #tpu.memory_space<semaphore_mem>>) src(%dma_wait3A_147 : memref<80xi32, #tpu.memory_space<hbm>>) dst(%arg11 : memref<80xi32, #tpu.memory_space<vmem>>)
        %dma_start3A = arith.constant 0 : i32
        %dma_start3A_148 = arith.constant 0 : i32
        %dma_start3A_149 = tpu.memref_slice %arg21[%dma_start3A, %dma_start3A_148] : memref<10000x128xf32, #tpu.memory_space<vmem_shared>> -> memref<10000x128xf32, #tpu.memory_space<vmem_shared>>
        tpu.enqueue_indirect_dma source(%arg15 : memref<80x128xf32, #tpu.memory_space<vmem>>) target(%dma_start3A_149 : memref<10000x128xf32, #tpu.memory_space<vmem_shared>>) offsets(%arg11 : memref<80xi32, #tpu.memory_space<vmem>>) semaphore(%arg27 : memref<!tpu.dma_semaphore, #tpu.memory_space<semaphore_mem>>) {add = true}
      } else {
      }
      %add3A_111 = arith.constant 3 : i32
      %add3A_112 = arith.addi %mul3A_20, %add3A_111 : i32
      %ge3A_113 = arith.constant 4 : i32
      %ge3A_114 = arith.cmpi sge, %add3A_112, %ge3A_113 : i32
      %lt3A_115 = arith.constant 129 : i32
      %lt3A_116 = arith.cmpi slt, %add3A_112, %lt3A_115 : i32
      %and3A_117 = arith.andi %ge3A_114, %lt3A_116 : i1
      %convert_element_type3A_118 = arith.extui %and3A_117 : i1 to i32
      %cond3A_119 = arith.constant 0 : i32
      %cond3A_120 = arith.cmpi ne, %convert_element_type3A_118, %cond3A_119 : i32
      scf.if %cond3A_120 {
        %dma_wait3A = arith.constant 0 : i32
        %dma_wait3A_142 = arith.constant 0 : i32
        %dma_wait3A_143 = tpu.memref_slice %arg21[%dma_wait3A, %dma_wait3A_142] : memref<10000x128xf32, #tpu.memory_space<vmem_shared>> -> memref<10000x128xf32, #tpu.memory_space<vmem_shared>>
        tpu.wait_indirect_dma semaphore(%arg30 : memref<!tpu.dma_semaphore, #tpu.memory_space<semaphore_mem>>) src(%arg18 : memref<80x128xf32, #tpu.memory_space<vmem>>) dst(%dma_wait3A_143 : memref<10000x128xf32, #tpu.memory_space<vmem_shared>>)
      } else {
      }
      %lt3A_121 = arith.constant 125 : i32
      %lt3A_122 = arith.cmpi slt, %add3A_112, %lt3A_121 : i32
      %convert_element_type3A_123 = arith.extui %lt3A_122 : i1 to i32
      %cond3A_124 = arith.constant 0 : i32
      %cond3A_125 = arith.cmpi ne, %convert_element_type3A_123, %cond3A_124 : i32
      scf.if %cond3A_125 {
        %mul3A_142 = arith.constant 80 : i32
        %mul3A_143 = arith.muli %add3A_112, %mul3A_142 : i32
        %add3A_144 = arith.addi %mul3A_6, %mul3A_143 : i32
        %multiple_of3A_145 = tpu.assume_multiple %add3A_144, 8 : i32
        %dma_start3A = tpu.memref_slice %arg3[%multiple_of3A_145] : memref<320000xi32, #tpu.memory_space<hbm>> -> memref<80xi32, #tpu.memory_space<hbm>>
        %dma_start3A_146 = tpu.memref_slice %arg3[%multiple_of3A_145] : memref<320000xi32, #tpu.memory_space<hbm>> -> memref<80xi32, #tpu.memory_space<hbm>>
        tpu.enqueue_dma source(%dma_start3A_146 : memref<80xi32, #tpu.memory_space<hbm>>) target(%arg10 : memref<80xi32, #tpu.memory_space<vmem>>) target_semaphore(%arg42 : memref<!tpu.dma_semaphore, #tpu.memory_space<semaphore_mem>>)
        %dma_start3A_147 = tpu.memref_slice %arg4[%multiple_of3A_145] : memref<320000xi32, #tpu.memory_space<hbm>> -> memref<80xi32, #tpu.memory_space<hbm>>
        %dma_start3A_148 = tpu.memref_slice %arg4[%multiple_of3A_145] : memref<320000xi32, #tpu.memory_space<hbm>> -> memref<80xi32, #tpu.memory_space<hbm>>
        tpu.enqueue_dma source(%dma_start3A_148 : memref<80xi32, #tpu.memory_space<hbm>>) target(%arg14 : memref<80xi32, #tpu.memory_space<vmem>>) target_semaphore(%arg34 : memref<!tpu.dma_semaphore, #tpu.memory_space<semaphore_mem>>)
      } else {
      }
      %ge3A_126 = arith.constant 1 : i32
      %ge3A_127 = arith.cmpi sge, %add3A_112, %ge3A_126 : i32
      %lt3A_128 = arith.constant 126 : i32
      %lt3A_129 = arith.cmpi slt, %add3A_112, %lt3A_128 : i32
      %and3A_130 = arith.andi %ge3A_127, %lt3A_129 : i1
      %convert_element_type3A_131 = arith.extui %and3A_130 : i1 to i32
      %cond3A_132 = arith.constant 0 : i32
      %cond3A_133 = arith.cmpi ne, %convert_element_type3A_131, %cond3A_132 : i32
      scf.if %cond3A_133 {
        %dma_wait3A = arith.constant 0 : i32
        %dma_wait3A_142 = tpu.memref_slice %arg3[%dma_wait3A] : memref<320000xi32, #tpu.memory_space<hbm>> -> memref<80xi32, #tpu.memory_space<hbm>>
        %dma_wait3A_143 = arith.constant 0 : i32
        %dma_wait3A_144 = tpu.memref_slice %arg3[%dma_wait3A_143] : memref<320000xi32, #tpu.memory_space<hbm>> -> memref<80xi32, #tpu.memory_space<hbm>>
        tpu.wait_dma2 semaphore(%arg41 : memref<!tpu.dma_semaphore, #tpu.memory_space<semaphore_mem>>) src(%dma_wait3A_144 : memref<80xi32, #tpu.memory_space<hbm>>) dst(%arg9 : memref<80xi32, #tpu.memory_space<vmem>>)
        %dma_start3A = arith.constant 0 : i32
        %dma_start3A_145 = arith.constant 0 : i32
        %dma_start3A_146 = tpu.memref_slice %arg2[%dma_start3A, %dma_start3A_145] : memref<10000x128xf32, #tpu.memory_space<hbm>> -> memref<10000x128xf32, #tpu.memory_space<hbm>>
        tpu.enqueue_indirect_dma source(%dma_start3A_146 : memref<10000x128xf32, #tpu.memory_space<hbm>>) target(%arg17 : memref<80x128xf32, #tpu.memory_space<vmem>>) offsets(%arg9 : memref<80xi32, #tpu.memory_space<vmem>>) semaphore(%arg25 : memref<!tpu.dma_semaphore, #tpu.memory_space<semaphore_mem>>)
      } else {
      }
      %ge3A_134 = arith.constant 2 : i32
      %ge3A_135 = arith.cmpi sge, %add3A_112, %ge3A_134 : i32
      %lt3A_136 = arith.constant 127 : i32
      %lt3A_137 = arith.cmpi slt, %add3A_112, %lt3A_136 : i32
      %and3A_138 = arith.andi %ge3A_135, %lt3A_137 : i1
      %convert_element_type3A_139 = arith.extui %and3A_138 : i1 to i32
      %cond3A_140 = arith.constant 0 : i32
      %cond3A_141 = arith.cmpi ne, %convert_element_type3A_139, %cond3A_140 : i32
      scf.if %cond3A_141 {
        %dma_wait3A = arith.constant 0 : i32
        %dma_wait3A_142 = arith.constant 0 : i32
        %dma_wait3A_143 = tpu.memref_slice %arg2[%dma_wait3A, %dma_wait3A_142] : memref<10000x128xf32, #tpu.memory_space<hbm>> -> memref<10000x128xf32, #tpu.memory_space<hbm>>
        tpu.wait_indirect_dma semaphore(%arg24 : memref<!tpu.dma_semaphore, #tpu.memory_space<semaphore_mem>>) src(%dma_wait3A_143 : memref<10000x128xf32, #tpu.memory_space<hbm>>) dst(%arg16 : memref<80x128xf32, #tpu.memory_space<vmem>>)
        %dma_wait3A_144 = arith.constant 0 : i32
        %dma_wait3A_145 = tpu.memref_slice %arg4[%dma_wait3A_144] : memref<320000xi32, #tpu.memory_space<hbm>> -> memref<80xi32, #tpu.memory_space<hbm>>
        %dma_wait3A_146 = arith.constant 0 : i32
        %dma_wait3A_147 = tpu.memref_slice %arg4[%dma_wait3A_146] : memref<320000xi32, #tpu.memory_space<hbm>> -> memref<80xi32, #tpu.memory_space<hbm>>
        tpu.wait_dma2 semaphore(%arg32 : memref<!tpu.dma_semaphore, #tpu.memory_space<semaphore_mem>>) src(%dma_wait3A_147 : memref<80xi32, #tpu.memory_space<hbm>>) dst(%arg12 : memref<80xi32, #tpu.memory_space<vmem>>)
        %dma_start3A = arith.constant 0 : i32
        %dma_start3A_148 = arith.constant 0 : i32
        %dma_start3A_149 = tpu.memref_slice %arg21[%dma_start3A, %dma_start3A_148] : memref<10000x128xf32, #tpu.memory_space<vmem_shared>> -> memref<10000x128xf32, #tpu.memory_space<vmem_shared>>
        tpu.enqueue_indirect_dma source(%arg16 : memref<80x128xf32, #tpu.memory_space<vmem>>) target(%dma_start3A_149 : memref<10000x128xf32, #tpu.memory_space<vmem_shared>>) offsets(%arg12 : memref<80xi32, #tpu.memory_space<vmem>>) semaphore(%arg28 : memref<!tpu.dma_semaphore, #tpu.memory_space<semaphore_mem>>) {add = true}
      } else {
      }
    }
    %scan3A_11 = arith.constant 33 : i32
    %barrier3A_12 = arith.constant 0 : index
    tpu.barrier barrier_id(%barrier3A_12)
    "tpu.region"() ({
      %run_scoped3A = tpu.sem_alloc : memref<!tpu.dma_semaphore, #tpu.memory_space<semaphore_mem>>
      %dma_start3A = arith.constant 0 : i32
      %dma_start3A_18 = tpu.memref_slice %arg6[%arg0, %multiple_of3A, %dma_start3A] : memref<2x10000x128xf32, #tpu.memory_space<hbm>> -> memref<1x624x128xf32, #tpu.memory_space<hbm>>
      %dma_start3A_19 = tpu.memref_squeeze %dma_start3A_18 : memref<1x624x128xf32, #tpu.memory_space<hbm>> -> memref<624x128xf32, #tpu.memory_space<hbm>>
      %dma_start3A_20 = arith.constant 0 : i32
      %dma_start3A_21 = tpu.memref_slice %arg21[%multiple_of3A, %dma_start3A_20] : memref<10000x128xf32, #tpu.memory_space<vmem_shared>> -> memref<624x128xf32, #tpu.memory_space<vmem_shared>>
      tpu.enqueue_dma source(%dma_start3A_21 : memref<624x128xf32, #tpu.memory_space<vmem_shared>>) target(%dma_start3A_19 : memref<624x128xf32, #tpu.memory_space<hbm>>) target_semaphore(%run_scoped3A : memref<!tpu.dma_semaphore, #tpu.memory_space<semaphore_mem>>)
      %dma_wait3A = arith.constant 0 : i32
      %dma_wait3A_22 = tpu.memref_slice %arg6[%arg0, %multiple_of3A, %dma_wait3A] : memref<2x10000x128xf32, #tpu.memory_space<hbm>> -> memref<1x624x128xf32, #tpu.memory_space<hbm>>
      %dma_wait3A_23 = tpu.memref_squeeze %dma_wait3A_22 : memref<1x624x128xf32, #tpu.memory_space<hbm>> -> memref<624x128xf32, #tpu.memory_space<hbm>>
      %dma_wait3A_24 = arith.constant 0 : i32
      %dma_wait3A_25 = tpu.memref_slice %arg21[%multiple_of3A, %dma_wait3A_24] : memref<10000x128xf32, #tpu.memory_space<vmem_shared>> -> memref<624x128xf32, #tpu.memory_space<vmem_shared>>
      tpu.wait_dma2 semaphore(%run_scoped3A : memref<!tpu.dma_semaphore, #tpu.memory_space<semaphore_mem>>) src(%dma_wait3A_25 : memref<624x128xf32, #tpu.memory_space<vmem_shared>>) dst(%dma_wait3A_23 : memref<624x128xf32, #tpu.memory_space<hbm>>)
      tpu.yield
    }) : () -> ()
    %eq3A_13 = arith.constant 0 : i32
    %eq3A_14 = arith.cmpi eq, %arg1, %eq3A_13 : i32
    %convert_element_type3A_15 = arith.extui %eq3A_14 : i1 to i32
    %cond3A_16 = arith.constant 0 : i32
    %cond3A_17 = arith.cmpi ne, %convert_element_type3A_15, %cond3A_16 : i32
    scf.if %cond3A_17 {
      "tpu.region"() ({
        %run_scoped3A = tpu.sem_alloc : memref<!tpu.dma_semaphore, #tpu.memory_space<semaphore_mem>>
        %dma_start3A = arith.constant 9984 : i32
        %dma_start3A_18 = arith.constant 0 : i32
        %dma_start3A_19 = tpu.memref_slice %arg6[%arg0, %dma_start3A, %dma_start3A_18] : memref<2x10000x128xf32, #tpu.memory_space<hbm>> -> memref<1x16x128xf32, #tpu.memory_space<hbm>>
        %dma_start3A_20 = tpu.memref_squeeze %dma_start3A_19 : memref<1x16x128xf32, #tpu.memory_space<hbm>> -> memref<16x128xf32, #tpu.memory_space<hbm>>
        %dma_start3A_21 = arith.constant 9984 : i32
        %dma_start3A_22 = arith.constant 0 : i32
        %dma_start3A_23 = tpu.memref_slice %arg21[%dma_start3A_21, %dma_start3A_22] : memref<10000x128xf32, #tpu.memory_space<vmem_shared>> -> memref<16x128xf32, #tpu.memory_space<vmem_shared>>
        tpu.enqueue_dma source(%dma_start3A_23 : memref<16x128xf32, #tpu.memory_space<vmem_shared>>) target(%dma_start3A_20 : memref<16x128xf32, #tpu.memory_space<hbm>>) target_semaphore(%run_scoped3A : memref<!tpu.dma_semaphore, #tpu.memory_space<semaphore_mem>>)
        %dma_wait3A = arith.constant 9984 : i32
        %dma_wait3A_24 = arith.constant 0 : i32
        %dma_wait3A_25 = tpu.memref_slice %arg6[%arg0, %dma_wait3A, %dma_wait3A_24] : memref<2x10000x128xf32, #tpu.memory_space<hbm>> -> memref<1x16x128xf32, #tpu.memory_space<hbm>>
        %dma_wait3A_26 = tpu.memref_squeeze %dma_wait3A_25 : memref<1x16x128xf32, #tpu.memory_space<hbm>> -> memref<16x128xf32, #tpu.memory_space<hbm>>
        %dma_wait3A_27 = arith.constant 9984 : i32
        %dma_wait3A_28 = arith.constant 0 : i32
        %dma_wait3A_29 = tpu.memref_slice %arg21[%dma_wait3A_27, %dma_wait3A_28] : memref<10000x128xf32, #tpu.memory_space<vmem_shared>> -> memref<16x128xf32, #tpu.memory_space<vmem_shared>>
        tpu.wait_dma2 semaphore(%run_scoped3A : memref<!tpu.dma_semaphore, #tpu.memory_space<semaphore_mem>>) src(%dma_wait3A_29 : memref<16x128xf32, #tpu.memory_space<vmem_shared>>) dst(%dma_wait3A_26 : memref<16x128xf32, #tpu.memory_space<hbm>>)
        tpu.yield
      }) : () -> ()
    } else {
    }
    return
  }
}

#map = affine_map<(d0, d1) -> (0, 0)>
#map1 = affine_map<(d0, d1) -> (0)>
#map2 = affine_map<(d0, d1) -> (0, 0, 0)>
module attributes {stable_mosaic.version = 14 : i64} {
  func.func @_sc_agg_body(%arg0: i32, %arg1: i32, %arg2: memref<10000x128xf32, #tpu.memory_space<hbm>>, %arg3: memref<320000xi32, #tpu.memory_space<hbm>>, %arg4: memref<320000xi32, #tpu.memory_space<hbm>>, %arg5: memref<10000x128xf32, #tpu.memory_space<hbm>>, %arg6: memref<2x10000x128xf32, #tpu.memory_space<hbm>>, %arg7: memref<20000xf32, #tpu.memory_space<hbm>>, %arg8: memref<80xi32, #tpu.memory_space<vmem>>, %arg9: memref<80xi32, #tpu.memory_space<vmem>>, %arg10: memref<80xi32, #tpu.memory_space<vmem>>, %arg11: memref<80xi32, #tpu.memory_space<vmem>>, %arg12: memref<80xi32, #tpu.memory_space<vmem>>, %arg13: memref<80xi32, #tpu.memory_space<vmem>>, %arg14: memref<80xi32, #tpu.memory_space<vmem>>, %arg15: memref<80xi32, #tpu.memory_space<vmem>>, %arg16: memref<80x128xf32, #tpu.memory_space<vmem>>, %arg17: memref<80x128xf32, #tpu.memory_space<vmem>>, %arg18: memref<80x128xf32, #tpu.memory_space<vmem>>, %arg19: memref<80x128xf32, #tpu.memory_space<vmem>>, %arg20: memref<80xf32, #tpu.memory_space<vmem>>, %arg21: memref<624xf32, #tpu.memory_space<vmem>>, %arg22: memref<10000x128xf32, #tpu.memory_space<vmem_shared>>, %arg23: memref<10000xf32, #tpu.memory_space<vmem_shared>>, %arg24: memref<!tpu.dma_semaphore, #tpu.memory_space<semaphore_mem>>, %arg25: memref<!tpu.dma_semaphore, #tpu.memory_space<semaphore_mem>>, %arg26: memref<!tpu.dma_semaphore, #tpu.memory_space<semaphore_mem>>, %arg27: memref<!tpu.dma_semaphore, #tpu.memory_space<semaphore_mem>>, %arg28: memref<!tpu.dma_semaphore, #tpu.memory_space<semaphore_mem>>, %arg29: memref<!tpu.dma_semaphore, #tpu.memory_space<semaphore_mem>>, %arg30: memref<!tpu.dma_semaphore, #tpu.memory_space<semaphore_mem>>, %arg31: memref<!tpu.dma_semaphore, #tpu.memory_space<semaphore_mem>>, %arg32: memref<!tpu.dma_semaphore, #tpu.memory_space<semaphore_mem>>, %arg33: memref<!tpu.dma_semaphore, #tpu.memory_space<semaphore_mem>>, %arg34: memref<!tpu.dma_semaphore, #tpu.memory_space<semaphore_mem>>, %arg35: memref<!tpu.dma_semaphore, #tpu.memory_space<semaphore_mem>>, %arg36: memref<!tpu.dma_semaphore, #tpu.memory_space<semaphore_mem>>, %arg37: memref<!tpu.dma_semaphore, #tpu.memory_space<semaphore_mem>>, %arg38: memref<!tpu.dma_semaphore, #tpu.memory_space<semaphore_mem>>, %arg39: memref<!tpu.dma_semaphore, #tpu.memory_space<semaphore_mem>>, %arg40: memref<!tpu.dma_semaphore, #tpu.memory_space<semaphore_mem>>, %arg41: memref<!tpu.dma_semaphore, #tpu.memory_space<semaphore_mem>>, %arg42: memref<!tpu.dma_semaphore, #tpu.memory_space<semaphore_mem>>, %arg43: memref<!tpu.dma_semaphore, #tpu.memory_space<semaphore_mem>>) attributes {dimension_semantics = [#tpu.dimension_semantics<core_parallel>, #tpu.dimension_semantics<subcore_parallel>], iteration_bounds = array<i64: 2, 16>, scalar_prefetch = 0 : i64, scratch_operands = 36 : i64, tpu.core_type = #tpu.core_type<sc_vector_subcore>, window_params = [{transform_indices = #map}, {transform_indices = #map1}, {transform_indices = #map1}, {transform_indices = #map}, {transform_indices = #map2}, {transform_indices = #map1}]} {
    %mul3A = arith.constant 624 : i32
    %mul3A_0 = arith.muli %arg1, %mul3A : i32
    %multiple_of3A = tpu.assume_multiple %mul3A_0, 8 : i32
    "tpu.region"() ({
      %run_scoped3A = tpu.sem_alloc : memref<!tpu.dma_semaphore, #tpu.memory_space<semaphore_mem>>
      %dma_start3A = arith.constant 0 : i32
      %dma_start3A_294 = tpu.memref_slice %arg22[%multiple_of3A, %dma_start3A] : memref<10000x128xf32, #tpu.memory_space<vmem_shared>> -> memref<624x128xf32, #tpu.memory_space<vmem_shared>>
      %dma_start3A_295 = arith.constant 0 : i32
      %dma_start3A_296 = tpu.memref_slice %arg5[%multiple_of3A, %dma_start3A_295] : memref<10000x128xf32, #tpu.memory_space<hbm>> -> memref<624x128xf32, #tpu.memory_space<hbm>>
      tpu.enqueue_dma source(%dma_start3A_296 : memref<624x128xf32, #tpu.memory_space<hbm>>) target(%dma_start3A_294 : memref<624x128xf32, #tpu.memory_space<vmem_shared>>) target_semaphore(%run_scoped3A : memref<!tpu.dma_semaphore, #tpu.memory_space<semaphore_mem>>)
      %dma_wait3A = arith.constant 0 : i32
      %dma_wait3A_297 = tpu.memref_slice %arg22[%multiple_of3A, %dma_wait3A] : memref<10000x128xf32, #tpu.memory_space<vmem_shared>> -> memref<624x128xf32, #tpu.memory_space<vmem_shared>>
      %dma_wait3A_298 = arith.constant 0 : i32
      %dma_wait3A_299 = tpu.memref_slice %arg5[%multiple_of3A, %dma_wait3A_298] : memref<10000x128xf32, #tpu.memory_space<hbm>> -> memref<624x128xf32, #tpu.memory_space<hbm>>
      tpu.wait_dma2 semaphore(%run_scoped3A : memref<!tpu.dma_semaphore, #tpu.memory_space<semaphore_mem>>) src(%dma_wait3A_299 : memref<624x128xf32, #tpu.memory_space<hbm>>) dst(%dma_wait3A_297 : memref<624x128xf32, #tpu.memory_space<vmem_shared>>)
      tpu.yield
    }) : () -> ()
    %eq3A = arith.constant 0 : i32
    %eq3A_1 = arith.cmpi eq, %arg1, %eq3A : i32
    %convert_element_type3A = arith.extui %eq3A_1 : i1 to i32
    %cond3A = arith.constant 0 : i32
    %cond3A_2 = arith.cmpi ne, %convert_element_type3A, %cond3A : i32
    scf.if %cond3A_2 {
      "tpu.region"() ({
        %run_scoped3A = tpu.sem_alloc : memref<!tpu.dma_semaphore, #tpu.memory_space<semaphore_mem>>
        %dma_start3A = arith.constant 9984 : i32
        %dma_start3A_294 = arith.constant 0 : i32
        %dma_start3A_295 = tpu.memref_slice %arg22[%dma_start3A, %dma_start3A_294] : memref<10000x128xf32, #tpu.memory_space<vmem_shared>> -> memref<16x128xf32, #tpu.memory_space<vmem_shared>>
        %dma_start3A_296 = arith.constant 9984 : i32
        %dma_start3A_297 = arith.constant 0 : i32
        %dma_start3A_298 = tpu.memref_slice %arg5[%dma_start3A_296, %dma_start3A_297] : memref<10000x128xf32, #tpu.memory_space<hbm>> -> memref<16x128xf32, #tpu.memory_space<hbm>>
        tpu.enqueue_dma source(%dma_start3A_298 : memref<16x128xf32, #tpu.memory_space<hbm>>) target(%dma_start3A_295 : memref<16x128xf32, #tpu.memory_space<vmem_shared>>) target_semaphore(%run_scoped3A : memref<!tpu.dma_semaphore, #tpu.memory_space<semaphore_mem>>)
        %dma_wait3A = arith.constant 9984 : i32
        %dma_wait3A_299 = arith.constant 0 : i32
        %dma_wait3A_300 = tpu.memref_slice %arg22[%dma_wait3A, %dma_wait3A_299] : memref<10000x128xf32, #tpu.memory_space<vmem_shared>> -> memref<16x128xf32, #tpu.memory_space<vmem_shared>>
        %dma_wait3A_301 = arith.constant 9984 : i32
        %dma_wait3A_302 = arith.constant 0 : i32
        %dma_wait3A_303 = tpu.memref_slice %arg5[%dma_wait3A_301, %dma_wait3A_302] : memref<10000x128xf32, #tpu.memory_space<hbm>> -> memref<16x128xf32, #tpu.memory_space<hbm>>
        tpu.wait_dma2 semaphore(%run_scoped3A : memref<!tpu.dma_semaphore, #tpu.memory_space<semaphore_mem>>) src(%dma_wait3A_303 : memref<16x128xf32, #tpu.memory_space<hbm>>) dst(%dma_wait3A_300 : memref<16x128xf32, #tpu.memory_space<vmem_shared>>)
        tpu.yield
      }) : () -> ()
    } else {
    }
    %broadcast_in_dim3A = arith.constant 0.000000e+00 : f32
    %broadcast_in_dim3A_3 = vector.broadcast %broadcast_in_dim3A : f32 to vector<16xf32>
    %swap3A = arith.constant 0 : index
    %swap3A_4 = tpu.vector_load %arg21[%swap3A] {strides = array<i32>} : memref<624xf32, #tpu.memory_space<vmem>>, vector<16xf32>,
    %swap3A_5 = vector.shape_cast %swap3A_4 : vector<16xf32> to vector<16xf32>
    %swap3A_6 = vector.shape_cast %broadcast_in_dim3A_3 : vector<16xf32> to vector<16xf32>
    tpu.vector_store %arg21[%swap3A], %swap3A_6 {strides = array<i32>} : memref<624xf32, #tpu.memory_space<vmem>>, vector<16xf32>,
    %broadcast_in_dim3A_7 = arith.constant 0.000000e+00 : f32
    %broadcast_in_dim3A_8 = vector.broadcast %broadcast_in_dim3A_7 : f32 to vector<16xf32>
    %swap3A_9 = arith.constant 16 : index
    %swap3A_10 = tpu.vector_load %arg21[%swap3A_9] {strides = array<i32>} : memref<624xf32, #tpu.memory_space<vmem>>, vector<16xf32>,
    %swap3A_11 = vector.shape_cast %swap3A_10 : vector<16xf32> to vector<16xf32>
    %swap3A_12 = vector.shape_cast %broadcast_in_dim3A_8 : vector<16xf32> to vector<16xf32>
    tpu.vector_store %arg21[%swap3A_9], %swap3A_12 {strides = array<i32>} : memref<624xf32, #tpu.memory_space<vmem>>, vector<16xf32>,
    %broadcast_in_dim3A_13 = arith.constant 0.000000e+00 : f32
    %broadcast_in_dim3A_14 = vector.broadcast %broadcast_in_dim3A_13 : f32 to vector<16xf32>
    %swap3A_15 = arith.constant 32 : index
    %swap3A_16 = tpu.vector_load %arg21[%swap3A_15] {strides = array<i32>} : memref<624xf32, #tpu.memory_space<vmem>>, vector<16xf32>,
    %swap3A_17 = vector.shape_cast %swap3A_16 : vector<16xf32> to vector<16xf32>
    %swap3A_18 = vector.shape_cast %broadcast_in_dim3A_14 : vector<16xf32> to vector<16xf32>
    tpu.vector_store %arg21[%swap3A_15], %swap3A_18 {strides = array<i32>} : memref<624xf32, #tpu.memory_space<vmem>>, vector<16xf32>,
    %broadcast_in_dim3A_19 = arith.constant 0.000000e+00 : f32
    %broadcast_in_dim3A_20 = vector.broadcast %broadcast_in_dim3A_19 : f32 to vector<16xf32>
    %swap3A_21 = arith.constant 48 : index
    %swap3A_22 = tpu.vector_load %arg21[%swap3A_21] {strides = array<i32>} : memref<624xf32, #tpu.memory_space<vmem>>, vector<16xf32>,
    %swap3A_23 = vector.shape_cast %swap3A_22 : vector<16xf32> to vector<16xf32>
    %swap3A_24 = vector.shape_cast %broadcast_in_dim3A_20 : vector<16xf32> to vector<16xf32>
    tpu.vector_store %arg21[%swap3A_21], %swap3A_24 {strides = array<i32>} : memref<624xf32, #tpu.memory_space<vmem>>, vector<16xf32>,
    %broadcast_in_dim3A_25 = arith.constant 0.000000e+00 : f32
    %broadcast_in_dim3A_26 = vector.broadcast %broadcast_in_dim3A_25 : f32 to vector<16xf32>
    %swap3A_27 = arith.constant 64 : index
    %swap3A_28 = tpu.vector_load %arg21[%swap3A_27] {strides = array<i32>} : memref<624xf32, #tpu.memory_space<vmem>>, vector<16xf32>,
    %swap3A_29 = vector.shape_cast %swap3A_28 : vector<16xf32> to vector<16xf32>
    %swap3A_30 = vector.shape_cast %broadcast_in_dim3A_26 : vector<16xf32> to vector<16xf32>
    tpu.vector_store %arg21[%swap3A_27], %swap3A_30 {strides = array<i32>} : memref<624xf32, #tpu.memory_space<vmem>>, vector<16xf32>,
    %broadcast_in_dim3A_31 = arith.constant 0.000000e+00 : f32
    %broadcast_in_dim3A_32 = vector.broadcast %broadcast_in_dim3A_31 : f32 to vector<16xf32>
    %swap3A_33 = arith.constant 80 : index
    %swap3A_34 = tpu.vector_load %arg21[%swap3A_33] {strides = array<i32>} : memref<624xf32, #tpu.memory_space<vmem>>, vector<16xf32>,
    %swap3A_35 = vector.shape_cast %swap3A_34 : vector<16xf32> to vector<16xf32>
    %swap3A_36 = vector.shape_cast %broadcast_in_dim3A_32 : vector<16xf32> to vector<16xf32>
    tpu.vector_store %arg21[%swap3A_33], %swap3A_36 {strides = array<i32>} : memref<624xf32, #tpu.memory_space<vmem>>, vector<16xf32>,
    %broadcast_in_dim3A_37 = arith.constant 0.000000e+00 : f32
    %broadcast_in_dim3A_38 = vector.broadcast %broadcast_in_dim3A_37 : f32 to vector<16xf32>
    %swap3A_39 = arith.constant 96 : index
    %swap3A_40 = tpu.vector_load %arg21[%swap3A_39] {strides = array<i32>} : memref<624xf32, #tpu.memory_space<vmem>>, vector<16xf32>,
    %swap3A_41 = vector.shape_cast %swap3A_40 : vector<16xf32> to vector<16xf32>
    %swap3A_42 = vector.shape_cast %broadcast_in_dim3A_38 : vector<16xf32> to vector<16xf32>
    tpu.vector_store %arg21[%swap3A_39], %swap3A_42 {strides = array<i32>} : memref<624xf32, #tpu.memory_space<vmem>>, vector<16xf32>,
    %broadcast_in_dim3A_43 = arith.constant 0.000000e+00 : f32
    %broadcast_in_dim3A_44 = vector.broadcast %broadcast_in_dim3A_43 : f32 to vector<16xf32>
    %swap3A_45 = arith.constant 112 : index
    %swap3A_46 = tpu.vector_load %arg21[%swap3A_45] {strides = array<i32>} : memref<624xf32, #tpu.memory_space<vmem>>, vector<16xf32>,
    %swap3A_47 = vector.shape_cast %swap3A_46 : vector<16xf32> to vector<16xf32>
    %swap3A_48 = vector.shape_cast %broadcast_in_dim3A_44 : vector<16xf32> to vector<16xf32>
    tpu.vector_store %arg21[%swap3A_45], %swap3A_48 {strides = array<i32>} : memref<624xf32, #tpu.memory_space<vmem>>, vector<16xf32>,
    %broadcast_in_dim3A_49 = arith.constant 0.000000e+00 : f32
    %broadcast_in_dim3A_50 = vector.broadcast %broadcast_in_dim3A_49 : f32 to vector<16xf32>
    %swap3A_51 = arith.constant 128 : index
    %swap3A_52 = tpu.vector_load %arg21[%swap3A_51] {strides = array<i32>} : memref<624xf32, #tpu.memory_space<vmem>>, vector<16xf32>,
    %swap3A_53 = vector.shape_cast %swap3A_52 : vector<16xf32> to vector<16xf32>
    %swap3A_54 = vector.shape_cast %broadcast_in_dim3A_50 : vector<16xf32> to vector<16xf32>
    tpu.vector_store %arg21[%swap3A_51], %swap3A_54 {strides = array<i32>} : memref<624xf32, #tpu.memory_space<vmem>>, vector<16xf32>,
    %broadcast_in_dim3A_55 = arith.constant 0.000000e+00 : f32
    %broadcast_in_dim3A_56 = vector.broadcast %broadcast_in_dim3A_55 : f32 to vector<16xf32>
    %swap3A_57 = arith.constant 144 : index
    %swap3A_58 = tpu.vector_load %arg21[%swap3A_57] {strides = array<i32>} : memref<624xf32, #tpu.memory_space<vmem>>, vector<16xf32>,
    %swap3A_59 = vector.shape_cast %swap3A_58 : vector<16xf32> to vector<16xf32>
    %swap3A_60 = vector.shape_cast %broadcast_in_dim3A_56 : vector<16xf32> to vector<16xf32>
    tpu.vector_store %arg21[%swap3A_57], %swap3A_60 {strides = array<i32>} : memref<624xf32, #tpu.memory_space<vmem>>, vector<16xf32>,
    %broadcast_in_dim3A_61 = arith.constant 0.000000e+00 : f32
    %broadcast_in_dim3A_62 = vector.broadcast %broadcast_in_dim3A_61 : f32 to vector<16xf32>
    %swap3A_63 = arith.constant 160 : index
    %swap3A_64 = tpu.vector_load %arg21[%swap3A_63] {strides = array<i32>} : memref<624xf32, #tpu.memory_space<vmem>>, vector<16xf32>,
    %swap3A_65 = vector.shape_cast %swap3A_64 : vector<16xf32> to vector<16xf32>
    %swap3A_66 = vector.shape_cast %broadcast_in_dim3A_62 : vector<16xf32> to vector<16xf32>
    tpu.vector_store %arg21[%swap3A_63], %swap3A_66 {strides = array<i32>} : memref<624xf32, #tpu.memory_space<vmem>>, vector<16xf32>,
    %broadcast_in_dim3A_67 = arith.constant 0.000000e+00 : f32
    %broadcast_in_dim3A_68 = vector.broadcast %broadcast_in_dim3A_67 : f32 to vector<16xf32>
    %swap3A_69 = arith.constant 176 : index
    %swap3A_70 = tpu.vector_load %arg21[%swap3A_69] {strides = array<i32>} : memref<624xf32, #tpu.memory_space<vmem>>, vector<16xf32>,
    %swap3A_71 = vector.shape_cast %swap3A_70 : vector<16xf32> to vector<16xf32>
    %swap3A_72 = vector.shape_cast %broadcast_in_dim3A_68 : vector<16xf32> to vector<16xf32>
    tpu.vector_store %arg21[%swap3A_69], %swap3A_72 {strides = array<i32>} : memref<624xf32, #tpu.memory_space<vmem>>, vector<16xf32>,
    %broadcast_in_dim3A_73 = arith.constant 0.000000e+00 : f32
    %broadcast_in_dim3A_74 = vector.broadcast %broadcast_in_dim3A_73 : f32 to vector<16xf32>
    %swap3A_75 = arith.constant 192 : index
    %swap3A_76 = tpu.vector_load %arg21[%swap3A_75] {strides = array<i32>} : memref<624xf32, #tpu.memory_space<vmem>>, vector<16xf32>,
    %swap3A_77 = vector.shape_cast %swap3A_76 : vector<16xf32> to vector<16xf32>
    %swap3A_78 = vector.shape_cast %broadcast_in_dim3A_74 : vector<16xf32> to vector<16xf32>
    tpu.vector_store %arg21[%swap3A_75], %swap3A_78 {strides = array<i32>} : memref<624xf32, #tpu.memory_space<vmem>>, vector<16xf32>,
    %broadcast_in_dim3A_79 = arith.constant 0.000000e+00 : f32
    %broadcast_in_dim3A_80 = vector.broadcast %broadcast_in_dim3A_79 : f32 to vector<16xf32>
    %swap3A_81 = arith.constant 208 : index
    %swap3A_82 = tpu.vector_load %arg21[%swap3A_81] {strides = array<i32>} : memref<624xf32, #tpu.memory_space<vmem>>, vector<16xf32>,
    %swap3A_83 = vector.shape_cast %swap3A_82 : vector<16xf32> to vector<16xf32>
    %swap3A_84 = vector.shape_cast %broadcast_in_dim3A_80 : vector<16xf32> to vector<16xf32>
    tpu.vector_store %arg21[%swap3A_81], %swap3A_84 {strides = array<i32>} : memref<624xf32, #tpu.memory_space<vmem>>, vector<16xf32>,
    %broadcast_in_dim3A_85 = arith.constant 0.000000e+00 : f32
    %broadcast_in_dim3A_86 = vector.broadcast %broadcast_in_dim3A_85 : f32 to vector<16xf32>
    %swap3A_87 = arith.constant 224 : index
    %swap3A_88 = tpu.vector_load %arg21[%swap3A_87] {strides = array<i32>} : memref<624xf32, #tpu.memory_space<vmem>>, vector<16xf32>,
    %swap3A_89 = vector.shape_cast %swap3A_88 : vector<16xf32> to vector<16xf32>
    %swap3A_90 = vector.shape_cast %broadcast_in_dim3A_86 : vector<16xf32> to vector<16xf32>
    tpu.vector_store %arg21[%swap3A_87], %swap3A_90 {strides = array<i32>} : memref<624xf32, #tpu.memory_space<vmem>>, vector<16xf32>,
    %broadcast_in_dim3A_91 = arith.constant 0.000000e+00 : f32
    %broadcast_in_dim3A_92 = vector.broadcast %broadcast_in_dim3A_91 : f32 to vector<16xf32>
    %swap3A_93 = arith.constant 240 : index
    %swap3A_94 = tpu.vector_load %arg21[%swap3A_93] {strides = array<i32>} : memref<624xf32, #tpu.memory_space<vmem>>, vector<16xf32>,
    %swap3A_95 = vector.shape_cast %swap3A_94 : vector<16xf32> to vector<16xf32>
    %swap3A_96 = vector.shape_cast %broadcast_in_dim3A_92 : vector<16xf32> to vector<16xf32>
    tpu.vector_store %arg21[%swap3A_93], %swap3A_96 {strides = array<i32>} : memref<624xf32, #tpu.memory_space<vmem>>, vector<16xf32>,
    %broadcast_in_dim3A_97 = arith.constant 0.000000e+00 : f32
    %broadcast_in_dim3A_98 = vector.broadcast %broadcast_in_dim3A_97 : f32 to vector<16xf32>
    %swap3A_99 = arith.constant 256 : index
    %swap3A_100 = tpu.vector_load %arg21[%swap3A_99] {strides = array<i32>} : memref<624xf32, #tpu.memory_space<vmem>>, vector<16xf32>,
    %swap3A_101 = vector.shape_cast %swap3A_100 : vector<16xf32> to vector<16xf32>
    %swap3A_102 = vector.shape_cast %broadcast_in_dim3A_98 : vector<16xf32> to vector<16xf32>
    tpu.vector_store %arg21[%swap3A_99], %swap3A_102 {strides = array<i32>} : memref<624xf32, #tpu.memory_space<vmem>>, vector<16xf32>,
    %broadcast_in_dim3A_103 = arith.constant 0.000000e+00 : f32
    %broadcast_in_dim3A_104 = vector.broadcast %broadcast_in_dim3A_103 : f32 to vector<16xf32>
    %swap3A_105 = arith.constant 272 : index
    %swap3A_106 = tpu.vector_load %arg21[%swap3A_105] {strides = array<i32>} : memref<624xf32, #tpu.memory_space<vmem>>, vector<16xf32>,
    %swap3A_107 = vector.shape_cast %swap3A_106 : vector<16xf32> to vector<16xf32>
    %swap3A_108 = vector.shape_cast %broadcast_in_dim3A_104 : vector<16xf32> to vector<16xf32>
    tpu.vector_store %arg21[%swap3A_105], %swap3A_108 {strides = array<i32>} : memref<624xf32, #tpu.memory_space<vmem>>, vector<16xf32>,
    %broadcast_in_dim3A_109 = arith.constant 0.000000e+00 : f32
    %broadcast_in_dim3A_110 = vector.broadcast %broadcast_in_dim3A_109 : f32 to vector<16xf32>
    %swap3A_111 = arith.constant 288 : index
    %swap3A_112 = tpu.vector_load %arg21[%swap3A_111] {strides = array<i32>} : memref<624xf32, #tpu.memory_space<vmem>>, vector<16xf32>,
    %swap3A_113 = vector.shape_cast %swap3A_112 : vector<16xf32> to vector<16xf32>
    %swap3A_114 = vector.shape_cast %broadcast_in_dim3A_110 : vector<16xf32> to vector<16xf32>
    tpu.vector_store %arg21[%swap3A_111], %swap3A_114 {strides = array<i32>} : memref<624xf32, #tpu.memory_space<vmem>>, vector<16xf32>,
    %broadcast_in_dim3A_115 = arith.constant 0.000000e+00 : f32
    %broadcast_in_dim3A_116 = vector.broadcast %broadcast_in_dim3A_115 : f32 to vector<16xf32>
    %swap3A_117 = arith.constant 304 : index
    %swap3A_118 = tpu.vector_load %arg21[%swap3A_117] {strides = array<i32>} : memref<624xf32, #tpu.memory_space<vmem>>, vector<16xf32>,
    %swap3A_119 = vector.shape_cast %swap3A_118 : vector<16xf32> to vector<16xf32>
    %swap3A_120 = vector.shape_cast %broadcast_in_dim3A_116 : vector<16xf32> to vector<16xf32>
    tpu.vector_store %arg21[%swap3A_117], %swap3A_120 {strides = array<i32>} : memref<624xf32, #tpu.memory_space<vmem>>, vector<16xf32>,
    %broadcast_in_dim3A_121 = arith.constant 0.000000e+00 : f32
    %broadcast_in_dim3A_122 = vector.broadcast %broadcast_in_dim3A_121 : f32 to vector<16xf32>
    %swap3A_123 = arith.constant 320 : index
    %swap3A_124 = tpu.vector_load %arg21[%swap3A_123] {strides = array<i32>} : memref<624xf32, #tpu.memory_space<vmem>>, vector<16xf32>,
    %swap3A_125 = vector.shape_cast %swap3A_124 : vector<16xf32> to vector<16xf32>
    %swap3A_126 = vector.shape_cast %broadcast_in_dim3A_122 : vector<16xf32> to vector<16xf32>
    tpu.vector_store %arg21[%swap3A_123], %swap3A_126 {strides = array<i32>} : memref<624xf32, #tpu.memory_space<vmem>>, vector<16xf32>,
    %broadcast_in_dim3A_127 = arith.constant 0.000000e+00 : f32
    %broadcast_in_dim3A_128 = vector.broadcast %broadcast_in_dim3A_127 : f32 to vector<16xf32>
    %swap3A_129 = arith.constant 336 : index
    %swap3A_130 = tpu.vector_load %arg21[%swap3A_129] {strides = array<i32>} : memref<624xf32, #tpu.memory_space<vmem>>, vector<16xf32>,
    %swap3A_131 = vector.shape_cast %swap3A_130 : vector<16xf32> to vector<16xf32>
    %swap3A_132 = vector.shape_cast %broadcast_in_dim3A_128 : vector<16xf32> to vector<16xf32>
    tpu.vector_store %arg21[%swap3A_129], %swap3A_132 {strides = array<i32>} : memref<624xf32, #tpu.memory_space<vmem>>, vector<16xf32>,
    %broadcast_in_dim3A_133 = arith.constant 0.000000e+00 : f32
    %broadcast_in_dim3A_134 = vector.broadcast %broadcast_in_dim3A_133 : f32 to vector<16xf32>
    %swap3A_135 = arith.constant 352 : index
    %swap3A_136 = tpu.vector_load %arg21[%swap3A_135] {strides = array<i32>} : memref<624xf32, #tpu.memory_space<vmem>>, vector<16xf32>,
    %swap3A_137 = vector.shape_cast %swap3A_136 : vector<16xf32> to vector<16xf32>
    %swap3A_138 = vector.shape_cast %broadcast_in_dim3A_134 : vector<16xf32> to vector<16xf32>
    tpu.vector_store %arg21[%swap3A_135], %swap3A_138 {strides = array<i32>} : memref<624xf32, #tpu.memory_space<vmem>>, vector<16xf32>,
    %broadcast_in_dim3A_139 = arith.constant 0.000000e+00 : f32
    %broadcast_in_dim3A_140 = vector.broadcast %broadcast_in_dim3A_139 : f32 to vector<16xf32>
    %swap3A_141 = arith.constant 368 : index
    %swap3A_142 = tpu.vector_load %arg21[%swap3A_141] {strides = array<i32>} : memref<624xf32, #tpu.memory_space<vmem>>, vector<16xf32>,
    %swap3A_143 = vector.shape_cast %swap3A_142 : vector<16xf32> to vector<16xf32>
    %swap3A_144 = vector.shape_cast %broadcast_in_dim3A_140 : vector<16xf32> to vector<16xf32>
    tpu.vector_store %arg21[%swap3A_141], %swap3A_144 {strides = array<i32>} : memref<624xf32, #tpu.memory_space<vmem>>, vector<16xf32>,
    %broadcast_in_dim3A_145 = arith.constant 0.000000e+00 : f32
    %broadcast_in_dim3A_146 = vector.broadcast %broadcast_in_dim3A_145 : f32 to vector<16xf32>
    %swap3A_147 = arith.constant 384 : index
    %swap3A_148 = tpu.vector_load %arg21[%swap3A_147] {strides = array<i32>} : memref<624xf32, #tpu.memory_space<vmem>>, vector<16xf32>,
    %swap3A_149 = vector.shape_cast %swap3A_148 : vector<16xf32> to vector<16xf32>
    %swap3A_150 = vector.shape_cast %broadcast_in_dim3A_146 : vector<16xf32> to vector<16xf32>
    tpu.vector_store %arg21[%swap3A_147], %swap3A_150 {strides = array<i32>} : memref<624xf32, #tpu.memory_space<vmem>>, vector<16xf32>,
    %broadcast_in_dim3A_151 = arith.constant 0.000000e+00 : f32
    %broadcast_in_dim3A_152 = vector.broadcast %broadcast_in_dim3A_151 : f32 to vector<16xf32>
    %swap3A_153 = arith.constant 400 : index
    %swap3A_154 = tpu.vector_load %arg21[%swap3A_153] {strides = array<i32>} : memref<624xf32, #tpu.memory_space<vmem>>, vector<16xf32>,
    %swap3A_155 = vector.shape_cast %swap3A_154 : vector<16xf32> to vector<16xf32>
    %swap3A_156 = vector.shape_cast %broadcast_in_dim3A_152 : vector<16xf32> to vector<16xf32>
    tpu.vector_store %arg21[%swap3A_153], %swap3A_156 {strides = array<i32>} : memref<624xf32, #tpu.memory_space<vmem>>, vector<16xf32>,
    %broadcast_in_dim3A_157 = arith.constant 0.000000e+00 : f32
    %broadcast_in_dim3A_158 = vector.broadcast %broadcast_in_dim3A_157 : f32 to vector<16xf32>
    %swap3A_159 = arith.constant 416 : index
    %swap3A_160 = tpu.vector_load %arg21[%swap3A_159] {strides = array<i32>} : memref<624xf32, #tpu.memory_space<vmem>>, vector<16xf32>,
    %swap3A_161 = vector.shape_cast %swap3A_160 : vector<16xf32> to vector<16xf32>
    %swap3A_162 = vector.shape_cast %broadcast_in_dim3A_158 : vector<16xf32> to vector<16xf32>
    tpu.vector_store %arg21[%swap3A_159], %swap3A_162 {strides = array<i32>} : memref<624xf32, #tpu.memory_space<vmem>>, vector<16xf32>,
    %broadcast_in_dim3A_163 = arith.constant 0.000000e+00 : f32
    %broadcast_in_dim3A_164 = vector.broadcast %broadcast_in_dim3A_163 : f32 to vector<16xf32>
    %swap3A_165 = arith.constant 432 : index
    %swap3A_166 = tpu.vector_load %arg21[%swap3A_165] {strides = array<i32>} : memref<624xf32, #tpu.memory_space<vmem>>, vector<16xf32>,
    %swap3A_167 = vector.shape_cast %swap3A_166 : vector<16xf32> to vector<16xf32>
    %swap3A_168 = vector.shape_cast %broadcast_in_dim3A_164 : vector<16xf32> to vector<16xf32>
    tpu.vector_store %arg21[%swap3A_165], %swap3A_168 {strides = array<i32>} : memref<624xf32, #tpu.memory_space<vmem>>, vector<16xf32>,
    %broadcast_in_dim3A_169 = arith.constant 0.000000e+00 : f32
    %broadcast_in_dim3A_170 = vector.broadcast %broadcast_in_dim3A_169 : f32 to vector<16xf32>
    %swap3A_171 = arith.constant 448 : index
    %swap3A_172 = tpu.vector_load %arg21[%swap3A_171] {strides = array<i32>} : memref<624xf32, #tpu.memory_space<vmem>>, vector<16xf32>,
    %swap3A_173 = vector.shape_cast %swap3A_172 : vector<16xf32> to vector<16xf32>
    %swap3A_174 = vector.shape_cast %broadcast_in_dim3A_170 : vector<16xf32> to vector<16xf32>
    tpu.vector_store %arg21[%swap3A_171], %swap3A_174 {strides = array<i32>} : memref<624xf32, #tpu.memory_space<vmem>>, vector<16xf32>,
    %broadcast_in_dim3A_175 = arith.constant 0.000000e+00 : f32
    %broadcast_in_dim3A_176 = vector.broadcast %broadcast_in_dim3A_175 : f32 to vector<16xf32>
    %swap3A_177 = arith.constant 464 : index
    %swap3A_178 = tpu.vector_load %arg21[%swap3A_177] {strides = array<i32>} : memref<624xf32, #tpu.memory_space<vmem>>, vector<16xf32>,
    %swap3A_179 = vector.shape_cast %swap3A_178 : vector<16xf32> to vector<16xf32>
    %swap3A_180 = vector.shape_cast %broadcast_in_dim3A_176 : vector<16xf32> to vector<16xf32>
    tpu.vector_store %arg21[%swap3A_177], %swap3A_180 {strides = array<i32>} : memref<624xf32, #tpu.memory_space<vmem>>, vector<16xf32>,
    %broadcast_in_dim3A_181 = arith.constant 0.000000e+00 : f32
    %broadcast_in_dim3A_182 = vector.broadcast %broadcast_in_dim3A_181 : f32 to vector<16xf32>
    %swap3A_183 = arith.constant 480 : index
    %swap3A_184 = tpu.vector_load %arg21[%swap3A_183] {strides = array<i32>} : memref<624xf32, #tpu.memory_space<vmem>>, vector<16xf32>,
    %swap3A_185 = vector.shape_cast %swap3A_184 : vector<16xf32> to vector<16xf32>
    %swap3A_186 = vector.shape_cast %broadcast_in_dim3A_182 : vector<16xf32> to vector<16xf32>
    tpu.vector_store %arg21[%swap3A_183], %swap3A_186 {strides = array<i32>} : memref<624xf32, #tpu.memory_space<vmem>>, vector<16xf32>,
    %broadcast_in_dim3A_187 = arith.constant 0.000000e+00 : f32
    %broadcast_in_dim3A_188 = vector.broadcast %broadcast_in_dim3A_187 : f32 to vector<16xf32>
    %swap3A_189 = arith.constant 496 : index
    %swap3A_190 = tpu.vector_load %arg21[%swap3A_189] {strides = array<i32>} : memref<624xf32, #tpu.memory_space<vmem>>, vector<16xf32>,
    %swap3A_191 = vector.shape_cast %swap3A_190 : vector<16xf32> to vector<16xf32>
    %swap3A_192 = vector.shape_cast %broadcast_in_dim3A_188 : vector<16xf32> to vector<16xf32>
    tpu.vector_store %arg21[%swap3A_189], %swap3A_192 {strides = array<i32>} : memref<624xf32, #tpu.memory_space<vmem>>, vector<16xf32>,
    %broadcast_in_dim3A_193 = arith.constant 0.000000e+00 : f32
    %broadcast_in_dim3A_194 = vector.broadcast %broadcast_in_dim3A_193 : f32 to vector<16xf32>
    %swap3A_195 = arith.constant 512 : index
    %swap3A_196 = tpu.vector_load %arg21[%swap3A_195] {strides = array<i32>} : memref<624xf32, #tpu.memory_space<vmem>>, vector<16xf32>,
    %swap3A_197 = vector.shape_cast %swap3A_196 : vector<16xf32> to vector<16xf32>
    %swap3A_198 = vector.shape_cast %broadcast_in_dim3A_194 : vector<16xf32> to vector<16xf32>
    tpu.vector_store %arg21[%swap3A_195], %swap3A_198 {strides = array<i32>} : memref<624xf32, #tpu.memory_space<vmem>>, vector<16xf32>,
    %broadcast_in_dim3A_199 = arith.constant 0.000000e+00 : f32
    %broadcast_in_dim3A_200 = vector.broadcast %broadcast_in_dim3A_199 : f32 to vector<16xf32>
    %swap3A_201 = arith.constant 528 : index
    %swap3A_202 = tpu.vector_load %arg21[%swap3A_201] {strides = array<i32>} : memref<624xf32, #tpu.memory_space<vmem>>, vector<16xf32>,
    %swap3A_203 = vector.shape_cast %swap3A_202 : vector<16xf32> to vector<16xf32>
    %swap3A_204 = vector.shape_cast %broadcast_in_dim3A_200 : vector<16xf32> to vector<16xf32>
    tpu.vector_store %arg21[%swap3A_201], %swap3A_204 {strides = array<i32>} : memref<624xf32, #tpu.memory_space<vmem>>, vector<16xf32>,
    %broadcast_in_dim3A_205 = arith.constant 0.000000e+00 : f32
    %broadcast_in_dim3A_206 = vector.broadcast %broadcast_in_dim3A_205 : f32 to vector<16xf32>
    %swap3A_207 = arith.constant 544 : index
    %swap3A_208 = tpu.vector_load %arg21[%swap3A_207] {strides = array<i32>} : memref<624xf32, #tpu.memory_space<vmem>>, vector<16xf32>,
    %swap3A_209 = vector.shape_cast %swap3A_208 : vector<16xf32> to vector<16xf32>
    %swap3A_210 = vector.shape_cast %broadcast_in_dim3A_206 : vector<16xf32> to vector<16xf32>
    tpu.vector_store %arg21[%swap3A_207], %swap3A_210 {strides = array<i32>} : memref<624xf32, #tpu.memory_space<vmem>>, vector<16xf32>,
    %broadcast_in_dim3A_211 = arith.constant 0.000000e+00 : f32
    %broadcast_in_dim3A_212 = vector.broadcast %broadcast_in_dim3A_211 : f32 to vector<16xf32>
    %swap3A_213 = arith.constant 560 : index
    %swap3A_214 = tpu.vector_load %arg21[%swap3A_213] {strides = array<i32>} : memref<624xf32, #tpu.memory_space<vmem>>, vector<16xf32>,
    %swap3A_215 = vector.shape_cast %swap3A_214 : vector<16xf32> to vector<16xf32>
    %swap3A_216 = vector.shape_cast %broadcast_in_dim3A_212 : vector<16xf32> to vector<16xf32>
    tpu.vector_store %arg21[%swap3A_213], %swap3A_216 {strides = array<i32>} : memref<624xf32, #tpu.memory_space<vmem>>, vector<16xf32>,
    %broadcast_in_dim3A_217 = arith.constant 0.000000e+00 : f32
    %broadcast_in_dim3A_218 = vector.broadcast %broadcast_in_dim3A_217 : f32 to vector<16xf32>
    %swap3A_219 = arith.constant 576 : index
    %swap3A_220 = tpu.vector_load %arg21[%swap3A_219] {strides = array<i32>} : memref<624xf32, #tpu.memory_space<vmem>>, vector<16xf32>,
    %swap3A_221 = vector.shape_cast %swap3A_220 : vector<16xf32> to vector<16xf32>
    %swap3A_222 = vector.shape_cast %broadcast_in_dim3A_218 : vector<16xf32> to vector<16xf32>
    tpu.vector_store %arg21[%swap3A_219], %swap3A_222 {strides = array<i32>} : memref<624xf32, #tpu.memory_space<vmem>>, vector<16xf32>,
    %broadcast_in_dim3A_223 = arith.constant 0.000000e+00 : f32
    %broadcast_in_dim3A_224 = vector.broadcast %broadcast_in_dim3A_223 : f32 to vector<16xf32>
    %swap3A_225 = arith.constant 592 : index
    %swap3A_226 = tpu.vector_load %arg21[%swap3A_225] {strides = array<i32>} : memref<624xf32, #tpu.memory_space<vmem>>, vector<16xf32>,
    %swap3A_227 = vector.shape_cast %swap3A_226 : vector<16xf32> to vector<16xf32>
    %swap3A_228 = vector.shape_cast %broadcast_in_dim3A_224 : vector<16xf32> to vector<16xf32>
    tpu.vector_store %arg21[%swap3A_225], %swap3A_228 {strides = array<i32>} : memref<624xf32, #tpu.memory_space<vmem>>, vector<16xf32>,
    %broadcast_in_dim3A_229 = arith.constant 0.000000e+00 : f32
    %broadcast_in_dim3A_230 = vector.broadcast %broadcast_in_dim3A_229 : f32 to vector<16xf32>
    %swap3A_231 = arith.constant 608 : index
    %swap3A_232 = tpu.vector_load %arg21[%swap3A_231] {strides = array<i32>} : memref<624xf32, #tpu.memory_space<vmem>>, vector<16xf32>,
    %swap3A_233 = vector.shape_cast %swap3A_232 : vector<16xf32> to vector<16xf32>
    %swap3A_234 = vector.shape_cast %broadcast_in_dim3A_230 : vector<16xf32> to vector<16xf32>
    tpu.vector_store %arg21[%swap3A_231], %swap3A_234 {strides = array<i32>} : memref<624xf32, #tpu.memory_space<vmem>>, vector<16xf32>,
    "tpu.region"() ({
      %run_scoped3A = tpu.sem_alloc : memref<!tpu.dma_semaphore, #tpu.memory_space<semaphore_mem>>
      %dma_start3A = tpu.memref_slice %arg23[%multiple_of3A] : memref<10000xf32, #tpu.memory_space<vmem_shared>> -> memref<624xf32, #tpu.memory_space<vmem_shared>>
      %dma_start3A_294 = tpu.memref_slice %arg23[%multiple_of3A] : memref<10000xf32, #tpu.memory_space<vmem_shared>> -> memref<624xf32, #tpu.memory_space<vmem_shared>>
      tpu.enqueue_dma source(%arg21 : memref<624xf32, #tpu.memory_space<vmem>>) target(%dma_start3A_294 : memref<624xf32, #tpu.memory_space<vmem_shared>>) target_semaphore(%run_scoped3A : memref<!tpu.dma_semaphore, #tpu.memory_space<semaphore_mem>>)
      %dma_wait3A = tpu.memref_slice %arg23[%multiple_of3A] : memref<10000xf32, #tpu.memory_space<vmem_shared>> -> memref<624xf32, #tpu.memory_space<vmem_shared>>
      %dma_wait3A_295 = tpu.memref_slice %arg23[%multiple_of3A] : memref<10000xf32, #tpu.memory_space<vmem_shared>> -> memref<624xf32, #tpu.memory_space<vmem_shared>>
      tpu.wait_dma2 semaphore(%run_scoped3A : memref<!tpu.dma_semaphore, #tpu.memory_space<semaphore_mem>>) src(%arg21 : memref<624xf32, #tpu.memory_space<vmem>>) dst(%dma_wait3A_295 : memref<624xf32, #tpu.memory_space<vmem_shared>>)
      tpu.yield
    }) : () -> ()
    %eq3A_235 = arith.constant 0 : i32
    %eq3A_236 = arith.cmpi eq, %arg1, %eq3A_235 : i32
    %convert_element_type3A_237 = arith.extui %eq3A_236 : i1 to i32
    %cond3A_238 = arith.constant 0 : i32
    %cond3A_239 = arith.cmpi ne, %convert_element_type3A_237, %cond3A_238 : i32
    scf.if %cond3A_239 {
      "tpu.region"() ({
        %run_scoped3A = tpu.sem_alloc : memref<!tpu.dma_semaphore, #tpu.memory_space<semaphore_mem>>
        %dma_start3A = arith.constant 0 : i32
        %dma_start3A_294 = tpu.memref_slice %arg21[%dma_start3A] : memref<624xf32, #tpu.memory_space<vmem>> -> memref<16xf32, #tpu.memory_space<vmem>>
        %dma_start3A_295 = arith.constant 9984 : i32
        %dma_start3A_296 = tpu.memref_slice %arg23[%dma_start3A_295] : memref<10000xf32, #tpu.memory_space<vmem_shared>> -> memref<16xf32, #tpu.memory_space<vmem_shared>>
        %dma_start3A_297 = arith.constant 9984 : i32
        %dma_start3A_298 = tpu.memref_slice %arg23[%dma_start3A_297] : memref<10000xf32, #tpu.memory_space<vmem_shared>> -> memref<16xf32, #tpu.memory_space<vmem_shared>>
        %dma_start3A_299 = arith.constant 0 : i32
        %dma_start3A_300 = tpu.memref_slice %arg21[%dma_start3A_299] : memref<624xf32, #tpu.memory_space<vmem>> -> memref<16xf32, #tpu.memory_space<vmem>>
        tpu.enqueue_dma source(%dma_start3A_300 : memref<16xf32, #tpu.memory_space<vmem>>) target(%dma_start3A_298 : memref<16xf32, #tpu.memory_space<vmem_shared>>) target_semaphore(%run_scoped3A : memref<!tpu.dma_semaphore, #tpu.memory_space<semaphore_mem>>)
        %dma_wait3A = arith.constant 0 : i32
        %dma_wait3A_301 = tpu.memref_slice %arg21[%dma_wait3A] : memref<624xf32, #tpu.memory_space<vmem>> -> memref<16xf32, #tpu.memory_space<vmem>>
        %dma_wait3A_302 = arith.constant 9984 : i32
        %dma_wait3A_303 = tpu.memref_slice %arg23[%dma_wait3A_302] : memref<10000xf32, #tpu.memory_space<vmem_shared>> -> memref<16xf32, #tpu.memory_space<vmem_shared>>
        %dma_wait3A_304 = arith.constant 9984 : i32
        %dma_wait3A_305 = tpu.memref_slice %arg23[%dma_wait3A_304] : memref<10000xf32, #tpu.memory_space<vmem_shared>> -> memref<16xf32, #tpu.memory_space<vmem_shared>>
        %dma_wait3A_306 = arith.constant 0 : i32
        %dma_wait3A_307 = tpu.memref_slice %arg21[%dma_wait3A_306] : memref<624xf32, #tpu.memory_space<vmem>> -> memref<16xf32, #tpu.memory_space<vmem>>
        tpu.wait_dma2 semaphore(%run_scoped3A : memref<!tpu.dma_semaphore, #tpu.memory_space<semaphore_mem>>) src(%dma_wait3A_307 : memref<16xf32, #tpu.memory_space<vmem>>) dst(%dma_wait3A_305 : memref<16xf32, #tpu.memory_space<vmem_shared>>)
        tpu.yield
      }) : () -> ()
    } else {
    }
    %broadcast_in_dim3A_240 = arith.constant 1.000000e+00 : f32
    %broadcast_in_dim3A_241 = vector.broadcast %broadcast_in_dim3A_240 : f32 to vector<16xf32>
    %swap3A_242 = arith.constant 0 : index
    %swap3A_243 = tpu.vector_load %arg20[%swap3A_242] {strides = array<i32>} : memref<80xf32, #tpu.memory_space<vmem>>, vector<16xf32>,
    %swap3A_244 = vector.shape_cast %swap3A_243 : vector<16xf32> to vector<16xf32>
    %swap3A_245 = vector.shape_cast %broadcast_in_dim3A_241 : vector<16xf32> to vector<16xf32>
    tpu.vector_store %arg20[%swap3A_242], %swap3A_245 {strides = array<i32>} : memref<80xf32, #tpu.memory_space<vmem>>, vector<16xf32>,
    %broadcast_in_dim3A_246 = arith.constant 1.000000e+00 : f32
    %broadcast_in_dim3A_247 = vector.broadcast %broadcast_in_dim3A_246 : f32 to vector<16xf32>
    %swap3A_248 = arith.constant 16 : index
    %swap3A_249 = tpu.vector_load %arg20[%swap3A_248] {strides = array<i32>} : memref<80xf32, #tpu.memory_space<vmem>>, vector<16xf32>,
    %swap3A_250 = vector.shape_cast %swap3A_249 : vector<16xf32> to vector<16xf32>
    %swap3A_251 = vector.shape_cast %broadcast_in_dim3A_247 : vector<16xf32> to vector<16xf32>
    tpu.vector_store %arg20[%swap3A_248], %swap3A_251 {strides = array<i32>} : memref<80xf32, #tpu.memory_space<vmem>>, vector<16xf32>,
    %broadcast_in_dim3A_252 = arith.constant 1.000000e+00 : f32
    %broadcast_in_dim3A_253 = vector.broadcast %broadcast_in_dim3A_252 : f32 to vector<16xf32>
    %swap3A_254 = arith.constant 32 : index
    %swap3A_255 = tpu.vector_load %arg20[%swap3A_254] {strides = array<i32>} : memref<80xf32, #tpu.memory_space<vmem>>, vector<16xf32>,
    %swap3A_256 = vector.shape_cast %swap3A_255 : vector<16xf32> to vector<16xf32>
    %swap3A_257 = vector.shape_cast %broadcast_in_dim3A_253 : vector<16xf32> to vector<16xf32>
    tpu.vector_store %arg20[%swap3A_254], %swap3A_257 {strides = array<i32>} : memref<80xf32, #tpu.memory_space<vmem>>, vector<16xf32>,
    %broadcast_in_dim3A_258 = arith.constant 1.000000e+00 : f32
    %broadcast_in_dim3A_259 = vector.broadcast %broadcast_in_dim3A_258 : f32 to vector<16xf32>
    %swap3A_260 = arith.constant 48 : index
    %swap3A_261 = tpu.vector_load %arg20[%swap3A_260] {strides = array<i32>} : memref<80xf32, #tpu.memory_space<vmem>>, vector<16xf32>,
    %swap3A_262 = vector.shape_cast %swap3A_261 : vector<16xf32> to vector<16xf32>
    %swap3A_263 = vector.shape_cast %broadcast_in_dim3A_259 : vector<16xf32> to vector<16xf32>
    tpu.vector_store %arg20[%swap3A_260], %swap3A_263 {strides = array<i32>} : memref<80xf32, #tpu.memory_space<vmem>>, vector<16xf32>,
    %broadcast_in_dim3A_264 = arith.constant 1.000000e+00 : f32
    %broadcast_in_dim3A_265 = vector.broadcast %broadcast_in_dim3A_264 : f32 to vector<16xf32>
    %swap3A_266 = arith.constant 64 : index
    %swap3A_267 = tpu.vector_load %arg20[%swap3A_266] {strides = array<i32>} : memref<80xf32, #tpu.memory_space<vmem>>, vector<16xf32>,
    %swap3A_268 = vector.shape_cast %swap3A_267 : vector<16xf32> to vector<16xf32>
    %swap3A_269 = vector.shape_cast %broadcast_in_dim3A_265 : vector<16xf32> to vector<16xf32>
    tpu.vector_store %arg20[%swap3A_266], %swap3A_269 {strides = array<i32>} : memref<80xf32, #tpu.memory_space<vmem>>, vector<16xf32>,
    %barrier3A = arith.constant 0 : index
    tpu.barrier barrier_id(%barrier3A)
    %mul3A_270 = arith.constant 16 : i32
    %mul3A_271 = arith.muli %arg0, %mul3A_270 : i32
    %add3A = arith.addi %mul3A_271, %arg1 : i32
    %mul3A_272 = arith.constant 10000 : i32
    %mul3A_273 = arith.muli %add3A, %mul3A_272 : i32
    %scan3A = arith.constant 0 : i32
    %scan3A_274 = arith.constant 0 : i32
    %scan3A_275 = arith.constant 33 : i32
    %scan3A_276 = arith.addi %scan3A_274, %scan3A_275 : i32
    %scan3A_277 = arith.constant 1 : i32
    scf.for %scan3A_294 = %scan3A_274 to %scan3A_276 step %scan3A_277  : i32 {
      %mul3A_295 = arith.constant 4 : i32
      %mul3A_296 = arith.muli %scan3A_294, %mul3A_295 : i32
      %add3A_297 = arith.constant 0 : i32
      %add3A_298 = arith.addi %mul3A_296, %add3A_297 : i32
      %ge3A = arith.constant 4 : i32
      %ge3A_299 = arith.cmpi sge, %add3A_298, %ge3A : i32
      %lt3A = arith.constant 129 : i32
      %lt3A_300 = arith.cmpi slt, %add3A_298, %lt3A : i32
      %and3A = arith.andi %ge3A_299, %lt3A_300 : i1
      %convert_element_type3A_301 = arith.extui %and3A : i1 to i32
      %cond3A_302 = arith.constant 0 : i32
      %cond3A_303 = arith.cmpi ne, %convert_element_type3A_301, %cond3A_302 : i32
      scf.if %cond3A_303 {
        %dma_wait3A = arith.constant 0 : i32
        %dma_wait3A_418 = arith.constant 0 : i32
        %dma_wait3A_419 = tpu.memref_slice %arg22[%dma_wait3A, %dma_wait3A_418] : memref<10000x128xf32, #tpu.memory_space<vmem_shared>> -> memref<10000x128xf32, #tpu.memory_space<vmem_shared>>
        tpu.wait_indirect_dma semaphore(%arg28 : memref<!tpu.dma_semaphore, #tpu.memory_space<semaphore_mem>>) src(%arg16 : memref<80x128xf32, #tpu.memory_space<vmem>>) dst(%dma_wait3A_419 : memref<10000x128xf32, #tpu.memory_space<vmem_shared>>)
        %dma_wait3A_420 = arith.constant 0 : i32
        %dma_wait3A_421 = tpu.memref_slice %arg23[%dma_wait3A_420] : memref<10000xf32, #tpu.memory_space<vmem_shared>> -> memref<10000xf32, #tpu.memory_space<vmem_shared>>
        tpu.wait_indirect_dma semaphore(%arg36 : memref<!tpu.dma_semaphore, #tpu.memory_space<semaphore_mem>>) src(%arg20 : memref<80xf32, #tpu.memory_space<vmem>>) dst(%dma_wait3A_421 : memref<10000xf32, #tpu.memory_space<vmem_shared>>)
      } else {
      }
      %lt3A_304 = arith.constant 125 : i32
      %lt3A_305 = arith.cmpi slt, %add3A_298, %lt3A_304 : i32
      %convert_element_type3A_306 = arith.extui %lt3A_305 : i1 to i32
      %cond3A_307 = arith.constant 0 : i32
      %cond3A_308 = arith.cmpi ne, %convert_element_type3A_306, %cond3A_307 : i32
      scf.if %cond3A_308 {
        %mul3A_418 = arith.constant 80 : i32
        %mul3A_419 = arith.muli %add3A_298, %mul3A_418 : i32
        %add3A_420 = arith.addi %mul3A_273, %mul3A_419 : i32
        %multiple_of3A_421 = tpu.assume_multiple %add3A_420, 8 : i32
        %dma_start3A = tpu.memref_slice %arg3[%multiple_of3A_421] : memref<320000xi32, #tpu.memory_space<hbm>> -> memref<80xi32, #tpu.memory_space<hbm>>
        %dma_start3A_422 = tpu.memref_slice %arg3[%multiple_of3A_421] : memref<320000xi32, #tpu.memory_space<hbm>> -> memref<80xi32, #tpu.memory_space<hbm>>
        tpu.enqueue_dma source(%dma_start3A_422 : memref<80xi32, #tpu.memory_space<hbm>>) target(%arg8 : memref<80xi32, #tpu.memory_space<vmem>>) target_semaphore(%arg40 : memref<!tpu.dma_semaphore, #tpu.memory_space<semaphore_mem>>)
        %dma_start3A_423 = tpu.memref_slice %arg4[%multiple_of3A_421] : memref<320000xi32, #tpu.memory_space<hbm>> -> memref<80xi32, #tpu.memory_space<hbm>>
        %dma_start3A_424 = tpu.memref_slice %arg4[%multiple_of3A_421] : memref<320000xi32, #tpu.memory_space<hbm>> -> memref<80xi32, #tpu.memory_space<hbm>>
        tpu.enqueue_dma source(%dma_start3A_424 : memref<80xi32, #tpu.memory_space<hbm>>) target(%arg12 : memref<80xi32, #tpu.memory_space<vmem>>) target_semaphore(%arg32 : memref<!tpu.dma_semaphore, #tpu.memory_space<semaphore_mem>>)
      } else {
      }
      %ge3A_309 = arith.constant 1 : i32
      %ge3A_310 = arith.cmpi sge, %add3A_298, %ge3A_309 : i32
      %lt3A_311 = arith.constant 126 : i32
      %lt3A_312 = arith.cmpi slt, %add3A_298, %lt3A_311 : i32
      %and3A_313 = arith.andi %ge3A_310, %lt3A_312 : i1
      %convert_element_type3A_314 = arith.extui %and3A_313 : i1 to i32
      %cond3A_315 = arith.constant 0 : i32
      %cond3A_316 = arith.cmpi ne, %convert_element_type3A_314, %cond3A_315 : i32
      scf.if %cond3A_316 {
        %dma_wait3A = arith.constant 0 : i32
        %dma_wait3A_418 = tpu.memref_slice %arg3[%dma_wait3A] : memref<320000xi32, #tpu.memory_space<hbm>> -> memref<80xi32, #tpu.memory_space<hbm>>
        %dma_wait3A_419 = arith.constant 0 : i32
        %dma_wait3A_420 = tpu.memref_slice %arg3[%dma_wait3A_419] : memref<320000xi32, #tpu.memory_space<hbm>> -> memref<80xi32, #tpu.memory_space<hbm>>
        tpu.wait_dma2 semaphore(%arg43 : memref<!tpu.dma_semaphore, #tpu.memory_space<semaphore_mem>>) src(%dma_wait3A_420 : memref<80xi32, #tpu.memory_space<hbm>>) dst(%arg11 : memref<80xi32, #tpu.memory_space<vmem>>)
        %dma_start3A = arith.constant 0 : i32
        %dma_start3A_421 = arith.constant 0 : i32
        %dma_start3A_422 = tpu.memref_slice %arg2[%dma_start3A, %dma_start3A_421] : memref<10000x128xf32, #tpu.memory_space<hbm>> -> memref<10000x128xf32, #tpu.memory_space<hbm>>
        tpu.enqueue_indirect_dma source(%dma_start3A_422 : memref<10000x128xf32, #tpu.memory_space<hbm>>) target(%arg19 : memref<80x128xf32, #tpu.memory_space<vmem>>) offsets(%arg11 : memref<80xi32, #tpu.memory_space<vmem>>) semaphore(%arg27 : memref<!tpu.dma_semaphore, #tpu.memory_space<semaphore_mem>>)
      } else {
      }
      %ge3A_317 = arith.constant 2 : i32
      %ge3A_318 = arith.cmpi sge, %add3A_298, %ge3A_317 : i32
      %lt3A_319 = arith.constant 127 : i32
      %lt3A_320 = arith.cmpi slt, %add3A_298, %lt3A_319 : i32
      %and3A_321 = arith.andi %ge3A_318, %lt3A_320 : i1
      %convert_element_type3A_322 = arith.extui %and3A_321 : i1 to i32
      %cond3A_323 = arith.constant 0 : i32
      %cond3A_324 = arith.cmpi ne, %convert_element_type3A_322, %cond3A_323 : i32
      scf.if %cond3A_324 {
        %dma_wait3A = arith.constant 0 : i32
        %dma_wait3A_418 = arith.constant 0 : i32
        %dma_wait3A_419 = tpu.memref_slice %arg2[%dma_wait3A, %dma_wait3A_418] : memref<10000x128xf32, #tpu.memory_space<hbm>> -> memref<10000x128xf32, #tpu.memory_space<hbm>>
        tpu.wait_indirect_dma semaphore(%arg26 : memref<!tpu.dma_semaphore, #tpu.memory_space<semaphore_mem>>) src(%dma_wait3A_419 : memref<10000x128xf32, #tpu.memory_space<hbm>>) dst(%arg18 : memref<80x128xf32, #tpu.memory_space<vmem>>)
        %dma_wait3A_420 = arith.constant 0 : i32
        %dma_wait3A_421 = tpu.memref_slice %arg4[%dma_wait3A_420] : memref<320000xi32, #tpu.memory_space<hbm>> -> memref<80xi32, #tpu.memory_space<hbm>>
        %dma_wait3A_422 = arith.constant 0 : i32
        %dma_wait3A_423 = tpu.memref_slice %arg4[%dma_wait3A_422] : memref<320000xi32, #tpu.memory_space<hbm>> -> memref<80xi32, #tpu.memory_space<hbm>>
        tpu.wait_dma2 semaphore(%arg34 : memref<!tpu.dma_semaphore, #tpu.memory_space<semaphore_mem>>) src(%dma_wait3A_423 : memref<80xi32, #tpu.memory_space<hbm>>) dst(%arg14 : memref<80xi32, #tpu.memory_space<vmem>>)
        %dma_start3A = arith.constant 0 : i32
        %dma_start3A_424 = arith.constant 0 : i32
        %dma_start3A_425 = tpu.memref_slice %arg22[%dma_start3A, %dma_start3A_424] : memref<10000x128xf32, #tpu.memory_space<vmem_shared>> -> memref<10000x128xf32, #tpu.memory_space<vmem_shared>>
        tpu.enqueue_indirect_dma source(%arg18 : memref<80x128xf32, #tpu.memory_space<vmem>>) target(%dma_start3A_425 : memref<10000x128xf32, #tpu.memory_space<vmem_shared>>) offsets(%arg14 : memref<80xi32, #tpu.memory_space<vmem>>) semaphore(%arg30 : memref<!tpu.dma_semaphore, #tpu.memory_space<semaphore_mem>>) {add = true}
        %dma_start3A_426 = arith.constant 0 : i32
        %dma_start3A_427 = tpu.memref_slice %arg23[%dma_start3A_426] : memref<10000xf32, #tpu.memory_space<vmem_shared>> -> memref<10000xf32, #tpu.memory_space<vmem_shared>>
        tpu.enqueue_indirect_dma source(%arg20 : memref<80xf32, #tpu.memory_space<vmem>>) target(%dma_start3A_427 : memref<10000xf32, #tpu.memory_space<vmem_shared>>) offsets(%arg14 : memref<80xi32, #tpu.memory_space<vmem>>) semaphore(%arg38 : memref<!tpu.dma_semaphore, #tpu.memory_space<semaphore_mem>>) {add = true}
      } else {
      }
      %add3A_325 = arith.constant 1 : i32
      %add3A_326 = arith.addi %mul3A_296, %add3A_325 : i32
      %ge3A_327 = arith.constant 4 : i32
      %ge3A_328 = arith.cmpi sge, %add3A_326, %ge3A_327 : i32
      %lt3A_329 = arith.constant 129 : i32
      %lt3A_330 = arith.cmpi slt, %add3A_326, %lt3A_329 : i32
      %and3A_331 = arith.andi %ge3A_328, %lt3A_330 : i1
      %convert_element_type3A_332 = arith.extui %and3A_331 : i1 to i32
      %cond3A_333 = arith.constant 0 : i32
      %cond3A_334 = arith.cmpi ne, %convert_element_type3A_332, %cond3A_333 : i32
      scf.if %cond3A_334 {
        %dma_wait3A = arith.constant 0 : i32
        %dma_wait3A_418 = arith.constant 0 : i32
        %dma_wait3A_419 = tpu.memref_slice %arg22[%dma_wait3A, %dma_wait3A_418] : memref<10000x128xf32, #tpu.memory_space<vmem_shared>> -> memref<10000x128xf32, #tpu.memory_space<vmem_shared>>
        tpu.wait_indirect_dma semaphore(%arg29 : memref<!tpu.dma_semaphore, #tpu.memory_space<semaphore_mem>>) src(%arg17 : memref<80x128xf32, #tpu.memory_space<vmem>>) dst(%dma_wait3A_419 : memref<10000x128xf32, #tpu.memory_space<vmem_shared>>)
        %dma_wait3A_420 = arith.constant 0 : i32
        %dma_wait3A_421 = tpu.memref_slice %arg23[%dma_wait3A_420] : memref<10000xf32, #tpu.memory_space<vmem_shared>> -> memref<10000xf32, #tpu.memory_space<vmem_shared>>
        tpu.wait_indirect_dma semaphore(%arg37 : memref<!tpu.dma_semaphore, #tpu.memory_space<semaphore_mem>>) src(%arg20 : memref<80xf32, #tpu.memory_space<vmem>>) dst(%dma_wait3A_421 : memref<10000xf32, #tpu.memory_space<vmem_shared>>)
      } else {
      }
      %lt3A_335 = arith.constant 125 : i32
      %lt3A_336 = arith.cmpi slt, %add3A_326, %lt3A_335 : i32
      %convert_element_type3A_337 = arith.extui %lt3A_336 : i1 to i32
      %cond3A_338 = arith.constant 0 : i32
      %cond3A_339 = arith.cmpi ne, %convert_element_type3A_337, %cond3A_338 : i32
      scf.if %cond3A_339 {
        %mul3A_418 = arith.constant 80 : i32
        %mul3A_419 = arith.muli %add3A_326, %mul3A_418 : i32
        %add3A_420 = arith.addi %mul3A_273, %mul3A_419 : i32
        %multiple_of3A_421 = tpu.assume_multiple %add3A_420, 8 : i32
        %dma_start3A = tpu.memref_slice %arg3[%multiple_of3A_421] : memref<320000xi32, #tpu.memory_space<hbm>> -> memref<80xi32, #tpu.memory_space<hbm>>
        %dma_start3A_422 = tpu.memref_slice %arg3[%multiple_of3A_421] : memref<320000xi32, #tpu.memory_space<hbm>> -> memref<80xi32, #tpu.memory_space<hbm>>
        tpu.enqueue_dma source(%dma_start3A_422 : memref<80xi32, #tpu.memory_space<hbm>>) target(%arg9 : memref<80xi32, #tpu.memory_space<vmem>>) target_semaphore(%arg41 : memref<!tpu.dma_semaphore, #tpu.memory_space<semaphore_mem>>)
        %dma_start3A_423 = tpu.memref_slice %arg4[%multiple_of3A_421] : memref<320000xi32, #tpu.memory_space<hbm>> -> memref<80xi32, #tpu.memory_space<hbm>>
        %dma_start3A_424 = tpu.memref_slice %arg4[%multiple_of3A_421] : memref<320000xi32, #tpu.memory_space<hbm>> -> memref<80xi32, #tpu.memory_space<hbm>>
        tpu.enqueue_dma source(%dma_start3A_424 : memref<80xi32, #tpu.memory_space<hbm>>) target(%arg13 : memref<80xi32, #tpu.memory_space<vmem>>) target_semaphore(%arg33 : memref<!tpu.dma_semaphore, #tpu.memory_space<semaphore_mem>>)
      } else {
      }
      %ge3A_340 = arith.constant 1 : i32
      %ge3A_341 = arith.cmpi sge, %add3A_326, %ge3A_340 : i32
      %lt3A_342 = arith.constant 126 : i32
      %lt3A_343 = arith.cmpi slt, %add3A_326, %lt3A_342 : i32
      %and3A_344 = arith.andi %ge3A_341, %lt3A_343 : i1
      %convert_element_type3A_345 = arith.extui %and3A_344 : i1 to i32
      %cond3A_346 = arith.constant 0 : i32
      %cond3A_347 = arith.cmpi ne, %convert_element_type3A_345, %cond3A_346 : i32
      scf.if %cond3A_347 {
        %dma_wait3A = arith.constant 0 : i32
        %dma_wait3A_418 = tpu.memref_slice %arg3[%dma_wait3A] : memref<320000xi32, #tpu.memory_space<hbm>> -> memref<80xi32, #tpu.memory_space<hbm>>
        %dma_wait3A_419 = arith.constant 0 : i32
        %dma_wait3A_420 = tpu.memref_slice %arg3[%dma_wait3A_419] : memref<320000xi32, #tpu.memory_space<hbm>> -> memref<80xi32, #tpu.memory_space<hbm>>
        tpu.wait_dma2 semaphore(%arg40 : memref<!tpu.dma_semaphore, #tpu.memory_space<semaphore_mem>>) src(%dma_wait3A_420 : memref<80xi32, #tpu.memory_space<hbm>>) dst(%arg8 : memref<80xi32, #tpu.memory_space<vmem>>)
        %dma_start3A = arith.constant 0 : i32
        %dma_start3A_421 = arith.constant 0 : i32
        %dma_start3A_422 = tpu.memref_slice %arg2[%dma_start3A, %dma_start3A_421] : memref<10000x128xf32, #tpu.memory_space<hbm>> -> memref<10000x128xf32, #tpu.memory_space<hbm>>
        tpu.enqueue_indirect_dma source(%dma_start3A_422 : memref<10000x128xf32, #tpu.memory_space<hbm>>) target(%arg16 : memref<80x128xf32, #tpu.memory_space<vmem>>) offsets(%arg8 : memref<80xi32, #tpu.memory_space<vmem>>) semaphore(%arg24 : memref<!tpu.dma_semaphore, #tpu.memory_space<semaphore_mem>>)
      } else {
      }
      %ge3A_348 = arith.constant 2 : i32
      %ge3A_349 = arith.cmpi sge, %add3A_326, %ge3A_348 : i32
      %lt3A_350 = arith.constant 127 : i32
      %lt3A_351 = arith.cmpi slt, %add3A_326, %lt3A_350 : i32
      %and3A_352 = arith.andi %ge3A_349, %lt3A_351 : i1
      %convert_element_type3A_353 = arith.extui %and3A_352 : i1 to i32
      %cond3A_354 = arith.constant 0 : i32
      %cond3A_355 = arith.cmpi ne, %convert_element_type3A_353, %cond3A_354 : i32
      scf.if %cond3A_355 {
        %dma_wait3A = arith.constant 0 : i32
        %dma_wait3A_418 = arith.constant 0 : i32
        %dma_wait3A_419 = tpu.memref_slice %arg2[%dma_wait3A, %dma_wait3A_418] : memref<10000x128xf32, #tpu.memory_space<hbm>> -> memref<10000x128xf32, #tpu.memory_space<hbm>>
        tpu.wait_indirect_dma semaphore(%arg27 : memref<!tpu.dma_semaphore, #tpu.memory_space<semaphore_mem>>) src(%dma_wait3A_419 : memref<10000x128xf32, #tpu.memory_space<hbm>>) dst(%arg19 : memref<80x128xf32, #tpu.memory_space<vmem>>)
        %dma_wait3A_420 = arith.constant 0 : i32
        %dma_wait3A_421 = tpu.memref_slice %arg4[%dma_wait3A_420] : memref<320000xi32, #tpu.memory_space<hbm>> -> memref<80xi32, #tpu.memory_space<hbm>>
        %dma_wait3A_422 = arith.constant 0 : i32
        %dma_wait3A_423 = tpu.memref_slice %arg4[%dma_wait3A_422] : memref<320000xi32, #tpu.memory_space<hbm>> -> memref<80xi32, #tpu.memory_space<hbm>>
        tpu.wait_dma2 semaphore(%arg35 : memref<!tpu.dma_semaphore, #tpu.memory_space<semaphore_mem>>) src(%dma_wait3A_423 : memref<80xi32, #tpu.memory_space<hbm>>) dst(%arg15 : memref<80xi32, #tpu.memory_space<vmem>>)
        %dma_start3A = arith.constant 0 : i32
        %dma_start3A_424 = arith.constant 0 : i32
        %dma_start3A_425 = tpu.memref_slice %arg22[%dma_start3A, %dma_start3A_424] : memref<10000x128xf32, #tpu.memory_space<vmem_shared>> -> memref<10000x128xf32, #tpu.memory_space<vmem_shared>>
        tpu.enqueue_indirect_dma source(%arg19 : memref<80x128xf32, #tpu.memory_space<vmem>>) target(%dma_start3A_425 : memref<10000x128xf32, #tpu.memory_space<vmem_shared>>) offsets(%arg15 : memref<80xi32, #tpu.memory_space<vmem>>) semaphore(%arg31 : memref<!tpu.dma_semaphore, #tpu.memory_space<semaphore_mem>>) {add = true}
        %dma_start3A_426 = arith.constant 0 : i32
        %dma_start3A_427 = tpu.memref_slice %arg23[%dma_start3A_426] : memref<10000xf32, #tpu.memory_space<vmem_shared>> -> memref<10000xf32, #tpu.memory_space<vmem_shared>>
        tpu.enqueue_indirect_dma source(%arg20 : memref<80xf32, #tpu.memory_space<vmem>>) target(%dma_start3A_427 : memref<10000xf32, #tpu.memory_space<vmem_shared>>) offsets(%arg15 : memref<80xi32, #tpu.memory_space<vmem>>) semaphore(%arg39 : memref<!tpu.dma_semaphore, #tpu.memory_space<semaphore_mem>>) {add = true}
      } else {
      }
      %add3A_356 = arith.constant 2 : i32
      %add3A_357 = arith.addi %mul3A_296, %add3A_356 : i32
      %ge3A_358 = arith.constant 4 : i32
      %ge3A_359 = arith.cmpi sge, %add3A_357, %ge3A_358 : i32
      %lt3A_360 = arith.constant 129 : i32
      %lt3A_361 = arith.cmpi slt, %add3A_357, %lt3A_360 : i32
      %and3A_362 = arith.andi %ge3A_359, %lt3A_361 : i1
      %convert_element_type3A_363 = arith.extui %and3A_362 : i1 to i32
      %cond3A_364 = arith.constant 0 : i32
      %cond3A_365 = arith.cmpi ne, %convert_element_type3A_363, %cond3A_364 : i32
      scf.if %cond3A_365 {
        %dma_wait3A = arith.constant 0 : i32
        %dma_wait3A_418 = arith.constant 0 : i32
        %dma_wait3A_419 = tpu.memref_slice %arg22[%dma_wait3A, %dma_wait3A_418] : memref<10000x128xf32, #tpu.memory_space<vmem_shared>> -> memref<10000x128xf32, #tpu.memory_space<vmem_shared>>
        tpu.wait_indirect_dma semaphore(%arg30 : memref<!tpu.dma_semaphore, #tpu.memory_space<semaphore_mem>>) src(%arg18 : memref<80x128xf32, #tpu.memory_space<vmem>>) dst(%dma_wait3A_419 : memref<10000x128xf32, #tpu.memory_space<vmem_shared>>)
        %dma_wait3A_420 = arith.constant 0 : i32
        %dma_wait3A_421 = tpu.memref_slice %arg23[%dma_wait3A_420] : memref<10000xf32, #tpu.memory_space<vmem_shared>> -> memref<10000xf32, #tpu.memory_space<vmem_shared>>
        tpu.wait_indirect_dma semaphore(%arg38 : memref<!tpu.dma_semaphore, #tpu.memory_space<semaphore_mem>>) src(%arg20 : memref<80xf32, #tpu.memory_space<vmem>>) dst(%dma_wait3A_421 : memref<10000xf32, #tpu.memory_space<vmem_shared>>)
      } else {
      }
      %lt3A_366 = arith.constant 125 : i32
      %lt3A_367 = arith.cmpi slt, %add3A_357, %lt3A_366 : i32
      %convert_element_type3A_368 = arith.extui %lt3A_367 : i1 to i32
      %cond3A_369 = arith.constant 0 : i32
      %cond3A_370 = arith.cmpi ne, %convert_element_type3A_368, %cond3A_369 : i32
      scf.if %cond3A_370 {
        %mul3A_418 = arith.constant 80 : i32
        %mul3A_419 = arith.muli %add3A_357, %mul3A_418 : i32
        %add3A_420 = arith.addi %mul3A_273, %mul3A_419 : i32
        %multiple_of3A_421 = tpu.assume_multiple %add3A_420, 8 : i32
        %dma_start3A = tpu.memref_slice %arg3[%multiple_of3A_421] : memref<320000xi32, #tpu.memory_space<hbm>> -> memref<80xi32, #tpu.memory_space<hbm>>
        %dma_start3A_422 = tpu.memref_slice %arg3[%multiple_of3A_421] : memref<320000xi32, #tpu.memory_space<hbm>> -> memref<80xi32, #tpu.memory_space<hbm>>
        tpu.enqueue_dma source(%dma_start3A_422 : memref<80xi32, #tpu.memory_space<hbm>>) target(%arg10 : memref<80xi32, #tpu.memory_space<vmem>>) target_semaphore(%arg42 : memref<!tpu.dma_semaphore, #tpu.memory_space<semaphore_mem>>)
        %dma_start3A_423 = tpu.memref_slice %arg4[%multiple_of3A_421] : memref<320000xi32, #tpu.memory_space<hbm>> -> memref<80xi32, #tpu.memory_space<hbm>>
        %dma_start3A_424 = tpu.memref_slice %arg4[%multiple_of3A_421] : memref<320000xi32, #tpu.memory_space<hbm>> -> memref<80xi32, #tpu.memory_space<hbm>>
        tpu.enqueue_dma source(%dma_start3A_424 : memref<80xi32, #tpu.memory_space<hbm>>) target(%arg14 : memref<80xi32, #tpu.memory_space<vmem>>) target_semaphore(%arg34 : memref<!tpu.dma_semaphore, #tpu.memory_space<semaphore_mem>>)
      } else {
      }
      %ge3A_371 = arith.constant 1 : i32
      %ge3A_372 = arith.cmpi sge, %add3A_357, %ge3A_371 : i32
      %lt3A_373 = arith.constant 126 : i32
      %lt3A_374 = arith.cmpi slt, %add3A_357, %lt3A_373 : i32
      %and3A_375 = arith.andi %ge3A_372, %lt3A_374 : i1
      %convert_element_type3A_376 = arith.extui %and3A_375 : i1 to i32
      %cond3A_377 = arith.constant 0 : i32
      %cond3A_378 = arith.cmpi ne, %convert_element_type3A_376, %cond3A_377 : i32
      scf.if %cond3A_378 {
        %dma_wait3A = arith.constant 0 : i32
        %dma_wait3A_418 = tpu.memref_slice %arg3[%dma_wait3A] : memref<320000xi32, #tpu.memory_space<hbm>> -> memref<80xi32, #tpu.memory_space<hbm>>
        %dma_wait3A_419 = arith.constant 0 : i32
        %dma_wait3A_420 = tpu.memref_slice %arg3[%dma_wait3A_419] : memref<320000xi32, #tpu.memory_space<hbm>> -> memref<80xi32, #tpu.memory_space<hbm>>
        tpu.wait_dma2 semaphore(%arg41 : memref<!tpu.dma_semaphore, #tpu.memory_space<semaphore_mem>>) src(%dma_wait3A_420 : memref<80xi32, #tpu.memory_space<hbm>>) dst(%arg9 : memref<80xi32, #tpu.memory_space<vmem>>)
        %dma_start3A = arith.constant 0 : i32
        %dma_start3A_421 = arith.constant 0 : i32
        %dma_start3A_422 = tpu.memref_slice %arg2[%dma_start3A, %dma_start3A_421] : memref<10000x128xf32, #tpu.memory_space<hbm>> -> memref<10000x128xf32, #tpu.memory_space<hbm>>
        tpu.enqueue_indirect_dma source(%dma_start3A_422 : memref<10000x128xf32, #tpu.memory_space<hbm>>) target(%arg17 : memref<80x128xf32, #tpu.memory_space<vmem>>) offsets(%arg9 : memref<80xi32, #tpu.memory_space<vmem>>) semaphore(%arg25 : memref<!tpu.dma_semaphore, #tpu.memory_space<semaphore_mem>>)
      } else {
      }
      %ge3A_379 = arith.constant 2 : i32
      %ge3A_380 = arith.cmpi sge, %add3A_357, %ge3A_379 : i32
      %lt3A_381 = arith.constant 127 : i32
      %lt3A_382 = arith.cmpi slt, %add3A_357, %lt3A_381 : i32
      %and3A_383 = arith.andi %ge3A_380, %lt3A_382 : i1
      %convert_element_type3A_384 = arith.extui %and3A_383 : i1 to i32
      %cond3A_385 = arith.constant 0 : i32
      %cond3A_386 = arith.cmpi ne, %convert_element_type3A_384, %cond3A_385 : i32
      scf.if %cond3A_386 {
        %dma_wait3A = arith.constant 0 : i32
        %dma_wait3A_418 = arith.constant 0 : i32
        %dma_wait3A_419 = tpu.memref_slice %arg2[%dma_wait3A, %dma_wait3A_418] : memref<10000x128xf32, #tpu.memory_space<hbm>> -> memref<10000x128xf32, #tpu.memory_space<hbm>>
        tpu.wait_indirect_dma semaphore(%arg24 : memref<!tpu.dma_semaphore, #tpu.memory_space<semaphore_mem>>) src(%dma_wait3A_419 : memref<10000x128xf32, #tpu.memory_space<hbm>>) dst(%arg16 : memref<80x128xf32, #tpu.memory_space<vmem>>)
        %dma_wait3A_420 = arith.constant 0 : i32
        %dma_wait3A_421 = tpu.memref_slice %arg4[%dma_wait3A_420] : memref<320000xi32, #tpu.memory_space<hbm>> -> memref<80xi32, #tpu.memory_space<hbm>>
        %dma_wait3A_422 = arith.constant 0 : i32
        %dma_wait3A_423 = tpu.memref_slice %arg4[%dma_wait3A_422] : memref<320000xi32, #tpu.memory_space<hbm>> -> memref<80xi32, #tpu.memory_space<hbm>>
        tpu.wait_dma2 semaphore(%arg32 : memref<!tpu.dma_semaphore, #tpu.memory_space<semaphore_mem>>) src(%dma_wait3A_423 : memref<80xi32, #tpu.memory_space<hbm>>) dst(%arg12 : memref<80xi32, #tpu.memory_space<vmem>>)
        %dma_start3A = arith.constant 0 : i32
        %dma_start3A_424 = arith.constant 0 : i32
        %dma_start3A_425 = tpu.memref_slice %arg22[%dma_start3A, %dma_start3A_424] : memref<10000x128xf32, #tpu.memory_space<vmem_shared>> -> memref<10000x128xf32, #tpu.memory_space<vmem_shared>>
        tpu.enqueue_indirect_dma source(%arg16 : memref<80x128xf32, #tpu.memory_space<vmem>>) target(%dma_start3A_425 : memref<10000x128xf32, #tpu.memory_space<vmem_shared>>) offsets(%arg12 : memref<80xi32, #tpu.memory_space<vmem>>) semaphore(%arg28 : memref<!tpu.dma_semaphore, #tpu.memory_space<semaphore_mem>>) {add = true}
        %dma_start3A_426 = arith.constant 0 : i32
        %dma_start3A_427 = tpu.memref_slice %arg23[%dma_start3A_426] : memref<10000xf32, #tpu.memory_space<vmem_shared>> -> memref<10000xf32, #tpu.memory_space<vmem_shared>>
        tpu.enqueue_indirect_dma source(%arg20 : memref<80xf32, #tpu.memory_space<vmem>>) target(%dma_start3A_427 : memref<10000xf32, #tpu.memory_space<vmem_shared>>) offsets(%arg12 : memref<80xi32, #tpu.memory_space<vmem>>) semaphore(%arg36 : memref<!tpu.dma_semaphore, #tpu.memory_space<semaphore_mem>>) {add = true}
      } else {
      }
      %add3A_387 = arith.constant 3 : i32
      %add3A_388 = arith.addi %mul3A_296, %add3A_387 : i32
      %ge3A_389 = arith.constant 4 : i32
      %ge3A_390 = arith.cmpi sge, %add3A_388, %ge3A_389 : i32
      %lt3A_391 = arith.constant 129 : i32
      %lt3A_392 = arith.cmpi slt, %add3A_388, %lt3A_391 : i32
      %and3A_393 = arith.andi %ge3A_390, %lt3A_392 : i1
      %convert_element_type3A_394 = arith.extui %and3A_393 : i1 to i32
      %cond3A_395 = arith.constant 0 : i32
      %cond3A_396 = arith.cmpi ne, %convert_element_type3A_394, %cond3A_395 : i32
      scf.if %cond3A_396 {
        %dma_wait3A = arith.constant 0 : i32
        %dma_wait3A_418 = arith.constant 0 : i32
        %dma_wait3A_419 = tpu.memref_slice %arg22[%dma_wait3A, %dma_wait3A_418] : memref<10000x128xf32, #tpu.memory_space<vmem_shared>> -> memref<10000x128xf32, #tpu.memory_space<vmem_shared>>
        tpu.wait_indirect_dma semaphore(%arg31 : memref<!tpu.dma_semaphore, #tpu.memory_space<semaphore_mem>>) src(%arg19 : memref<80x128xf32, #tpu.memory_space<vmem>>) dst(%dma_wait3A_419 : memref<10000x128xf32, #tpu.memory_space<vmem_shared>>)
        %dma_wait3A_420 = arith.constant 0 : i32
        %dma_wait3A_421 = tpu.memref_slice %arg23[%dma_wait3A_420] : memref<10000xf32, #tpu.memory_space<vmem_shared>> -> memref<10000xf32, #tpu.memory_space<vmem_shared>>
        tpu.wait_indirect_dma semaphore(%arg39 : memref<!tpu.dma_semaphore, #tpu.memory_space<semaphore_mem>>) src(%arg20 : memref<80xf32, #tpu.memory_space<vmem>>) dst(%dma_wait3A_421 : memref<10000xf32, #tpu.memory_space<vmem_shared>>)
      } else {
      }
      %lt3A_397 = arith.constant 125 : i32
      %lt3A_398 = arith.cmpi slt, %add3A_388, %lt3A_397 : i32
      %convert_element_type3A_399 = arith.extui %lt3A_398 : i1 to i32
      %cond3A_400 = arith.constant 0 : i32
      %cond3A_401 = arith.cmpi ne, %convert_element_type3A_399, %cond3A_400 : i32
      scf.if %cond3A_401 {
        %mul3A_418 = arith.constant 80 : i32
        %mul3A_419 = arith.muli %add3A_388, %mul3A_418 : i32
        %add3A_420 = arith.addi %mul3A_273, %mul3A_419 : i32
        %multiple_of3A_421 = tpu.assume_multiple %add3A_420, 8 : i32
        %dma_start3A = tpu.memref_slice %arg3[%multiple_of3A_421] : memref<320000xi32, #tpu.memory_space<hbm>> -> memref<80xi32, #tpu.memory_space<hbm>>
        %dma_start3A_422 = tpu.memref_slice %arg3[%multiple_of3A_421] : memref<320000xi32, #tpu.memory_space<hbm>> -> memref<80xi32, #tpu.memory_space<hbm>>
        tpu.enqueue_dma source(%dma_start3A_422 : memref<80xi32, #tpu.memory_space<hbm>>) target(%arg11 : memref<80xi32, #tpu.memory_space<vmem>>) target_semaphore(%arg43 : memref<!tpu.dma_semaphore, #tpu.memory_space<semaphore_mem>>)
        %dma_start3A_423 = tpu.memref_slice %arg4[%multiple_of3A_421] : memref<320000xi32, #tpu.memory_space<hbm>> -> memref<80xi32, #tpu.memory_space<hbm>>
        %dma_start3A_424 = tpu.memref_slice %arg4[%multiple_of3A_421] : memref<320000xi32, #tpu.memory_space<hbm>> -> memref<80xi32, #tpu.memory_space<hbm>>
        tpu.enqueue_dma source(%dma_start3A_424 : memref<80xi32, #tpu.memory_space<hbm>>) target(%arg15 : memref<80xi32, #tpu.memory_space<vmem>>) target_semaphore(%arg35 : memref<!tpu.dma_semaphore, #tpu.memory_space<semaphore_mem>>)
      } else {
      }
      %ge3A_402 = arith.constant 1 : i32
      %ge3A_403 = arith.cmpi sge, %add3A_388, %ge3A_402 : i32
      %lt3A_404 = arith.constant 126 : i32
      %lt3A_405 = arith.cmpi slt, %add3A_388, %lt3A_404 : i32
      %and3A_406 = arith.andi %ge3A_403, %lt3A_405 : i1
      %convert_element_type3A_407 = arith.extui %and3A_406 : i1 to i32
      %cond3A_408 = arith.constant 0 : i32
      %cond3A_409 = arith.cmpi ne, %convert_element_type3A_407, %cond3A_408 : i32
      scf.if %cond3A_409 {
        %dma_wait3A = arith.constant 0 : i32
        %dma_wait3A_418 = tpu.memref_slice %arg3[%dma_wait3A] : memref<320000xi32, #tpu.memory_space<hbm>> -> memref<80xi32, #tpu.memory_space<hbm>>
        %dma_wait3A_419 = arith.constant 0 : i32
        %dma_wait3A_420 = tpu.memref_slice %arg3[%dma_wait3A_419] : memref<320000xi32, #tpu.memory_space<hbm>> -> memref<80xi32, #tpu.memory_space<hbm>>
        tpu.wait_dma2 semaphore(%arg42 : memref<!tpu.dma_semaphore, #tpu.memory_space<semaphore_mem>>) src(%dma_wait3A_420 : memref<80xi32, #tpu.memory_space<hbm>>) dst(%arg10 : memref<80xi32, #tpu.memory_space<vmem>>)
        %dma_start3A = arith.constant 0 : i32
        %dma_start3A_421 = arith.constant 0 : i32
        %dma_start3A_422 = tpu.memref_slice %arg2[%dma_start3A, %dma_start3A_421] : memref<10000x128xf32, #tpu.memory_space<hbm>> -> memref<10000x128xf32, #tpu.memory_space<hbm>>
        tpu.enqueue_indirect_dma source(%dma_start3A_422 : memref<10000x128xf32, #tpu.memory_space<hbm>>) target(%arg18 : memref<80x128xf32, #tpu.memory_space<vmem>>) offsets(%arg10 : memref<80xi32, #tpu.memory_space<vmem>>) semaphore(%arg26 : memref<!tpu.dma_semaphore, #tpu.memory_space<semaphore_mem>>)
      } else {
      }
      %ge3A_410 = arith.constant 2 : i32
      %ge3A_411 = arith.cmpi sge, %add3A_388, %ge3A_410 : i32
      %lt3A_412 = arith.constant 127 : i32
      %lt3A_413 = arith.cmpi slt, %add3A_388, %lt3A_412 : i32
      %and3A_414 = arith.andi %ge3A_411, %lt3A_413 : i1
      %convert_element_type3A_415 = arith.extui %and3A_414 : i1 to i32
      %cond3A_416 = arith.constant 0 : i32
      %cond3A_417 = arith.cmpi ne, %convert_element_type3A_415, %cond3A_416 : i32
      scf.if %cond3A_417 {
        %dma_wait3A = arith.constant 0 : i32
        %dma_wait3A_418 = arith.constant 0 : i32
        %dma_wait3A_419 = tpu.memref_slice %arg2[%dma_wait3A, %dma_wait3A_418] : memref<10000x128xf32, #tpu.memory_space<hbm>> -> memref<10000x128xf32, #tpu.memory_space<hbm>>
        tpu.wait_indirect_dma semaphore(%arg25 : memref<!tpu.dma_semaphore, #tpu.memory_space<semaphore_mem>>) src(%dma_wait3A_419 : memref<10000x128xf32, #tpu.memory_space<hbm>>) dst(%arg17 : memref<80x128xf32, #tpu.memory_space<vmem>>)
        %dma_wait3A_420 = arith.constant 0 : i32
        %dma_wait3A_421 = tpu.memref_slice %arg4[%dma_wait3A_420] : memref<320000xi32, #tpu.memory_space<hbm>> -> memref<80xi32, #tpu.memory_space<hbm>>
        %dma_wait3A_422 = arith.constant 0 : i32
        %dma_wait3A_423 = tpu.memref_slice %arg4[%dma_wait3A_422] : memref<320000xi32, #tpu.memory_space<hbm>> -> memref<80xi32, #tpu.memory_space<hbm>>
        tpu.wait_dma2 semaphore(%arg33 : memref<!tpu.dma_semaphore, #tpu.memory_space<semaphore_mem>>) src(%dma_wait3A_423 : memref<80xi32, #tpu.memory_space<hbm>>) dst(%arg13 : memref<80xi32, #tpu.memory_space<vmem>>)
        %dma_start3A = arith.constant 0 : i32
        %dma_start3A_424 = arith.constant 0 : i32
        %dma_start3A_425 = tpu.memref_slice %arg22[%dma_start3A, %dma_start3A_424] : memref<10000x128xf32, #tpu.memory_space<vmem_shared>> -> memref<10000x128xf32, #tpu.memory_space<vmem_shared>>
        tpu.enqueue_indirect_dma source(%arg17 : memref<80x128xf32, #tpu.memory_space<vmem>>) target(%dma_start3A_425 : memref<10000x128xf32, #tpu.memory_space<vmem_shared>>) offsets(%arg13 : memref<80xi32, #tpu.memory_space<vmem>>) semaphore(%arg29 : memref<!tpu.dma_semaphore, #tpu.memory_space<semaphore_mem>>) {add = true}
        %dma_start3A_426 = arith.constant 0 : i32
        %dma_start3A_427 = tpu.memref_slice %arg23[%dma_start3A_426] : memref<10000xf32, #tpu.memory_space<vmem_shared>> -> memref<10000xf32, #tpu.memory_space<vmem_shared>>
        tpu.enqueue_indirect_dma source(%arg20 : memref<80xf32, #tpu.memory_space<vmem>>) target(%dma_start3A_427 : memref<10000xf32, #tpu.memory_space<vmem_shared>>) offsets(%arg13 : memref<80xi32, #tpu.memory_space<vmem>>) semaphore(%arg37 : memref<!tpu.dma_semaphore, #tpu.memory_space<semaphore_mem>>) {add = true}
      } else {
      }
    }
    %scan3A_278 = arith.constant 33 : i32
    %barrier3A_279 = arith.constant 0 : index
    tpu.barrier barrier_id(%barrier3A_279)
    "tpu.region"() ({
      %run_scoped3A = tpu.sem_alloc : memref<!tpu.dma_semaphore, #tpu.memory_space<semaphore_mem>>
      %dma_start3A = arith.constant 0 : i32
      %dma_start3A_294 = tpu.memref_slice %arg6[%arg0, %multiple_of3A, %dma_start3A] : memref<2x10000x128xf32, #tpu.memory_space<hbm>> -> memref<1x624x128xf32, #tpu.memory_space<hbm>>
      %dma_start3A_295 = tpu.memref_squeeze %dma_start3A_294 : memref<1x624x128xf32, #tpu.memory_space<hbm>> -> memref<624x128xf32, #tpu.memory_space<hbm>>
      %dma_start3A_296 = arith.constant 0 : i32
      %dma_start3A_297 = tpu.memref_slice %arg22[%multiple_of3A, %dma_start3A_296] : memref<10000x128xf32, #tpu.memory_space<vmem_shared>> -> memref<624x128xf32, #tpu.memory_space<vmem_shared>>
      tpu.enqueue_dma source(%dma_start3A_297 : memref<624x128xf32, #tpu.memory_space<vmem_shared>>) target(%dma_start3A_295 : memref<624x128xf32, #tpu.memory_space<hbm>>) target_semaphore(%run_scoped3A : memref<!tpu.dma_semaphore, #tpu.memory_space<semaphore_mem>>)
      %dma_wait3A = arith.constant 0 : i32
      %dma_wait3A_298 = tpu.memref_slice %arg6[%arg0, %multiple_of3A, %dma_wait3A] : memref<2x10000x128xf32, #tpu.memory_space<hbm>> -> memref<1x624x128xf32, #tpu.memory_space<hbm>>
      %dma_wait3A_299 = tpu.memref_squeeze %dma_wait3A_298 : memref<1x624x128xf32, #tpu.memory_space<hbm>> -> memref<624x128xf32, #tpu.memory_space<hbm>>
      %dma_wait3A_300 = arith.constant 0 : i32
      %dma_wait3A_301 = tpu.memref_slice %arg22[%multiple_of3A, %dma_wait3A_300] : memref<10000x128xf32, #tpu.memory_space<vmem_shared>> -> memref<624x128xf32, #tpu.memory_space<vmem_shared>>
      tpu.wait_dma2 semaphore(%run_scoped3A : memref<!tpu.dma_semaphore, #tpu.memory_space<semaphore_mem>>) src(%dma_wait3A_301 : memref<624x128xf32, #tpu.memory_space<vmem_shared>>) dst(%dma_wait3A_299 : memref<624x128xf32, #tpu.memory_space<hbm>>)
      tpu.yield
    }) : () -> ()
    %eq3A_280 = arith.constant 0 : i32
    %eq3A_281 = arith.cmpi eq, %arg1, %eq3A_280 : i32
    %convert_element_type3A_282 = arith.extui %eq3A_281 : i1 to i32
    %cond3A_283 = arith.constant 0 : i32
    %cond3A_284 = arith.cmpi ne, %convert_element_type3A_282, %cond3A_283 : i32
    scf.if %cond3A_284 {
      "tpu.region"() ({
        %run_scoped3A = tpu.sem_alloc : memref<!tpu.dma_semaphore, #tpu.memory_space<semaphore_mem>>
        %dma_start3A = arith.constant 9984 : i32
        %dma_start3A_294 = arith.constant 0 : i32
        %dma_start3A_295 = tpu.memref_slice %arg6[%arg0, %dma_start3A, %dma_start3A_294] : memref<2x10000x128xf32, #tpu.memory_space<hbm>> -> memref<1x16x128xf32, #tpu.memory_space<hbm>>
        %dma_start3A_296 = tpu.memref_squeeze %dma_start3A_295 : memref<1x16x128xf32, #tpu.memory_space<hbm>> -> memref<16x128xf32, #tpu.memory_space<hbm>>
        %dma_start3A_297 = arith.constant 9984 : i32
        %dma_start3A_298 = arith.constant 0 : i32
        %dma_start3A_299 = tpu.memref_slice %arg22[%dma_start3A_297, %dma_start3A_298] : memref<10000x128xf32, #tpu.memory_space<vmem_shared>> -> memref<16x128xf32, #tpu.memory_space<vmem_shared>>
        tpu.enqueue_dma source(%dma_start3A_299 : memref<16x128xf32, #tpu.memory_space<vmem_shared>>) target(%dma_start3A_296 : memref<16x128xf32, #tpu.memory_space<hbm>>) target_semaphore(%run_scoped3A : memref<!tpu.dma_semaphore, #tpu.memory_space<semaphore_mem>>)
        %dma_wait3A = arith.constant 9984 : i32
        %dma_wait3A_300 = arith.constant 0 : i32
        %dma_wait3A_301 = tpu.memref_slice %arg6[%arg0, %dma_wait3A, %dma_wait3A_300] : memref<2x10000x128xf32, #tpu.memory_space<hbm>> -> memref<1x16x128xf32, #tpu.memory_space<hbm>>
        %dma_wait3A_302 = tpu.memref_squeeze %dma_wait3A_301 : memref<1x16x128xf32, #tpu.memory_space<hbm>> -> memref<16x128xf32, #tpu.memory_space<hbm>>
        %dma_wait3A_303 = arith.constant 9984 : i32
        %dma_wait3A_304 = arith.constant 0 : i32
        %dma_wait3A_305 = tpu.memref_slice %arg22[%dma_wait3A_303, %dma_wait3A_304] : memref<10000x128xf32, #tpu.memory_space<vmem_shared>> -> memref<16x128xf32, #tpu.memory_space<vmem_shared>>
        tpu.wait_dma2 semaphore(%run_scoped3A : memref<!tpu.dma_semaphore, #tpu.memory_space<semaphore_mem>>) src(%dma_wait3A_305 : memref<16x128xf32, #tpu.memory_space<vmem_shared>>) dst(%dma_wait3A_302 : memref<16x128xf32, #tpu.memory_space<hbm>>)
        tpu.yield
      }) : () -> ()
    } else {
    }
    %mul3A_285 = arith.constant 10000 : i32
    %mul3A_286 = arith.muli %arg0, %mul3A_285 : i32
    "tpu.region"() ({
      %run_scoped3A = tpu.sem_alloc : memref<!tpu.dma_semaphore, #tpu.memory_space<semaphore_mem>>
      %dma_start3A = tpu.memref_slice %arg23[%multiple_of3A] : memref<10000xf32, #tpu.memory_space<vmem_shared>> -> memref<624xf32, #tpu.memory_space<vmem_shared>>
      %dma_start3A_294 = tpu.memref_slice %arg23[%multiple_of3A] : memref<10000xf32, #tpu.memory_space<vmem_shared>> -> memref<624xf32, #tpu.memory_space<vmem_shared>>
      tpu.enqueue_dma source(%dma_start3A_294 : memref<624xf32, #tpu.memory_space<vmem_shared>>) target(%arg21 : memref<624xf32, #tpu.memory_space<vmem>>) target_semaphore(%run_scoped3A : memref<!tpu.dma_semaphore, #tpu.memory_space<semaphore_mem>>)
      %dma_wait3A = tpu.memref_slice %arg23[%multiple_of3A] : memref<10000xf32, #tpu.memory_space<vmem_shared>> -> memref<624xf32, #tpu.memory_space<vmem_shared>>
      %dma_wait3A_295 = tpu.memref_slice %arg23[%multiple_of3A] : memref<10000xf32, #tpu.memory_space<vmem_shared>> -> memref<624xf32, #tpu.memory_space<vmem_shared>>
      tpu.wait_dma2 semaphore(%run_scoped3A : memref<!tpu.dma_semaphore, #tpu.memory_space<semaphore_mem>>) src(%dma_wait3A_295 : memref<624xf32, #tpu.memory_space<vmem_shared>>) dst(%arg21 : memref<624xf32, #tpu.memory_space<vmem>>)
      tpu.yield
    }) : () -> ()
    %add3A_287 = arith.addi %mul3A_286, %multiple_of3A : i32
    %multiple_of3A_288 = tpu.assume_multiple %add3A_287, 8 : i32
    "tpu.region"() ({
      %run_scoped3A = tpu.sem_alloc : memref<!tpu.dma_semaphore, #tpu.memory_space<semaphore_mem>>
      %dma_start3A = tpu.memref_slice %arg7[%multiple_of3A_288] : memref<20000xf32, #tpu.memory_space<hbm>> -> memref<624xf32, #tpu.memory_space<hbm>>
      %dma_start3A_294 = tpu.memref_slice %arg7[%multiple_of3A_288] : memref<20000xf32, #tpu.memory_space<hbm>> -> memref<624xf32, #tpu.memory_space<hbm>>
      tpu.enqueue_dma source(%arg21 : memref<624xf32, #tpu.memory_space<vmem>>) target(%dma_start3A_294 : memref<624xf32, #tpu.memory_space<hbm>>) target_semaphore(%run_scoped3A : memref<!tpu.dma_semaphore, #tpu.memory_space<semaphore_mem>>)
      %dma_wait3A = tpu.memref_slice %arg7[%multiple_of3A_288] : memref<20000xf32, #tpu.memory_space<hbm>> -> memref<624xf32, #tpu.memory_space<hbm>>
      %dma_wait3A_295 = tpu.memref_slice %arg7[%multiple_of3A_288] : memref<20000xf32, #tpu.memory_space<hbm>> -> memref<624xf32, #tpu.memory_space<hbm>>
      tpu.wait_dma2 semaphore(%run_scoped3A : memref<!tpu.dma_semaphore, #tpu.memory_space<semaphore_mem>>) src(%arg21 : memref<624xf32, #tpu.memory_space<vmem>>) dst(%dma_wait3A_295 : memref<624xf32, #tpu.memory_space<hbm>>)
      tpu.yield
    }) : () -> ()
    %eq3A_289 = arith.constant 0 : i32
    %eq3A_290 = arith.cmpi eq, %arg1, %eq3A_289 : i32
    %convert_element_type3A_291 = arith.extui %eq3A_290 : i1 to i32
    %cond3A_292 = arith.constant 0 : i32
    %cond3A_293 = arith.cmpi ne, %convert_element_type3A_291, %cond3A_292 : i32
    scf.if %cond3A_293 {
      "tpu.region"() ({
        %run_scoped3A = tpu.sem_alloc : memref<!tpu.dma_semaphore, #tpu.memory_space<semaphore_mem>>
        %dma_start3A = arith.constant 0 : i32
        %dma_start3A_297 = tpu.memref_slice %arg21[%dma_start3A] : memref<624xf32, #tpu.memory_space<vmem>> -> memref<16xf32, #tpu.memory_space<vmem>>
        %dma_start3A_298 = arith.constant 9984 : i32
        %dma_start3A_299 = tpu.memref_slice %arg23[%dma_start3A_298] : memref<10000xf32, #tpu.memory_space<vmem_shared>> -> memref<16xf32, #tpu.memory_space<vmem_shared>>
        %dma_start3A_300 = arith.constant 0 : i32
        %dma_start3A_301 = tpu.memref_slice %arg21[%dma_start3A_300] : memref<624xf32, #tpu.memory_space<vmem>> -> memref<16xf32, #tpu.memory_space<vmem>>
        %dma_start3A_302 = arith.constant 9984 : i32
        %dma_start3A_303 = tpu.memref_slice %arg23[%dma_start3A_302] : memref<10000xf32, #tpu.memory_space<vmem_shared>> -> memref<16xf32, #tpu.memory_space<vmem_shared>>
        tpu.enqueue_dma source(%dma_start3A_303 : memref<16xf32, #tpu.memory_space<vmem_shared>>) target(%dma_start3A_301 : memref<16xf32, #tpu.memory_space<vmem>>) target_semaphore(%run_scoped3A : memref<!tpu.dma_semaphore, #tpu.memory_space<semaphore_mem>>)
        %dma_wait3A = arith.constant 0 : i32
        %dma_wait3A_304 = tpu.memref_slice %arg21[%dma_wait3A] : memref<624xf32, #tpu.memory_space<vmem>> -> memref<16xf32, #tpu.memory_space<vmem>>
        %dma_wait3A_305 = arith.constant 9984 : i32
        %dma_wait3A_306 = tpu.memref_slice %arg23[%dma_wait3A_305] : memref<10000xf32, #tpu.memory_space<vmem_shared>> -> memref<16xf32, #tpu.memory_space<vmem_shared>>
        %dma_wait3A_307 = arith.constant 0 : i32
        %dma_wait3A_308 = tpu.memref_slice %arg21[%dma_wait3A_307] : memref<624xf32, #tpu.memory_space<vmem>> -> memref<16xf32, #tpu.memory_space<vmem>>
        %dma_wait3A_309 = arith.constant 9984 : i32
        %dma_wait3A_310 = tpu.memref_slice %arg23[%dma_wait3A_309] : memref<10000xf32, #tpu.memory_space<vmem_shared>> -> memref<16xf32, #tpu.memory_space<vmem_shared>>
        tpu.wait_dma2 semaphore(%run_scoped3A : memref<!tpu.dma_semaphore, #tpu.memory_space<semaphore_mem>>) src(%dma_wait3A_310 : memref<16xf32, #tpu.memory_space<vmem_shared>>) dst(%dma_wait3A_308 : memref<16xf32, #tpu.memory_space<vmem>>)
        tpu.yield
      }) : () -> ()
      %add3A_294 = arith.constant 9984 : i32
      %add3A_295 = arith.addi %mul3A_286, %add3A_294 : i32
      %multiple_of3A_296 = tpu.assume_multiple %add3A_295, 8 : i32
      "tpu.region"() ({
        %run_scoped3A = tpu.sem_alloc : memref<!tpu.dma_semaphore, #tpu.memory_space<semaphore_mem>>
        %dma_start3A = arith.constant 0 : i32
        %dma_start3A_297 = tpu.memref_slice %arg21[%dma_start3A] : memref<624xf32, #tpu.memory_space<vmem>> -> memref<16xf32, #tpu.memory_space<vmem>>
        %dma_start3A_298 = tpu.memref_slice %arg7[%multiple_of3A_296] : memref<20000xf32, #tpu.memory_space<hbm>> -> memref<16xf32, #tpu.memory_space<hbm>>
        %dma_start3A_299 = tpu.memref_slice %arg7[%multiple_of3A_296] : memref<20000xf32, #tpu.memory_space<hbm>> -> memref<16xf32, #tpu.memory_space<hbm>>
        %dma_start3A_300 = arith.constant 0 : i32
        %dma_start3A_301 = tpu.memref_slice %arg21[%dma_start3A_300] : memref<624xf32, #tpu.memory_space<vmem>> -> memref<16xf32, #tpu.memory_space<vmem>>
        tpu.enqueue_dma source(%dma_start3A_301 : memref<16xf32, #tpu.memory_space<vmem>>) target(%dma_start3A_299 : memref<16xf32, #tpu.memory_space<hbm>>) target_semaphore(%run_scoped3A : memref<!tpu.dma_semaphore, #tpu.memory_space<semaphore_mem>>)
        %dma_wait3A = arith.constant 0 : i32
        %dma_wait3A_302 = tpu.memref_slice %arg21[%dma_wait3A] : memref<624xf32, #tpu.memory_space<vmem>> -> memref<16xf32, #tpu.memory_space<vmem>>
        %dma_wait3A_303 = tpu.memref_slice %arg7[%multiple_of3A_296] : memref<20000xf32, #tpu.memory_space<hbm>> -> memref<16xf32, #tpu.memory_space<hbm>>
        %dma_wait3A_304 = tpu.memref_slice %arg7[%multiple_of3A_296] : memref<20000xf32, #tpu.memory_space<hbm>> -> memref<16xf32, #tpu.memory_space<hbm>>
        %dma_wait3A_305 = arith.constant 0 : i32
        %dma_wait3A_306 = tpu.memref_slice %arg21[%dma_wait3A_305] : memref<624xf32, #tpu.memory_space<vmem>> -> memref<16xf32, #tpu.memory_space<vmem>>
        tpu.wait_dma2 semaphore(%run_scoped3A : memref<!tpu.dma_semaphore, #tpu.memory_space<semaphore_mem>>) src(%dma_wait3A_306 : memref<16xf32, #tpu.memory_space<vmem>>) dst(%dma_wait3A_304 : memref<16xf32, #tpu.memory_space<hbm>>)
        tpu.yield
      }) : () -> ()
    } else {
    }
    return
  }
}

#map = affine_map<(d0, d1) -> (0, 0)>
#map1 = affine_map<(d0, d1) -> (0)>
#map2 = affine_map<(d0, d1) -> (0, 0, 0)>
module attributes {stable_mosaic.version = 14 : i64} {
  func.func @_sc_agg_body(%arg0: i32, %arg1: i32, %arg2: memref<10000x128xf32, #tpu.memory_space<hbm>>, %arg3: memref<320000xi32, #tpu.memory_space<hbm>>, %arg4: memref<320000xi32, #tpu.memory_space<hbm>>, %arg5: memref<10000x128xf32, #tpu.memory_space<hbm>>, %arg6: memref<2x10000x128xf32, #tpu.memory_space<hbm>>, %arg7: memref<80xi32, #tpu.memory_space<vmem>>, %arg8: memref<80xi32, #tpu.memory_space<vmem>>, %arg9: memref<80xi32, #tpu.memory_space<vmem>>, %arg10: memref<80xi32, #tpu.memory_space<vmem>>, %arg11: memref<80xi32, #tpu.memory_space<vmem>>, %arg12: memref<80xi32, #tpu.memory_space<vmem>>, %arg13: memref<80xi32, #tpu.memory_space<vmem>>, %arg14: memref<80xi32, #tpu.memory_space<vmem>>, %arg15: memref<80x128xf32, #tpu.memory_space<vmem>>, %arg16: memref<80x128xf32, #tpu.memory_space<vmem>>, %arg17: memref<80x128xf32, #tpu.memory_space<vmem>>, %arg18: memref<80x128xf32, #tpu.memory_space<vmem>>, %arg19: memref<80xf32, #tpu.memory_space<vmem>>, %arg20: memref<624xf32, #tpu.memory_space<vmem>>, %arg21: memref<10000x128xf32, #tpu.memory_space<vmem_shared>>, %arg22: memref<10000xf32, #tpu.memory_space<vmem_shared>>, %arg23: memref<!tpu.dma_semaphore, #tpu.memory_space<semaphore_mem>>, %arg24: memref<!tpu.dma_semaphore, #tpu.memory_space<semaphore_mem>>, %arg25: memref<!tpu.dma_semaphore, #tpu.memory_space<semaphore_mem>>, %arg26: memref<!tpu.dma_semaphore, #tpu.memory_space<semaphore_mem>>, %arg27: memref<!tpu.dma_semaphore, #tpu.memory_space<semaphore_mem>>, %arg28: memref<!tpu.dma_semaphore, #tpu.memory_space<semaphore_mem>>, %arg29: memref<!tpu.dma_semaphore, #tpu.memory_space<semaphore_mem>>, %arg30: memref<!tpu.dma_semaphore, #tpu.memory_space<semaphore_mem>>, %arg31: memref<!tpu.dma_semaphore, #tpu.memory_space<semaphore_mem>>, %arg32: memref<!tpu.dma_semaphore, #tpu.memory_space<semaphore_mem>>, %arg33: memref<!tpu.dma_semaphore, #tpu.memory_space<semaphore_mem>>, %arg34: memref<!tpu.dma_semaphore, #tpu.memory_space<semaphore_mem>>, %arg35: memref<!tpu.dma_semaphore, #tpu.memory_space<semaphore_mem>>, %arg36: memref<!tpu.dma_semaphore, #tpu.memory_space<semaphore_mem>>, %arg37: memref<!tpu.dma_semaphore, #tpu.memory_space<semaphore_mem>>, %arg38: memref<!tpu.dma_semaphore, #tpu.memory_space<semaphore_mem>>, %arg39: memref<!tpu.dma_semaphore, #tpu.memory_space<semaphore_mem>>, %arg40: memref<!tpu.dma_semaphore, #tpu.memory_space<semaphore_mem>>, %arg41: memref<!tpu.dma_semaphore, #tpu.memory_space<semaphore_mem>>, %arg42: memref<!tpu.dma_semaphore, #tpu.memory_space<semaphore_mem>>) attributes {dimension_semantics = [#tpu.dimension_semantics<core_parallel>, #tpu.dimension_semantics<subcore_parallel>], iteration_bounds = array<i64: 2, 16>, scalar_prefetch = 0 : i64, scratch_operands = 36 : i64, tpu.core_type = #tpu.core_type<sc_vector_subcore>, window_params = [{transform_indices = #map}, {transform_indices = #map1}, {transform_indices = #map1}, {transform_indices = #map}, {transform_indices = #map2}]} {
    %mul3A = arith.constant 624 : i32
    %mul3A_0 = arith.muli %arg1, %mul3A : i32
    %multiple_of3A = tpu.assume_multiple %mul3A_0, 8 : i32
    "tpu.region"() ({
      %run_scoped3A = tpu.sem_alloc : memref<!tpu.dma_semaphore, #tpu.memory_space<semaphore_mem>>
      %dma_start3A = arith.constant 0 : i32
      %dma_start3A_18 = tpu.memref_slice %arg21[%multiple_of3A, %dma_start3A] : memref<10000x128xf32, #tpu.memory_space<vmem_shared>> -> memref<624x128xf32, #tpu.memory_space<vmem_shared>>
      %dma_start3A_19 = arith.constant 0 : i32
      %dma_start3A_20 = tpu.memref_slice %arg5[%multiple_of3A, %dma_start3A_19] : memref<10000x128xf32, #tpu.memory_space<hbm>> -> memref<624x128xf32, #tpu.memory_space<hbm>>
      tpu.enqueue_dma source(%dma_start3A_20 : memref<624x128xf32, #tpu.memory_space<hbm>>) target(%dma_start3A_18 : memref<624x128xf32, #tpu.memory_space<vmem_shared>>) target_semaphore(%run_scoped3A : memref<!tpu.dma_semaphore, #tpu.memory_space<semaphore_mem>>)
      %dma_wait3A = arith.constant 0 : i32
      %dma_wait3A_21 = tpu.memref_slice %arg21[%multiple_of3A, %dma_wait3A] : memref<10000x128xf32, #tpu.memory_space<vmem_shared>> -> memref<624x128xf32, #tpu.memory_space<vmem_shared>>
      %dma_wait3A_22 = arith.constant 0 : i32
      %dma_wait3A_23 = tpu.memref_slice %arg5[%multiple_of3A, %dma_wait3A_22] : memref<10000x128xf32, #tpu.memory_space<hbm>> -> memref<624x128xf32, #tpu.memory_space<hbm>>
      tpu.wait_dma2 semaphore(%run_scoped3A : memref<!tpu.dma_semaphore, #tpu.memory_space<semaphore_mem>>) src(%dma_wait3A_23 : memref<624x128xf32, #tpu.memory_space<hbm>>) dst(%dma_wait3A_21 : memref<624x128xf32, #tpu.memory_space<vmem_shared>>)
      tpu.yield
    }) : () -> ()
    %eq3A = arith.constant 0 : i32
    %eq3A_1 = arith.cmpi eq, %arg1, %eq3A : i32
    %convert_element_type3A = arith.extui %eq3A_1 : i1 to i32
    %cond3A = arith.constant 0 : i32
    %cond3A_2 = arith.cmpi ne, %convert_element_type3A, %cond3A : i32
    scf.if %cond3A_2 {
      "tpu.region"() ({
        %run_scoped3A = tpu.sem_alloc : memref<!tpu.dma_semaphore, #tpu.memory_space<semaphore_mem>>
        %dma_start3A = arith.constant 9984 : i32
        %dma_start3A_18 = arith.constant 0 : i32
        %dma_start3A_19 = tpu.memref_slice %arg21[%dma_start3A, %dma_start3A_18] : memref<10000x128xf32, #tpu.memory_space<vmem_shared>> -> memref<16x128xf32, #tpu.memory_space<vmem_shared>>
        %dma_start3A_20 = arith.constant 9984 : i32
        %dma_start3A_21 = arith.constant 0 : i32
        %dma_start3A_22 = tpu.memref_slice %arg5[%dma_start3A_20, %dma_start3A_21] : memref<10000x128xf32, #tpu.memory_space<hbm>> -> memref<16x128xf32, #tpu.memory_space<hbm>>
        tpu.enqueue_dma source(%dma_start3A_22 : memref<16x128xf32, #tpu.memory_space<hbm>>) target(%dma_start3A_19 : memref<16x128xf32, #tpu.memory_space<vmem_shared>>) target_semaphore(%run_scoped3A : memref<!tpu.dma_semaphore, #tpu.memory_space<semaphore_mem>>)
        %dma_wait3A = arith.constant 9984 : i32
        %dma_wait3A_23 = arith.constant 0 : i32
        %dma_wait3A_24 = tpu.memref_slice %arg21[%dma_wait3A, %dma_wait3A_23] : memref<10000x128xf32, #tpu.memory_space<vmem_shared>> -> memref<16x128xf32, #tpu.memory_space<vmem_shared>>
        %dma_wait3A_25 = arith.constant 9984 : i32
        %dma_wait3A_26 = arith.constant 0 : i32
        %dma_wait3A_27 = tpu.memref_slice %arg5[%dma_wait3A_25, %dma_wait3A_26] : memref<10000x128xf32, #tpu.memory_space<hbm>> -> memref<16x128xf32, #tpu.memory_space<hbm>>
        tpu.wait_dma2 semaphore(%run_scoped3A : memref<!tpu.dma_semaphore, #tpu.memory_space<semaphore_mem>>) src(%dma_wait3A_27 : memref<16x128xf32, #tpu.memory_space<hbm>>) dst(%dma_wait3A_24 : memref<16x128xf32, #tpu.memory_space<vmem_shared>>)
        tpu.yield
      }) : () -> ()
    } else {
    }
    %barrier3A = arith.constant 0 : index
    tpu.barrier barrier_id(%barrier3A)
    %mul3A_3 = arith.constant 16 : i32
    %mul3A_4 = arith.muli %arg0, %mul3A_3 : i32
    %add3A = arith.addi %mul3A_4, %arg1 : i32
    %mul3A_5 = arith.constant 10000 : i32
    %mul3A_6 = arith.muli %add3A, %mul3A_5 : i32
    %scan3A = arith.constant 0 : i32
    %scan3A_7 = arith.constant 0 : i32
    %scan3A_8 = arith.constant 33 : i32
    %scan3A_9 = arith.addi %scan3A_7, %scan3A_8 : i32
    %scan3A_10 = arith.constant 1 : i32
    scf.for %scan3A_18 = %scan3A_7 to %scan3A_9 step %scan3A_10  : i32 {
      %mul3A_19 = arith.constant 4 : i32
      %mul3A_20 = arith.muli %scan3A_18, %mul3A_19 : i32
      %add3A_21 = arith.constant 0 : i32
      %add3A_22 = arith.addi %mul3A_20, %add3A_21 : i32
      %ge3A = arith.constant 4 : i32
      %ge3A_23 = arith.cmpi sge, %add3A_22, %ge3A : i32
      %lt3A = arith.constant 129 : i32
      %lt3A_24 = arith.cmpi slt, %add3A_22, %lt3A : i32
      %and3A = arith.andi %ge3A_23, %lt3A_24 : i1
      %convert_element_type3A_25 = arith.extui %and3A : i1 to i32
      %cond3A_26 = arith.constant 0 : i32
      %cond3A_27 = arith.cmpi ne, %convert_element_type3A_25, %cond3A_26 : i32
      scf.if %cond3A_27 {
        %dma_wait3A = arith.constant 0 : i32
        %dma_wait3A_142 = arith.constant 0 : i32
        %dma_wait3A_143 = tpu.memref_slice %arg21[%dma_wait3A, %dma_wait3A_142] : memref<10000x128xf32, #tpu.memory_space<vmem_shared>> -> memref<10000x128xf32, #tpu.memory_space<vmem_shared>>
        tpu.wait_indirect_dma semaphore(%arg27 : memref<!tpu.dma_semaphore, #tpu.memory_space<semaphore_mem>>) src(%arg15 : memref<80x128xf32, #tpu.memory_space<vmem>>) dst(%dma_wait3A_143 : memref<10000x128xf32, #tpu.memory_space<vmem_shared>>)
      } else {
      }
      %lt3A_28 = arith.constant 125 : i32
      %lt3A_29 = arith.cmpi slt, %add3A_22, %lt3A_28 : i32
      %convert_element_type3A_30 = arith.extui %lt3A_29 : i1 to i32
      %cond3A_31 = arith.constant 0 : i32
      %cond3A_32 = arith.cmpi ne, %convert_element_type3A_30, %cond3A_31 : i32
      scf.if %cond3A_32 {
        %mul3A_142 = arith.constant 80 : i32
        %mul3A_143 = arith.muli %add3A_22, %mul3A_142 : i32
        %add3A_144 = arith.addi %mul3A_6, %mul3A_143 : i32
        %multiple_of3A_145 = tpu.assume_multiple %add3A_144, 8 : i32
        %dma_start3A = tpu.memref_slice %arg3[%multiple_of3A_145] : memref<320000xi32, #tpu.memory_space<hbm>> -> memref<80xi32, #tpu.memory_space<hbm>>
        %dma_start3A_146 = tpu.memref_slice %arg3[%multiple_of3A_145] : memref<320000xi32, #tpu.memory_space<hbm>> -> memref<80xi32, #tpu.memory_space<hbm>>
        tpu.enqueue_dma source(%dma_start3A_146 : memref<80xi32, #tpu.memory_space<hbm>>) target(%arg7 : memref<80xi32, #tpu.memory_space<vmem>>) target_semaphore(%arg39 : memref<!tpu.dma_semaphore, #tpu.memory_space<semaphore_mem>>)
        %dma_start3A_147 = tpu.memref_slice %arg4[%multiple_of3A_145] : memref<320000xi32, #tpu.memory_space<hbm>> -> memref<80xi32, #tpu.memory_space<hbm>>
        %dma_start3A_148 = tpu.memref_slice %arg4[%multiple_of3A_145] : memref<320000xi32, #tpu.memory_space<hbm>> -> memref<80xi32, #tpu.memory_space<hbm>>
        tpu.enqueue_dma source(%dma_start3A_148 : memref<80xi32, #tpu.memory_space<hbm>>) target(%arg11 : memref<80xi32, #tpu.memory_space<vmem>>) target_semaphore(%arg31 : memref<!tpu.dma_semaphore, #tpu.memory_space<semaphore_mem>>)
      } else {
      }
      %ge3A_33 = arith.constant 1 : i32
      %ge3A_34 = arith.cmpi sge, %add3A_22, %ge3A_33 : i32
      %lt3A_35 = arith.constant 126 : i32
      %lt3A_36 = arith.cmpi slt, %add3A_22, %lt3A_35 : i32
      %and3A_37 = arith.andi %ge3A_34, %lt3A_36 : i1
      %convert_element_type3A_38 = arith.extui %and3A_37 : i1 to i32
      %cond3A_39 = arith.constant 0 : i32
      %cond3A_40 = arith.cmpi ne, %convert_element_type3A_38, %cond3A_39 : i32
      scf.if %cond3A_40 {
        %dma_wait3A = arith.constant 0 : i32
        %dma_wait3A_142 = tpu.memref_slice %arg3[%dma_wait3A] : memref<320000xi32, #tpu.memory_space<hbm>> -> memref<80xi32, #tpu.memory_space<hbm>>
        %dma_wait3A_143 = arith.constant 0 : i32
        %dma_wait3A_144 = tpu.memref_slice %arg3[%dma_wait3A_143] : memref<320000xi32, #tpu.memory_space<hbm>> -> memref<80xi32, #tpu.memory_space<hbm>>
        tpu.wait_dma2 semaphore(%arg42 : memref<!tpu.dma_semaphore, #tpu.memory_space<semaphore_mem>>) src(%dma_wait3A_144 : memref<80xi32, #tpu.memory_space<hbm>>) dst(%arg10 : memref<80xi32, #tpu.memory_space<vmem>>)
        %dma_start3A = arith.constant 0 : i32
        %dma_start3A_145 = arith.constant 0 : i32
        %dma_start3A_146 = tpu.memref_slice %arg2[%dma_start3A, %dma_start3A_145] : memref<10000x128xf32, #tpu.memory_space<hbm>> -> memref<10000x128xf32, #tpu.memory_space<hbm>>
        tpu.enqueue_indirect_dma source(%dma_start3A_146 : memref<10000x128xf32, #tpu.memory_space<hbm>>) target(%arg18 : memref<80x128xf32, #tpu.memory_space<vmem>>) offsets(%arg10 : memref<80xi32, #tpu.memory_space<vmem>>) semaphore(%arg26 : memref<!tpu.dma_semaphore, #tpu.memory_space<semaphore_mem>>)
      } else {
      }
      %ge3A_41 = arith.constant 2 : i32
      %ge3A_42 = arith.cmpi sge, %add3A_22, %ge3A_41 : i32
      %lt3A_43 = arith.constant 127 : i32
      %lt3A_44 = arith.cmpi slt, %add3A_22, %lt3A_43 : i32
      %and3A_45 = arith.andi %ge3A_42, %lt3A_44 : i1
      %convert_element_type3A_46 = arith.extui %and3A_45 : i1 to i32
      %cond3A_47 = arith.constant 0 : i32
      %cond3A_48 = arith.cmpi ne, %convert_element_type3A_46, %cond3A_47 : i32
      scf.if %cond3A_48 {
        %dma_wait3A = arith.constant 0 : i32
        %dma_wait3A_142 = arith.constant 0 : i32
        %dma_wait3A_143 = tpu.memref_slice %arg2[%dma_wait3A, %dma_wait3A_142] : memref<10000x128xf32, #tpu.memory_space<hbm>> -> memref<10000x128xf32, #tpu.memory_space<hbm>>
        tpu.wait_indirect_dma semaphore(%arg25 : memref<!tpu.dma_semaphore, #tpu.memory_space<semaphore_mem>>) src(%dma_wait3A_143 : memref<10000x128xf32, #tpu.memory_space<hbm>>) dst(%arg17 : memref<80x128xf32, #tpu.memory_space<vmem>>)
        %dma_wait3A_144 = arith.constant 0 : i32
        %dma_wait3A_145 = tpu.memref_slice %arg4[%dma_wait3A_144] : memref<320000xi32, #tpu.memory_space<hbm>> -> memref<80xi32, #tpu.memory_space<hbm>>
        %dma_wait3A_146 = arith.constant 0 : i32
        %dma_wait3A_147 = tpu.memref_slice %arg4[%dma_wait3A_146] : memref<320000xi32, #tpu.memory_space<hbm>> -> memref<80xi32, #tpu.memory_space<hbm>>
        tpu.wait_dma2 semaphore(%arg33 : memref<!tpu.dma_semaphore, #tpu.memory_space<semaphore_mem>>) src(%dma_wait3A_147 : memref<80xi32, #tpu.memory_space<hbm>>) dst(%arg13 : memref<80xi32, #tpu.memory_space<vmem>>)
        %dma_start3A = arith.constant 0 : i32
        %dma_start3A_148 = arith.constant 0 : i32
        %dma_start3A_149 = tpu.memref_slice %arg21[%dma_start3A, %dma_start3A_148] : memref<10000x128xf32, #tpu.memory_space<vmem_shared>> -> memref<10000x128xf32, #tpu.memory_space<vmem_shared>>
        tpu.enqueue_indirect_dma source(%arg17 : memref<80x128xf32, #tpu.memory_space<vmem>>) target(%dma_start3A_149 : memref<10000x128xf32, #tpu.memory_space<vmem_shared>>) offsets(%arg13 : memref<80xi32, #tpu.memory_space<vmem>>) semaphore(%arg29 : memref<!tpu.dma_semaphore, #tpu.memory_space<semaphore_mem>>) {add = true}
      } else {
      }
      %add3A_49 = arith.constant 1 : i32
      %add3A_50 = arith.addi %mul3A_20, %add3A_49 : i32
      %ge3A_51 = arith.constant 4 : i32
      %ge3A_52 = arith.cmpi sge, %add3A_50, %ge3A_51 : i32
      %lt3A_53 = arith.constant 129 : i32
      %lt3A_54 = arith.cmpi slt, %add3A_50, %lt3A_53 : i32
      %and3A_55 = arith.andi %ge3A_52, %lt3A_54 : i1
      %convert_element_type3A_56 = arith.extui %and3A_55 : i1 to i32
      %cond3A_57 = arith.constant 0 : i32
      %cond3A_58 = arith.cmpi ne, %convert_element_type3A_56, %cond3A_57 : i32
      scf.if %cond3A_58 {
        %dma_wait3A = arith.constant 0 : i32
        %dma_wait3A_142 = arith.constant 0 : i32
        %dma_wait3A_143 = tpu.memref_slice %arg21[%dma_wait3A, %dma_wait3A_142] : memref<10000x128xf32, #tpu.memory_space<vmem_shared>> -> memref<10000x128xf32, #tpu.memory_space<vmem_shared>>
        tpu.wait_indirect_dma semaphore(%arg28 : memref<!tpu.dma_semaphore, #tpu.memory_space<semaphore_mem>>) src(%arg16 : memref<80x128xf32, #tpu.memory_space<vmem>>) dst(%dma_wait3A_143 : memref<10000x128xf32, #tpu.memory_space<vmem_shared>>)
      } else {
      }
      %lt3A_59 = arith.constant 125 : i32
      %lt3A_60 = arith.cmpi slt, %add3A_50, %lt3A_59 : i32
      %convert_element_type3A_61 = arith.extui %lt3A_60 : i1 to i32
      %cond3A_62 = arith.constant 0 : i32
      %cond3A_63 = arith.cmpi ne, %convert_element_type3A_61, %cond3A_62 : i32
      scf.if %cond3A_63 {
        %mul3A_142 = arith.constant 80 : i32
        %mul3A_143 = arith.muli %add3A_50, %mul3A_142 : i32
        %add3A_144 = arith.addi %mul3A_6, %mul3A_143 : i32
        %multiple_of3A_145 = tpu.assume_multiple %add3A_144, 8 : i32
        %dma_start3A = tpu.memref_slice %arg3[%multiple_of3A_145] : memref<320000xi32, #tpu.memory_space<hbm>> -> memref<80xi32, #tpu.memory_space<hbm>>
        %dma_start3A_146 = tpu.memref_slice %arg3[%multiple_of3A_145] : memref<320000xi32, #tpu.memory_space<hbm>> -> memref<80xi32, #tpu.memory_space<hbm>>
        tpu.enqueue_dma source(%dma_start3A_146 : memref<80xi32, #tpu.memory_space<hbm>>) target(%arg8 : memref<80xi32, #tpu.memory_space<vmem>>) target_semaphore(%arg40 : memref<!tpu.dma_semaphore, #tpu.memory_space<semaphore_mem>>)
        %dma_start3A_147 = tpu.memref_slice %arg4[%multiple_of3A_145] : memref<320000xi32, #tpu.memory_space<hbm>> -> memref<80xi32, #tpu.memory_space<hbm>>
        %dma_start3A_148 = tpu.memref_slice %arg4[%multiple_of3A_145] : memref<320000xi32, #tpu.memory_space<hbm>> -> memref<80xi32, #tpu.memory_space<hbm>>
        tpu.enqueue_dma source(%dma_start3A_148 : memref<80xi32, #tpu.memory_space<hbm>>) target(%arg12 : memref<80xi32, #tpu.memory_space<vmem>>) target_semaphore(%arg32 : memref<!tpu.dma_semaphore, #tpu.memory_space<semaphore_mem>>)
      } else {
      }
      %ge3A_64 = arith.constant 1 : i32
      %ge3A_65 = arith.cmpi sge, %add3A_50, %ge3A_64 : i32
      %lt3A_66 = arith.constant 126 : i32
      %lt3A_67 = arith.cmpi slt, %add3A_50, %lt3A_66 : i32
      %and3A_68 = arith.andi %ge3A_65, %lt3A_67 : i1
      %convert_element_type3A_69 = arith.extui %and3A_68 : i1 to i32
      %cond3A_70 = arith.constant 0 : i32
      %cond3A_71 = arith.cmpi ne, %convert_element_type3A_69, %cond3A_70 : i32
      scf.if %cond3A_71 {
        %dma_wait3A = arith.constant 0 : i32
        %dma_wait3A_142 = tpu.memref_slice %arg3[%dma_wait3A] : memref<320000xi32, #tpu.memory_space<hbm>> -> memref<80xi32, #tpu.memory_space<hbm>>
        %dma_wait3A_143 = arith.constant 0 : i32
        %dma_wait3A_144 = tpu.memref_slice %arg3[%dma_wait3A_143] : memref<320000xi32, #tpu.memory_space<hbm>> -> memref<80xi32, #tpu.memory_space<hbm>>
        tpu.wait_dma2 semaphore(%arg39 : memref<!tpu.dma_semaphore, #tpu.memory_space<semaphore_mem>>) src(%dma_wait3A_144 : memref<80xi32, #tpu.memory_space<hbm>>) dst(%arg7 : memref<80xi32, #tpu.memory_space<vmem>>)
        %dma_start3A = arith.constant 0 : i32
        %dma_start3A_145 = arith.constant 0 : i32
        %dma_start3A_146 = tpu.memref_slice %arg2[%dma_start3A, %dma_start3A_145] : memref<10000x128xf32, #tpu.memory_space<hbm>> -> memref<10000x128xf32, #tpu.memory_space<hbm>>
        tpu.enqueue_indirect_dma source(%dma_start3A_146 : memref<10000x128xf32, #tpu.memory_space<hbm>>) target(%arg15 : memref<80x128xf32, #tpu.memory_space<vmem>>) offsets(%arg7 : memref<80xi32, #tpu.memory_space<vmem>>) semaphore(%arg23 : memref<!tpu.dma_semaphore, #tpu.memory_space<semaphore_mem>>)
      } else {
      }
      %ge3A_72 = arith.constant 2 : i32
      %ge3A_73 = arith.cmpi sge, %add3A_50, %ge3A_72 : i32
      %lt3A_74 = arith.constant 127 : i32
      %lt3A_75 = arith.cmpi slt, %add3A_50, %lt3A_74 : i32
      %and3A_76 = arith.andi %ge3A_73, %lt3A_75 : i1
      %convert_element_type3A_77 = arith.extui %and3A_76 : i1 to i32
      %cond3A_78 = arith.constant 0 : i32
      %cond3A_79 = arith.cmpi ne, %convert_element_type3A_77, %cond3A_78 : i32
      scf.if %cond3A_79 {
        %dma_wait3A = arith.constant 0 : i32
        %dma_wait3A_142 = arith.constant 0 : i32
        %dma_wait3A_143 = tpu.memref_slice %arg2[%dma_wait3A, %dma_wait3A_142] : memref<10000x128xf32, #tpu.memory_space<hbm>> -> memref<10000x128xf32, #tpu.memory_space<hbm>>
        tpu.wait_indirect_dma semaphore(%arg26 : memref<!tpu.dma_semaphore, #tpu.memory_space<semaphore_mem>>) src(%dma_wait3A_143 : memref<10000x128xf32, #tpu.memory_space<hbm>>) dst(%arg18 : memref<80x128xf32, #tpu.memory_space<vmem>>)
        %dma_wait3A_144 = arith.constant 0 : i32
        %dma_wait3A_145 = tpu.memref_slice %arg4[%dma_wait3A_144] : memref<320000xi32, #tpu.memory_space<hbm>> -> memref<80xi32, #tpu.memory_space<hbm>>
        %dma_wait3A_146 = arith.constant 0 : i32
        %dma_wait3A_147 = tpu.memref_slice %arg4[%dma_wait3A_146] : memref<320000xi32, #tpu.memory_space<hbm>> -> memref<80xi32, #tpu.memory_space<hbm>>
        tpu.wait_dma2 semaphore(%arg34 : memref<!tpu.dma_semaphore, #tpu.memory_space<semaphore_mem>>) src(%dma_wait3A_147 : memref<80xi32, #tpu.memory_space<hbm>>) dst(%arg14 : memref<80xi32, #tpu.memory_space<vmem>>)
        %dma_start3A = arith.constant 0 : i32
        %dma_start3A_148 = arith.constant 0 : i32
        %dma_start3A_149 = tpu.memref_slice %arg21[%dma_start3A, %dma_start3A_148] : memref<10000x128xf32, #tpu.memory_space<vmem_shared>> -> memref<10000x128xf32, #tpu.memory_space<vmem_shared>>
        tpu.enqueue_indirect_dma source(%arg18 : memref<80x128xf32, #tpu.memory_space<vmem>>) target(%dma_start3A_149 : memref<10000x128xf32, #tpu.memory_space<vmem_shared>>) offsets(%arg14 : memref<80xi32, #tpu.memory_space<vmem>>) semaphore(%arg30 : memref<!tpu.dma_semaphore, #tpu.memory_space<semaphore_mem>>) {add = true}
      } else {
      }
      %add3A_80 = arith.constant 2 : i32
      %add3A_81 = arith.addi %mul3A_20, %add3A_80 : i32
      %ge3A_82 = arith.constant 4 : i32
      %ge3A_83 = arith.cmpi sge, %add3A_81, %ge3A_82 : i32
      %lt3A_84 = arith.constant 129 : i32
      %lt3A_85 = arith.cmpi slt, %add3A_81, %lt3A_84 : i32
      %and3A_86 = arith.andi %ge3A_83, %lt3A_85 : i1
      %convert_element_type3A_87 = arith.extui %and3A_86 : i1 to i32
      %cond3A_88 = arith.constant 0 : i32
      %cond3A_89 = arith.cmpi ne, %convert_element_type3A_87, %cond3A_88 : i32
      scf.if %cond3A_89 {
        %dma_wait3A = arith.constant 0 : i32
        %dma_wait3A_142 = arith.constant 0 : i32
        %dma_wait3A_143 = tpu.memref_slice %arg21[%dma_wait3A, %dma_wait3A_142] : memref<10000x128xf32, #tpu.memory_space<vmem_shared>> -> memref<10000x128xf32, #tpu.memory_space<vmem_shared>>
        tpu.wait_indirect_dma semaphore(%arg29 : memref<!tpu.dma_semaphore, #tpu.memory_space<semaphore_mem>>) src(%arg17 : memref<80x128xf32, #tpu.memory_space<vmem>>) dst(%dma_wait3A_143 : memref<10000x128xf32, #tpu.memory_space<vmem_shared>>)
      } else {
      }
      %lt3A_90 = arith.constant 125 : i32
      %lt3A_91 = arith.cmpi slt, %add3A_81, %lt3A_90 : i32
      %convert_element_type3A_92 = arith.extui %lt3A_91 : i1 to i32
      %cond3A_93 = arith.constant 0 : i32
      %cond3A_94 = arith.cmpi ne, %convert_element_type3A_92, %cond3A_93 : i32
      scf.if %cond3A_94 {
        %mul3A_142 = arith.constant 80 : i32
        %mul3A_143 = arith.muli %add3A_81, %mul3A_142 : i32
        %add3A_144 = arith.addi %mul3A_6, %mul3A_143 : i32
        %multiple_of3A_145 = tpu.assume_multiple %add3A_144, 8 : i32
        %dma_start3A = tpu.memref_slice %arg3[%multiple_of3A_145] : memref<320000xi32, #tpu.memory_space<hbm>> -> memref<80xi32, #tpu.memory_space<hbm>>
        %dma_start3A_146 = tpu.memref_slice %arg3[%multiple_of3A_145] : memref<320000xi32, #tpu.memory_space<hbm>> -> memref<80xi32, #tpu.memory_space<hbm>>
        tpu.enqueue_dma source(%dma_start3A_146 : memref<80xi32, #tpu.memory_space<hbm>>) target(%arg9 : memref<80xi32, #tpu.memory_space<vmem>>) target_semaphore(%arg41 : memref<!tpu.dma_semaphore, #tpu.memory_space<semaphore_mem>>)
        %dma_start3A_147 = tpu.memref_slice %arg4[%multiple_of3A_145] : memref<320000xi32, #tpu.memory_space<hbm>> -> memref<80xi32, #tpu.memory_space<hbm>>
        %dma_start3A_148 = tpu.memref_slice %arg4[%multiple_of3A_145] : memref<320000xi32, #tpu.memory_space<hbm>> -> memref<80xi32, #tpu.memory_space<hbm>>
        tpu.enqueue_dma source(%dma_start3A_148 : memref<80xi32, #tpu.memory_space<hbm>>) target(%arg13 : memref<80xi32, #tpu.memory_space<vmem>>) target_semaphore(%arg33 : memref<!tpu.dma_semaphore, #tpu.memory_space<semaphore_mem>>)
      } else {
      }
      %ge3A_95 = arith.constant 1 : i32
      %ge3A_96 = arith.cmpi sge, %add3A_81, %ge3A_95 : i32
      %lt3A_97 = arith.constant 126 : i32
      %lt3A_98 = arith.cmpi slt, %add3A_81, %lt3A_97 : i32
      %and3A_99 = arith.andi %ge3A_96, %lt3A_98 : i1
      %convert_element_type3A_100 = arith.extui %and3A_99 : i1 to i32
      %cond3A_101 = arith.constant 0 : i32
      %cond3A_102 = arith.cmpi ne, %convert_element_type3A_100, %cond3A_101 : i32
      scf.if %cond3A_102 {
        %dma_wait3A = arith.constant 0 : i32
        %dma_wait3A_142 = tpu.memref_slice %arg3[%dma_wait3A] : memref<320000xi32, #tpu.memory_space<hbm>> -> memref<80xi32, #tpu.memory_space<hbm>>
        %dma_wait3A_143 = arith.constant 0 : i32
        %dma_wait3A_144 = tpu.memref_slice %arg3[%dma_wait3A_143] : memref<320000xi32, #tpu.memory_space<hbm>> -> memref<80xi32, #tpu.memory_space<hbm>>
        tpu.wait_dma2 semaphore(%arg40 : memref<!tpu.dma_semaphore, #tpu.memory_space<semaphore_mem>>) src(%dma_wait3A_144 : memref<80xi32, #tpu.memory_space<hbm>>) dst(%arg8 : memref<80xi32, #tpu.memory_space<vmem>>)
        %dma_start3A = arith.constant 0 : i32
        %dma_start3A_145 = arith.constant 0 : i32
        %dma_start3A_146 = tpu.memref_slice %arg2[%dma_start3A, %dma_start3A_145] : memref<10000x128xf32, #tpu.memory_space<hbm>> -> memref<10000x128xf32, #tpu.memory_space<hbm>>
        tpu.enqueue_indirect_dma source(%dma_start3A_146 : memref<10000x128xf32, #tpu.memory_space<hbm>>) target(%arg16 : memref<80x128xf32, #tpu.memory_space<vmem>>) offsets(%arg8 : memref<80xi32, #tpu.memory_space<vmem>>) semaphore(%arg24 : memref<!tpu.dma_semaphore, #tpu.memory_space<semaphore_mem>>)
      } else {
      }
      %ge3A_103 = arith.constant 2 : i32
      %ge3A_104 = arith.cmpi sge, %add3A_81, %ge3A_103 : i32
      %lt3A_105 = arith.constant 127 : i32
      %lt3A_106 = arith.cmpi slt, %add3A_81, %lt3A_105 : i32
      %and3A_107 = arith.andi %ge3A_104, %lt3A_106 : i1
      %convert_element_type3A_108 = arith.extui %and3A_107 : i1 to i32
      %cond3A_109 = arith.constant 0 : i32
      %cond3A_110 = arith.cmpi ne, %convert_element_type3A_108, %cond3A_109 : i32
      scf.if %cond3A_110 {
        %dma_wait3A = arith.constant 0 : i32
        %dma_wait3A_142 = arith.constant 0 : i32
        %dma_wait3A_143 = tpu.memref_slice %arg2[%dma_wait3A, %dma_wait3A_142] : memref<10000x128xf32, #tpu.memory_space<hbm>> -> memref<10000x128xf32, #tpu.memory_space<hbm>>
        tpu.wait_indirect_dma semaphore(%arg23 : memref<!tpu.dma_semaphore, #tpu.memory_space<semaphore_mem>>) src(%dma_wait3A_143 : memref<10000x128xf32, #tpu.memory_space<hbm>>) dst(%arg15 : memref<80x128xf32, #tpu.memory_space<vmem>>)
        %dma_wait3A_144 = arith.constant 0 : i32
        %dma_wait3A_145 = tpu.memref_slice %arg4[%dma_wait3A_144] : memref<320000xi32, #tpu.memory_space<hbm>> -> memref<80xi32, #tpu.memory_space<hbm>>
        %dma_wait3A_146 = arith.constant 0 : i32
        %dma_wait3A_147 = tpu.memref_slice %arg4[%dma_wait3A_146] : memref<320000xi32, #tpu.memory_space<hbm>> -> memref<80xi32, #tpu.memory_space<hbm>>
        tpu.wait_dma2 semaphore(%arg31 : memref<!tpu.dma_semaphore, #tpu.memory_space<semaphore_mem>>) src(%dma_wait3A_147 : memref<80xi32, #tpu.memory_space<hbm>>) dst(%arg11 : memref<80xi32, #tpu.memory_space<vmem>>)
        %dma_start3A = arith.constant 0 : i32
        %dma_start3A_148 = arith.constant 0 : i32
        %dma_start3A_149 = tpu.memref_slice %arg21[%dma_start3A, %dma_start3A_148] : memref<10000x128xf32, #tpu.memory_space<vmem_shared>> -> memref<10000x128xf32, #tpu.memory_space<vmem_shared>>
        tpu.enqueue_indirect_dma source(%arg15 : memref<80x128xf32, #tpu.memory_space<vmem>>) target(%dma_start3A_149 : memref<10000x128xf32, #tpu.memory_space<vmem_shared>>) offsets(%arg11 : memref<80xi32, #tpu.memory_space<vmem>>) semaphore(%arg27 : memref<!tpu.dma_semaphore, #tpu.memory_space<semaphore_mem>>) {add = true}
      } else {
      }
      %add3A_111 = arith.constant 3 : i32
      %add3A_112 = arith.addi %mul3A_20, %add3A_111 : i32
      %ge3A_113 = arith.constant 4 : i32
      %ge3A_114 = arith.cmpi sge, %add3A_112, %ge3A_113 : i32
      %lt3A_115 = arith.constant 129 : i32
      %lt3A_116 = arith.cmpi slt, %add3A_112, %lt3A_115 : i32
      %and3A_117 = arith.andi %ge3A_114, %lt3A_116 : i1
      %convert_element_type3A_118 = arith.extui %and3A_117 : i1 to i32
      %cond3A_119 = arith.constant 0 : i32
      %cond3A_120 = arith.cmpi ne, %convert_element_type3A_118, %cond3A_119 : i32
      scf.if %cond3A_120 {
        %dma_wait3A = arith.constant 0 : i32
        %dma_wait3A_142 = arith.constant 0 : i32
        %dma_wait3A_143 = tpu.memref_slice %arg21[%dma_wait3A, %dma_wait3A_142] : memref<10000x128xf32, #tpu.memory_space<vmem_shared>> -> memref<10000x128xf32, #tpu.memory_space<vmem_shared>>
        tpu.wait_indirect_dma semaphore(%arg30 : memref<!tpu.dma_semaphore, #tpu.memory_space<semaphore_mem>>) src(%arg18 : memref<80x128xf32, #tpu.memory_space<vmem>>) dst(%dma_wait3A_143 : memref<10000x128xf32, #tpu.memory_space<vmem_shared>>)
      } else {
      }
      %lt3A_121 = arith.constant 125 : i32
      %lt3A_122 = arith.cmpi slt, %add3A_112, %lt3A_121 : i32
      %convert_element_type3A_123 = arith.extui %lt3A_122 : i1 to i32
      %cond3A_124 = arith.constant 0 : i32
      %cond3A_125 = arith.cmpi ne, %convert_element_type3A_123, %cond3A_124 : i32
      scf.if %cond3A_125 {
        %mul3A_142 = arith.constant 80 : i32
        %mul3A_143 = arith.muli %add3A_112, %mul3A_142 : i32
        %add3A_144 = arith.addi %mul3A_6, %mul3A_143 : i32
        %multiple_of3A_145 = tpu.assume_multiple %add3A_144, 8 : i32
        %dma_start3A = tpu.memref_slice %arg3[%multiple_of3A_145] : memref<320000xi32, #tpu.memory_space<hbm>> -> memref<80xi32, #tpu.memory_space<hbm>>
        %dma_start3A_146 = tpu.memref_slice %arg3[%multiple_of3A_145] : memref<320000xi32, #tpu.memory_space<hbm>> -> memref<80xi32, #tpu.memory_space<hbm>>
        tpu.enqueue_dma source(%dma_start3A_146 : memref<80xi32, #tpu.memory_space<hbm>>) target(%arg10 : memref<80xi32, #tpu.memory_space<vmem>>) target_semaphore(%arg42 : memref<!tpu.dma_semaphore, #tpu.memory_space<semaphore_mem>>)
        %dma_start3A_147 = tpu.memref_slice %arg4[%multiple_of3A_145] : memref<320000xi32, #tpu.memory_space<hbm>> -> memref<80xi32, #tpu.memory_space<hbm>>
        %dma_start3A_148 = tpu.memref_slice %arg4[%multiple_of3A_145] : memref<320000xi32, #tpu.memory_space<hbm>> -> memref<80xi32, #tpu.memory_space<hbm>>
        tpu.enqueue_dma source(%dma_start3A_148 : memref<80xi32, #tpu.memory_space<hbm>>) target(%arg14 : memref<80xi32, #tpu.memory_space<vmem>>) target_semaphore(%arg34 : memref<!tpu.dma_semaphore, #tpu.memory_space<semaphore_mem>>)
      } else {
      }
      %ge3A_126 = arith.constant 1 : i32
      %ge3A_127 = arith.cmpi sge, %add3A_112, %ge3A_126 : i32
      %lt3A_128 = arith.constant 126 : i32
      %lt3A_129 = arith.cmpi slt, %add3A_112, %lt3A_128 : i32
      %and3A_130 = arith.andi %ge3A_127, %lt3A_129 : i1
      %convert_element_type3A_131 = arith.extui %and3A_130 : i1 to i32
      %cond3A_132 = arith.constant 0 : i32
      %cond3A_133 = arith.cmpi ne, %convert_element_type3A_131, %cond3A_132 : i32
      scf.if %cond3A_133 {
        %dma_wait3A = arith.constant 0 : i32
        %dma_wait3A_142 = tpu.memref_slice %arg3[%dma_wait3A] : memref<320000xi32, #tpu.memory_space<hbm>> -> memref<80xi32, #tpu.memory_space<hbm>>
        %dma_wait3A_143 = arith.constant 0 : i32
        %dma_wait3A_144 = tpu.memref_slice %arg3[%dma_wait3A_143] : memref<320000xi32, #tpu.memory_space<hbm>> -> memref<80xi32, #tpu.memory_space<hbm>>
        tpu.wait_dma2 semaphore(%arg41 : memref<!tpu.dma_semaphore, #tpu.memory_space<semaphore_mem>>) src(%dma_wait3A_144 : memref<80xi32, #tpu.memory_space<hbm>>) dst(%arg9 : memref<80xi32, #tpu.memory_space<vmem>>)
        %dma_start3A = arith.constant 0 : i32
        %dma_start3A_145 = arith.constant 0 : i32
        %dma_start3A_146 = tpu.memref_slice %arg2[%dma_start3A, %dma_start3A_145] : memref<10000x128xf32, #tpu.memory_space<hbm>> -> memref<10000x128xf32, #tpu.memory_space<hbm>>
        tpu.enqueue_indirect_dma source(%dma_start3A_146 : memref<10000x128xf32, #tpu.memory_space<hbm>>) target(%arg17 : memref<80x128xf32, #tpu.memory_space<vmem>>) offsets(%arg9 : memref<80xi32, #tpu.memory_space<vmem>>) semaphore(%arg25 : memref<!tpu.dma_semaphore, #tpu.memory_space<semaphore_mem>>)
      } else {
      }
      %ge3A_134 = arith.constant 2 : i32
      %ge3A_135 = arith.cmpi sge, %add3A_112, %ge3A_134 : i32
      %lt3A_136 = arith.constant 127 : i32
      %lt3A_137 = arith.cmpi slt, %add3A_112, %lt3A_136 : i32
      %and3A_138 = arith.andi %ge3A_135, %lt3A_137 : i1
      %convert_element_type3A_139 = arith.extui %and3A_138 : i1 to i32
      %cond3A_140 = arith.constant 0 : i32
      %cond3A_141 = arith.cmpi ne, %convert_element_type3A_139, %cond3A_140 : i32
      scf.if %cond3A_141 {
        %dma_wait3A = arith.constant 0 : i32
        %dma_wait3A_142 = arith.constant 0 : i32
        %dma_wait3A_143 = tpu.memref_slice %arg2[%dma_wait3A, %dma_wait3A_142] : memref<10000x128xf32, #tpu.memory_space<hbm>> -> memref<10000x128xf32, #tpu.memory_space<hbm>>
        tpu.wait_indirect_dma semaphore(%arg24 : memref<!tpu.dma_semaphore, #tpu.memory_space<semaphore_mem>>) src(%dma_wait3A_143 : memref<10000x128xf32, #tpu.memory_space<hbm>>) dst(%arg16 : memref<80x128xf32, #tpu.memory_space<vmem>>)
        %dma_wait3A_144 = arith.constant 0 : i32
        %dma_wait3A_145 = tpu.memref_slice %arg4[%dma_wait3A_144] : memref<320000xi32, #tpu.memory_space<hbm>> -> memref<80xi32, #tpu.memory_space<hbm>>
        %dma_wait3A_146 = arith.constant 0 : i32
        %dma_wait3A_147 = tpu.memref_slice %arg4[%dma_wait3A_146] : memref<320000xi32, #tpu.memory_space<hbm>> -> memref<80xi32, #tpu.memory_space<hbm>>
        tpu.wait_dma2 semaphore(%arg32 : memref<!tpu.dma_semaphore, #tpu.memory_space<semaphore_mem>>) src(%dma_wait3A_147 : memref<80xi32, #tpu.memory_space<hbm>>) dst(%arg12 : memref<80xi32, #tpu.memory_space<vmem>>)
        %dma_start3A = arith.constant 0 : i32
        %dma_start3A_148 = arith.constant 0 : i32
        %dma_start3A_149 = tpu.memref_slice %arg21[%dma_start3A, %dma_start3A_148] : memref<10000x128xf32, #tpu.memory_space<vmem_shared>> -> memref<10000x128xf32, #tpu.memory_space<vmem_shared>>
        tpu.enqueue_indirect_dma source(%arg16 : memref<80x128xf32, #tpu.memory_space<vmem>>) target(%dma_start3A_149 : memref<10000x128xf32, #tpu.memory_space<vmem_shared>>) offsets(%arg12 : memref<80xi32, #tpu.memory_space<vmem>>) semaphore(%arg28 : memref<!tpu.dma_semaphore, #tpu.memory_space<semaphore_mem>>) {add = true}
      } else {
      }
    }
    %scan3A_11 = arith.constant 33 : i32
    %barrier3A_12 = arith.constant 0 : index
    tpu.barrier barrier_id(%barrier3A_12)
    "tpu.region"() ({
      %run_scoped3A = tpu.sem_alloc : memref<!tpu.dma_semaphore, #tpu.memory_space<semaphore_mem>>
      %dma_start3A = arith.constant 0 : i32
      %dma_start3A_18 = tpu.memref_slice %arg6[%arg0, %multiple_of3A, %dma_start3A] : memref<2x10000x128xf32, #tpu.memory_space<hbm>> -> memref<1x624x128xf32, #tpu.memory_space<hbm>>
      %dma_start3A_19 = tpu.memref_squeeze %dma_start3A_18 : memref<1x624x128xf32, #tpu.memory_space<hbm>> -> memref<624x128xf32, #tpu.memory_space<hbm>>
      %dma_start3A_20 = arith.constant 0 : i32
      %dma_start3A_21 = tpu.memref_slice %arg21[%multiple_of3A, %dma_start3A_20] : memref<10000x128xf32, #tpu.memory_space<vmem_shared>> -> memref<624x128xf32, #tpu.memory_space<vmem_shared>>
      tpu.enqueue_dma source(%dma_start3A_21 : memref<624x128xf32, #tpu.memory_space<vmem_shared>>) target(%dma_start3A_19 : memref<624x128xf32, #tpu.memory_space<hbm>>) target_semaphore(%run_scoped3A : memref<!tpu.dma_semaphore, #tpu.memory_space<semaphore_mem>>)
      %dma_wait3A = arith.constant 0 : i32
      %dma_wait3A_22 = tpu.memref_slice %arg6[%arg0, %multiple_of3A, %dma_wait3A] : memref<2x10000x128xf32, #tpu.memory_space<hbm>> -> memref<1x624x128xf32, #tpu.memory_space<hbm>>
      %dma_wait3A_23 = tpu.memref_squeeze %dma_wait3A_22 : memref<1x624x128xf32, #tpu.memory_space<hbm>> -> memref<624x128xf32, #tpu.memory_space<hbm>>
      %dma_wait3A_24 = arith.constant 0 : i32
      %dma_wait3A_25 = tpu.memref_slice %arg21[%multiple_of3A, %dma_wait3A_24] : memref<10000x128xf32, #tpu.memory_space<vmem_shared>> -> memref<624x128xf32, #tpu.memory_space<vmem_shared>>
      tpu.wait_dma2 semaphore(%run_scoped3A : memref<!tpu.dma_semaphore, #tpu.memory_space<semaphore_mem>>) src(%dma_wait3A_25 : memref<624x128xf32, #tpu.memory_space<vmem_shared>>) dst(%dma_wait3A_23 : memref<624x128xf32, #tpu.memory_space<hbm>>)
      tpu.yield
    }) : () -> ()
    %eq3A_13 = arith.constant 0 : i32
    %eq3A_14 = arith.cmpi eq, %arg1, %eq3A_13 : i32
    %convert_element_type3A_15 = arith.extui %eq3A_14 : i1 to i32
    %cond3A_16 = arith.constant 0 : i32
    %cond3A_17 = arith.cmpi ne, %convert_element_type3A_15, %cond3A_16 : i32
    scf.if %cond3A_17 {
      "tpu.region"() ({
        %run_scoped3A = tpu.sem_alloc : memref<!tpu.dma_semaphore, #tpu.memory_space<semaphore_mem>>
        %dma_start3A = arith.constant 9984 : i32
        %dma_start3A_18 = arith.constant 0 : i32
        %dma_start3A_19 = tpu.memref_slice %arg6[%arg0, %dma_start3A, %dma_start3A_18] : memref<2x10000x128xf32, #tpu.memory_space<hbm>> -> memref<1x16x128xf32, #tpu.memory_space<hbm>>
        %dma_start3A_20 = tpu.memref_squeeze %dma_start3A_19 : memref<1x16x128xf32, #tpu.memory_space<hbm>> -> memref<16x128xf32, #tpu.memory_space<hbm>>
        %dma_start3A_21 = arith.constant 9984 : i32
        %dma_start3A_22 = arith.constant 0 : i32
        %dma_start3A_23 = tpu.memref_slice %arg21[%dma_start3A_21, %dma_start3A_22] : memref<10000x128xf32, #tpu.memory_space<vmem_shared>> -> memref<16x128xf32, #tpu.memory_space<vmem_shared>>
        tpu.enqueue_dma source(%dma_start3A_23 : memref<16x128xf32, #tpu.memory_space<vmem_shared>>) target(%dma_start3A_20 : memref<16x128xf32, #tpu.memory_space<hbm>>) target_semaphore(%run_scoped3A : memref<!tpu.dma_semaphore, #tpu.memory_space<semaphore_mem>>)
        %dma_wait3A = arith.constant 9984 : i32
        %dma_wait3A_24 = arith.constant 0 : i32
        %dma_wait3A_25 = tpu.memref_slice %arg6[%arg0, %dma_wait3A, %dma_wait3A_24] : memref<2x10000x128xf32, #tpu.memory_space<hbm>> -> memref<1x16x128xf32, #tpu.memory_space<hbm>>
        %dma_wait3A_26 = tpu.memref_squeeze %dma_wait3A_25 : memref<1x16x128xf32, #tpu.memory_space<hbm>> -> memref<16x128xf32, #tpu.memory_space<hbm>>
        %dma_wait3A_27 = arith.constant 9984 : i32
        %dma_wait3A_28 = arith.constant 0 : i32
        %dma_wait3A_29 = tpu.memref_slice %arg21[%dma_wait3A_27, %dma_wait3A_28] : memref<10000x128xf32, #tpu.memory_space<vmem_shared>> -> memref<16x128xf32, #tpu.memory_space<vmem_shared>>
        tpu.wait_dma2 semaphore(%run_scoped3A : memref<!tpu.dma_semaphore, #tpu.memory_space<semaphore_mem>>) src(%dma_wait3A_29 : memref<16x128xf32, #tpu.memory_space<vmem_shared>>) dst(%dma_wait3A_26 : memref<16x128xf32, #tpu.memory_space<hbm>>)
        tpu.yield
      }) : () -> ()
    } else {
    }
    return
  }
}

#map = affine_map<(d0, d1) -> (0, 0)>
#map1 = affine_map<(d0, d1) -> (0)>
#map2 = affine_map<(d0, d1) -> (0, 0, 0)>
module attributes {stable_mosaic.version = 14 : i64} {
  func.func @_sc_agg_body(%arg0: i32, %arg1: i32, %arg2: memref<10000x128xf32, #tpu.memory_space<hbm>>, %arg3: memref<320000xi32, #tpu.memory_space<hbm>>, %arg4: memref<320000xi32, #tpu.memory_space<hbm>>, %arg5: memref<10000x128xf32, #tpu.memory_space<hbm>>, %arg6: memref<2x10000x128xf32, #tpu.memory_space<hbm>>, %arg7: memref<80xi32, #tpu.memory_space<vmem>>, %arg8: memref<80xi32, #tpu.memory_space<vmem>>, %arg9: memref<80xi32, #tpu.memory_space<vmem>>, %arg10: memref<80xi32, #tpu.memory_space<vmem>>, %arg11: memref<80xi32, #tpu.memory_space<vmem>>, %arg12: memref<80xi32, #tpu.memory_space<vmem>>, %arg13: memref<80xi32, #tpu.memory_space<vmem>>, %arg14: memref<80xi32, #tpu.memory_space<vmem>>, %arg15: memref<80x128xf32, #tpu.memory_space<vmem>>, %arg16: memref<80x128xf32, #tpu.memory_space<vmem>>, %arg17: memref<80x128xf32, #tpu.memory_space<vmem>>, %arg18: memref<80x128xf32, #tpu.memory_space<vmem>>, %arg19: memref<80xf32, #tpu.memory_space<vmem>>, %arg20: memref<624xf32, #tpu.memory_space<vmem>>, %arg21: memref<10000x128xf32, #tpu.memory_space<vmem_shared>>, %arg22: memref<10000xf32, #tpu.memory_space<vmem_shared>>, %arg23: memref<!tpu.dma_semaphore, #tpu.memory_space<semaphore_mem>>, %arg24: memref<!tpu.dma_semaphore, #tpu.memory_space<semaphore_mem>>, %arg25: memref<!tpu.dma_semaphore, #tpu.memory_space<semaphore_mem>>, %arg26: memref<!tpu.dma_semaphore, #tpu.memory_space<semaphore_mem>>, %arg27: memref<!tpu.dma_semaphore, #tpu.memory_space<semaphore_mem>>, %arg28: memref<!tpu.dma_semaphore, #tpu.memory_space<semaphore_mem>>, %arg29: memref<!tpu.dma_semaphore, #tpu.memory_space<semaphore_mem>>, %arg30: memref<!tpu.dma_semaphore, #tpu.memory_space<semaphore_mem>>, %arg31: memref<!tpu.dma_semaphore, #tpu.memory_space<semaphore_mem>>, %arg32: memref<!tpu.dma_semaphore, #tpu.memory_space<semaphore_mem>>, %arg33: memref<!tpu.dma_semaphore, #tpu.memory_space<semaphore_mem>>, %arg34: memref<!tpu.dma_semaphore, #tpu.memory_space<semaphore_mem>>, %arg35: memref<!tpu.dma_semaphore, #tpu.memory_space<semaphore_mem>>, %arg36: memref<!tpu.dma_semaphore, #tpu.memory_space<semaphore_mem>>, %arg37: memref<!tpu.dma_semaphore, #tpu.memory_space<semaphore_mem>>, %arg38: memref<!tpu.dma_semaphore, #tpu.memory_space<semaphore_mem>>, %arg39: memref<!tpu.dma_semaphore, #tpu.memory_space<semaphore_mem>>, %arg40: memref<!tpu.dma_semaphore, #tpu.memory_space<semaphore_mem>>, %arg41: memref<!tpu.dma_semaphore, #tpu.memory_space<semaphore_mem>>, %arg42: memref<!tpu.dma_semaphore, #tpu.memory_space<semaphore_mem>>) attributes {dimension_semantics = [#tpu.dimension_semantics<core_parallel>, #tpu.dimension_semantics<subcore_parallel>], iteration_bounds = array<i64: 2, 16>, scalar_prefetch = 0 : i64, scratch_operands = 36 : i64, tpu.core_type = #tpu.core_type<sc_vector_subcore>, window_params = [{transform_indices = #map}, {transform_indices = #map1}, {transform_indices = #map1}, {transform_indices = #map}, {transform_indices = #map2}]} {
    %mul3A = arith.constant 624 : i32
    %mul3A_0 = arith.muli %arg1, %mul3A : i32
    %multiple_of3A = tpu.assume_multiple %mul3A_0, 8 : i32
    "tpu.region"() ({
      %run_scoped3A = tpu.sem_alloc : memref<!tpu.dma_semaphore, #tpu.memory_space<semaphore_mem>>
      %dma_start3A = arith.constant 0 : i32
      %dma_start3A_18 = tpu.memref_slice %arg21[%multiple_of3A, %dma_start3A] : memref<10000x128xf32, #tpu.memory_space<vmem_shared>> -> memref<624x128xf32, #tpu.memory_space<vmem_shared>>
      %dma_start3A_19 = arith.constant 0 : i32
      %dma_start3A_20 = tpu.memref_slice %arg5[%multiple_of3A, %dma_start3A_19] : memref<10000x128xf32, #tpu.memory_space<hbm>> -> memref<624x128xf32, #tpu.memory_space<hbm>>
      tpu.enqueue_dma source(%dma_start3A_20 : memref<624x128xf32, #tpu.memory_space<hbm>>) target(%dma_start3A_18 : memref<624x128xf32, #tpu.memory_space<vmem_shared>>) target_semaphore(%run_scoped3A : memref<!tpu.dma_semaphore, #tpu.memory_space<semaphore_mem>>)
      %dma_wait3A = arith.constant 0 : i32
      %dma_wait3A_21 = tpu.memref_slice %arg21[%multiple_of3A, %dma_wait3A] : memref<10000x128xf32, #tpu.memory_space<vmem_shared>> -> memref<624x128xf32, #tpu.memory_space<vmem_shared>>
      %dma_wait3A_22 = arith.constant 0 : i32
      %dma_wait3A_23 = tpu.memref_slice %arg5[%multiple_of3A, %dma_wait3A_22] : memref<10000x128xf32, #tpu.memory_space<hbm>> -> memref<624x128xf32, #tpu.memory_space<hbm>>
      tpu.wait_dma2 semaphore(%run_scoped3A : memref<!tpu.dma_semaphore, #tpu.memory_space<semaphore_mem>>) src(%dma_wait3A_23 : memref<624x128xf32, #tpu.memory_space<hbm>>) dst(%dma_wait3A_21 : memref<624x128xf32, #tpu.memory_space<vmem_shared>>)
      tpu.yield
    }) : () -> ()
    %eq3A = arith.constant 0 : i32
    %eq3A_1 = arith.cmpi eq, %arg1, %eq3A : i32
    %convert_element_type3A = arith.extui %eq3A_1 : i1 to i32
    %cond3A = arith.constant 0 : i32
    %cond3A_2 = arith.cmpi ne, %convert_element_type3A, %cond3A : i32
    scf.if %cond3A_2 {
      "tpu.region"() ({
        %run_scoped3A = tpu.sem_alloc : memref<!tpu.dma_semaphore, #tpu.memory_space<semaphore_mem>>
        %dma_start3A = arith.constant 9984 : i32
        %dma_start3A_18 = arith.constant 0 : i32
        %dma_start3A_19 = tpu.memref_slice %arg21[%dma_start3A, %dma_start3A_18] : memref<10000x128xf32, #tpu.memory_space<vmem_shared>> -> memref<16x128xf32, #tpu.memory_space<vmem_shared>>
        %dma_start3A_20 = arith.constant 9984 : i32
        %dma_start3A_21 = arith.constant 0 : i32
        %dma_start3A_22 = tpu.memref_slice %arg5[%dma_start3A_20, %dma_start3A_21] : memref<10000x128xf32, #tpu.memory_space<hbm>> -> memref<16x128xf32, #tpu.memory_space<hbm>>
        tpu.enqueue_dma source(%dma_start3A_22 : memref<16x128xf32, #tpu.memory_space<hbm>>) target(%dma_start3A_19 : memref<16x128xf32, #tpu.memory_space<vmem_shared>>) target_semaphore(%run_scoped3A : memref<!tpu.dma_semaphore, #tpu.memory_space<semaphore_mem>>)
        %dma_wait3A = arith.constant 9984 : i32
        %dma_wait3A_23 = arith.constant 0 : i32
        %dma_wait3A_24 = tpu.memref_slice %arg21[%dma_wait3A, %dma_wait3A_23] : memref<10000x128xf32, #tpu.memory_space<vmem_shared>> -> memref<16x128xf32, #tpu.memory_space<vmem_shared>>
        %dma_wait3A_25 = arith.constant 9984 : i32
        %dma_wait3A_26 = arith.constant 0 : i32
        %dma_wait3A_27 = tpu.memref_slice %arg5[%dma_wait3A_25, %dma_wait3A_26] : memref<10000x128xf32, #tpu.memory_space<hbm>> -> memref<16x128xf32, #tpu.memory_space<hbm>>
        tpu.wait_dma2 semaphore(%run_scoped3A : memref<!tpu.dma_semaphore, #tpu.memory_space<semaphore_mem>>) src(%dma_wait3A_27 : memref<16x128xf32, #tpu.memory_space<hbm>>) dst(%dma_wait3A_24 : memref<16x128xf32, #tpu.memory_space<vmem_shared>>)
        tpu.yield
      }) : () -> ()
    } else {
    }
    %barrier3A = arith.constant 0 : index
    tpu.barrier barrier_id(%barrier3A)
    %mul3A_3 = arith.constant 16 : i32
    %mul3A_4 = arith.muli %arg0, %mul3A_3 : i32
    %add3A = arith.addi %mul3A_4, %arg1 : i32
    %mul3A_5 = arith.constant 10000 : i32
    %mul3A_6 = arith.muli %add3A, %mul3A_5 : i32
    %scan3A = arith.constant 0 : i32
    %scan3A_7 = arith.constant 0 : i32
    %scan3A_8 = arith.constant 33 : i32
    %scan3A_9 = arith.addi %scan3A_7, %scan3A_8 : i32
    %scan3A_10 = arith.constant 1 : i32
    scf.for %scan3A_18 = %scan3A_7 to %scan3A_9 step %scan3A_10  : i32 {
      %mul3A_19 = arith.constant 4 : i32
      %mul3A_20 = arith.muli %scan3A_18, %mul3A_19 : i32
      %add3A_21 = arith.constant 0 : i32
      %add3A_22 = arith.addi %mul3A_20, %add3A_21 : i32
      %ge3A = arith.constant 4 : i32
      %ge3A_23 = arith.cmpi sge, %add3A_22, %ge3A : i32
      %lt3A = arith.constant 129 : i32
      %lt3A_24 = arith.cmpi slt, %add3A_22, %lt3A : i32
      %and3A = arith.andi %ge3A_23, %lt3A_24 : i1
      %convert_element_type3A_25 = arith.extui %and3A : i1 to i32
      %cond3A_26 = arith.constant 0 : i32
      %cond3A_27 = arith.cmpi ne, %convert_element_type3A_25, %cond3A_26 : i32
      scf.if %cond3A_27 {
        %dma_wait3A = arith.constant 0 : i32
        %dma_wait3A_142 = arith.constant 0 : i32
        %dma_wait3A_143 = tpu.memref_slice %arg21[%dma_wait3A, %dma_wait3A_142] : memref<10000x128xf32, #tpu.memory_space<vmem_shared>> -> memref<10000x128xf32, #tpu.memory_space<vmem_shared>>
        tpu.wait_indirect_dma semaphore(%arg27 : memref<!tpu.dma_semaphore, #tpu.memory_space<semaphore_mem>>) src(%arg15 : memref<80x128xf32, #tpu.memory_space<vmem>>) dst(%dma_wait3A_143 : memref<10000x128xf32, #tpu.memory_space<vmem_shared>>)
      } else {
      }
      %lt3A_28 = arith.constant 125 : i32
      %lt3A_29 = arith.cmpi slt, %add3A_22, %lt3A_28 : i32
      %convert_element_type3A_30 = arith.extui %lt3A_29 : i1 to i32
      %cond3A_31 = arith.constant 0 : i32
      %cond3A_32 = arith.cmpi ne, %convert_element_type3A_30, %cond3A_31 : i32
      scf.if %cond3A_32 {
        %mul3A_142 = arith.constant 80 : i32
        %mul3A_143 = arith.muli %add3A_22, %mul3A_142 : i32
        %add3A_144 = arith.addi %mul3A_6, %mul3A_143 : i32
        %multiple_of3A_145 = tpu.assume_multiple %add3A_144, 8 : i32
        %dma_start3A = tpu.memref_slice %arg3[%multiple_of3A_145] : memref<320000xi32, #tpu.memory_space<hbm>> -> memref<80xi32, #tpu.memory_space<hbm>>
        %dma_start3A_146 = tpu.memref_slice %arg3[%multiple_of3A_145] : memref<320000xi32, #tpu.memory_space<hbm>> -> memref<80xi32, #tpu.memory_space<hbm>>
        tpu.enqueue_dma source(%dma_start3A_146 : memref<80xi32, #tpu.memory_space<hbm>>) target(%arg7 : memref<80xi32, #tpu.memory_space<vmem>>) target_semaphore(%arg39 : memref<!tpu.dma_semaphore, #tpu.memory_space<semaphore_mem>>)
        %dma_start3A_147 = tpu.memref_slice %arg4[%multiple_of3A_145] : memref<320000xi32, #tpu.memory_space<hbm>> -> memref<80xi32, #tpu.memory_space<hbm>>
        %dma_start3A_148 = tpu.memref_slice %arg4[%multiple_of3A_145] : memref<320000xi32, #tpu.memory_space<hbm>> -> memref<80xi32, #tpu.memory_space<hbm>>
        tpu.enqueue_dma source(%dma_start3A_148 : memref<80xi32, #tpu.memory_space<hbm>>) target(%arg11 : memref<80xi32, #tpu.memory_space<vmem>>) target_semaphore(%arg31 : memref<!tpu.dma_semaphore, #tpu.memory_space<semaphore_mem>>)
      } else {
      }
      %ge3A_33 = arith.constant 1 : i32
      %ge3A_34 = arith.cmpi sge, %add3A_22, %ge3A_33 : i32
      %lt3A_35 = arith.constant 126 : i32
      %lt3A_36 = arith.cmpi slt, %add3A_22, %lt3A_35 : i32
      %and3A_37 = arith.andi %ge3A_34, %lt3A_36 : i1
      %convert_element_type3A_38 = arith.extui %and3A_37 : i1 to i32
      %cond3A_39 = arith.constant 0 : i32
      %cond3A_40 = arith.cmpi ne, %convert_element_type3A_38, %cond3A_39 : i32
      scf.if %cond3A_40 {
        %dma_wait3A = arith.constant 0 : i32
        %dma_wait3A_142 = tpu.memref_slice %arg3[%dma_wait3A] : memref<320000xi32, #tpu.memory_space<hbm>> -> memref<80xi32, #tpu.memory_space<hbm>>
        %dma_wait3A_143 = arith.constant 0 : i32
        %dma_wait3A_144 = tpu.memref_slice %arg3[%dma_wait3A_143] : memref<320000xi32, #tpu.memory_space<hbm>> -> memref<80xi32, #tpu.memory_space<hbm>>
        tpu.wait_dma2 semaphore(%arg42 : memref<!tpu.dma_semaphore, #tpu.memory_space<semaphore_mem>>) src(%dma_wait3A_144 : memref<80xi32, #tpu.memory_space<hbm>>) dst(%arg10 : memref<80xi32, #tpu.memory_space<vmem>>)
        %dma_start3A = arith.constant 0 : i32
        %dma_start3A_145 = arith.constant 0 : i32
        %dma_start3A_146 = tpu.memref_slice %arg2[%dma_start3A, %dma_start3A_145] : memref<10000x128xf32, #tpu.memory_space<hbm>> -> memref<10000x128xf32, #tpu.memory_space<hbm>>
        tpu.enqueue_indirect_dma source(%dma_start3A_146 : memref<10000x128xf32, #tpu.memory_space<hbm>>) target(%arg18 : memref<80x128xf32, #tpu.memory_space<vmem>>) offsets(%arg10 : memref<80xi32, #tpu.memory_space<vmem>>) semaphore(%arg26 : memref<!tpu.dma_semaphore, #tpu.memory_space<semaphore_mem>>)
      } else {
      }
      %ge3A_41 = arith.constant 2 : i32
      %ge3A_42 = arith.cmpi sge, %add3A_22, %ge3A_41 : i32
      %lt3A_43 = arith.constant 127 : i32
      %lt3A_44 = arith.cmpi slt, %add3A_22, %lt3A_43 : i32
      %and3A_45 = arith.andi %ge3A_42, %lt3A_44 : i1
      %convert_element_type3A_46 = arith.extui %and3A_45 : i1 to i32
      %cond3A_47 = arith.constant 0 : i32
      %cond3A_48 = arith.cmpi ne, %convert_element_type3A_46, %cond3A_47 : i32
      scf.if %cond3A_48 {
        %dma_wait3A = arith.constant 0 : i32
        %dma_wait3A_142 = arith.constant 0 : i32
        %dma_wait3A_143 = tpu.memref_slice %arg2[%dma_wait3A, %dma_wait3A_142] : memref<10000x128xf32, #tpu.memory_space<hbm>> -> memref<10000x128xf32, #tpu.memory_space<hbm>>
        tpu.wait_indirect_dma semaphore(%arg25 : memref<!tpu.dma_semaphore, #tpu.memory_space<semaphore_mem>>) src(%dma_wait3A_143 : memref<10000x128xf32, #tpu.memory_space<hbm>>) dst(%arg17 : memref<80x128xf32, #tpu.memory_space<vmem>>)
        %dma_wait3A_144 = arith.constant 0 : i32
        %dma_wait3A_145 = tpu.memref_slice %arg4[%dma_wait3A_144] : memref<320000xi32, #tpu.memory_space<hbm>> -> memref<80xi32, #tpu.memory_space<hbm>>
        %dma_wait3A_146 = arith.constant 0 : i32
        %dma_wait3A_147 = tpu.memref_slice %arg4[%dma_wait3A_146] : memref<320000xi32, #tpu.memory_space<hbm>> -> memref<80xi32, #tpu.memory_space<hbm>>
        tpu.wait_dma2 semaphore(%arg33 : memref<!tpu.dma_semaphore, #tpu.memory_space<semaphore_mem>>) src(%dma_wait3A_147 : memref<80xi32, #tpu.memory_space<hbm>>) dst(%arg13 : memref<80xi32, #tpu.memory_space<vmem>>)
        %dma_start3A = arith.constant 0 : i32
        %dma_start3A_148 = arith.constant 0 : i32
        %dma_start3A_149 = tpu.memref_slice %arg21[%dma_start3A, %dma_start3A_148] : memref<10000x128xf32, #tpu.memory_space<vmem_shared>> -> memref<10000x128xf32, #tpu.memory_space<vmem_shared>>
        tpu.enqueue_indirect_dma source(%arg17 : memref<80x128xf32, #tpu.memory_space<vmem>>) target(%dma_start3A_149 : memref<10000x128xf32, #tpu.memory_space<vmem_shared>>) offsets(%arg13 : memref<80xi32, #tpu.memory_space<vmem>>) semaphore(%arg29 : memref<!tpu.dma_semaphore, #tpu.memory_space<semaphore_mem>>) {add = true}
      } else {
      }
      %add3A_49 = arith.constant 1 : i32
      %add3A_50 = arith.addi %mul3A_20, %add3A_49 : i32
      %ge3A_51 = arith.constant 4 : i32
      %ge3A_52 = arith.cmpi sge, %add3A_50, %ge3A_51 : i32
      %lt3A_53 = arith.constant 129 : i32
      %lt3A_54 = arith.cmpi slt, %add3A_50, %lt3A_53 : i32
      %and3A_55 = arith.andi %ge3A_52, %lt3A_54 : i1
      %convert_element_type3A_56 = arith.extui %and3A_55 : i1 to i32
      %cond3A_57 = arith.constant 0 : i32
      %cond3A_58 = arith.cmpi ne, %convert_element_type3A_56, %cond3A_57 : i32
      scf.if %cond3A_58 {
        %dma_wait3A = arith.constant 0 : i32
        %dma_wait3A_142 = arith.constant 0 : i32
        %dma_wait3A_143 = tpu.memref_slice %arg21[%dma_wait3A, %dma_wait3A_142] : memref<10000x128xf32, #tpu.memory_space<vmem_shared>> -> memref<10000x128xf32, #tpu.memory_space<vmem_shared>>
        tpu.wait_indirect_dma semaphore(%arg28 : memref<!tpu.dma_semaphore, #tpu.memory_space<semaphore_mem>>) src(%arg16 : memref<80x128xf32, #tpu.memory_space<vmem>>) dst(%dma_wait3A_143 : memref<10000x128xf32, #tpu.memory_space<vmem_shared>>)
      } else {
      }
      %lt3A_59 = arith.constant 125 : i32
      %lt3A_60 = arith.cmpi slt, %add3A_50, %lt3A_59 : i32
      %convert_element_type3A_61 = arith.extui %lt3A_60 : i1 to i32
      %cond3A_62 = arith.constant 0 : i32
      %cond3A_63 = arith.cmpi ne, %convert_element_type3A_61, %cond3A_62 : i32
      scf.if %cond3A_63 {
        %mul3A_142 = arith.constant 80 : i32
        %mul3A_143 = arith.muli %add3A_50, %mul3A_142 : i32
        %add3A_144 = arith.addi %mul3A_6, %mul3A_143 : i32
        %multiple_of3A_145 = tpu.assume_multiple %add3A_144, 8 : i32
        %dma_start3A = tpu.memref_slice %arg3[%multiple_of3A_145] : memref<320000xi32, #tpu.memory_space<hbm>> -> memref<80xi32, #tpu.memory_space<hbm>>
        %dma_start3A_146 = tpu.memref_slice %arg3[%multiple_of3A_145] : memref<320000xi32, #tpu.memory_space<hbm>> -> memref<80xi32, #tpu.memory_space<hbm>>
        tpu.enqueue_dma source(%dma_start3A_146 : memref<80xi32, #tpu.memory_space<hbm>>) target(%arg8 : memref<80xi32, #tpu.memory_space<vmem>>) target_semaphore(%arg40 : memref<!tpu.dma_semaphore, #tpu.memory_space<semaphore_mem>>)
        %dma_start3A_147 = tpu.memref_slice %arg4[%multiple_of3A_145] : memref<320000xi32, #tpu.memory_space<hbm>> -> memref<80xi32, #tpu.memory_space<hbm>>
        %dma_start3A_148 = tpu.memref_slice %arg4[%multiple_of3A_145] : memref<320000xi32, #tpu.memory_space<hbm>> -> memref<80xi32, #tpu.memory_space<hbm>>
        tpu.enqueue_dma source(%dma_start3A_148 : memref<80xi32, #tpu.memory_space<hbm>>) target(%arg12 : memref<80xi32, #tpu.memory_space<vmem>>) target_semaphore(%arg32 : memref<!tpu.dma_semaphore, #tpu.memory_space<semaphore_mem>>)
      } else {
      }
      %ge3A_64 = arith.constant 1 : i32
      %ge3A_65 = arith.cmpi sge, %add3A_50, %ge3A_64 : i32
      %lt3A_66 = arith.constant 126 : i32
      %lt3A_67 = arith.cmpi slt, %add3A_50, %lt3A_66 : i32
      %and3A_68 = arith.andi %ge3A_65, %lt3A_67 : i1
      %convert_element_type3A_69 = arith.extui %and3A_68 : i1 to i32
      %cond3A_70 = arith.constant 0 : i32
      %cond3A_71 = arith.cmpi ne, %convert_element_type3A_69, %cond3A_70 : i32
      scf.if %cond3A_71 {
        %dma_wait3A = arith.constant 0 : i32
        %dma_wait3A_142 = tpu.memref_slice %arg3[%dma_wait3A] : memref<320000xi32, #tpu.memory_space<hbm>> -> memref<80xi32, #tpu.memory_space<hbm>>
        %dma_wait3A_143 = arith.constant 0 : i32
        %dma_wait3A_144 = tpu.memref_slice %arg3[%dma_wait3A_143] : memref<320000xi32, #tpu.memory_space<hbm>> -> memref<80xi32, #tpu.memory_space<hbm>>
        tpu.wait_dma2 semaphore(%arg39 : memref<!tpu.dma_semaphore, #tpu.memory_space<semaphore_mem>>) src(%dma_wait3A_144 : memref<80xi32, #tpu.memory_space<hbm>>) dst(%arg7 : memref<80xi32, #tpu.memory_space<vmem>>)
        %dma_start3A = arith.constant 0 : i32
        %dma_start3A_145 = arith.constant 0 : i32
        %dma_start3A_146 = tpu.memref_slice %arg2[%dma_start3A, %dma_start3A_145] : memref<10000x128xf32, #tpu.memory_space<hbm>> -> memref<10000x128xf32, #tpu.memory_space<hbm>>
        tpu.enqueue_indirect_dma source(%dma_start3A_146 : memref<10000x128xf32, #tpu.memory_space<hbm>>) target(%arg15 : memref<80x128xf32, #tpu.memory_space<vmem>>) offsets(%arg7 : memref<80xi32, #tpu.memory_space<vmem>>) semaphore(%arg23 : memref<!tpu.dma_semaphore, #tpu.memory_space<semaphore_mem>>)
      } else {
      }
      %ge3A_72 = arith.constant 2 : i32
      %ge3A_73 = arith.cmpi sge, %add3A_50, %ge3A_72 : i32
      %lt3A_74 = arith.constant 127 : i32
      %lt3A_75 = arith.cmpi slt, %add3A_50, %lt3A_74 : i32
      %and3A_76 = arith.andi %ge3A_73, %lt3A_75 : i1
      %convert_element_type3A_77 = arith.extui %and3A_76 : i1 to i32
      %cond3A_78 = arith.constant 0 : i32
      %cond3A_79 = arith.cmpi ne, %convert_element_type3A_77, %cond3A_78 : i32
      scf.if %cond3A_79 {
        %dma_wait3A = arith.constant 0 : i32
        %dma_wait3A_142 = arith.constant 0 : i32
        %dma_wait3A_143 = tpu.memref_slice %arg2[%dma_wait3A, %dma_wait3A_142] : memref<10000x128xf32, #tpu.memory_space<hbm>> -> memref<10000x128xf32, #tpu.memory_space<hbm>>
        tpu.wait_indirect_dma semaphore(%arg26 : memref<!tpu.dma_semaphore, #tpu.memory_space<semaphore_mem>>) src(%dma_wait3A_143 : memref<10000x128xf32, #tpu.memory_space<hbm>>) dst(%arg18 : memref<80x128xf32, #tpu.memory_space<vmem>>)
        %dma_wait3A_144 = arith.constant 0 : i32
        %dma_wait3A_145 = tpu.memref_slice %arg4[%dma_wait3A_144] : memref<320000xi32, #tpu.memory_space<hbm>> -> memref<80xi32, #tpu.memory_space<hbm>>
        %dma_wait3A_146 = arith.constant 0 : i32
        %dma_wait3A_147 = tpu.memref_slice %arg4[%dma_wait3A_146] : memref<320000xi32, #tpu.memory_space<hbm>> -> memref<80xi32, #tpu.memory_space<hbm>>
        tpu.wait_dma2 semaphore(%arg34 : memref<!tpu.dma_semaphore, #tpu.memory_space<semaphore_mem>>) src(%dma_wait3A_147 : memref<80xi32, #tpu.memory_space<hbm>>) dst(%arg14 : memref<80xi32, #tpu.memory_space<vmem>>)
        %dma_start3A = arith.constant 0 : i32
        %dma_start3A_148 = arith.constant 0 : i32
        %dma_start3A_149 = tpu.memref_slice %arg21[%dma_start3A, %dma_start3A_148] : memref<10000x128xf32, #tpu.memory_space<vmem_shared>> -> memref<10000x128xf32, #tpu.memory_space<vmem_shared>>
        tpu.enqueue_indirect_dma source(%arg18 : memref<80x128xf32, #tpu.memory_space<vmem>>) target(%dma_start3A_149 : memref<10000x128xf32, #tpu.memory_space<vmem_shared>>) offsets(%arg14 : memref<80xi32, #tpu.memory_space<vmem>>) semaphore(%arg30 : memref<!tpu.dma_semaphore, #tpu.memory_space<semaphore_mem>>) {add = true}
      } else {
      }
      %add3A_80 = arith.constant 2 : i32
      %add3A_81 = arith.addi %mul3A_20, %add3A_80 : i32
      %ge3A_82 = arith.constant 4 : i32
      %ge3A_83 = arith.cmpi sge, %add3A_81, %ge3A_82 : i32
      %lt3A_84 = arith.constant 129 : i32
      %lt3A_85 = arith.cmpi slt, %add3A_81, %lt3A_84 : i32
      %and3A_86 = arith.andi %ge3A_83, %lt3A_85 : i1
      %convert_element_type3A_87 = arith.extui %and3A_86 : i1 to i32
      %cond3A_88 = arith.constant 0 : i32
      %cond3A_89 = arith.cmpi ne, %convert_element_type3A_87, %cond3A_88 : i32
      scf.if %cond3A_89 {
        %dma_wait3A = arith.constant 0 : i32
        %dma_wait3A_142 = arith.constant 0 : i32
        %dma_wait3A_143 = tpu.memref_slice %arg21[%dma_wait3A, %dma_wait3A_142] : memref<10000x128xf32, #tpu.memory_space<vmem_shared>> -> memref<10000x128xf32, #tpu.memory_space<vmem_shared>>
        tpu.wait_indirect_dma semaphore(%arg29 : memref<!tpu.dma_semaphore, #tpu.memory_space<semaphore_mem>>) src(%arg17 : memref<80x128xf32, #tpu.memory_space<vmem>>) dst(%dma_wait3A_143 : memref<10000x128xf32, #tpu.memory_space<vmem_shared>>)
      } else {
      }
      %lt3A_90 = arith.constant 125 : i32
      %lt3A_91 = arith.cmpi slt, %add3A_81, %lt3A_90 : i32
      %convert_element_type3A_92 = arith.extui %lt3A_91 : i1 to i32
      %cond3A_93 = arith.constant 0 : i32
      %cond3A_94 = arith.cmpi ne, %convert_element_type3A_92, %cond3A_93 : i32
      scf.if %cond3A_94 {
        %mul3A_142 = arith.constant 80 : i32
        %mul3A_143 = arith.muli %add3A_81, %mul3A_142 : i32
        %add3A_144 = arith.addi %mul3A_6, %mul3A_143 : i32
        %multiple_of3A_145 = tpu.assume_multiple %add3A_144, 8 : i32
        %dma_start3A = tpu.memref_slice %arg3[%multiple_of3A_145] : memref<320000xi32, #tpu.memory_space<hbm>> -> memref<80xi32, #tpu.memory_space<hbm>>
        %dma_start3A_146 = tpu.memref_slice %arg3[%multiple_of3A_145] : memref<320000xi32, #tpu.memory_space<hbm>> -> memref<80xi32, #tpu.memory_space<hbm>>
        tpu.enqueue_dma source(%dma_start3A_146 : memref<80xi32, #tpu.memory_space<hbm>>) target(%arg9 : memref<80xi32, #tpu.memory_space<vmem>>) target_semaphore(%arg41 : memref<!tpu.dma_semaphore, #tpu.memory_space<semaphore_mem>>)
        %dma_start3A_147 = tpu.memref_slice %arg4[%multiple_of3A_145] : memref<320000xi32, #tpu.memory_space<hbm>> -> memref<80xi32, #tpu.memory_space<hbm>>
        %dma_start3A_148 = tpu.memref_slice %arg4[%multiple_of3A_145] : memref<320000xi32, #tpu.memory_space<hbm>> -> memref<80xi32, #tpu.memory_space<hbm>>
        tpu.enqueue_dma source(%dma_start3A_148 : memref<80xi32, #tpu.memory_space<hbm>>) target(%arg13 : memref<80xi32, #tpu.memory_space<vmem>>) target_semaphore(%arg33 : memref<!tpu.dma_semaphore, #tpu.memory_space<semaphore_mem>>)
      } else {
      }
      %ge3A_95 = arith.constant 1 : i32
      %ge3A_96 = arith.cmpi sge, %add3A_81, %ge3A_95 : i32
      %lt3A_97 = arith.constant 126 : i32
      %lt3A_98 = arith.cmpi slt, %add3A_81, %lt3A_97 : i32
      %and3A_99 = arith.andi %ge3A_96, %lt3A_98 : i1
      %convert_element_type3A_100 = arith.extui %and3A_99 : i1 to i32
      %cond3A_101 = arith.constant 0 : i32
      %cond3A_102 = arith.cmpi ne, %convert_element_type3A_100, %cond3A_101 : i32
      scf.if %cond3A_102 {
        %dma_wait3A = arith.constant 0 : i32
        %dma_wait3A_142 = tpu.memref_slice %arg3[%dma_wait3A] : memref<320000xi32, #tpu.memory_space<hbm>> -> memref<80xi32, #tpu.memory_space<hbm>>
        %dma_wait3A_143 = arith.constant 0 : i32
        %dma_wait3A_144 = tpu.memref_slice %arg3[%dma_wait3A_143] : memref<320000xi32, #tpu.memory_space<hbm>> -> memref<80xi32, #tpu.memory_space<hbm>>
        tpu.wait_dma2 semaphore(%arg40 : memref<!tpu.dma_semaphore, #tpu.memory_space<semaphore_mem>>) src(%dma_wait3A_144 : memref<80xi32, #tpu.memory_space<hbm>>) dst(%arg8 : memref<80xi32, #tpu.memory_space<vmem>>)
        %dma_start3A = arith.constant 0 : i32
        %dma_start3A_145 = arith.constant 0 : i32
        %dma_start3A_146 = tpu.memref_slice %arg2[%dma_start3A, %dma_start3A_145] : memref<10000x128xf32, #tpu.memory_space<hbm>> -> memref<10000x128xf32, #tpu.memory_space<hbm>>
        tpu.enqueue_indirect_dma source(%dma_start3A_146 : memref<10000x128xf32, #tpu.memory_space<hbm>>) target(%arg16 : memref<80x128xf32, #tpu.memory_space<vmem>>) offsets(%arg8 : memref<80xi32, #tpu.memory_space<vmem>>) semaphore(%arg24 : memref<!tpu.dma_semaphore, #tpu.memory_space<semaphore_mem>>)
      } else {
      }
      %ge3A_103 = arith.constant 2 : i32
      %ge3A_104 = arith.cmpi sge, %add3A_81, %ge3A_103 : i32
      %lt3A_105 = arith.constant 127 : i32
      %lt3A_106 = arith.cmpi slt, %add3A_81, %lt3A_105 : i32
      %and3A_107 = arith.andi %ge3A_104, %lt3A_106 : i1
      %convert_element_type3A_108 = arith.extui %and3A_107 : i1 to i32
      %cond3A_109 = arith.constant 0 : i32
      %cond3A_110 = arith.cmpi ne, %convert_element_type3A_108, %cond3A_109 : i32
      scf.if %cond3A_110 {
        %dma_wait3A = arith.constant 0 : i32
        %dma_wait3A_142 = arith.constant 0 : i32
        %dma_wait3A_143 = tpu.memref_slice %arg2[%dma_wait3A, %dma_wait3A_142] : memref<10000x128xf32, #tpu.memory_space<hbm>> -> memref<10000x128xf32, #tpu.memory_space<hbm>>
        tpu.wait_indirect_dma semaphore(%arg23 : memref<!tpu.dma_semaphore, #tpu.memory_space<semaphore_mem>>) src(%dma_wait3A_143 : memref<10000x128xf32, #tpu.memory_space<hbm>>) dst(%arg15 : memref<80x128xf32, #tpu.memory_space<vmem>>)
        %dma_wait3A_144 = arith.constant 0 : i32
        %dma_wait3A_145 = tpu.memref_slice %arg4[%dma_wait3A_144] : memref<320000xi32, #tpu.memory_space<hbm>> -> memref<80xi32, #tpu.memory_space<hbm>>
        %dma_wait3A_146 = arith.constant 0 : i32
        %dma_wait3A_147 = tpu.memref_slice %arg4[%dma_wait3A_146] : memref<320000xi32, #tpu.memory_space<hbm>> -> memref<80xi32, #tpu.memory_space<hbm>>
        tpu.wait_dma2 semaphore(%arg31 : memref<!tpu.dma_semaphore, #tpu.memory_space<semaphore_mem>>) src(%dma_wait3A_147 : memref<80xi32, #tpu.memory_space<hbm>>) dst(%arg11 : memref<80xi32, #tpu.memory_space<vmem>>)
        %dma_start3A = arith.constant 0 : i32
        %dma_start3A_148 = arith.constant 0 : i32
        %dma_start3A_149 = tpu.memref_slice %arg21[%dma_start3A, %dma_start3A_148] : memref<10000x128xf32, #tpu.memory_space<vmem_shared>> -> memref<10000x128xf32, #tpu.memory_space<vmem_shared>>
        tpu.enqueue_indirect_dma source(%arg15 : memref<80x128xf32, #tpu.memory_space<vmem>>) target(%dma_start3A_149 : memref<10000x128xf32, #tpu.memory_space<vmem_shared>>) offsets(%arg11 : memref<80xi32, #tpu.memory_space<vmem>>) semaphore(%arg27 : memref<!tpu.dma_semaphore, #tpu.memory_space<semaphore_mem>>) {add = true}
      } else {
      }
      %add3A_111 = arith.constant 3 : i32
      %add3A_112 = arith.addi %mul3A_20, %add3A_111 : i32
      %ge3A_113 = arith.constant 4 : i32
      %ge3A_114 = arith.cmpi sge, %add3A_112, %ge3A_113 : i32
      %lt3A_115 = arith.constant 129 : i32
      %lt3A_116 = arith.cmpi slt, %add3A_112, %lt3A_115 : i32
      %and3A_117 = arith.andi %ge3A_114, %lt3A_116 : i1
      %convert_element_type3A_118 = arith.extui %and3A_117 : i1 to i32
      %cond3A_119 = arith.constant 0 : i32
      %cond3A_120 = arith.cmpi ne, %convert_element_type3A_118, %cond3A_119 : i32
      scf.if %cond3A_120 {
        %dma_wait3A = arith.constant 0 : i32
        %dma_wait3A_142 = arith.constant 0 : i32
        %dma_wait3A_143 = tpu.memref_slice %arg21[%dma_wait3A, %dma_wait3A_142] : memref<10000x128xf32, #tpu.memory_space<vmem_shared>> -> memref<10000x128xf32, #tpu.memory_space<vmem_shared>>
        tpu.wait_indirect_dma semaphore(%arg30 : memref<!tpu.dma_semaphore, #tpu.memory_space<semaphore_mem>>) src(%arg18 : memref<80x128xf32, #tpu.memory_space<vmem>>) dst(%dma_wait3A_143 : memref<10000x128xf32, #tpu.memory_space<vmem_shared>>)
      } else {
      }
      %lt3A_121 = arith.constant 125 : i32
      %lt3A_122 = arith.cmpi slt, %add3A_112, %lt3A_121 : i32
      %convert_element_type3A_123 = arith.extui %lt3A_122 : i1 to i32
      %cond3A_124 = arith.constant 0 : i32
      %cond3A_125 = arith.cmpi ne, %convert_element_type3A_123, %cond3A_124 : i32
      scf.if %cond3A_125 {
        %mul3A_142 = arith.constant 80 : i32
        %mul3A_143 = arith.muli %add3A_112, %mul3A_142 : i32
        %add3A_144 = arith.addi %mul3A_6, %mul3A_143 : i32
        %multiple_of3A_145 = tpu.assume_multiple %add3A_144, 8 : i32
        %dma_start3A = tpu.memref_slice %arg3[%multiple_of3A_145] : memref<320000xi32, #tpu.memory_space<hbm>> -> memref<80xi32, #tpu.memory_space<hbm>>
        %dma_start3A_146 = tpu.memref_slice %arg3[%multiple_of3A_145] : memref<320000xi32, #tpu.memory_space<hbm>> -> memref<80xi32, #tpu.memory_space<hbm>>
        tpu.enqueue_dma source(%dma_start3A_146 : memref<80xi32, #tpu.memory_space<hbm>>) target(%arg10 : memref<80xi32, #tpu.memory_space<vmem>>) target_semaphore(%arg42 : memref<!tpu.dma_semaphore, #tpu.memory_space<semaphore_mem>>)
        %dma_start3A_147 = tpu.memref_slice %arg4[%multiple_of3A_145] : memref<320000xi32, #tpu.memory_space<hbm>> -> memref<80xi32, #tpu.memory_space<hbm>>
        %dma_start3A_148 = tpu.memref_slice %arg4[%multiple_of3A_145] : memref<320000xi32, #tpu.memory_space<hbm>> -> memref<80xi32, #tpu.memory_space<hbm>>
        tpu.enqueue_dma source(%dma_start3A_148 : memref<80xi32, #tpu.memory_space<hbm>>) target(%arg14 : memref<80xi32, #tpu.memory_space<vmem>>) target_semaphore(%arg34 : memref<!tpu.dma_semaphore, #tpu.memory_space<semaphore_mem>>)
      } else {
      }
      %ge3A_126 = arith.constant 1 : i32
      %ge3A_127 = arith.cmpi sge, %add3A_112, %ge3A_126 : i32
      %lt3A_128 = arith.constant 126 : i32
      %lt3A_129 = arith.cmpi slt, %add3A_112, %lt3A_128 : i32
      %and3A_130 = arith.andi %ge3A_127, %lt3A_129 : i1
      %convert_element_type3A_131 = arith.extui %and3A_130 : i1 to i32
      %cond3A_132 = arith.constant 0 : i32
      %cond3A_133 = arith.cmpi ne, %convert_element_type3A_131, %cond3A_132 : i32
      scf.if %cond3A_133 {
        %dma_wait3A = arith.constant 0 : i32
        %dma_wait3A_142 = tpu.memref_slice %arg3[%dma_wait3A] : memref<320000xi32, #tpu.memory_space<hbm>> -> memref<80xi32, #tpu.memory_space<hbm>>
        %dma_wait3A_143 = arith.constant 0 : i32
        %dma_wait3A_144 = tpu.memref_slice %arg3[%dma_wait3A_143] : memref<320000xi32, #tpu.memory_space<hbm>> -> memref<80xi32, #tpu.memory_space<hbm>>
        tpu.wait_dma2 semaphore(%arg41 : memref<!tpu.dma_semaphore, #tpu.memory_space<semaphore_mem>>) src(%dma_wait3A_144 : memref<80xi32, #tpu.memory_space<hbm>>) dst(%arg9 : memref<80xi32, #tpu.memory_space<vmem>>)
        %dma_start3A = arith.constant 0 : i32
        %dma_start3A_145 = arith.constant 0 : i32
        %dma_start3A_146 = tpu.memref_slice %arg2[%dma_start3A, %dma_start3A_145] : memref<10000x128xf32, #tpu.memory_space<hbm>> -> memref<10000x128xf32, #tpu.memory_space<hbm>>
        tpu.enqueue_indirect_dma source(%dma_start3A_146 : memref<10000x128xf32, #tpu.memory_space<hbm>>) target(%arg17 : memref<80x128xf32, #tpu.memory_space<vmem>>) offsets(%arg9 : memref<80xi32, #tpu.memory_space<vmem>>) semaphore(%arg25 : memref<!tpu.dma_semaphore, #tpu.memory_space<semaphore_mem>>)
      } else {
      }
      %ge3A_134 = arith.constant 2 : i32
      %ge3A_135 = arith.cmpi sge, %add3A_112, %ge3A_134 : i32
      %lt3A_136 = arith.constant 127 : i32
      %lt3A_137 = arith.cmpi slt, %add3A_112, %lt3A_136 : i32
      %and3A_138 = arith.andi %ge3A_135, %lt3A_137 : i1
      %convert_element_type3A_139 = arith.extui %and3A_138 : i1 to i32
      %cond3A_140 = arith.constant 0 : i32
      %cond3A_141 = arith.cmpi ne, %convert_element_type3A_139, %cond3A_140 : i32
      scf.if %cond3A_141 {
        %dma_wait3A = arith.constant 0 : i32
        %dma_wait3A_142 = arith.constant 0 : i32
        %dma_wait3A_143 = tpu.memref_slice %arg2[%dma_wait3A, %dma_wait3A_142] : memref<10000x128xf32, #tpu.memory_space<hbm>> -> memref<10000x128xf32, #tpu.memory_space<hbm>>
        tpu.wait_indirect_dma semaphore(%arg24 : memref<!tpu.dma_semaphore, #tpu.memory_space<semaphore_mem>>) src(%dma_wait3A_143 : memref<10000x128xf32, #tpu.memory_space<hbm>>) dst(%arg16 : memref<80x128xf32, #tpu.memory_space<vmem>>)
        %dma_wait3A_144 = arith.constant 0 : i32
        %dma_wait3A_145 = tpu.memref_slice %arg4[%dma_wait3A_144] : memref<320000xi32, #tpu.memory_space<hbm>> -> memref<80xi32, #tpu.memory_space<hbm>>
        %dma_wait3A_146 = arith.constant 0 : i32
        %dma_wait3A_147 = tpu.memref_slice %arg4[%dma_wait3A_146] : memref<320000xi32, #tpu.memory_space<hbm>> -> memref<80xi32, #tpu.memory_space<hbm>>
        tpu.wait_dma2 semaphore(%arg32 : memref<!tpu.dma_semaphore, #tpu.memory_space<semaphore_mem>>) src(%dma_wait3A_147 : memref<80xi32, #tpu.memory_space<hbm>>) dst(%arg12 : memref<80xi32, #tpu.memory_space<vmem>>)
        %dma_start3A = arith.constant 0 : i32
        %dma_start3A_148 = arith.constant 0 : i32
        %dma_start3A_149 = tpu.memref_slice %arg21[%dma_start3A, %dma_start3A_148] : memref<10000x128xf32, #tpu.memory_space<vmem_shared>> -> memref<10000x128xf32, #tpu.memory_space<vmem_shared>>
        tpu.enqueue_indirect_dma source(%arg16 : memref<80x128xf32, #tpu.memory_space<vmem>>) target(%dma_start3A_149 : memref<10000x128xf32, #tpu.memory_space<vmem_shared>>) offsets(%arg12 : memref<80xi32, #tpu.memory_space<vmem>>) semaphore(%arg28 : memref<!tpu.dma_semaphore, #tpu.memory_space<semaphore_mem>>) {add = true}
      } else {
      }
    }
    %scan3A_11 = arith.constant 33 : i32
    %barrier3A_12 = arith.constant 0 : index
    tpu.barrier barrier_id(%barrier3A_12)
    "tpu.region"() ({
      %run_scoped3A = tpu.sem_alloc : memref<!tpu.dma_semaphore, #tpu.memory_space<semaphore_mem>>
      %dma_start3A = arith.constant 0 : i32
      %dma_start3A_18 = tpu.memref_slice %arg6[%arg0, %multiple_of3A, %dma_start3A] : memref<2x10000x128xf32, #tpu.memory_space<hbm>> -> memref<1x624x128xf32, #tpu.memory_space<hbm>>
      %dma_start3A_19 = tpu.memref_squeeze %dma_start3A_18 : memref<1x624x128xf32, #tpu.memory_space<hbm>> -> memref<624x128xf32, #tpu.memory_space<hbm>>
      %dma_start3A_20 = arith.constant 0 : i32
      %dma_start3A_21 = tpu.memref_slice %arg21[%multiple_of3A, %dma_start3A_20] : memref<10000x128xf32, #tpu.memory_space<vmem_shared>> -> memref<624x128xf32, #tpu.memory_space<vmem_shared>>
      tpu.enqueue_dma source(%dma_start3A_21 : memref<624x128xf32, #tpu.memory_space<vmem_shared>>) target(%dma_start3A_19 : memref<624x128xf32, #tpu.memory_space<hbm>>) target_semaphore(%run_scoped3A : memref<!tpu.dma_semaphore, #tpu.memory_space<semaphore_mem>>)
      %dma_wait3A = arith.constant 0 : i32
      %dma_wait3A_22 = tpu.memref_slice %arg6[%arg0, %multiple_of3A, %dma_wait3A] : memref<2x10000x128xf32, #tpu.memory_space<hbm>> -> memref<1x624x128xf32, #tpu.memory_space<hbm>>
      %dma_wait3A_23 = tpu.memref_squeeze %dma_wait3A_22 : memref<1x624x128xf32, #tpu.memory_space<hbm>> -> memref<624x128xf32, #tpu.memory_space<hbm>>
      %dma_wait3A_24 = arith.constant 0 : i32
      %dma_wait3A_25 = tpu.memref_slice %arg21[%multiple_of3A, %dma_wait3A_24] : memref<10000x128xf32, #tpu.memory_space<vmem_shared>> -> memref<624x128xf32, #tpu.memory_space<vmem_shared>>
      tpu.wait_dma2 semaphore(%run_scoped3A : memref<!tpu.dma_semaphore, #tpu.memory_space<semaphore_mem>>) src(%dma_wait3A_25 : memref<624x128xf32, #tpu.memory_space<vmem_shared>>) dst(%dma_wait3A_23 : memref<624x128xf32, #tpu.memory_space<hbm>>)
      tpu.yield
    }) : () -> ()
    %eq3A_13 = arith.constant 0 : i32
    %eq3A_14 = arith.cmpi eq, %arg1, %eq3A_13 : i32
    %convert_element_type3A_15 = arith.extui %eq3A_14 : i1 to i32
    %cond3A_16 = arith.constant 0 : i32
    %cond3A_17 = arith.cmpi ne, %convert_element_type3A_15, %cond3A_16 : i32
    scf.if %cond3A_17 {
      "tpu.region"() ({
        %run_scoped3A = tpu.sem_alloc : memref<!tpu.dma_semaphore, #tpu.memory_space<semaphore_mem>>
        %dma_start3A = arith.constant 9984 : i32
        %dma_start3A_18 = arith.constant 0 : i32
        %dma_start3A_19 = tpu.memref_slice %arg6[%arg0, %dma_start3A, %dma_start3A_18] : memref<2x10000x128xf32, #tpu.memory_space<hbm>> -> memref<1x16x128xf32, #tpu.memory_space<hbm>>
        %dma_start3A_20 = tpu.memref_squeeze %dma_start3A_19 : memref<1x16x128xf32, #tpu.memory_space<hbm>> -> memref<16x128xf32, #tpu.memory_space<hbm>>
        %dma_start3A_21 = arith.constant 9984 : i32
        %dma_start3A_22 = arith.constant 0 : i32
        %dma_start3A_23 = tpu.memref_slice %arg21[%dma_start3A_21, %dma_start3A_22] : memref<10000x128xf32, #tpu.memory_space<vmem_shared>> -> memref<16x128xf32, #tpu.memory_space<vmem_shared>>
        tpu.enqueue_dma source(%dma_start3A_23 : memref<16x128xf32, #tpu.memory_space<vmem_shared>>) target(%dma_start3A_20 : memref<16x128xf32, #tpu.memory_space<hbm>>) target_semaphore(%run_scoped3A : memref<!tpu.dma_semaphore, #tpu.memory_space<semaphore_mem>>)
        %dma_wait3A = arith.constant 9984 : i32
        %dma_wait3A_24 = arith.constant 0 : i32
        %dma_wait3A_25 = tpu.memref_slice %arg6[%arg0, %dma_wait3A, %dma_wait3A_24] : memref<2x10000x128xf32, #tpu.memory_space<hbm>> -> memref<1x16x128xf32, #tpu.memory_space<hbm>>
        %dma_wait3A_26 = tpu.memref_squeeze %dma_wait3A_25 : memref<1x16x128xf32, #tpu.memory_space<hbm>> -> memref<16x128xf32, #tpu.memory_space<hbm>>
        %dma_wait3A_27 = arith.constant 9984 : i32
        %dma_wait3A_28 = arith.constant 0 : i32
        %dma_wait3A_29 = tpu.memref_slice %arg21[%dma_wait3A_27, %dma_wait3A_28] : memref<10000x128xf32, #tpu.memory_space<vmem_shared>> -> memref<16x128xf32, #tpu.memory_space<vmem_shared>>
        tpu.wait_dma2 semaphore(%run_scoped3A : memref<!tpu.dma_semaphore, #tpu.memory_space<semaphore_mem>>) src(%dma_wait3A_29 : memref<16x128xf32, #tpu.memory_space<vmem_shared>>) dst(%dma_wait3A_26 : memref<16x128xf32, #tpu.memory_space<hbm>>)
        tpu.yield
      }) : () -> ()
    } else {
    }
    return
  }
}

#map = affine_map<(d0, d1) -> (0, 0)>
#map1 = affine_map<(d0, d1) -> (0)>
#map2 = affine_map<(d0, d1) -> (0, 0, 0)>
module attributes {stable_mosaic.version = 14 : i64} {
  func.func @_sc_agg_body(%arg0: i32, %arg1: i32, %arg2: memref<10000x128xf32, #tpu.memory_space<hbm>>, %arg3: memref<320000xi32, #tpu.memory_space<hbm>>, %arg4: memref<320000xi32, #tpu.memory_space<hbm>>, %arg5: memref<10000x128xf32, #tpu.memory_space<hbm>>, %arg6: memref<2x10000x128xf32, #tpu.memory_space<hbm>>, %arg7: memref<80xi32, #tpu.memory_space<vmem>>, %arg8: memref<80xi32, #tpu.memory_space<vmem>>, %arg9: memref<80xi32, #tpu.memory_space<vmem>>, %arg10: memref<80xi32, #tpu.memory_space<vmem>>, %arg11: memref<80xi32, #tpu.memory_space<vmem>>, %arg12: memref<80xi32, #tpu.memory_space<vmem>>, %arg13: memref<80xi32, #tpu.memory_space<vmem>>, %arg14: memref<80xi32, #tpu.memory_space<vmem>>, %arg15: memref<80x128xf32, #tpu.memory_space<vmem>>, %arg16: memref<80x128xf32, #tpu.memory_space<vmem>>, %arg17: memref<80x128xf32, #tpu.memory_space<vmem>>, %arg18: memref<80x128xf32, #tpu.memory_space<vmem>>, %arg19: memref<80xf32, #tpu.memory_space<vmem>>, %arg20: memref<624xf32, #tpu.memory_space<vmem>>, %arg21: memref<10000x128xf32, #tpu.memory_space<vmem_shared>>, %arg22: memref<10000xf32, #tpu.memory_space<vmem_shared>>, %arg23: memref<!tpu.dma_semaphore, #tpu.memory_space<semaphore_mem>>, %arg24: memref<!tpu.dma_semaphore, #tpu.memory_space<semaphore_mem>>, %arg25: memref<!tpu.dma_semaphore, #tpu.memory_space<semaphore_mem>>, %arg26: memref<!tpu.dma_semaphore, #tpu.memory_space<semaphore_mem>>, %arg27: memref<!tpu.dma_semaphore, #tpu.memory_space<semaphore_mem>>, %arg28: memref<!tpu.dma_semaphore, #tpu.memory_space<semaphore_mem>>, %arg29: memref<!tpu.dma_semaphore, #tpu.memory_space<semaphore_mem>>, %arg30: memref<!tpu.dma_semaphore, #tpu.memory_space<semaphore_mem>>, %arg31: memref<!tpu.dma_semaphore, #tpu.memory_space<semaphore_mem>>, %arg32: memref<!tpu.dma_semaphore, #tpu.memory_space<semaphore_mem>>, %arg33: memref<!tpu.dma_semaphore, #tpu.memory_space<semaphore_mem>>, %arg34: memref<!tpu.dma_semaphore, #tpu.memory_space<semaphore_mem>>, %arg35: memref<!tpu.dma_semaphore, #tpu.memory_space<semaphore_mem>>, %arg36: memref<!tpu.dma_semaphore, #tpu.memory_space<semaphore_mem>>, %arg37: memref<!tpu.dma_semaphore, #tpu.memory_space<semaphore_mem>>, %arg38: memref<!tpu.dma_semaphore, #tpu.memory_space<semaphore_mem>>, %arg39: memref<!tpu.dma_semaphore, #tpu.memory_space<semaphore_mem>>, %arg40: memref<!tpu.dma_semaphore, #tpu.memory_space<semaphore_mem>>, %arg41: memref<!tpu.dma_semaphore, #tpu.memory_space<semaphore_mem>>, %arg42: memref<!tpu.dma_semaphore, #tpu.memory_space<semaphore_mem>>) attributes {dimension_semantics = [#tpu.dimension_semantics<core_parallel>, #tpu.dimension_semantics<subcore_parallel>], iteration_bounds = array<i64: 2, 16>, scalar_prefetch = 0 : i64, scratch_operands = 36 : i64, tpu.core_type = #tpu.core_type<sc_vector_subcore>, window_params = [{transform_indices = #map}, {transform_indices = #map1}, {transform_indices = #map1}, {transform_indices = #map}, {transform_indices = #map2}]} {
    %mul3A = arith.constant 624 : i32
    %mul3A_0 = arith.muli %arg1, %mul3A : i32
    %multiple_of3A = tpu.assume_multiple %mul3A_0, 8 : i32
    "tpu.region"() ({
      %run_scoped3A = tpu.sem_alloc : memref<!tpu.dma_semaphore, #tpu.memory_space<semaphore_mem>>
      %dma_start3A = arith.constant 0 : i32
      %dma_start3A_18 = tpu.memref_slice %arg21[%multiple_of3A, %dma_start3A] : memref<10000x128xf32, #tpu.memory_space<vmem_shared>> -> memref<624x128xf32, #tpu.memory_space<vmem_shared>>
      %dma_start3A_19 = arith.constant 0 : i32
      %dma_start3A_20 = tpu.memref_slice %arg5[%multiple_of3A, %dma_start3A_19] : memref<10000x128xf32, #tpu.memory_space<hbm>> -> memref<624x128xf32, #tpu.memory_space<hbm>>
      tpu.enqueue_dma source(%dma_start3A_20 : memref<624x128xf32, #tpu.memory_space<hbm>>) target(%dma_start3A_18 : memref<624x128xf32, #tpu.memory_space<vmem_shared>>) target_semaphore(%run_scoped3A : memref<!tpu.dma_semaphore, #tpu.memory_space<semaphore_mem>>)
      %dma_wait3A = arith.constant 0 : i32
      %dma_wait3A_21 = tpu.memref_slice %arg21[%multiple_of3A, %dma_wait3A] : memref<10000x128xf32, #tpu.memory_space<vmem_shared>> -> memref<624x128xf32, #tpu.memory_space<vmem_shared>>
      %dma_wait3A_22 = arith.constant 0 : i32
      %dma_wait3A_23 = tpu.memref_slice %arg5[%multiple_of3A, %dma_wait3A_22] : memref<10000x128xf32, #tpu.memory_space<hbm>> -> memref<624x128xf32, #tpu.memory_space<hbm>>
      tpu.wait_dma2 semaphore(%run_scoped3A : memref<!tpu.dma_semaphore, #tpu.memory_space<semaphore_mem>>) src(%dma_wait3A_23 : memref<624x128xf32, #tpu.memory_space<hbm>>) dst(%dma_wait3A_21 : memref<624x128xf32, #tpu.memory_space<vmem_shared>>)
      tpu.yield
    }) : () -> ()
    %eq3A = arith.constant 0 : i32
    %eq3A_1 = arith.cmpi eq, %arg1, %eq3A : i32
    %convert_element_type3A = arith.extui %eq3A_1 : i1 to i32
    %cond3A = arith.constant 0 : i32
    %cond3A_2 = arith.cmpi ne, %convert_element_type3A, %cond3A : i32
    scf.if %cond3A_2 {
      "tpu.region"() ({
        %run_scoped3A = tpu.sem_alloc : memref<!tpu.dma_semaphore, #tpu.memory_space<semaphore_mem>>
        %dma_start3A = arith.constant 9984 : i32
        %dma_start3A_18 = arith.constant 0 : i32
        %dma_start3A_19 = tpu.memref_slice %arg21[%dma_start3A, %dma_start3A_18] : memref<10000x128xf32, #tpu.memory_space<vmem_shared>> -> memref<16x128xf32, #tpu.memory_space<vmem_shared>>
        %dma_start3A_20 = arith.constant 9984 : i32
        %dma_start3A_21 = arith.constant 0 : i32
        %dma_start3A_22 = tpu.memref_slice %arg5[%dma_start3A_20, %dma_start3A_21] : memref<10000x128xf32, #tpu.memory_space<hbm>> -> memref<16x128xf32, #tpu.memory_space<hbm>>
        tpu.enqueue_dma source(%dma_start3A_22 : memref<16x128xf32, #tpu.memory_space<hbm>>) target(%dma_start3A_19 : memref<16x128xf32, #tpu.memory_space<vmem_shared>>) target_semaphore(%run_scoped3A : memref<!tpu.dma_semaphore, #tpu.memory_space<semaphore_mem>>)
        %dma_wait3A = arith.constant 9984 : i32
        %dma_wait3A_23 = arith.constant 0 : i32
        %dma_wait3A_24 = tpu.memref_slice %arg21[%dma_wait3A, %dma_wait3A_23] : memref<10000x128xf32, #tpu.memory_space<vmem_shared>> -> memref<16x128xf32, #tpu.memory_space<vmem_shared>>
        %dma_wait3A_25 = arith.constant 9984 : i32
        %dma_wait3A_26 = arith.constant 0 : i32
        %dma_wait3A_27 = tpu.memref_slice %arg5[%dma_wait3A_25, %dma_wait3A_26] : memref<10000x128xf32, #tpu.memory_space<hbm>> -> memref<16x128xf32, #tpu.memory_space<hbm>>
        tpu.wait_dma2 semaphore(%run_scoped3A : memref<!tpu.dma_semaphore, #tpu.memory_space<semaphore_mem>>) src(%dma_wait3A_27 : memref<16x128xf32, #tpu.memory_space<hbm>>) dst(%dma_wait3A_24 : memref<16x128xf32, #tpu.memory_space<vmem_shared>>)
        tpu.yield
      }) : () -> ()
    } else {
    }
    %barrier3A = arith.constant 0 : index
    tpu.barrier barrier_id(%barrier3A)
    %mul3A_3 = arith.constant 16 : i32
    %mul3A_4 = arith.muli %arg0, %mul3A_3 : i32
    %add3A = arith.addi %mul3A_4, %arg1 : i32
    %mul3A_5 = arith.constant 10000 : i32
    %mul3A_6 = arith.muli %add3A, %mul3A_5 : i32
    %scan3A = arith.constant 0 : i32
    %scan3A_7 = arith.constant 0 : i32
    %scan3A_8 = arith.constant 33 : i32
    %scan3A_9 = arith.addi %scan3A_7, %scan3A_8 : i32
    %scan3A_10 = arith.constant 1 : i32
    scf.for %scan3A_18 = %scan3A_7 to %scan3A_9 step %scan3A_10  : i32 {
      %mul3A_19 = arith.constant 4 : i32
      %mul3A_20 = arith.muli %scan3A_18, %mul3A_19 : i32
      %add3A_21 = arith.constant 0 : i32
      %add3A_22 = arith.addi %mul3A_20, %add3A_21 : i32
      %ge3A = arith.constant 4 : i32
      %ge3A_23 = arith.cmpi sge, %add3A_22, %ge3A : i32
      %lt3A = arith.constant 129 : i32
      %lt3A_24 = arith.cmpi slt, %add3A_22, %lt3A : i32
      %and3A = arith.andi %ge3A_23, %lt3A_24 : i1
      %convert_element_type3A_25 = arith.extui %and3A : i1 to i32
      %cond3A_26 = arith.constant 0 : i32
      %cond3A_27 = arith.cmpi ne, %convert_element_type3A_25, %cond3A_26 : i32
      scf.if %cond3A_27 {
        %dma_wait3A = arith.constant 0 : i32
        %dma_wait3A_142 = arith.constant 0 : i32
        %dma_wait3A_143 = tpu.memref_slice %arg21[%dma_wait3A, %dma_wait3A_142] : memref<10000x128xf32, #tpu.memory_space<vmem_shared>> -> memref<10000x128xf32, #tpu.memory_space<vmem_shared>>
        tpu.wait_indirect_dma semaphore(%arg27 : memref<!tpu.dma_semaphore, #tpu.memory_space<semaphore_mem>>) src(%arg15 : memref<80x128xf32, #tpu.memory_space<vmem>>) dst(%dma_wait3A_143 : memref<10000x128xf32, #tpu.memory_space<vmem_shared>>)
      } else {
      }
      %lt3A_28 = arith.constant 125 : i32
      %lt3A_29 = arith.cmpi slt, %add3A_22, %lt3A_28 : i32
      %convert_element_type3A_30 = arith.extui %lt3A_29 : i1 to i32
      %cond3A_31 = arith.constant 0 : i32
      %cond3A_32 = arith.cmpi ne, %convert_element_type3A_30, %cond3A_31 : i32
      scf.if %cond3A_32 {
        %mul3A_142 = arith.constant 80 : i32
        %mul3A_143 = arith.muli %add3A_22, %mul3A_142 : i32
        %add3A_144 = arith.addi %mul3A_6, %mul3A_143 : i32
        %multiple_of3A_145 = tpu.assume_multiple %add3A_144, 8 : i32
        %dma_start3A = tpu.memref_slice %arg3[%multiple_of3A_145] : memref<320000xi32, #tpu.memory_space<hbm>> -> memref<80xi32, #tpu.memory_space<hbm>>
        %dma_start3A_146 = tpu.memref_slice %arg3[%multiple_of3A_145] : memref<320000xi32, #tpu.memory_space<hbm>> -> memref<80xi32, #tpu.memory_space<hbm>>
        tpu.enqueue_dma source(%dma_start3A_146 : memref<80xi32, #tpu.memory_space<hbm>>) target(%arg7 : memref<80xi32, #tpu.memory_space<vmem>>) target_semaphore(%arg39 : memref<!tpu.dma_semaphore, #tpu.memory_space<semaphore_mem>>)
        %dma_start3A_147 = tpu.memref_slice %arg4[%multiple_of3A_145] : memref<320000xi32, #tpu.memory_space<hbm>> -> memref<80xi32, #tpu.memory_space<hbm>>
        %dma_start3A_148 = tpu.memref_slice %arg4[%multiple_of3A_145] : memref<320000xi32, #tpu.memory_space<hbm>> -> memref<80xi32, #tpu.memory_space<hbm>>
        tpu.enqueue_dma source(%dma_start3A_148 : memref<80xi32, #tpu.memory_space<hbm>>) target(%arg11 : memref<80xi32, #tpu.memory_space<vmem>>) target_semaphore(%arg31 : memref<!tpu.dma_semaphore, #tpu.memory_space<semaphore_mem>>)
      } else {
      }
      %ge3A_33 = arith.constant 1 : i32
      %ge3A_34 = arith.cmpi sge, %add3A_22, %ge3A_33 : i32
      %lt3A_35 = arith.constant 126 : i32
      %lt3A_36 = arith.cmpi slt, %add3A_22, %lt3A_35 : i32
      %and3A_37 = arith.andi %ge3A_34, %lt3A_36 : i1
      %convert_element_type3A_38 = arith.extui %and3A_37 : i1 to i32
      %cond3A_39 = arith.constant 0 : i32
      %cond3A_40 = arith.cmpi ne, %convert_element_type3A_38, %cond3A_39 : i32
      scf.if %cond3A_40 {
        %dma_wait3A = arith.constant 0 : i32
        %dma_wait3A_142 = tpu.memref_slice %arg3[%dma_wait3A] : memref<320000xi32, #tpu.memory_space<hbm>> -> memref<80xi32, #tpu.memory_space<hbm>>
        %dma_wait3A_143 = arith.constant 0 : i32
        %dma_wait3A_144 = tpu.memref_slice %arg3[%dma_wait3A_143] : memref<320000xi32, #tpu.memory_space<hbm>> -> memref<80xi32, #tpu.memory_space<hbm>>
        tpu.wait_dma2 semaphore(%arg42 : memref<!tpu.dma_semaphore, #tpu.memory_space<semaphore_mem>>) src(%dma_wait3A_144 : memref<80xi32, #tpu.memory_space<hbm>>) dst(%arg10 : memref<80xi32, #tpu.memory_space<vmem>>)
        %dma_start3A = arith.constant 0 : i32
        %dma_start3A_145 = arith.constant 0 : i32
        %dma_start3A_146 = tpu.memref_slice %arg2[%dma_start3A, %dma_start3A_145] : memref<10000x128xf32, #tpu.memory_space<hbm>> -> memref<10000x128xf32, #tpu.memory_space<hbm>>
        tpu.enqueue_indirect_dma source(%dma_start3A_146 : memref<10000x128xf32, #tpu.memory_space<hbm>>) target(%arg18 : memref<80x128xf32, #tpu.memory_space<vmem>>) offsets(%arg10 : memref<80xi32, #tpu.memory_space<vmem>>) semaphore(%arg26 : memref<!tpu.dma_semaphore, #tpu.memory_space<semaphore_mem>>)
      } else {
      }
      %ge3A_41 = arith.constant 2 : i32
      %ge3A_42 = arith.cmpi sge, %add3A_22, %ge3A_41 : i32
      %lt3A_43 = arith.constant 127 : i32
      %lt3A_44 = arith.cmpi slt, %add3A_22, %lt3A_43 : i32
      %and3A_45 = arith.andi %ge3A_42, %lt3A_44 : i1
      %convert_element_type3A_46 = arith.extui %and3A_45 : i1 to i32
      %cond3A_47 = arith.constant 0 : i32
      %cond3A_48 = arith.cmpi ne, %convert_element_type3A_46, %cond3A_47 : i32
      scf.if %cond3A_48 {
        %dma_wait3A = arith.constant 0 : i32
        %dma_wait3A_142 = arith.constant 0 : i32
        %dma_wait3A_143 = tpu.memref_slice %arg2[%dma_wait3A, %dma_wait3A_142] : memref<10000x128xf32, #tpu.memory_space<hbm>> -> memref<10000x128xf32, #tpu.memory_space<hbm>>
        tpu.wait_indirect_dma semaphore(%arg25 : memref<!tpu.dma_semaphore, #tpu.memory_space<semaphore_mem>>) src(%dma_wait3A_143 : memref<10000x128xf32, #tpu.memory_space<hbm>>) dst(%arg17 : memref<80x128xf32, #tpu.memory_space<vmem>>)
        %dma_wait3A_144 = arith.constant 0 : i32
        %dma_wait3A_145 = tpu.memref_slice %arg4[%dma_wait3A_144] : memref<320000xi32, #tpu.memory_space<hbm>> -> memref<80xi32, #tpu.memory_space<hbm>>
        %dma_wait3A_146 = arith.constant 0 : i32
        %dma_wait3A_147 = tpu.memref_slice %arg4[%dma_wait3A_146] : memref<320000xi32, #tpu.memory_space<hbm>> -> memref<80xi32, #tpu.memory_space<hbm>>
        tpu.wait_dma2 semaphore(%arg33 : memref<!tpu.dma_semaphore, #tpu.memory_space<semaphore_mem>>) src(%dma_wait3A_147 : memref<80xi32, #tpu.memory_space<hbm>>) dst(%arg13 : memref<80xi32, #tpu.memory_space<vmem>>)
        %dma_start3A = arith.constant 0 : i32
        %dma_start3A_148 = arith.constant 0 : i32
        %dma_start3A_149 = tpu.memref_slice %arg21[%dma_start3A, %dma_start3A_148] : memref<10000x128xf32, #tpu.memory_space<vmem_shared>> -> memref<10000x128xf32, #tpu.memory_space<vmem_shared>>
        tpu.enqueue_indirect_dma source(%arg17 : memref<80x128xf32, #tpu.memory_space<vmem>>) target(%dma_start3A_149 : memref<10000x128xf32, #tpu.memory_space<vmem_shared>>) offsets(%arg13 : memref<80xi32, #tpu.memory_space<vmem>>) semaphore(%arg29 : memref<!tpu.dma_semaphore, #tpu.memory_space<semaphore_mem>>) {add = true}
      } else {
      }
      %add3A_49 = arith.constant 1 : i32
      %add3A_50 = arith.addi %mul3A_20, %add3A_49 : i32
      %ge3A_51 = arith.constant 4 : i32
      %ge3A_52 = arith.cmpi sge, %add3A_50, %ge3A_51 : i32
      %lt3A_53 = arith.constant 129 : i32
      %lt3A_54 = arith.cmpi slt, %add3A_50, %lt3A_53 : i32
      %and3A_55 = arith.andi %ge3A_52, %lt3A_54 : i1
      %convert_element_type3A_56 = arith.extui %and3A_55 : i1 to i32
      %cond3A_57 = arith.constant 0 : i32
      %cond3A_58 = arith.cmpi ne, %convert_element_type3A_56, %cond3A_57 : i32
      scf.if %cond3A_58 {
        %dma_wait3A = arith.constant 0 : i32
        %dma_wait3A_142 = arith.constant 0 : i32
        %dma_wait3A_143 = tpu.memref_slice %arg21[%dma_wait3A, %dma_wait3A_142] : memref<10000x128xf32, #tpu.memory_space<vmem_shared>> -> memref<10000x128xf32, #tpu.memory_space<vmem_shared>>
        tpu.wait_indirect_dma semaphore(%arg28 : memref<!tpu.dma_semaphore, #tpu.memory_space<semaphore_mem>>) src(%arg16 : memref<80x128xf32, #tpu.memory_space<vmem>>) dst(%dma_wait3A_143 : memref<10000x128xf32, #tpu.memory_space<vmem_shared>>)
      } else {
      }
      %lt3A_59 = arith.constant 125 : i32
      %lt3A_60 = arith.cmpi slt, %add3A_50, %lt3A_59 : i32
      %convert_element_type3A_61 = arith.extui %lt3A_60 : i1 to i32
      %cond3A_62 = arith.constant 0 : i32
      %cond3A_63 = arith.cmpi ne, %convert_element_type3A_61, %cond3A_62 : i32
      scf.if %cond3A_63 {
        %mul3A_142 = arith.constant 80 : i32
        %mul3A_143 = arith.muli %add3A_50, %mul3A_142 : i32
        %add3A_144 = arith.addi %mul3A_6, %mul3A_143 : i32
        %multiple_of3A_145 = tpu.assume_multiple %add3A_144, 8 : i32
        %dma_start3A = tpu.memref_slice %arg3[%multiple_of3A_145] : memref<320000xi32, #tpu.memory_space<hbm>> -> memref<80xi32, #tpu.memory_space<hbm>>
        %dma_start3A_146 = tpu.memref_slice %arg3[%multiple_of3A_145] : memref<320000xi32, #tpu.memory_space<hbm>> -> memref<80xi32, #tpu.memory_space<hbm>>
        tpu.enqueue_dma source(%dma_start3A_146 : memref<80xi32, #tpu.memory_space<hbm>>) target(%arg8 : memref<80xi32, #tpu.memory_space<vmem>>) target_semaphore(%arg40 : memref<!tpu.dma_semaphore, #tpu.memory_space<semaphore_mem>>)
        %dma_start3A_147 = tpu.memref_slice %arg4[%multiple_of3A_145] : memref<320000xi32, #tpu.memory_space<hbm>> -> memref<80xi32, #tpu.memory_space<hbm>>
        %dma_start3A_148 = tpu.memref_slice %arg4[%multiple_of3A_145] : memref<320000xi32, #tpu.memory_space<hbm>> -> memref<80xi32, #tpu.memory_space<hbm>>
        tpu.enqueue_dma source(%dma_start3A_148 : memref<80xi32, #tpu.memory_space<hbm>>) target(%arg12 : memref<80xi32, #tpu.memory_space<vmem>>) target_semaphore(%arg32 : memref<!tpu.dma_semaphore, #tpu.memory_space<semaphore_mem>>)
      } else {
      }
      %ge3A_64 = arith.constant 1 : i32
      %ge3A_65 = arith.cmpi sge, %add3A_50, %ge3A_64 : i32
      %lt3A_66 = arith.constant 126 : i32
      %lt3A_67 = arith.cmpi slt, %add3A_50, %lt3A_66 : i32
      %and3A_68 = arith.andi %ge3A_65, %lt3A_67 : i1
      %convert_element_type3A_69 = arith.extui %and3A_68 : i1 to i32
      %cond3A_70 = arith.constant 0 : i32
      %cond3A_71 = arith.cmpi ne, %convert_element_type3A_69, %cond3A_70 : i32
      scf.if %cond3A_71 {
        %dma_wait3A = arith.constant 0 : i32
        %dma_wait3A_142 = tpu.memref_slice %arg3[%dma_wait3A] : memref<320000xi32, #tpu.memory_space<hbm>> -> memref<80xi32, #tpu.memory_space<hbm>>
        %dma_wait3A_143 = arith.constant 0 : i32
        %dma_wait3A_144 = tpu.memref_slice %arg3[%dma_wait3A_143] : memref<320000xi32, #tpu.memory_space<hbm>> -> memref<80xi32, #tpu.memory_space<hbm>>
        tpu.wait_dma2 semaphore(%arg39 : memref<!tpu.dma_semaphore, #tpu.memory_space<semaphore_mem>>) src(%dma_wait3A_144 : memref<80xi32, #tpu.memory_space<hbm>>) dst(%arg7 : memref<80xi32, #tpu.memory_space<vmem>>)
        %dma_start3A = arith.constant 0 : i32
        %dma_start3A_145 = arith.constant 0 : i32
        %dma_start3A_146 = tpu.memref_slice %arg2[%dma_start3A, %dma_start3A_145] : memref<10000x128xf32, #tpu.memory_space<hbm>> -> memref<10000x128xf32, #tpu.memory_space<hbm>>
        tpu.enqueue_indirect_dma source(%dma_start3A_146 : memref<10000x128xf32, #tpu.memory_space<hbm>>) target(%arg15 : memref<80x128xf32, #tpu.memory_space<vmem>>) offsets(%arg7 : memref<80xi32, #tpu.memory_space<vmem>>) semaphore(%arg23 : memref<!tpu.dma_semaphore, #tpu.memory_space<semaphore_mem>>)
      } else {
      }
      %ge3A_72 = arith.constant 2 : i32
      %ge3A_73 = arith.cmpi sge, %add3A_50, %ge3A_72 : i32
      %lt3A_74 = arith.constant 127 : i32
      %lt3A_75 = arith.cmpi slt, %add3A_50, %lt3A_74 : i32
      %and3A_76 = arith.andi %ge3A_73, %lt3A_75 : i1
      %convert_element_type3A_77 = arith.extui %and3A_76 : i1 to i32
      %cond3A_78 = arith.constant 0 : i32
      %cond3A_79 = arith.cmpi ne, %convert_element_type3A_77, %cond3A_78 : i32
      scf.if %cond3A_79 {
        %dma_wait3A = arith.constant 0 : i32
        %dma_wait3A_142 = arith.constant 0 : i32
        %dma_wait3A_143 = tpu.memref_slice %arg2[%dma_wait3A, %dma_wait3A_142] : memref<10000x128xf32, #tpu.memory_space<hbm>> -> memref<10000x128xf32, #tpu.memory_space<hbm>>
        tpu.wait_indirect_dma semaphore(%arg26 : memref<!tpu.dma_semaphore, #tpu.memory_space<semaphore_mem>>) src(%dma_wait3A_143 : memref<10000x128xf32, #tpu.memory_space<hbm>>) dst(%arg18 : memref<80x128xf32, #tpu.memory_space<vmem>>)
        %dma_wait3A_144 = arith.constant 0 : i32
        %dma_wait3A_145 = tpu.memref_slice %arg4[%dma_wait3A_144] : memref<320000xi32, #tpu.memory_space<hbm>> -> memref<80xi32, #tpu.memory_space<hbm>>
        %dma_wait3A_146 = arith.constant 0 : i32
        %dma_wait3A_147 = tpu.memref_slice %arg4[%dma_wait3A_146] : memref<320000xi32, #tpu.memory_space<hbm>> -> memref<80xi32, #tpu.memory_space<hbm>>
        tpu.wait_dma2 semaphore(%arg34 : memref<!tpu.dma_semaphore, #tpu.memory_space<semaphore_mem>>) src(%dma_wait3A_147 : memref<80xi32, #tpu.memory_space<hbm>>) dst(%arg14 : memref<80xi32, #tpu.memory_space<vmem>>)
        %dma_start3A = arith.constant 0 : i32
        %dma_start3A_148 = arith.constant 0 : i32
        %dma_start3A_149 = tpu.memref_slice %arg21[%dma_start3A, %dma_start3A_148] : memref<10000x128xf32, #tpu.memory_space<vmem_shared>> -> memref<10000x128xf32, #tpu.memory_space<vmem_shared>>
        tpu.enqueue_indirect_dma source(%arg18 : memref<80x128xf32, #tpu.memory_space<vmem>>) target(%dma_start3A_149 : memref<10000x128xf32, #tpu.memory_space<vmem_shared>>) offsets(%arg14 : memref<80xi32, #tpu.memory_space<vmem>>) semaphore(%arg30 : memref<!tpu.dma_semaphore, #tpu.memory_space<semaphore_mem>>) {add = true}
      } else {
      }
      %add3A_80 = arith.constant 2 : i32
      %add3A_81 = arith.addi %mul3A_20, %add3A_80 : i32
      %ge3A_82 = arith.constant 4 : i32
      %ge3A_83 = arith.cmpi sge, %add3A_81, %ge3A_82 : i32
      %lt3A_84 = arith.constant 129 : i32
      %lt3A_85 = arith.cmpi slt, %add3A_81, %lt3A_84 : i32
      %and3A_86 = arith.andi %ge3A_83, %lt3A_85 : i1
      %convert_element_type3A_87 = arith.extui %and3A_86 : i1 to i32
      %cond3A_88 = arith.constant 0 : i32
      %cond3A_89 = arith.cmpi ne, %convert_element_type3A_87, %cond3A_88 : i32
      scf.if %cond3A_89 {
        %dma_wait3A = arith.constant 0 : i32
        %dma_wait3A_142 = arith.constant 0 : i32
        %dma_wait3A_143 = tpu.memref_slice %arg21[%dma_wait3A, %dma_wait3A_142] : memref<10000x128xf32, #tpu.memory_space<vmem_shared>> -> memref<10000x128xf32, #tpu.memory_space<vmem_shared>>
        tpu.wait_indirect_dma semaphore(%arg29 : memref<!tpu.dma_semaphore, #tpu.memory_space<semaphore_mem>>) src(%arg17 : memref<80x128xf32, #tpu.memory_space<vmem>>) dst(%dma_wait3A_143 : memref<10000x128xf32, #tpu.memory_space<vmem_shared>>)
      } else {
      }
      %lt3A_90 = arith.constant 125 : i32
      %lt3A_91 = arith.cmpi slt, %add3A_81, %lt3A_90 : i32
      %convert_element_type3A_92 = arith.extui %lt3A_91 : i1 to i32
      %cond3A_93 = arith.constant 0 : i32
      %cond3A_94 = arith.cmpi ne, %convert_element_type3A_92, %cond3A_93 : i32
      scf.if %cond3A_94 {
        %mul3A_142 = arith.constant 80 : i32
        %mul3A_143 = arith.muli %add3A_81, %mul3A_142 : i32
        %add3A_144 = arith.addi %mul3A_6, %mul3A_143 : i32
        %multiple_of3A_145 = tpu.assume_multiple %add3A_144, 8 : i32
        %dma_start3A = tpu.memref_slice %arg3[%multiple_of3A_145] : memref<320000xi32, #tpu.memory_space<hbm>> -> memref<80xi32, #tpu.memory_space<hbm>>
        %dma_start3A_146 = tpu.memref_slice %arg3[%multiple_of3A_145] : memref<320000xi32, #tpu.memory_space<hbm>> -> memref<80xi32, #tpu.memory_space<hbm>>
        tpu.enqueue_dma source(%dma_start3A_146 : memref<80xi32, #tpu.memory_space<hbm>>) target(%arg9 : memref<80xi32, #tpu.memory_space<vmem>>) target_semaphore(%arg41 : memref<!tpu.dma_semaphore, #tpu.memory_space<semaphore_mem>>)
        %dma_start3A_147 = tpu.memref_slice %arg4[%multiple_of3A_145] : memref<320000xi32, #tpu.memory_space<hbm>> -> memref<80xi32, #tpu.memory_space<hbm>>
        %dma_start3A_148 = tpu.memref_slice %arg4[%multiple_of3A_145] : memref<320000xi32, #tpu.memory_space<hbm>> -> memref<80xi32, #tpu.memory_space<hbm>>
        tpu.enqueue_dma source(%dma_start3A_148 : memref<80xi32, #tpu.memory_space<hbm>>) target(%arg13 : memref<80xi32, #tpu.memory_space<vmem>>) target_semaphore(%arg33 : memref<!tpu.dma_semaphore, #tpu.memory_space<semaphore_mem>>)
      } else {
      }
      %ge3A_95 = arith.constant 1 : i32
      %ge3A_96 = arith.cmpi sge, %add3A_81, %ge3A_95 : i32
      %lt3A_97 = arith.constant 126 : i32
      %lt3A_98 = arith.cmpi slt, %add3A_81, %lt3A_97 : i32
      %and3A_99 = arith.andi %ge3A_96, %lt3A_98 : i1
      %convert_element_type3A_100 = arith.extui %and3A_99 : i1 to i32
      %cond3A_101 = arith.constant 0 : i32
      %cond3A_102 = arith.cmpi ne, %convert_element_type3A_100, %cond3A_101 : i32
      scf.if %cond3A_102 {
        %dma_wait3A = arith.constant 0 : i32
        %dma_wait3A_142 = tpu.memref_slice %arg3[%dma_wait3A] : memref<320000xi32, #tpu.memory_space<hbm>> -> memref<80xi32, #tpu.memory_space<hbm>>
        %dma_wait3A_143 = arith.constant 0 : i32
        %dma_wait3A_144 = tpu.memref_slice %arg3[%dma_wait3A_143] : memref<320000xi32, #tpu.memory_space<hbm>> -> memref<80xi32, #tpu.memory_space<hbm>>
        tpu.wait_dma2 semaphore(%arg40 : memref<!tpu.dma_semaphore, #tpu.memory_space<semaphore_mem>>) src(%dma_wait3A_144 : memref<80xi32, #tpu.memory_space<hbm>>) dst(%arg8 : memref<80xi32, #tpu.memory_space<vmem>>)
        %dma_start3A = arith.constant 0 : i32
        %dma_start3A_145 = arith.constant 0 : i32
        %dma_start3A_146 = tpu.memref_slice %arg2[%dma_start3A, %dma_start3A_145] : memref<10000x128xf32, #tpu.memory_space<hbm>> -> memref<10000x128xf32, #tpu.memory_space<hbm>>
        tpu.enqueue_indirect_dma source(%dma_start3A_146 : memref<10000x128xf32, #tpu.memory_space<hbm>>) target(%arg16 : memref<80x128xf32, #tpu.memory_space<vmem>>) offsets(%arg8 : memref<80xi32, #tpu.memory_space<vmem>>) semaphore(%arg24 : memref<!tpu.dma_semaphore, #tpu.memory_space<semaphore_mem>>)
      } else {
      }
      %ge3A_103 = arith.constant 2 : i32
      %ge3A_104 = arith.cmpi sge, %add3A_81, %ge3A_103 : i32
      %lt3A_105 = arith.constant 127 : i32
      %lt3A_106 = arith.cmpi slt, %add3A_81, %lt3A_105 : i32
      %and3A_107 = arith.andi %ge3A_104, %lt3A_106 : i1
      %convert_element_type3A_108 = arith.extui %and3A_107 : i1 to i32
      %cond3A_109 = arith.constant 0 : i32
      %cond3A_110 = arith.cmpi ne, %convert_element_type3A_108, %cond3A_109 : i32
      scf.if %cond3A_110 {
        %dma_wait3A = arith.constant 0 : i32
        %dma_wait3A_142 = arith.constant 0 : i32
        %dma_wait3A_143 = tpu.memref_slice %arg2[%dma_wait3A, %dma_wait3A_142] : memref<10000x128xf32, #tpu.memory_space<hbm>> -> memref<10000x128xf32, #tpu.memory_space<hbm>>
        tpu.wait_indirect_dma semaphore(%arg23 : memref<!tpu.dma_semaphore, #tpu.memory_space<semaphore_mem>>) src(%dma_wait3A_143 : memref<10000x128xf32, #tpu.memory_space<hbm>>) dst(%arg15 : memref<80x128xf32, #tpu.memory_space<vmem>>)
        %dma_wait3A_144 = arith.constant 0 : i32
        %dma_wait3A_145 = tpu.memref_slice %arg4[%dma_wait3A_144] : memref<320000xi32, #tpu.memory_space<hbm>> -> memref<80xi32, #tpu.memory_space<hbm>>
        %dma_wait3A_146 = arith.constant 0 : i32
        %dma_wait3A_147 = tpu.memref_slice %arg4[%dma_wait3A_146] : memref<320000xi32, #tpu.memory_space<hbm>> -> memref<80xi32, #tpu.memory_space<hbm>>
        tpu.wait_dma2 semaphore(%arg31 : memref<!tpu.dma_semaphore, #tpu.memory_space<semaphore_mem>>) src(%dma_wait3A_147 : memref<80xi32, #tpu.memory_space<hbm>>) dst(%arg11 : memref<80xi32, #tpu.memory_space<vmem>>)
        %dma_start3A = arith.constant 0 : i32
        %dma_start3A_148 = arith.constant 0 : i32
        %dma_start3A_149 = tpu.memref_slice %arg21[%dma_start3A, %dma_start3A_148] : memref<10000x128xf32, #tpu.memory_space<vmem_shared>> -> memref<10000x128xf32, #tpu.memory_space<vmem_shared>>
        tpu.enqueue_indirect_dma source(%arg15 : memref<80x128xf32, #tpu.memory_space<vmem>>) target(%dma_start3A_149 : memref<10000x128xf32, #tpu.memory_space<vmem_shared>>) offsets(%arg11 : memref<80xi32, #tpu.memory_space<vmem>>) semaphore(%arg27 : memref<!tpu.dma_semaphore, #tpu.memory_space<semaphore_mem>>) {add = true}
      } else {
      }
      %add3A_111 = arith.constant 3 : i32
      %add3A_112 = arith.addi %mul3A_20, %add3A_111 : i32
      %ge3A_113 = arith.constant 4 : i32
      %ge3A_114 = arith.cmpi sge, %add3A_112, %ge3A_113 : i32
      %lt3A_115 = arith.constant 129 : i32
      %lt3A_116 = arith.cmpi slt, %add3A_112, %lt3A_115 : i32
      %and3A_117 = arith.andi %ge3A_114, %lt3A_116 : i1
      %convert_element_type3A_118 = arith.extui %and3A_117 : i1 to i32
      %cond3A_119 = arith.constant 0 : i32
      %cond3A_120 = arith.cmpi ne, %convert_element_type3A_118, %cond3A_119 : i32
      scf.if %cond3A_120 {
        %dma_wait3A = arith.constant 0 : i32
        %dma_wait3A_142 = arith.constant 0 : i32
        %dma_wait3A_143 = tpu.memref_slice %arg21[%dma_wait3A, %dma_wait3A_142] : memref<10000x128xf32, #tpu.memory_space<vmem_shared>> -> memref<10000x128xf32, #tpu.memory_space<vmem_shared>>
        tpu.wait_indirect_dma semaphore(%arg30 : memref<!tpu.dma_semaphore, #tpu.memory_space<semaphore_mem>>) src(%arg18 : memref<80x128xf32, #tpu.memory_space<vmem>>) dst(%dma_wait3A_143 : memref<10000x128xf32, #tpu.memory_space<vmem_shared>>)
      } else {
      }
      %lt3A_121 = arith.constant 125 : i32
      %lt3A_122 = arith.cmpi slt, %add3A_112, %lt3A_121 : i32
      %convert_element_type3A_123 = arith.extui %lt3A_122 : i1 to i32
      %cond3A_124 = arith.constant 0 : i32
      %cond3A_125 = arith.cmpi ne, %convert_element_type3A_123, %cond3A_124 : i32
      scf.if %cond3A_125 {
        %mul3A_142 = arith.constant 80 : i32
        %mul3A_143 = arith.muli %add3A_112, %mul3A_142 : i32
        %add3A_144 = arith.addi %mul3A_6, %mul3A_143 : i32
        %multiple_of3A_145 = tpu.assume_multiple %add3A_144, 8 : i32
        %dma_start3A = tpu.memref_slice %arg3[%multiple_of3A_145] : memref<320000xi32, #tpu.memory_space<hbm>> -> memref<80xi32, #tpu.memory_space<hbm>>
        %dma_start3A_146 = tpu.memref_slice %arg3[%multiple_of3A_145] : memref<320000xi32, #tpu.memory_space<hbm>> -> memref<80xi32, #tpu.memory_space<hbm>>
        tpu.enqueue_dma source(%dma_start3A_146 : memref<80xi32, #tpu.memory_space<hbm>>) target(%arg10 : memref<80xi32, #tpu.memory_space<vmem>>) target_semaphore(%arg42 : memref<!tpu.dma_semaphore, #tpu.memory_space<semaphore_mem>>)
        %dma_start3A_147 = tpu.memref_slice %arg4[%multiple_of3A_145] : memref<320000xi32, #tpu.memory_space<hbm>> -> memref<80xi32, #tpu.memory_space<hbm>>
        %dma_start3A_148 = tpu.memref_slice %arg4[%multiple_of3A_145] : memref<320000xi32, #tpu.memory_space<hbm>> -> memref<80xi32, #tpu.memory_space<hbm>>
        tpu.enqueue_dma source(%dma_start3A_148 : memref<80xi32, #tpu.memory_space<hbm>>) target(%arg14 : memref<80xi32, #tpu.memory_space<vmem>>) target_semaphore(%arg34 : memref<!tpu.dma_semaphore, #tpu.memory_space<semaphore_mem>>)
      } else {
      }
      %ge3A_126 = arith.constant 1 : i32
      %ge3A_127 = arith.cmpi sge, %add3A_112, %ge3A_126 : i32
      %lt3A_128 = arith.constant 126 : i32
      %lt3A_129 = arith.cmpi slt, %add3A_112, %lt3A_128 : i32
      %and3A_130 = arith.andi %ge3A_127, %lt3A_129 : i1
      %convert_element_type3A_131 = arith.extui %and3A_130 : i1 to i32
      %cond3A_132 = arith.constant 0 : i32
      %cond3A_133 = arith.cmpi ne, %convert_element_type3A_131, %cond3A_132 : i32
      scf.if %cond3A_133 {
        %dma_wait3A = arith.constant 0 : i32
        %dma_wait3A_142 = tpu.memref_slice %arg3[%dma_wait3A] : memref<320000xi32, #tpu.memory_space<hbm>> -> memref<80xi32, #tpu.memory_space<hbm>>
        %dma_wait3A_143 = arith.constant 0 : i32
        %dma_wait3A_144 = tpu.memref_slice %arg3[%dma_wait3A_143] : memref<320000xi32, #tpu.memory_space<hbm>> -> memref<80xi32, #tpu.memory_space<hbm>>
        tpu.wait_dma2 semaphore(%arg41 : memref<!tpu.dma_semaphore, #tpu.memory_space<semaphore_mem>>) src(%dma_wait3A_144 : memref<80xi32, #tpu.memory_space<hbm>>) dst(%arg9 : memref<80xi32, #tpu.memory_space<vmem>>)
        %dma_start3A = arith.constant 0 : i32
        %dma_start3A_145 = arith.constant 0 : i32
        %dma_start3A_146 = tpu.memref_slice %arg2[%dma_start3A, %dma_start3A_145] : memref<10000x128xf32, #tpu.memory_space<hbm>> -> memref<10000x128xf32, #tpu.memory_space<hbm>>
        tpu.enqueue_indirect_dma source(%dma_start3A_146 : memref<10000x128xf32, #tpu.memory_space<hbm>>) target(%arg17 : memref<80x128xf32, #tpu.memory_space<vmem>>) offsets(%arg9 : memref<80xi32, #tpu.memory_space<vmem>>) semaphore(%arg25 : memref<!tpu.dma_semaphore, #tpu.memory_space<semaphore_mem>>)
      } else {
      }
      %ge3A_134 = arith.constant 2 : i32
      %ge3A_135 = arith.cmpi sge, %add3A_112, %ge3A_134 : i32
      %lt3A_136 = arith.constant 127 : i32
      %lt3A_137 = arith.cmpi slt, %add3A_112, %lt3A_136 : i32
      %and3A_138 = arith.andi %ge3A_135, %lt3A_137 : i1
      %convert_element_type3A_139 = arith.extui %and3A_138 : i1 to i32
      %cond3A_140 = arith.constant 0 : i32
      %cond3A_141 = arith.cmpi ne, %convert_element_type3A_139, %cond3A_140 : i32
      scf.if %cond3A_141 {
        %dma_wait3A = arith.constant 0 : i32
        %dma_wait3A_142 = arith.constant 0 : i32
        %dma_wait3A_143 = tpu.memref_slice %arg2[%dma_wait3A, %dma_wait3A_142] : memref<10000x128xf32, #tpu.memory_space<hbm>> -> memref<10000x128xf32, #tpu.memory_space<hbm>>
        tpu.wait_indirect_dma semaphore(%arg24 : memref<!tpu.dma_semaphore, #tpu.memory_space<semaphore_mem>>) src(%dma_wait3A_143 : memref<10000x128xf32, #tpu.memory_space<hbm>>) dst(%arg16 : memref<80x128xf32, #tpu.memory_space<vmem>>)
        %dma_wait3A_144 = arith.constant 0 : i32
        %dma_wait3A_145 = tpu.memref_slice %arg4[%dma_wait3A_144] : memref<320000xi32, #tpu.memory_space<hbm>> -> memref<80xi32, #tpu.memory_space<hbm>>
        %dma_wait3A_146 = arith.constant 0 : i32
        %dma_wait3A_147 = tpu.memref_slice %arg4[%dma_wait3A_146] : memref<320000xi32, #tpu.memory_space<hbm>> -> memref<80xi32, #tpu.memory_space<hbm>>
        tpu.wait_dma2 semaphore(%arg32 : memref<!tpu.dma_semaphore, #tpu.memory_space<semaphore_mem>>) src(%dma_wait3A_147 : memref<80xi32, #tpu.memory_space<hbm>>) dst(%arg12 : memref<80xi32, #tpu.memory_space<vmem>>)
        %dma_start3A = arith.constant 0 : i32
        %dma_start3A_148 = arith.constant 0 : i32
        %dma_start3A_149 = tpu.memref_slice %arg21[%dma_start3A, %dma_start3A_148] : memref<10000x128xf32, #tpu.memory_space<vmem_shared>> -> memref<10000x128xf32, #tpu.memory_space<vmem_shared>>
        tpu.enqueue_indirect_dma source(%arg16 : memref<80x128xf32, #tpu.memory_space<vmem>>) target(%dma_start3A_149 : memref<10000x128xf32, #tpu.memory_space<vmem_shared>>) offsets(%arg12 : memref<80xi32, #tpu.memory_space<vmem>>) semaphore(%arg28 : memref<!tpu.dma_semaphore, #tpu.memory_space<semaphore_mem>>) {add = true}
      } else {
      }
    }
    %scan3A_11 = arith.constant 33 : i32
    %barrier3A_12 = arith.constant 0 : index
    tpu.barrier barrier_id(%barrier3A_12)
    "tpu.region"() ({
      %run_scoped3A = tpu.sem_alloc : memref<!tpu.dma_semaphore, #tpu.memory_space<semaphore_mem>>
      %dma_start3A = arith.constant 0 : i32
      %dma_start3A_18 = tpu.memref_slice %arg6[%arg0, %multiple_of3A, %dma_start3A] : memref<2x10000x128xf32, #tpu.memory_space<hbm>> -> memref<1x624x128xf32, #tpu.memory_space<hbm>>
      %dma_start3A_19 = tpu.memref_squeeze %dma_start3A_18 : memref<1x624x128xf32, #tpu.memory_space<hbm>> -> memref<624x128xf32, #tpu.memory_space<hbm>>
      %dma_start3A_20 = arith.constant 0 : i32
      %dma_start3A_21 = tpu.memref_slice %arg21[%multiple_of3A, %dma_start3A_20] : memref<10000x128xf32, #tpu.memory_space<vmem_shared>> -> memref<624x128xf32, #tpu.memory_space<vmem_shared>>
      tpu.enqueue_dma source(%dma_start3A_21 : memref<624x128xf32, #tpu.memory_space<vmem_shared>>) target(%dma_start3A_19 : memref<624x128xf32, #tpu.memory_space<hbm>>) target_semaphore(%run_scoped3A : memref<!tpu.dma_semaphore, #tpu.memory_space<semaphore_mem>>)
      %dma_wait3A = arith.constant 0 : i32
      %dma_wait3A_22 = tpu.memref_slice %arg6[%arg0, %multiple_of3A, %dma_wait3A] : memref<2x10000x128xf32, #tpu.memory_space<hbm>> -> memref<1x624x128xf32, #tpu.memory_space<hbm>>
      %dma_wait3A_23 = tpu.memref_squeeze %dma_wait3A_22 : memref<1x624x128xf32, #tpu.memory_space<hbm>> -> memref<624x128xf32, #tpu.memory_space<hbm>>
      %dma_wait3A_24 = arith.constant 0 : i32
      %dma_wait3A_25 = tpu.memref_slice %arg21[%multiple_of3A, %dma_wait3A_24] : memref<10000x128xf32, #tpu.memory_space<vmem_shared>> -> memref<624x128xf32, #tpu.memory_space<vmem_shared>>
      tpu.wait_dma2 semaphore(%run_scoped3A : memref<!tpu.dma_semaphore, #tpu.memory_space<semaphore_mem>>) src(%dma_wait3A_25 : memref<624x128xf32, #tpu.memory_space<vmem_shared>>) dst(%dma_wait3A_23 : memref<624x128xf32, #tpu.memory_space<hbm>>)
      tpu.yield
    }) : () -> ()
    %eq3A_13 = arith.constant 0 : i32
    %eq3A_14 = arith.cmpi eq, %arg1, %eq3A_13 : i32
    %convert_element_type3A_15 = arith.extui %eq3A_14 : i1 to i32
    %cond3A_16 = arith.constant 0 : i32
    %cond3A_17 = arith.cmpi ne, %convert_element_type3A_15, %cond3A_16 : i32
    scf.if %cond3A_17 {
      "tpu.region"() ({
        %run_scoped3A = tpu.sem_alloc : memref<!tpu.dma_semaphore, #tpu.memory_space<semaphore_mem>>
        %dma_start3A = arith.constant 9984 : i32
        %dma_start3A_18 = arith.constant 0 : i32
        %dma_start3A_19 = tpu.memref_slice %arg6[%arg0, %dma_start3A, %dma_start3A_18] : memref<2x10000x128xf32, #tpu.memory_space<hbm>> -> memref<1x16x128xf32, #tpu.memory_space<hbm>>
        %dma_start3A_20 = tpu.memref_squeeze %dma_start3A_19 : memref<1x16x128xf32, #tpu.memory_space<hbm>> -> memref<16x128xf32, #tpu.memory_space<hbm>>
        %dma_start3A_21 = arith.constant 9984 : i32
        %dma_start3A_22 = arith.constant 0 : i32
        %dma_start3A_23 = tpu.memref_slice %arg21[%dma_start3A_21, %dma_start3A_22] : memref<10000x128xf32, #tpu.memory_space<vmem_shared>> -> memref<16x128xf32, #tpu.memory_space<vmem_shared>>
        tpu.enqueue_dma source(%dma_start3A_23 : memref<16x128xf32, #tpu.memory_space<vmem_shared>>) target(%dma_start3A_20 : memref<16x128xf32, #tpu.memory_space<hbm>>) target_semaphore(%run_scoped3A : memref<!tpu.dma_semaphore, #tpu.memory_space<semaphore_mem>>)
        %dma_wait3A = arith.constant 9984 : i32
        %dma_wait3A_24 = arith.constant 0 : i32
        %dma_wait3A_25 = tpu.memref_slice %arg6[%arg0, %dma_wait3A, %dma_wait3A_24] : memref<2x10000x128xf32, #tpu.memory_space<hbm>> -> memref<1x16x128xf32, #tpu.memory_space<hbm>>
        %dma_wait3A_26 = tpu.memref_squeeze %dma_wait3A_25 : memref<1x16x128xf32, #tpu.memory_space<hbm>> -> memref<16x128xf32, #tpu.memory_space<hbm>>
        %dma_wait3A_27 = arith.constant 9984 : i32
        %dma_wait3A_28 = arith.constant 0 : i32
        %dma_wait3A_29 = tpu.memref_slice %arg21[%dma_wait3A_27, %dma_wait3A_28] : memref<10000x128xf32, #tpu.memory_space<vmem_shared>> -> memref<16x128xf32, #tpu.memory_space<vmem_shared>>
        tpu.wait_dma2 semaphore(%run_scoped3A : memref<!tpu.dma_semaphore, #tpu.memory_space<semaphore_mem>>) src(%dma_wait3A_29 : memref<16x128xf32, #tpu.memory_space<vmem_shared>>) dst(%dma_wait3A_26 : memref<16x128xf32, #tpu.memory_space<hbm>>)
        tpu.yield
      }) : () -> ()
    } else {
    }
    return
  }
}

module attributes {stable_mosaic.version = 14 : i64} {
  func.func @_tc_pre_body(%arg0: i32, %arg1: memref<2000x128xf32, #tpu.memory_space<vmem>>, %arg2: memref<128x128xf32, #tpu.memory_space<vmem>>, %arg3: memref<1x128xf32, #tpu.memory_space<vmem>>, %arg4: memref<2000x128xf32, #tpu.memory_space<vmem>>) attributes {dimension_semantics = [#tpu.dimension_semantics<arbitrary>], iteration_bounds = array<i64: 5>, scalar_prefetch = 0 : i64, scratch_operands = 0 : i64, tpu.core_type = #tpu.core_type<tc>, window_params = [{transform_indices = @transform_0, window_bounds = array<i64: 2000, 128>}, {pipeline_mode = #tpu.pipeline_mode<synchronous>, transform_indices = @transform_1, window_bounds = array<i64: 128, 128>}, {pipeline_mode = #tpu.pipeline_mode<synchronous>, transform_indices = @transform_2, window_bounds = array<i64: 1, 128>}, {transform_indices = @transform_3, window_bounds = array<i64: 2000, 128>}]} {
    %get3A = arith.constant 0 : index
    %get3A_0 = arith.constant 0 : index
    %get3A_1 = vector.load %arg1[%get3A, %get3A_0] : memref<2000x128xf32, #tpu.memory_space<vmem>>, vector<2000x128xf32>
    %get3A_2 = arith.constant 0 : index
    %get3A_3 = arith.constant 0 : index
    %get3A_4 = vector.load %arg2[%get3A_2, %get3A_3] : memref<128x128xf32, #tpu.memory_space<vmem>>, vector<128x128xf32>
    %dot_general3A = arith.constant dense<0.000000e+00> : vector<2000x128xf32>
    %dot_general3A_5 = tpu.matmul %get3A_1, %get3A_4, %dot_general3A {dimension_numbers = #tpu.dot_dimension_numbers<[1], [0], [0], [1], [0, 0, 1, 1], [], []>, transpose_lhs_hint = false} : vector<2000x128xf32>, vector<128x128xf32>, vector<2000x128xf32> -> vector<2000x128xf32>
    %get3A_6 = arith.constant 0 : index
    %get3A_7 = arith.constant 0 : index
    %get3A_8 = vector.load %arg3[%get3A_6, %get3A_7] : memref<1x128xf32, #tpu.memory_space<vmem>>, vector<1x128xf32>
    %add3A = vector.broadcast %get3A_8 : vector<1x128xf32> to vector<2000x128xf32>
    %add3A_9 = arith.addf %dot_general3A_5, %add3A : vector<2000x128xf32>
    %swap3A = arith.constant 0 : index
    %swap3A_10 = arith.constant 0 : index
    %swap3A_11 = vector.load %arg4[%swap3A, %swap3A_10] : memref<2000x128xf32, #tpu.memory_space<vmem>>, vector<2000x128xf32>
    tpu.vector_store %arg4[%swap3A, %swap3A_10], %add3A_9 {strides = array<i32>} : memref<2000x128xf32, #tpu.memory_space<vmem>>, vector<2000x128xf32>,
    return
  }
  func.func @transform_0(%arg0: i32) -> (i32, i32) {
    %c0_i32 = arith.constant 0 : i32
    %c0_i32_0 = arith.constant 0 : i32
    return %arg0, %c0_i32 : i32, i32
  }
  func.func @transform_1(%arg0: i32) -> (i32, i32) {
    %c0_i32 = arith.constant 0 : i32
    %c0_i32_0 = arith.constant 0 : i32
    %c0_i32_1 = arith.constant 0 : i32
    return %c0_i32, %c0_i32_0 : i32, i32
  }
  func.func @transform_2(%arg0: i32) -> (i32, i32) {
    %c0_i32 = arith.constant 0 : i32
    %c0_i32_0 = arith.constant 0 : i32
    %c0_i32_1 = arith.constant 0 : i32
    return %c0_i32, %c0_i32_0 : i32, i32
  }
  func.func @transform_3(%arg0: i32) -> (i32, i32) {
    %c0_i32 = arith.constant 0 : i32
    %c0_i32_0 = arith.constant 0 : i32
    return %arg0, %c0_i32 : i32, i32
  }
}

module attributes {stable_mosaic.version = 14 : i64} {
  func.func @_tc_post_body(%arg0: i32, %arg1: memref<2x2000x128xf32, #tpu.memory_space<vmem>>, %arg2: memref<2x2000x1xf32, #tpu.memory_space<vmem>>, %arg3: memref<2000x128xf32, #tpu.memory_space<vmem>>, %arg4: memref<128x128xf32, #tpu.memory_space<vmem>>, %arg5: memref<2000x128xf32, #tpu.memory_space<vmem>>) attributes {dimension_semantics = [#tpu.dimension_semantics<arbitrary>], iteration_bounds = array<i64: 5>, scalar_prefetch = 0 : i64, scratch_operands = 0 : i64, tpu.core_type = #tpu.core_type<tc>, window_params = [{transform_indices = @transform_0, window_bounds = array<i64: 2, 2000, 128>}, {transform_indices = @transform_1, window_bounds = array<i64: 2, 2000, 1>}, {transform_indices = @transform_2, window_bounds = array<i64: 2000, 128>}, {pipeline_mode = #tpu.pipeline_mode<synchronous>, transform_indices = @transform_3, window_bounds = array<i64: 128, 128>}, {transform_indices = @transform_4, window_bounds = array<i64: 2000, 128>}]} {
    %get3A = arith.constant 0 : index
    %get3A_0 = arith.constant 0 : index
    %get3A_1 = arith.constant 0 : index
    %get3A_2 = vector.load %arg1[%get3A, %get3A_0, %get3A_1] : memref<2x2000x128xf32, #tpu.memory_space<vmem>>, vector<1x2000x128xf32>
    %get3A_3 = vector.shape_cast %get3A_2 : vector<1x2000x128xf32> to vector<2000x128xf32>
    %get3A_4 = arith.constant 1 : index
    %get3A_5 = arith.constant 0 : index
    %get3A_6 = arith.constant 0 : index
    %get3A_7 = vector.load %arg1[%get3A_4, %get3A_5, %get3A_6] : memref<2x2000x128xf32, #tpu.memory_space<vmem>>, vector<1x2000x128xf32>
    %get3A_8 = vector.shape_cast %get3A_7 : vector<1x2000x128xf32> to vector<2000x128xf32>
    %add3A = arith.addf %get3A_3, %get3A_8 : vector<2000x128xf32>
    %get3A_9 = arith.constant 0 : index
    %get3A_10 = arith.constant 0 : index
    %get3A_11 = arith.constant 0 : index
    %get3A_12 = vector.load %arg2[%get3A_9, %get3A_10, %get3A_11] : memref<2x2000x1xf32, #tpu.memory_space<vmem>>, vector<1x2000x1xf32>
    %get3A_13 = vector.shape_cast %get3A_12 : vector<1x2000x1xf32> to vector<2000x1xf32>
    %get3A_14 = arith.constant 1 : index
    %get3A_15 = arith.constant 0 : index
    %get3A_16 = arith.constant 0 : index
    %get3A_17 = vector.load %arg2[%get3A_14, %get3A_15, %get3A_16] : memref<2x2000x1xf32, #tpu.memory_space<vmem>>, vector<1x2000x1xf32>
    %get3A_18 = vector.shape_cast %get3A_17 : vector<1x2000x1xf32> to vector<2000x1xf32>
    %add3A_19 = arith.addf %get3A_13, %get3A_18 : vector<2000x1xf32>
    %max3A = arith.constant 1.000000e+00 : f32
    %max3A_20 = vector.broadcast %max3A : f32 to vector<2000x1xf32>
    %max3A_21 = arith.maximumf %add3A_19, %max3A_20 : vector<2000x1xf32>
    %div3A = arith.constant 1.000000e+00 : f32
    %div3A_22 = vector.broadcast %div3A : f32 to vector<2000x1xf32>
    %div3A_23 = arith.divf %div3A_22, %max3A_21 : vector<2000x1xf32>
    %mul3A = vector.broadcast %div3A_23 : vector<2000x1xf32> to vector<2000x128xf32>
    %mul3A_24 = arith.mulf %add3A, %mul3A : vector<2000x128xf32>
    %get3A_25 = arith.constant 0 : index
    %get3A_26 = arith.constant 0 : index
    %get3A_27 = vector.load %arg4[%get3A_25, %get3A_26] : memref<128x128xf32, #tpu.memory_space<vmem>>, vector<128x128xf32>
    %dot_general3A = arith.constant dense<0.000000e+00> : vector<2000x128xf32>
    %dot_general3A_28 = tpu.matmul %mul3A_24, %get3A_27, %dot_general3A {dimension_numbers = #tpu.dot_dimension_numbers<[1], [0], [0], [1], [0, 0, 1, 1], [], []>, transpose_lhs_hint = false} : vector<2000x128xf32>, vector<128x128xf32>, vector<2000x128xf32> -> vector<2000x128xf32>
    %get3A_29 = arith.constant 0 : index
    %get3A_30 = arith.constant 0 : index
    %get3A_31 = vector.load %arg3[%get3A_29, %get3A_30] : memref<2000x128xf32, #tpu.memory_space<vmem>>, vector<2000x128xf32>
    %add3A_32 = arith.addf %dot_general3A_28, %get3A_31 : vector<2000x128xf32>
    %max3A_33 = arith.constant 0.000000e+00 : f32
    %max3A_34 = vector.broadcast %max3A_33 : f32 to vector<2000x128xf32>
    %max3A_35 = arith.maximumf %add3A_32, %max3A_34 : vector<2000x128xf32>
    %swap3A = arith.constant 0 : index
    %swap3A_36 = arith.constant 0 : index
    %swap3A_37 = vector.load %arg5[%swap3A, %swap3A_36] : memref<2000x128xf32, #tpu.memory_space<vmem>>, vector<2000x128xf32>
    tpu.vector_store %arg5[%swap3A, %swap3A_36], %max3A_35 {strides = array<i32>} : memref<2000x128xf32, #tpu.memory_space<vmem>>, vector<2000x128xf32>,
    return
  }
  func.func @transform_0(%arg0: i32) -> (i32, i32, i32) {
    %c0_i32 = arith.constant 0 : i32
    %c0_i32_0 = arith.constant 0 : i32
    %c0_i32_1 = arith.constant 0 : i32
    return %c0_i32, %arg0, %c0_i32_0 : i32, i32, i32
  }
  func.func @transform_1(%arg0: i32) -> (i32, i32, i32) {
    %c0_i32 = arith.constant 0 : i32
    %c0_i32_0 = arith.constant 0 : i32
    %c0_i32_1 = arith.constant 0 : i32
    return %c0_i32, %arg0, %c0_i32_0 : i32, i32, i32
  }
  func.func @transform_2(%arg0: i32) -> (i32, i32) {
    %c0_i32 = arith.constant 0 : i32
    %c0_i32_0 = arith.constant 0 : i32
    return %arg0, %c0_i32 : i32, i32
  }
  func.func @transform_3(%arg0: i32) -> (i32, i32) {
    %c0_i32 = arith.constant 0 : i32
    %c0_i32_0 = arith.constant 0 : i32
    %c0_i32_1 = arith.constant 0 : i32
    return %c0_i32, %c0_i32_0 : i32, i32
  }
  func.func @transform_4(%arg0: i32) -> (i32, i32) {
    %c0_i32 = arith.constant 0 : i32
    %c0_i32_0 = arith.constant 0 : i32
    return %arg0, %c0_i32 : i32, i32
  }
}

module attributes {stable_mosaic.version = 14 : i64} {
  func.func @_tc_fc_body(%arg0: i32, %arg1: memref<1000x640xf32, #tpu.memory_space<vmem>>, %arg2: memref<640x128xf32, #tpu.memory_space<vmem>>, %arg3: memref<1x128xf32, #tpu.memory_space<vmem>>, %arg4: memref<1000x128xf32, #tpu.memory_space<vmem>>) attributes {dimension_semantics = [#tpu.dimension_semantics<arbitrary>], iteration_bounds = array<i64: 2>, scalar_prefetch = 0 : i64, scratch_operands = 0 : i64, tpu.core_type = #tpu.core_type<tc>, window_params = [{transform_indices = @transform_0, window_bounds = array<i64: 1000, 640>}, {pipeline_mode = #tpu.pipeline_mode<synchronous>, transform_indices = @transform_1, window_bounds = array<i64: 640, 128>}, {pipeline_mode = #tpu.pipeline_mode<synchronous>, transform_indices = @transform_2, window_bounds = array<i64: 1, 128>}, {transform_indices = @transform_3, window_bounds = array<i64: 1000, 128>}]} {
    %get3A = arith.constant 0 : index
    %get3A_0 = arith.constant 0 : index
    %get3A_1 = vector.load %arg1[%get3A, %get3A_0] : memref<1000x640xf32, #tpu.memory_space<vmem>>, vector<1000x640xf32>
    %get3A_2 = arith.constant 0 : index
    %get3A_3 = arith.constant 0 : index
    %get3A_4 = vector.load %arg2[%get3A_2, %get3A_3] : memref<640x128xf32, #tpu.memory_space<vmem>>, vector<640x128xf32>
    %dot_general3A = arith.constant dense<0.000000e+00> : vector<1000x128xf32>
    %dot_general3A_5 = tpu.matmul %get3A_1, %get3A_4, %dot_general3A {dimension_numbers = #tpu.dot_dimension_numbers<[1], [0], [0], [1], [0, 0, 1, 1], [], []>, transpose_lhs_hint = false} : vector<1000x640xf32>, vector<640x128xf32>, vector<1000x128xf32> -> vector<1000x128xf32>
    %get3A_6 = arith.constant 0 : index
    %get3A_7 = arith.constant 0 : index
    %get3A_8 = vector.load %arg3[%get3A_6, %get3A_7] : memref<1x128xf32, #tpu.memory_space<vmem>>, vector<1x128xf32>
    %add3A = vector.broadcast %get3A_8 : vector<1x128xf32> to vector<1000x128xf32>
    %add3A_9 = arith.addf %dot_general3A_5, %add3A : vector<1000x128xf32>
    %swap3A = arith.constant 0 : index
    %swap3A_10 = arith.constant 0 : index
    %swap3A_11 = vector.load %arg4[%swap3A, %swap3A_10] : memref<1000x128xf32, #tpu.memory_space<vmem>>, vector<1000x128xf32>
    tpu.vector_store %arg4[%swap3A, %swap3A_10], %add3A_9 {strides = array<i32>} : memref<1000x128xf32, #tpu.memory_space<vmem>>, vector<1000x128xf32>,
    return
  }
  func.func @transform_0(%arg0: i32) -> (i32, i32) {
    %c0_i32 = arith.constant 0 : i32
    %c0_i32_0 = arith.constant 0 : i32
    return %arg0, %c0_i32 : i32, i32
  }
  func.func @transform_1(%arg0: i32) -> (i32, i32) {
    %c0_i32 = arith.constant 0 : i32
    %c0_i32_0 = arith.constant 0 : i32
    %c0_i32_1 = arith.constant 0 : i32
    return %c0_i32, %c0_i32_0 : i32, i32
  }
  func.func @transform_2(%arg0: i32) -> (i32, i32) {
    %c0_i32 = arith.constant 0 : i32
    %c0_i32_0 = arith.constant 0 : i32
    %c0_i32_1 = arith.constant 0 : i32
    return %c0_i32, %c0_i32_0 : i32, i32
  }
  func.func @transform_3(%arg0: i32) -> (i32, i32) {
    %c0_i32 = arith.constant 0 : i32
    %c0_i32_0 = arith.constant 0 : i32
    return %arg0, %c0_i32 : i32, i32
  }
}

</mosaic_0001>

<sc_bundles>
// kernel: kernel.18.cloned.1.call-start
scs
__scs_entry_jumppad:
0x0: {  	(pc) =	sbr.rel $0x88, $3  }
0x1: {  	(tag) =	ssettag $0x0;
	lr =	simm.s32 $0x1  }
0x2: {  	[smem:$0x3F8E] =	sst lr;
	_ =	strace $0xD0000000  }
0x3: {  	_ = 	snop  }
0x4: {  	_ = 	snop  }
0x5: {  	_ = 	snop  }
0x6: {  	_ = 	snop  }
0x7: {  	_ = 	snop  }
__scs_overlays_trampoline_lowered:
0x8: {  	[smem:$0x3F9D] =	sst s0  }
0x9: {  	[smem:$0x3F9E] =	sst s1  }
0xa: {  	[smem:$0x3F9F] =	sst s2  }
0xb: {  	[smem:$0x3FA0] =	sst s3  }
0xc: {  	[smem:$0x3FA1] =	sst s4  }
0xd: {  	[smem:$0x3FA2] =	sst s5  }
0xe: {  	[smem:$0x3FA3] =	sst s6  }
0xf: {  	[smem:$0x3FA4] =	sst s7  }
0x10: {  	[smem:$0x3FA5] =	sst s8  }
0x11: {  	[smem:$0x3FA6] =	sst s9;
	s0 =	simm.s32 @!p0 $0x0  }
0x12: {  	s1 =	sld [smem:$0x3F8C];
	s0 =	simm.s32 @p0 $0x1  }
0x13: {  	[smem:$0x3FA7] =	sst s0;
	s0 =	simm.s32 @!p1 $0x0  }
0x14: {  	s2 =	sld [smem:$0x3F8B];
	s0 =	simm.s32 @p1 $0x1  }
0x15: {  	[smem:$0x3FA8] =	sst s0;
	s0 =	simm.s32 @!p2 $0x0  }
0x16: {  	s3 =	sld [smem:$0x3FDB];
	s0 =	simm.s32 @p2 $0x1  }
0x17: {  	s4 =	simm.s32 $0x1BF5;
	[smem:$0x3FAA] =	sst s0  }
0x18: {  	s0 =	sld [smem:$0x3F8D];
	_ =	swait.ge [sflag:s4], $0x0  }
0x19: {  	s7 =	sld [smem:$0x3F8E]  }
0x1a: {  	s8 =	sadd.s32 $0xFFFFE003, lr  }
0x1b: {  	s9 =	sadd.s32 $0xFFFFFEF7, lr;
	s5 =	simm.s32 $0xFFFFFFFF;
	p2 =	slt.u32 s8, $0xFFFFF086  }
0x1c: {  	p1 =	slt.u32 s9, $0xF7A;
	s5 =	simm.s32 @!p2 $0x0  }
0x1d: {  	s5 =	simm.s32 @p1 $0x1;
	p0 =	seq.s32 s7, s2  }
0x1e: {  	s7 =	smul.u32 @!p0 $0xF7A, s2;
	p2 =	seq.s32 @!p0 s5, $0x0  }
0x1f: {  	s9 =	smul.u32 $0xF7A, s1;
	s8 =	simm.s32 @!p0 $0x1BF5;
	p2 =	por !p2, p0  }
0x20: {  	[sflag:s8] =	ssyncset.s32 @!p0 $0xFFFFF086;
	s6 =	sadd.s32 @!p0 s3, s7;
	s7 =	simm.s32 @!p0 $0x108  }
0x21: {  	s3 =	sadd.s32 s3, s9;
	s6 =	sadd.s32 @!p0 $0x88, s6;
	s7 =	simm.s32 @p2 $0x1082  }
0x22: {  	[simem:s7], [sflag:s8] =	dma.local @!p0 [hbm:s6], $0xF7A  }
0x23: {  	s9 =	sor.u32 $0xD0000000, s2;
	s6 =	simm.s32 $0x108;
	_ =	swait.ge @!p0 [sflag:s8], $0x0  }
0x24: {  	s3 =	sadd.s32 $0x88, s3;
	s6 =	simm.s32 @!p1 $0x1082;
	[sflag:s4] =	ssyncset.s32 $0xFFFFF086  }
0x25: {  	[simem:s6], [sflag:s4] =	dma.local [hbm:s3], $0xF7A  }
0x26: {  	[smem:$0x3F8E] =	sst s1;
	(tag) =	ssettag s2;
	_ =	strace s9  }
0x27: {  	s1 =	sld [smem:$0x3F9E]  }
0x28: {  	s2 =	sld [smem:$0x3F9F]  }
0x29: {  	s4 =	sld [smem:$0x3FA1]  }
0x2a: {  	p0 =	seq.s32 s5, $0x0;
	s5 =	sld [smem:$0x3FA2]  }
0x2b: {  	s6 =	sld [smem:$0x3FA3]  }
0x2c: {  	s7 =	sld [smem:$0x3FA4]  }
0x2d: {  	s3 =	simm.s32 $0x108;
	s8 =	sld [smem:$0x3FA5]  }
0x2e: {  	s3 =	simm.s32 @!p0 $0x1082;
	s9 =	sld [smem:$0x3FA6]  }
0x2f: {  	lr =	sadd.s32 s0, s3;
	s0 =	sld [smem:$0x3F9D]  }
0x30: {  	s3 =	sld [smem:$0x3FA0]  }
0x31: {  	[smem:$0x3FA9] =	sst s10  }
0x32: {  	s10 =	sld [smem:$0x3FA7];
	_ =	sdelay $0x3  }
0x33: {  	p0 =	seq.s32 s10, $0x1;
	s10 =	sld [smem:$0x3FA9];
	_ =	sdelay $0x3  }
0x34: {  	[smem:$0x3FA9] =	sst s10  }
0x35: {  	s10 =	sld [smem:$0x3FA8];
	_ =	sdelay $0x3  }
0x36: {  	p1 =	seq.s32 s10, $0x1;
	s10 =	sld [smem:$0x3FA9];
	_ =	sdelay $0x3  }
0x37: {  	[smem:$0x3FA9] =	sst s10  }
0x38: {  	s10 =	sld [smem:$0x3FAA]  }
0x39: {  	_ = 	snop;
	(pc) =	sbr.ind lr, $3  }
0x3a: {  	_ = 	snop  }
0x3b: {  	_ = 	snop  }
0x3c: {  	p2 =	seq.s32 s10, $0x1;
	s10 =	sld [smem:$0x3FA9]  }
0x3d: {  	_ =	shalt  }
0x3e: {  	_ =	shalt  }
0x3f: {  	_ =	shalt  }
0x40: {  	_ =	shalt  }
0x41: {  	_ =	shalt  }
0x42: {  	_ =	shalt  }
0x43: {  	_ =	shalt  }
0x44: {  	_ =	shalt  }
0x45: {  	_ =	shalt  }
0x46: {  	_ =	shalt  }
0x47: {  	_ =	shalt  }
0x48: {  	_ =	shalt  }
0x49: {  	_ =	shalt  }
0x4a: {  	_ =	shalt  }
0x4b: {  	_ =	shalt  }
0x4c: {  	_ =	shalt  }
0x4d: {  	_ =	shalt  }
0x4e: {  	_ =	shalt  }
0x4f: {  	_ =	shalt  }
0x50: {  	_ =	shalt  }
0x51: {  	_ =	shalt  }
0x52: {  	_ =	shalt  }
0x53: {  	_ =	shalt  }
0x54: {  	_ =	shalt  }
0x55: {  	_ =	shalt  }
0x56: {  	_ =	shalt  }
0x57: {  	_ =	shalt  }
0x58: {  	_ =	shalt  }
0x59: {  	_ =	shalt  }
0x5a: {  	_ =	shalt  }
0x5b: {  	_ =	shalt  }
0x5c: {  	_ =	shalt  }
0x5d: {  	_ =	shalt  }
0x5e: {  	_ =	shalt  }
0x5f: {  	_ =	shalt  }
0x60: {  	_ =	shalt  }
0x61: {  	_ =	shalt  }
0x62: {  	_ =	shalt  }
0x63: {  	_ =	shalt  }
0x64: {  	_ =	shalt  }
0x65: {  	_ =	shalt  }
0x66: {  	_ =	shalt  }
0x67: {  	_ =	shalt  }
0x68: {  	_ =	shalt  }
0x69: {  	_ =	shalt  }
0x6a: {  	_ =	shalt  }
0x6b: {  	_ =	shalt  }
0x6c: {  	_ =	shalt  }
0x6d: {  	_ =	shalt  }
0x6e: {  	_ =	shalt  }
0x6f: {  	_ =	shalt  }
0x70: {  	_ =	shalt  }
0x71: {  	_ =	shalt  }
0x72: {  	_ =	shalt  }
0x73: {  	_ =	shalt  }
0x74: {  	_ =	shalt  }
0x75: {  	_ =	shalt  }
0x76: {  	_ =	shalt  }
0x77: {  	_ =	shalt  }
0x78: {  	_ =	shalt  }
0x79: {  	_ =	shalt  }
0x7a: {  	_ =	shalt  }
0x7b: {  	_ =	shalt  }
0x7c: {  	_ =	shalt  }
0x7d: {  	_ =	shalt  }
0x7e: {  	_ =	shalt  }
0x7f: {  	_ =	shalt  }
0x80: {  	_ =	shalt  }
0x81: {  	_ =	shalt  }
0x82: {  	_ =	shalt  }
0x83: {  	_ =	shalt  }
0x84: {  	_ =	shalt  }
0x85: {  	_ =	shalt  }
0x86: {  	_ =	shalt  }
0x87: {  	_ =	shalt  }
.Lfunc_end0:
.L_simem_size_0:
called_computation_lowered:
.L_overlay_start_0:
0x88: {  	s2 =	sld [smem:$0x3FD9]  }
0x89: {  	s3 =	sld [smem:$0x3FFE];
	_ =	sdelay $0x1  }
0x8a: {  	s1 =	srdreg.scid  }
0x8b: {  	s0 =	sand.u32 $0x1, s1  }
0x8c: {  	s17 =	sshll.u32 s0, $0xA;
	s2 =	sadd.s32 s3, s2  }
0x8d: {  	s2 =	sadd.s32 s2, s17  }
0x8e: {  	[smem:$0x3FB5] =	sst s2  }
0x8f: {  	_ = 	snop  }
0x90: {  	s2 =	sld [smem:$0x3FC9]  }
0x91: {  	s18 =	sld [smem:$0x3FD0];
	(tm) =	ssettm $0x1  }
0x92: {  	s4 =	sld [smem:$0x3FFB];
	_ =	sdelay $0x3  }
0x93: {  	_ =	strace s4  }
0x94: {  	s4 =	sld [smem:$0x3FFC];
	_ =	sdelay $0x3  }
0x95: {  	_ =	strace s4  }
0x96: {  	s4 =	sld [smem:$0x3FFD];
	_ =	sdelay $0x3  }
0x97: {  	_ =	strace s4  }
0x98: {  	_ =	strace $0x8FFFFFFF  }
0x99: {  	s19 =	sld [smem:$0x3FDB];
	_ =	sdelay $0x1  }
0x9a: {  	s5 =	simm.s32 $_scs_section_size  }
0x9b: {  	s6 =	simm.s32 $_size__tile_overlayer_lowered;
	s7 =	simm.s32 $_tile_overlayer_lowered  }
0x9c: {  	s22 =	simm.s32 $0x1BFF;
	s21 =	sshll.u32 s7, $0x1;
	s4 =	sadd.s32 s5, s19  }
0x9d: {  	s8 =	simm.s32 $0x0;
	s20 =	sshll.u32 s6, $0x1;
	s6 =	sadd.s32 s21, s4  }
0x9e: {  	[timem:s8], [sflag:s22] =	dma.local [hbm:s6], s20  }
0x9f: {  	_ =	swait.ge [sflag:s22], s20  }
0xa0: {  	s5 =	ssub.s32 $0x0, s20;
	[sflag:s22] =	ssyncset.done $0x0  }
0xa1: {  	[sflag:s22] =	ssyncadd.s32 s5;
	_ =	sdelay $0x1  }
0xa2: {  	s23 =	simm.s32 $0x1B8B  }
0xa3: {  	_ =	swait.ge [sflag:s23], $0x1  }
0xa4: {  	[sflag:s23] =	ssyncset.done $0x0  }
0xa5: {  	s25 =	simm.s32 $0x1B8E;
	s24 =	sld [smem:$0x3FFE];
	[sflag:s23] =	ssyncadd.s32 $0xFFFFFFFF  }
0xa6: {  	s26 =	simm.s32 $execute0_lowered;
	[smem:$0x3FD2] =	sst s25  }
0xa7: {  	s6 =	sshll.u32 s26, $0x1;
	_ =	strace $0x80000046;
	[dreg:$0x1] =	wrdreg $0xFFFFFFFF  }
0xa8: {  	s28 =	simm.s32 $_size_execute0_lowered;
	s4 =	sadd.s32 s4, s6;
	[dreg:$0x0] =	wrdreg $0x0  }
0xa9: {  	s6 =	sshll.u32 s28, $0x1;
	[dreg:$0x2] =	wrdreg s4  }
0xaa: {  	[dreg:$0x3] =	wrdreg s6  }
0xab: {  	[dreg:$0x4] =	wrdreg $0xC0  }
0xac: {  	_ =	task [dreg:s8], $0x5FFFF  }
0xad: {  	[dreg:$0x1] =	wrdreg $0xFFFFFFFF  }
0xae: {  	[dreg:$0x0] =	wrdreg $0x60  }
0xaf: {  	[dreg:$0x2] =	wrdreg s2  }
0xb0: {  	[dreg:$0x3] =	wrdreg s24  }
0xb1: {  	[dreg:$0x4] =	wrdreg s18  }
0xb2: {  	[dreg:$0x5] =	wrdreg $0xA7000  }
0xb3: {  	[dreg:$0x6] =	wrdreg $0x1DF800  }
0xb4: {  	[dreg:$0x7] =	wrdreg $0x9  }
0xb5: {  	_ =	task.clear_ibuf [dreg:s8], $0x8FFFF;
	_ =	strace $0x90000046  }
0xb6: {  	s29 =	simm.s32 $0x9;
	_ =	strace $0x80000048  }
0xb7: {  	_ =	swait.ge [sflag:s29], $0x1  }
0xb8: {  	[sflag:s29] =	ssyncadd.s32 $0xFFFFFFFF  }
0xb9: {  	_ =	strace $0x90000048  }
0xba: {  	_ =	sfence  }
0xbb: {  	s30 =	sld [smem:$0x0];
	_ =	sdelay $0x2  }
0xbc: {  	s31 =	sshll.u32 s1, $0xD;
	s1 =	sshrl.u32 s1, $0x2  }
0xbd: {  	s3 =	sand.u32 $0x4000, s31;
	s1 =	sadd.s32 s1, s30  }
0xbe: {  	s0 =	sor.u32 s3, s0;
	s1 =	sshll.u32 s1, $0x11  }
0xbf: {  	s0 =	sor.u32 s1, s0  }
0xc0: {  	s0 =	sadd.s32 $0x8F2B, s0  }
0xc1: {  	[sflag:s0] =	ssyncadd.remote.s32 $0x1  }
0xc2: {  	_ =	sfence.sel $0xFFFF  }
0xc3: {  	[dreg:$0x0] =	wrdreg $0xFFFFFFFF;
	(pc) =	sbr.abs _section_cstart, $3  }
0xc4: {  	[dreg:$0x1] =	wrdreg $0xFFFFFFFF  }
0xc5: {  	_ =	task.clear_ibuf [dreg:s8], $0x2FFFF;
	_ =	strace $0x9FFFFFFF  }
0xc6: {  	(tm) =	ssettm $0x7FFFFFFF  }
0xc7: {  	_ =	shalt  }
tec
execute0_lowered:
.L_overlay_start_1:
0x0: {  	(tag) =	ssettag $0x1  }
0x1: {  	s1 =	rddreg [dreg:$0x0]  }
0x2: {  	s0 =	rddreg [dreg:$0x1]  }
0x3: {  	s5 =	rddreg [dreg:$0x2]  }
0x4: {  	s2 =	rddreg [dreg:$0x3]  }
0x5: {  	s3 =	rddreg [dreg:$0x4];
	s4 =	simm.s32 $0x0;
	s6 =	stileid.u32  }
0x6: {  	s8 =	srdreg.scid;
	s28 =	simm.s32 $0x50;
	s29 =	simm.s32 $0x400  }
0x7: {  	s30 =	simm.s32 $0x4;
	s31 =	simm.s32 $0xC;
	[smem:$0x7FF] =	sst s4  }
0x8: {  	s7 =	smul.u32 $0x13800, s6;
	s9 =	sadd.s32 $0xF200, s0;
	s8 =	sand.u32 $0x1, s8  }
0x9: {  	s11 =	smul.u32 $0x4E000, s6;
	s12 =	sadd.s32 $0x5400, s0;
	s13 =	sadd.s32 $0x40200, s0  }
0xa: {  	s16 =	smul.u32 $0x270, s6;
	s17 =	sshll.u32 s6, $0x6;
	s19 =	sadd.s32 $0x138000, s2  }
0xb: {  	s26 =	smul.u32 $0x2710, s6;
	_ =	strace $0x80000047;
	[dreg:$0x6] =	wrdreg s9  }
0xc: {  	p0 =	sne.s32 s6, $0x0;
	[dreg:$0x7] =	wrdreg s12;
	s18 =	smul.u32 $0x138800, s8  }
0xd: {  	s10 =	ssub.s32 $0x2, s8;
	[dreg:$0xb] =	wrdreg s19;
	s21 =	smul.u32 $0x2710, s8  }
0xe: {  	s20 =	sshll.u32 s8, $0x4;
	s8 =	smul.u32 $0x27100, s8;
	s19 =	simm.s32 $0x0  }
0xf: {  	s14 =	sshrl.u32 s7, $0x3;
	s15 =	sshrl.u32 s10, $0x1;
	s11 =	sshrl.u32 s11, $0x2  }
0x10: {  	[dreg:$0x15] =	wrdreg s19;
	s9 =	sadd.s32 s14, s0;
	s10 =	ssub.s32 s10, s15  }
0x11: {  	s11 =	sadd.s32 s11, s2;
	s14 =	sor.u32 $0x1C15, s17;
	s0 =	sadd.s32 $0x40000, s0  }
0x12: {  	s15 =	sadd.s32 s16, s3;
	s17 =	sadd.s32 $0x2700, s3;
	s7 =	sadd.s32 s7, s18  }
0x13: {  	s23 =	sshrl.u32 s18, $0x3;
	s24 =	sadd.s32 s16, s21;
	s25 =	sshrl.u32 s21, $0x3  }
0x14: {  	s16 =	sadd.s32 s26, s8;
	s26 =	simm.s32 $0x11;
	[dreg:$0x8] =	wrdreg s11  }
0x15: {  	s8 =	simm.s32 $0xA400;
	s9 =	sadd.s32 $0x19000, s9;
	[dreg:$0xc] =	wrdreg s0  }
0x16: {  	s0 =	sor.u32 s6, s20;
	s7 =	sshrl.u32 s7, $0x3;
	[dreg:$0xa] =	wrdreg s14  }
0x17: {  	s12 =	sadd.s32 s5, s25;
	s20 =	sshrl.u32 s16, $0x3;
	[dreg:$0xd] =	wrdreg s15  }
0x18: {  	s18 =	sadd.s32 $0xF0, s16;
	s25 =	simm.s32 $0x200;
	[dreg:$0xe] =	wrdreg s17  }
0x19: {  	s11 =	simm.s32 $0xF;
	[dreg:$0x9] =	wrdreg s9;
	s0 =	smul.u32 $0x2710, s0  }
0x1a: {  	s22 =	sadd.s32 s13, s7;
	s7 =	sshrl.u32 s24, $0x3;
	s21 =	sshrl.u32 s18, $0x3  }
0x1b: {  	s24 =	simm.s32 $0x1;
	s9 =	simm.s32 $0x13;
	[dreg:$0x10] =	wrdreg s22  }
0x1c: {  	s18 =	simm.s32 $0xA;
	s7 =	sadd.s32 s5, s7;
	[dreg:$0xf] =	wrdreg s0  }
0x1d: {  	s0 =	sadd.s32 s13, s23;
	[dreg:$0x12] =	wrdreg s7;
	s13 =	smax.u32 s10, $0x1  }
.Ltmp0:
0x1e: {  	s23 =	simm.s32 $0x15;
	s7 =	simm.s32 $0xA480;
	(pc) =	sbr.rel .LBB2_1-.Ltmp0, $4  }
0x1f: {  	s10 =	simm.s32 $0x7;
	s0 =	sadd.s32 $0x27000, s0;
	[dreg:$0x14] =	wrdreg s13  }
0x20: {  	s13 =	simm.s32 $0x280;
	[dreg:$0x11] =	wrdreg s0;
	s0 =	sadd.s32 $0x4E0, s12  }
0x21: {  	s12 =	simm.s32 $0x9;
	[dreg:$0x13] =	wrdreg s0;
	s0 =	sadd.s32 $0x50, s16  }
0x22: {  	v0 =	vimm.f32 $0.0e+00;
	v1 =	vimm.f32 $1.000000000e+00;
	s16 =	simm.s32 $0x2;
	s22 =	sshrl.u32 s0, $0x3;
	s0 =	simm.s32 $0x380  }
.LBB2_17:
0x23: {  	[bflag:$0x0] =	sbarrier.arrive $0xFFFF  }
0x24: {  	s14 =	rddreg [dreg:$0xa]  }
0x25: {  	s5 =	rddreg [dreg:$0x10]  }
0x26: {  	s23 =	simm.s32 $0x15;
	s6 =	rddreg [dreg:$0x16]  }
0x27: {  	[hbm:s5], [sflag:s14] =	dma.local [spmem:s6], $0x2700  }
0x28: {  	_ =	swait.ge [sflag:s23], $0x2700  }
0x29: {  	[sflag:s23] =	ssyncset.done $0x0;
	s5 =	rddreg [dreg:$0x11]  }
0x2a: {  	s6 =	rddreg [dreg:$0x17];
	[sflag:s23] =	ssyncadd.s32 $0xFFFFD900  }
0x2b: {  	[hbm:s5], [sflag:s14] =	dma.local @!p0 [spmem:s6], $0x100  }
0x2c: {  	s5 =	simm.s32 @!p0 $0x15  }
0x2d: {  	_ =	swait.ge @!p0 [sflag:s5], $0x100  }
0x2e: {  	[sflag:s5] =	ssyncset.done @!p0 $0x0  }
0x2f: {  	s7 =	simm.s32 $0xA480;
	s15 =	rddreg [dreg:$0xd];
	[sflag:s5] =	ssyncadd.s32 @!p0 $0xFFFFFF00  }
0x30: {  	[tilespmem:s7], [sflag:$0x15] =	stream.linear.gather [spmem:s15], $0x270, $0x38;
	[tilespmem:$0x1E1F8] =	vst v63  }
0x31: {  	_ =	swait.ge [sflag:s23], $0x270  }
0x32: {  	[sflag:s23] =	ssyncset.done $0x0  }
0x33: {  	s19 =	rddreg [dreg:$0x12];
	[sflag:s23] =	ssyncadd.s32 $0xFFFFFD90  }
0x34: {  	[hbm4b:s19+s4] =	stream.linear.scatter [tilespmem:s7], [sflag:$0x15], $0x270, $0x38;
	[tilespmem:$0x1E1F8] =	vst v63  }
0x35: {  	_ =	swait.ge [sflag:s23], $0x270  }
0x36: {  	[sflag:s23] =	ssyncset.done $0x0  }
0x37: {  	s6 =	simm.s32 @!p0 $0xA480;
	s17 =	rddreg [dreg:$0xe];
	[sflag:s23] =	ssyncadd.s32 $0xFFFFFD90  }
0x38: {  	[tilespmem:s6], [sflag:$0x15] =	stream.linear.gather @!p0 [spmem:s17], $0x10, $0x38;
	[tilespmem:$0x1E1F8] =	vst v63  }
0x39: {  	_ =	swait.ge @!p0 [sflag:s5], $0x10  }
0x3a: {  	[sflag:s5] =	ssyncset.done @!p0 $0x0  }
0x3b: {  	s7 =	simm.s32 @!p0 $0x0;
	s19 =	rddreg [dreg:$0x13];
	[sflag:s5] =	ssyncadd.s32 @!p0 $0xFFFFFFF0  }
0x3c: {  	[hbm4b:s19+s7] =	stream.linear.scatter @!p0 [tilespmem:s6], [sflag:$0x15], $0x10, $0x38;
	[tilespmem:$0x1E1F8] =	vst v63  }
0x3d: {  	_ =	swait.ge @!p0 [sflag:s5], $0x10  }
0x3e: {  	s6 =	rddreg [dreg:$0x15]  }
0x3f: {  	s19 =	sadd.s32 $0x1, s6;
	s6 =	rddreg [dreg:$0x14]  }
0x40: {  	p1 =	sne.s32 s19, s6  }
.Ltmp1:
0x41: {  	_ = 	snop;
	(pc) =	sbr.rel @!p1 .LBB2_18-.Ltmp1, $3  }
0x42: {  	_ =	sdelay $0x1  }
0x43: {  	[sflag:s5] =	ssyncset.done @!p0 $0x0  }
0x44: {  	s7 =	simm.s32 $0xA480;
	[sflag:s5] =	ssyncadd.s32 @!p0 $0xFFFFFFF0;
	[dreg:$0x15] =	wrdreg s19  }
.LBB2_1:
0x45: {  	s5 =	rddreg [dreg:$0x8]  }
0x46: {  	s19 =	rddreg [dreg:$0x9];
	s6 =	sshrl.u32 s5, $0x3  }
0x47: {  	[dreg:$0x16] =	wrdreg s6  }
0x48: {  	[spmem:s6], [sflag:s14] =	dma.local [hbm:s19], $0x2700  }
0x49: {  	_ =	swait.ge [sflag:s23], $0x2700  }
0x4a: {  	s5 =	rddreg [dreg:$0xb]  }
0x4b: {  	[sflag:s23] =	ssyncset.done $0x0;
	s6 =	sshrl.u32 @!p0 s5, $0x3;
	s5 =	rddreg [dreg:$0xc]  }
0x4c: {  	[sflag:s23] =	ssyncadd.s32 $0xFFFFD900;
	[dreg:$0x17] =	wrdreg s6  }
0x4d: {  	[spmem:s6], [sflag:s14] =	dma.local @!p0 [hbm:s5], $0x100  }
0x4e: {  	s5 =	simm.s32 @!p0 $0x15  }
0x4f: {  	_ =	swait.ge @!p0 [sflag:s5], $0x100  }
0x50: {  	[sflag:s5] =	ssyncset.done @!p0 $0x0  }
0x51: {  	[sflag:s5] =	ssyncadd.s32 @!p0 $0xFFFFFF00  }
0x52: {  	[tilespmem:$0xA480] =	vst v0  }
0x53: {  	[tilespmem:$0xA490] =	vst v0  }
0x54: {  	[tilespmem:$0xA4A0] =	vst v0  }
0x55: {  	[tilespmem:$0xA4B0] =	vst v0  }
0x56: {  	[tilespmem:$0xA4C0] =	vst v0  }
0x57: {  	[tilespmem:$0xA4D0] =	vst v0  }
0x58: {  	[tilespmem:$0xA4E0] =	vst v0  }
0x59: {  	[tilespmem:$0xA4F0] =	vst v0  }
0x5a: {  	[tilespmem:$0xA500] =	vst v0  }
0x5b: {  	[tilespmem:$0xA510] =	vst v0  }
0x5c: {  	[tilespmem:$0xA520] =	vst v0  }
0x5d: {  	[tilespmem:$0xA530] =	vst v0  }
0x5e: {  	[tilespmem:$0xA540] =	vst v0  }
0x5f: {  	[tilespmem:$0xA550] =	vst v0  }
0x60: {  	[tilespmem:$0xA560] =	vst v0  }
0x61: {  	[tilespmem:$0xA570] =	vst v0  }
0x62: {  	[tilespmem:$0xA580] =	vst v0  }
0x63: {  	[tilespmem:$0xA590] =	vst v0  }
0x64: {  	[tilespmem:$0xA5A0] =	vst v0  }
0x65: {  	[tilespmem:$0xA5B0] =	vst v0  }
0x66: {  	[tilespmem:$0xA5C0] =	vst v0  }
0x67: {  	[tilespmem:$0xA5D0] =	vst v0  }
0x68: {  	[tilespmem:$0xA5E0] =	vst v0  }
0x69: {  	[tilespmem:$0xA5F0] =	vst v0  }
0x6a: {  	[tilespmem:$0xA600] =	vst v0  }
0x6b: {  	[tilespmem:$0xA610] =	vst v0  }
0x6c: {  	[tilespmem:$0xA620] =	vst v0  }
0x6d: {  	[tilespmem:$0xA630] =	vst v0  }
0x6e: {  	[tilespmem:$0xA640] =	vst v0  }
0x6f: {  	[tilespmem:$0xA650] =	vst v0  }
0x70: {  	[tilespmem:$0xA660] =	vst v0  }
0x71: {  	[tilespmem:$0xA670] =	vst v0  }
0x72: {  	[tilespmem:$0xA680] =	vst v0  }
0x73: {  	[tilespmem:$0xA690] =	vst v0  }
0x74: {  	[tilespmem:$0xA6A0] =	vst v0  }
0x75: {  	[tilespmem:$0xA6B0] =	vst v0  }
0x76: {  	[tilespmem:$0xA6C0] =	vst v0  }
0x77: {  	[tilespmem:$0xA6D0] =	vst v0  }
0x78: {  	[tilespmem:$0xA6E0] =	vst v0  }
0x79: {  	[spmem:s15] =	stream.linear.scatter [tilespmem:s7], [sflag:$0x15], $0x270, $0x38;
	[tilespmem:$0x1E1F8] =	vst v63  }
0x7a: {  	_ =	swait.ge [sflag:s23], $0x270  }
0x7b: {  	[sflag:s23] =	ssyncset.done $0x0  }
0x7c: {  	s6 =	simm.s32 @!p0 $0xA480;
	[sflag:s23] =	ssyncadd.s32 $0xFFFFFD90  }
0x7d: {  	[spmem:s17] =	stream.linear.scatter @!p0 [tilespmem:s6], [sflag:$0x15], $0x10, $0x38;
	[tilespmem:$0x1E1F8] =	vst v63  }
0x7e: {  	_ =	swait.ge @!p0 [sflag:s5], $0x10  }
0x7f: {  	[sflag:s5] =	ssyncset.done @!p0 $0x0  }
0x80: {  	[sflag:s5] =	ssyncadd.s32 @!p0 $0xFFFFFFF0  }
0x81: {  	[tilespmem:$0xA400] =	vst v1  }
0x82: {  	[tilespmem:$0xA410] =	vst v1  }
0x83: {  	[tilespmem:$0xA420] =	vst v1  }
.Ltmp2:
0x84: {  	[tilespmem:$0xA430] =	vst v1;
	(pc) =	sbr.rel .LBB2_2-.Ltmp2, $4  }
0x85: {  	[tilespmem:$0xA440] =	vst v1  }
0x86: {  	[bflag:$0x0] =	sbarrier.arrive $0xFFFF  }
0x87: {  	s5 =	rddreg [dreg:$0x6]  }
0x88: {  	s7 =	simm.s32 $0x0;
	s23 =	simm.s32 $0x3;
	s6 =	rddreg [dreg:$0x7]  }
.LBB2_13:
0x89: {  	s14 =	sadd.s32 s5, s21;
	s15 =	simm.s32 $0x180  }
0x8a: {  	[tilespmem:s15], [sflag:$0x14] =	stream.linear.gather [hbm4b:s14+s4], $0x50, $0x38;
	[tilespmem:$0x1E1F8] =	vst v63  }
0x8b: {  	s15 =	sadd.s32 s6, s21  }
0x8c: {  	[tilespmem:s0], [sflag:$0xC] =	stream.linear.gather [hbm4b:s15+s4], $0x50, $0x38;
	[tilespmem:$0x1E1F8] =	vst v63  }
0x8d: {  	_ =	swait.ge [sflag:s9], $0x50  }
0x8e: {  	[sflag:s9] =	ssyncset.done $0x0  }
0x8f: {  	s17 =	simm.s32 $0x100;
	s19 =	simm.s32 $0x5400;
	[sflag:s9] =	ssyncadd.s32 $0xFFFFFFB0  }
0x90: {  	[tilespmem:s19], [sflag:$0x3] =	stream.indirect.gather [hbm4b:s1+s28], $0x80, s17, s28, $0xb8;
	[tilespmem:$0x1E1F8] =	vst v63  }
.LBB2_15:
0x91: {  	_ =	swait.ge [sflag:s16], $0x2800  }
0x92: {  	[sflag:s16] =	ssyncset.done $0x0  }
0x93: {  	[sflag:s16] =	ssyncadd.s32 $0xFFFFD800  }
0x94: {  	_ =	swait.ge [sflag:s18], $0x50  }
0x95: {  	[sflag:s18] =	ssyncset.done $0x0  }
0x96: {  	s14 =	simm.s32 $0x2C00;
	[sflag:s18] =	ssyncadd.s32 $0xFFFFFFB0  }
0x97: {  	[spmem:s2] =	stream.indirect.scatter.add.f32 [tilespmem:s14], [sflag:$0x6], $0x80, s13, s28, $0xb8;
	[tilespmem:$0x1E1F8] =	vst v63  }
0x98: {  	_ = 	snop  }
0x99: {  	[spmem:s3] =	stream.indirect.scatter.add.f32 [tilespmem:s8], [sflag:$0xE], $0x1, s13, s28, $0xb8;
	[tilespmem:$0x1E1F8] =	vst v63  }
.LBB2_16:
0x9a: {  	s7 =	sadd.s32 $0x1, s7  }
0x9b: {  	s6 =	sadd.s32 $0x28, s6;
	s5 =	sadd.s32 $0x28, s5;
	s23 =	sadd.s32 $0x4, s23  }
.LBB2_2:
0x9c: {  	s14 =	sadd.s32 $0xFFFFFFF9, s23  }
0x9d: {  	p1 =	sgt.u32 s14, $0x7C  }
0x9e: {  	s14 =	simm.s32 @!p1 $0x5  }
0x9f: {  	p2 =	seq.s32 s23, $0x83;
	_ =	swait.ge @!p1 [sflag:s14], $0x2800  }
.Ltmp3:
0xa0: {  	[sflag:s14] =	ssyncset.done @!p1 $0x0;
	(pc) =	sbr.rel @p2 .LBB2_17-.Ltmp3, $4  }
0xa1: {  	[sflag:s14] =	ssyncadd.s32 @!p1 $0xFFFFD800;
	s14 =	simm.s32 @!p1 $0xD  }
0xa2: {  	_ =	swait.ge @!p1 [sflag:s14], $0x50  }
0xa3: {  	[sflag:s14] =	ssyncset.done @!p1 $0x0  }
0xa4: {  	[sflag:s14] =	ssyncadd.s32 @!p1 $0xFFFFFFB0  }
0xa5: {  	s14 =	sadd.s32 s5, s20;
	s17 =	sadd.s32 $0xFFFFFFFC, s23  }
0xa6: {  	[tilespmem:s4], [sflag:$0x11] =	stream.linear.gather [hbm4b:s14+s4], $0x50, $0x38;
	[tilespmem:$0x1E1F8] =	vst v63  }
0xa7: {  	p1 =	sgt.u32 s17, $0x7C  }
0xa8: {  	s15 =	sadd.s32 s6, s20;
	s14 =	simm.s32 @!p1 $0x14  }
0xa9: {  	[tilespmem:s25], [sflag:$0x9] =	stream.linear.gather [hbm4b:s15+s4], $0x50, $0x38;
	[tilespmem:$0x1E1F8] =	vst v63  }
0xaa: {  	_ =	swait.ge @!p1 [sflag:s14], $0x50  }
0xab: {  	s19 =	simm.s32 @!p1 $0x7C00;
	[sflag:s14] =	ssyncset.done @!p1 $0x0  }
0xac: {  	s15 =	simm.s32 @!p1 $0x180;
	[sflag:s14] =	ssyncadd.s32 @!p1 $0xFFFFFFB0;
	s14 =	simm.s32 @!p1 $0x50  }
0xad: {  	[tilespmem:s19], [sflag:$0x4] =	stream.indirect.gather @!p1 [hbm4b:s1+s14], $0x80, s15, s14, $0xb8;
	[tilespmem:$0x1E1F8] =	vst v63  }
0xae: {  	s19 =	sadd.s32 $0xFFFFFFFB, s23  }
0xaf: {  	p2 =	sgt.u32 s19, $0x7C  }
0xb0: {  	s14 =	simm.s32 @!p2 $0x3  }
0xb1: {  	_ =	swait.ge @!p2 [sflag:s14], $0x2800  }
0xb2: {  	[sflag:s14] =	ssyncset.done @!p2 $0x0  }
0xb3: {  	[sflag:s14] =	ssyncadd.s32 @!p2 $0xFFFFD800;
	s14 =	simm.s32 @!p2 $0xB  }
0xb4: {  	_ =	swait.ge @!p2 [sflag:s14], $0x50  }
0xb5: {  	s15 =	simm.s32 @!p2 $0x300;
	[sflag:s14] =	ssyncset.done @!p2 $0x0  }
0xb6: {  	s19 =	simm.s32 @!p2 $0x5400;
	[sflag:s14] =	ssyncadd.s32 @!p2 $0xFFFFFFB0;
	s14 =	simm.s32 @!p2 $0x50  }
0xb7: {  	[spmem:s2] =	stream.indirect.scatter.add.f32 @!p2 [tilespmem:s19], [sflag:$0x7], $0x80, s15, s14, $0xb8;
	[tilespmem:$0x1E1F8] =	vst v63  }
0xb8: {  	s19 =	simm.s32 @!p2 $0xA400  }
0xb9: {  	[spmem:s3] =	stream.indirect.scatter.add.f32 @!p2 [tilespmem:s19], [sflag:$0xF], $0x1, s15, s14, $0xb8;
	[tilespmem:$0x1E1F8] =	vst v63  }
0xba: {  	p1 =	seq.s32 s23, $0x3;
	s14 =	sadd.s32 $0xFFFFFFFE, s23  }
0xbb: {  	p3 =	sgt.u32 @!p1 s14, $0x80  }
0xbc: {  	p3 =	por p3, p1  }
0xbd: {  	s15 =	simm.s32 @!p3 $0x6  }
0xbe: {  	_ =	swait.ge @!p3 [sflag:s15], $0x2800  }
0xbf: {  	[sflag:s15] =	ssyncset.done @!p3 $0x0  }
0xc0: {  	[sflag:s15] =	ssyncadd.s32 @!p3 $0xFFFFD800;
	s15 =	simm.s32 @!p3 $0xE  }
0xc1: {  	_ =	swait.ge @!p3 [sflag:s15], $0x50  }
0xc2: {  	[sflag:s15] =	ssyncset.done @!p3 $0x0  }
0xc3: {  	[sflag:s15] =	ssyncadd.s32 @!p3 $0xFFFFFFB0;
	p3 =	sgt.u32 s14, $0x7C  }
0xc4: {  	s15 =	sadd.s32 @!p3 s5, s22;
	s19 =	simm.s32 @!p3 $0x0;
	s17 =	simm.s32 @!p3 $0x80  }
0xc5: {  	[tilespmem:s17], [sflag:$0x12] =	stream.linear.gather @!p3 [hbm4b:s15+s19], $0x50, $0x38;
	[tilespmem:$0x1E1F8] =	vst v63  }
0xc6: {  	s15 =	sadd.s32 @!p3 s6, s22;
	s17 =	simm.s32 @!p3 $0x280  }
0xc7: {  	[tilespmem:s17], [sflag:$0xA] =	stream.linear.gather @!p3 [hbm4b:s15+s19], $0x50, $0x38;
	[tilespmem:$0x1E1F8] =	vst v63  }
0xc8: {  	p3 =	sgt.u32 @!p1 s14, $0x7E  }
0xc9: {  	p3 =	por p1, p3  }
.Ltmp4:
0xca: {  	_ = 	snop;
	(pc) =	sbr.rel @p3 .LBB2_6-.Ltmp4, $4  }
0xcb: {  	_ =	swait.ge [sflag:s26], $0x50  }
0xcc: {  	[sflag:s26] =	ssyncset.done $0x0  }
0xcd: {  	[sflag:s26] =	ssyncadd.s32 $0xFFFFFFB0  }
0xce: {  	[tilespmem:s29], [sflag:$0x1] =	stream.indirect.gather [hbm4b:s1+s28], $0x80, s4, s28, $0xb8;
	[tilespmem:$0x1E1F8] =	vst v63  }
0xcf: {  	_ =	swait.ge [sflag:s30], $0x2800  }
0xd0: {  	[sflag:s30] =	ssyncset.done $0x0  }
0xd1: {  	[sflag:s30] =	ssyncadd.s32 $0xFFFFD800  }
0xd2: {  	_ =	swait.ge [sflag:s31], $0x50  }
0xd3: {  	[sflag:s31] =	ssyncset.done $0x0  }
0xd4: {  	s14 =	simm.s32 $0x7C00;
	[sflag:s31] =	ssyncadd.s32 $0xFFFFFFB0  }
0xd5: {  	[spmem:s2] =	stream.indirect.scatter.add.f32 [tilespmem:s14], [sflag:$0x8], $0x80, s0, s28, $0xb8;
	[tilespmem:$0x1E1F8] =	vst v63  }
0xd6: {  	_ = 	snop  }
0xd7: {  	[spmem:s3] =	stream.indirect.scatter.add.f32 [tilespmem:s8], [sflag:$0x10], $0x1, s0, s28, $0xb8;
	[tilespmem:$0x1E1F8] =	vst v63  }
.LBB2_5:
0xd8: {  	_ =	swait.ge [sflag:s10], $0x2800  }
0xd9: {  	[sflag:s10] =	ssyncset.done $0x0  }
0xda: {  	[sflag:s10] =	ssyncadd.s32 $0xFFFFD800  }
0xdb: {  	_ =	swait.ge [sflag:s11], $0x50  }
0xdc: {  	[sflag:s11] =	ssyncset.done $0x0  }
0xdd: {  	s14 =	sadd.s32 $0xFFFFFFFF, s23;
	[sflag:s11] =	ssyncadd.s32 $0xFFFFFFB0  }
.LBB2_8:
0xde: {  	p2 =	sgt.u32 s14, $0x7C  }
.Ltmp5:
0xdf: {  	_ = 	snop;
	(pc) =	sbr.rel @p2 .LBB2_10-.Ltmp5, $1  }
0xe0: {  	_ =	sdelay $0x3  }
0xe1: {  	s14 =	smul.u32 $0x50, s14  }
0xe2: {  	s15 =	rddreg [dreg:$0xf]  }
0xe3: {  	s14 =	sadd.s32 s15, s14  }
0xe4: {  	s19 =	rddreg [dreg:$0x6];
	s14 =	sshrl.u32 s14, $0x3  }
0xe5: {  	s17 =	simm.s32 $0x100;
	s15 =	sadd.s32 s19, s14  }
0xe6: {  	[tilespmem:s17], [sflag:$0x13] =	stream.linear.gather [hbm4b:s15+s4], $0x50, $0x38;
	[tilespmem:$0x1E1F8] =	vst v63  }
0xe7: {  	s17 =	rddreg [dreg:$0x7]  }
0xe8: {  	s19 =	simm.s32 $0x300;
	s14 =	sadd.s32 s17, s14  }
0xe9: {  	[tilespmem:s19], [sflag:$0xB] =	stream.linear.gather [hbm4b:s14+s4], $0x50, $0x38;
	[tilespmem:$0x1E1F8] =	vst v63  }
.Ltmp6:
0xea: {  	s15 =	simm.s32 $0x12;
	(pc) =	sbr.rel .LBB2_11-.Ltmp6, $4  }
0xeb: {  	_ =	swait.ge [sflag:s15], $0x50  }
0xec: {  	[sflag:s15] =	ssyncset.done $0x0  }
0xed: {  	s17 =	simm.s32 $0x80;
	s19 =	simm.s32 $0x2C00;
	[sflag:s15] =	ssyncadd.s32 $0xFFFFFFB0  }
0xee: {  	[tilespmem:s19], [sflag:$0x2] =	stream.indirect.gather [hbm4b:s1+s28], $0x80, s17, s28, $0xb8;
	[tilespmem:$0x1E1F8] =	vst v63  }
.LBB2_10:
0xef: {  	p2 =	sgt.u32 s14, $0x7E  }
.Ltmp7:
0xf0: {  	_ = 	snop;
	(pc) =	sbr.rel @p2 .LBB2_12-.Ltmp7, $1  }
0xf1: {  	_ =	sdelay $0x3  }
.LBB2_11:
0xf2: {  	_ =	swait.ge [sflag:s24], $0x2800  }
0xf3: {  	[sflag:s24] =	ssyncset.done $0x0  }
0xf4: {  	[sflag:s24] =	ssyncadd.s32 $0xFFFFD800  }
0xf5: {  	_ =	swait.ge [sflag:s12], $0x50  }
0xf6: {  	[sflag:s12] =	ssyncset.done $0x0  }
0xf7: {  	[sflag:s12] =	ssyncadd.s32 $0xFFFFFFB0  }
0xf8: {  	[spmem:s2] =	stream.indirect.scatter.add.f32 [tilespmem:s29], [sflag:$0x5], $0x80, s25, s28, $0xb8;
	[tilespmem:$0x1E1F8] =	vst v63  }
0xf9: {  	_ = 	snop  }
0xfa: {  	[spmem:s3] =	stream.indirect.scatter.add.f32 [tilespmem:s8], [sflag:$0xD], $0x1, s25, s28, $0xb8;
	[tilespmem:$0x1E1F8] =	vst v63  }
.LBB2_12:
0xfb: {  	p2 =	sgt.u32 @!p1 s23, $0x80  }
0xfc: {  	p1 =	por p2, p1  }
0xfd: {  	s14 =	simm.s32 @!p1 $0x8  }
0xfe: {  	p2 =	sgt.u32 s23, $0x7C;
	_ =	swait.ge @!p1 [sflag:s14], $0x2800  }
.Ltmp8:
0xff: {  	[sflag:s14] =	ssyncset.done @!p1 $0x0;
	(pc) =	sbr.rel @!p2 .LBB2_13-.Ltmp8, $4  }
0x100: {  	[sflag:s14] =	ssyncadd.s32 @!p1 $0xFFFFD800;
	s14 =	simm.s32 @!p1 $0x10  }
0x101: {  	_ =	swait.ge @!p1 [sflag:s14], $0x50  }
0x102: {  	[sflag:s14] =	ssyncset.done @!p1 $0x0  }
0x103: {  	[sflag:s14] =	ssyncadd.s32 @!p1 $0xFFFFFFB0  }
0x104: {  	p1 =	sgt.u32 s23, $0x7E  }
.Ltmp9:
0x105: {  	_ = 	snop;
	(pc) =	sbr.rel @p1 .LBB2_16-.Ltmp9, $4  }
.Ltmp10:
0x106: {  	_ = 	snop;
	(pc) =	sbr.rel @!p1 .LBB2_15-.Ltmp10, $4  }
0x107: {  	_ = 	snop  }
0x108: {  	_ = 	snop  }
0x109: {  	_ = 	snop  }
0x10a: {  	_ = 	snop  }
.LBB2_6:
.Ltmp11:
0x10b: {  	(pc) =	sbr.rel @!p2 .LBB2_5-.Ltmp11, $1  }
0x10c: {  	_ =	sdelay $0x3  }
.Ltmp12:
0x10d: {  	(pc) =	sbr.rel .LBB2_8-.Ltmp12, $3  }
0x10e: {  	_ =	sdelay $0x1  }
0x10f: {  	s14 =	sshll.u32 s7, $0x2  }
0x110: {  	s14 =	sor.u32 $0x2, s14  }
.LBB2_18:
0x111: {  	_ =	sfence.sel $0x180000  }
0x112: {  	[bflag:$0x0] =	sbarrier.arrive $0xFFFF  }
0x113: {  	_ =	strace $0x90000047  }
0x114: {  	[bflag:$0x2] =	sbarrier.arrive $0xFFFF  }
0x115: {  	s0 =	rddreg [dreg:$0x5]  }
0x116: {  	s0 =	sadd.s32 @!p0 $0x100000, s0  }
0x117: {  	[sflag:s0] =	ssyncadd.tile.s32 @!p0 $0x1;
	_ =	shalt  }
.Lfunc_end2:
_tile_overlayer_lowered:
.L_overlay_start_2:
0x118: {  	(tag) =	ssettag $0x2  }
0x119: {  	s0 =	rddreg [dreg:$0x0];
	s2 =	stileid.u32  }
0x11a: {  	s1 =	rddreg [dreg:$0x1];
	p0 =	sne.s32 s2, $0x0  }
0x11b: {  	s3 =	rddreg [dreg:$0x2];
	[bflag:$0x3] =	sbarrier.arrive $0xFFFF;
	s2 =	simm.s32 @!p0 $0x1C15  }
0x11c: {  	[timem:s3], [sflag:s2] =	dma.local @!p0 [hbm:s0], s1  }
0x11d: {  	s0 =	simm.s32 @!p0 $0x15  }
0x11e: {  	_ =	swait.ge @!p0 [sflag:s0], s1  }
0x11f: {  	s1 =	ssub.s32 @!p0 $0x0, s1;
	[sflag:s0] =	ssyncset.done @!p0 $0x0  }
0x120: {  	[sflag:s0] =	ssyncadd.s32 @!p0 s1  }
0x121: {  	[bflag:$0x3] =	sbarrier.arrive $0xFFFF  }
0x122: {  	_ =	shalt  }

// kernel: kernel.21.cloned.1.call-start
scs
__scs_entry_jumppad:
0x0: {  	(pc) =	sbr.rel $0x88, $3  }
0x1: {  	(tag) =	ssettag $0x0;
	lr =	simm.s32 $0x1  }
0x2: {  	[smem:$0x3F8E] =	sst lr;
	_ =	strace $0xD0000000  }
0x3: {  	_ = 	snop  }
0x4: {  	_ = 	snop  }
0x5: {  	_ = 	snop  }
0x6: {  	_ = 	snop  }
0x7: {  	_ = 	snop  }
__scs_overlays_trampoline_lowered:
0x8: {  	[smem:$0x3F9D] =	sst s0  }
0x9: {  	[smem:$0x3F9E] =	sst s1  }
0xa: {  	[smem:$0x3F9F] =	sst s2  }
0xb: {  	[smem:$0x3FA0] =	sst s3  }
0xc: {  	[smem:$0x3FA1] =	sst s4  }
0xd: {  	[smem:$0x3FA2] =	sst s5  }
0xe: {  	[smem:$0x3FA3] =	sst s6  }
0xf: {  	[smem:$0x3FA4] =	sst s7  }
0x10: {  	[smem:$0x3FA5] =	sst s8  }
0x11: {  	[smem:$0x3FA6] =	sst s9;
	s0 =	simm.s32 @!p0 $0x0  }
0x12: {  	s1 =	sld [smem:$0x3F8C];
	s0 =	simm.s32 @p0 $0x1  }
0x13: {  	[smem:$0x3FA7] =	sst s0;
	s0 =	simm.s32 @!p1 $0x0  }
0x14: {  	s2 =	sld [smem:$0x3F8B];
	s0 =	simm.s32 @p1 $0x1  }
0x15: {  	[smem:$0x3FA8] =	sst s0;
	s0 =	simm.s32 @!p2 $0x0  }
0x16: {  	s3 =	sld [smem:$0x3FDB];
	s0 =	simm.s32 @p2 $0x1  }
0x17: {  	s4 =	simm.s32 $0x1BF5;
	[smem:$0x3FAA] =	sst s0  }
0x18: {  	s0 =	sld [smem:$0x3F8D];
	_ =	swait.ge [sflag:s4], $0x0  }
0x19: {  	s7 =	sld [smem:$0x3F8E]  }
0x1a: {  	s8 =	sadd.s32 $0xFFFFE003, lr  }
0x1b: {  	s9 =	sadd.s32 $0xFFFFFEF7, lr;
	s5 =	simm.s32 $0xFFFFFFFF;
	p2 =	slt.u32 s8, $0xFFFFF086  }
0x1c: {  	p1 =	slt.u32 s9, $0xF7A;
	s5 =	simm.s32 @!p2 $0x0  }
0x1d: {  	s5 =	simm.s32 @p1 $0x1;
	p0 =	seq.s32 s7, s2  }
0x1e: {  	s7 =	smul.u32 @!p0 $0xF7A, s2;
	p2 =	seq.s32 @!p0 s5, $0x0  }
0x1f: {  	s9 =	smul.u32 $0xF7A, s1;
	s8 =	simm.s32 @!p0 $0x1BF5;
	p2 =	por !p2, p0  }
0x20: {  	[sflag:s8] =	ssyncset.s32 @!p0 $0xFFFFF086;
	s6 =	sadd.s32 @!p0 s3, s7;
	s7 =	simm.s32 @!p0 $0x108  }
0x21: {  	s3 =	sadd.s32 s3, s9;
	s6 =	sadd.s32 @!p0 $0x88, s6;
	s7 =	simm.s32 @p2 $0x1082  }
0x22: {  	[simem:s7], [sflag:s8] =	dma.local @!p0 [hbm:s6], $0xF7A  }
0x23: {  	s9 =	sor.u32 $0xD0000000, s2;
	s6 =	simm.s32 $0x108;
	_ =	swait.ge @!p0 [sflag:s8], $0x0  }
0x24: {  	s3 =	sadd.s32 $0x88, s3;
	s6 =	simm.s32 @!p1 $0x1082;
	[sflag:s4] =	ssyncset.s32 $0xFFFFF086  }
0x25: {  	[simem:s6], [sflag:s4] =	dma.local [hbm:s3], $0xF7A  }
0x26: {  	[smem:$0x3F8E] =	sst s1;
	(tag) =	ssettag s2;
	_ =	strace s9  }
0x27: {  	s1 =	sld [smem:$0x3F9E]  }
0x28: {  	s2 =	sld [smem:$0x3F9F]  }
0x29: {  	s4 =	sld [smem:$0x3FA1]  }
0x2a: {  	p0 =	seq.s32 s5, $0x0;
	s5 =	sld [smem:$0x3FA2]  }
0x2b: {  	s6 =	sld [smem:$0x3FA3]  }
0x2c: {  	s7 =	sld [smem:$0x3FA4]  }
0x2d: {  	s3 =	simm.s32 $0x108;
	s8 =	sld [smem:$0x3FA5]  }
0x2e: {  	s3 =	simm.s32 @!p0 $0x1082;
	s9 =	sld [smem:$0x3FA6]  }
0x2f: {  	lr =	sadd.s32 s0, s3;
	s0 =	sld [smem:$0x3F9D]  }
0x30: {  	s3 =	sld [smem:$0x3FA0]  }
0x31: {  	[smem:$0x3FA9] =	sst s10  }
0x32: {  	s10 =	sld [smem:$0x3FA7];
	_ =	sdelay $0x3  }
0x33: {  	p0 =	seq.s32 s10, $0x1;
	s10 =	sld [smem:$0x3FA9];
	_ =	sdelay $0x3  }
0x34: {  	[smem:$0x3FA9] =	sst s10  }
0x35: {  	s10 =	sld [smem:$0x3FA8];
	_ =	sdelay $0x3  }
0x36: {  	p1 =	seq.s32 s10, $0x1;
	s10 =	sld [smem:$0x3FA9];
	_ =	sdelay $0x3  }
0x37: {  	[smem:$0x3FA9] =	sst s10  }
0x38: {  	s10 =	sld [smem:$0x3FAA]  }
0x39: {  	_ = 	snop;
	(pc) =	sbr.ind lr, $3  }
0x3a: {  	_ = 	snop  }
0x3b: {  	_ = 	snop  }
0x3c: {  	p2 =	seq.s32 s10, $0x1;
	s10 =	sld [smem:$0x3FA9]  }
0x3d: {  	_ =	shalt  }
0x3e: {  	_ =	shalt  }
0x3f: {  	_ =	shalt  }
0x40: {  	_ =	shalt  }
0x41: {  	_ =	shalt  }
0x42: {  	_ =	shalt  }
0x43: {  	_ =	shalt  }
0x44: {  	_ =	shalt  }
0x45: {  	_ =	shalt  }
0x46: {  	_ =	shalt  }
0x47: {  	_ =	shalt  }
0x48: {  	_ =	shalt  }
0x49: {  	_ =	shalt  }
0x4a: {  	_ =	shalt  }
0x4b: {  	_ =	shalt  }
0x4c: {  	_ =	shalt  }
0x4d: {  	_ =	shalt  }
0x4e: {  	_ =	shalt  }
0x4f: {  	_ =	shalt  }
0x50: {  	_ =	shalt  }
0x51: {  	_ =	shalt  }
0x52: {  	_ =	shalt  }
0x53: {  	_ =	shalt  }
0x54: {  	_ =	shalt  }
0x55: {  	_ =	shalt  }
0x56: {  	_ =	shalt  }
0x57: {  	_ =	shalt  }
0x58: {  	_ =	shalt  }
0x59: {  	_ =	shalt  }
0x5a: {  	_ =	shalt  }
0x5b: {  	_ =	shalt  }
0x5c: {  	_ =	shalt  }
0x5d: {  	_ =	shalt  }
0x5e: {  	_ =	shalt  }
0x5f: {  	_ =	shalt  }
0x60: {  	_ =	shalt  }
0x61: {  	_ =	shalt  }
0x62: {  	_ =	shalt  }
0x63: {  	_ =	shalt  }
0x64: {  	_ =	shalt  }
0x65: {  	_ =	shalt  }
0x66: {  	_ =	shalt  }
0x67: {  	_ =	shalt  }
0x68: {  	_ =	shalt  }
0x69: {  	_ =	shalt  }
0x6a: {  	_ =	shalt  }
0x6b: {  	_ =	shalt  }
0x6c: {  	_ =	shalt  }
0x6d: {  	_ =	shalt  }
0x6e: {  	_ =	shalt  }
0x6f: {  	_ =	shalt  }
0x70: {  	_ =	shalt  }
0x71: {  	_ =	shalt  }
0x72: {  	_ =	shalt  }
0x73: {  	_ =	shalt  }
0x74: {  	_ =	shalt  }
0x75: {  	_ =	shalt  }
0x76: {  	_ =	shalt  }
0x77: {  	_ =	shalt  }
0x78: {  	_ =	shalt  }
0x79: {  	_ =	shalt  }
0x7a: {  	_ =	shalt  }
0x7b: {  	_ =	shalt  }
0x7c: {  	_ =	shalt  }
0x7d: {  	_ =	shalt  }
0x7e: {  	_ =	shalt  }
0x7f: {  	_ =	shalt  }
0x80: {  	_ =	shalt  }
0x81: {  	_ =	shalt  }
0x82: {  	_ =	shalt  }
0x83: {  	_ =	shalt  }
0x84: {  	_ =	shalt  }
0x85: {  	_ =	shalt  }
0x86: {  	_ =	shalt  }
0x87: {  	_ =	shalt  }
.Lfunc_end0:
.L_simem_size_0:
called_computation.1_lowered:
.L_overlay_start_0:
0x88: {  	s2 =	sld [smem:$0x3FD9]  }
0x89: {  	s3 =	sld [smem:$0x3FFE];
	_ =	sdelay $0x1  }
0x8a: {  	s1 =	srdreg.scid  }
0x8b: {  	s0 =	sand.u32 $0x1, s1  }
0x8c: {  	s16 =	sshll.u32 s0, $0xA;
	s2 =	sadd.s32 s3, s2  }
0x8d: {  	s2 =	sadd.s32 s2, s16  }
0x8e: {  	[smem:$0x3FB5] =	sst s2  }
0x8f: {  	_ = 	snop  }
0x90: {  	(tm) =	ssettm $0x1  }
0x91: {  	s17 =	sld [smem:$0x3FFB];
	_ =	sdelay $0x3  }
0x92: {  	_ =	strace s17  }
0x93: {  	s2 =	sld [smem:$0x3FFC];
	_ =	sdelay $0x3  }
0x94: {  	_ =	strace s2  }
0x95: {  	s2 =	sld [smem:$0x3FFD];
	_ =	sdelay $0x3  }
0x96: {  	_ =	strace s2  }
0x97: {  	_ =	strace $0x8FFFFFFF  }
0x98: {  	s18 =	sld [smem:$0x3FDB];
	_ =	sdelay $0x1  }
0x99: {  	s19 =	simm.s32 $_scs_section_size  }
0x9a: {  	s4 =	simm.s32 $_size__tile_overlayer_lowered;
	s5 =	simm.s32 $_tile_overlayer_lowered  }
0x9b: {  	s22 =	simm.s32 $0x1BFF;
	s21 =	sshll.u32 s5, $0x1;
	s2 =	sadd.s32 s19, s18  }
0x9c: {  	s6 =	simm.s32 $0x0;
	s20 =	sshll.u32 s4, $0x1;
	s4 =	sadd.s32 s21, s2  }
0x9d: {  	[timem:s6], [sflag:s22] =	dma.local [hbm:s4], s20  }
0x9e: {  	_ =	swait.ge [sflag:s22], s20  }
0x9f: {  	s3 =	ssub.s32 $0x0, s20;
	[sflag:s22] =	ssyncset.done $0x0  }
0xa0: {  	[sflag:s22] =	ssyncadd.s32 s3;
	_ =	sdelay $0x1  }
0xa1: {  	s23 =	simm.s32 $0x1B8B  }
0xa2: {  	_ =	swait.ge [sflag:s23], $0x1  }
0xa3: {  	[sflag:s23] =	ssyncset.done $0x0  }
0xa4: {  	s25 =	simm.s32 $0x1B8E;
	s24 =	sld [smem:$0x3FFE];
	[sflag:s23] =	ssyncadd.s32 $0xFFFFFFFF  }
0xa5: {  	s26 =	simm.s32 $execute0_lowered;
	[smem:$0x3FD2] =	sst s25  }
0xa6: {  	s4 =	sshll.u32 s26, $0x1;
	_ =	strace $0x80000049;
	[dreg:$0x1] =	wrdreg $0xFFFFFFFF  }
0xa7: {  	s28 =	simm.s32 $_size_execute0_lowered;
	s2 =	sadd.s32 s2, s4;
	[dreg:$0x0] =	wrdreg $0x0  }
0xa8: {  	s4 =	sshll.u32 s28, $0x1;
	[dreg:$0x2] =	wrdreg s2  }
0xa9: {  	[dreg:$0x3] =	wrdreg s4  }
0xaa: {  	[dreg:$0x4] =	wrdreg $0xC0  }
0xab: {  	_ =	task [dreg:s6], $0x5FFFF  }
0xac: {  	[dreg:$0x1] =	wrdreg $0xFFFFFFFF  }
0xad: {  	[dreg:$0x0] =	wrdreg $0x60  }
0xae: {  	[dreg:$0x2] =	wrdreg s24  }
0xaf: {  	[dreg:$0x3] =	wrdreg $0xA4000  }
0xb0: {  	[dreg:$0x4] =	wrdreg $0x9  }
0xb1: {  	_ =	task.clear_ibuf [dreg:s6], $0x5FFFF;
	_ =	strace $0x90000049  }
0xb2: {  	s29 =	simm.s32 $0x9;
	_ =	strace $0x8000004B  }
0xb3: {  	_ =	swait.ge [sflag:s29], $0x1  }
0xb4: {  	[sflag:s29] =	ssyncadd.s32 $0xFFFFFFFF  }
0xb5: {  	_ =	strace $0x9000004B  }
0xb6: {  	_ =	sfence  }
0xb7: {  	s30 =	sld [smem:$0x0];
	_ =	sdelay $0x2  }
0xb8: {  	s31 =	sshll.u32 s1, $0xD;
	s1 =	sshrl.u32 s1, $0x2  }
0xb9: {  	s3 =	sand.u32 $0x4000, s31;
	s1 =	sadd.s32 s1, s30  }
0xba: {  	s0 =	sor.u32 s3, s0;
	s1 =	sshll.u32 s1, $0x11  }
0xbb: {  	s0 =	sor.u32 s1, s0  }
0xbc: {  	s0 =	sadd.s32 $0x8F2B, s0  }
0xbd: {  	[sflag:s0] =	ssyncadd.remote.s32 $0x1  }
0xbe: {  	_ =	sfence.sel $0xFFFF  }
0xbf: {  	[dreg:$0x0] =	wrdreg $0xFFFFFFFF;
	(pc) =	sbr.abs _section_cstart, $3  }
0xc0: {  	[dreg:$0x1] =	wrdreg $0xFFFFFFFF  }
0xc1: {  	_ =	task.clear_ibuf [dreg:s6], $0x2FFFF;
	_ =	strace $0x9FFFFFFF  }
0xc2: {  	(tm) =	ssettm $0x7FFFFFFF  }
0xc3: {  	_ =	shalt  }
tec
execute0_lowered:
.L_overlay_start_1:
0x0: {  	(tag) =	ssettag $0x1  }
0x1: {  	s4 =	rddreg [dreg:$0x0]  }
0x2: {  	s1 =	rddreg [dreg:$0x1]  }
0x3: {  	s2 =	simm.s32 $0x0;
	s5 =	stileid.u32;
	s7 =	srdreg.scid  }
0x4: {  	s28 =	simm.s32 $0x7;
	s29 =	simm.s32 $0x100;
	s31 =	simm.s32 $0xE  }
0x5: {  	[smem:$0x7FF] =	sst s2;
	s3 =	sadd.s32 $0x40200, s4;
	s6 =	smul.u32 $0x13800, s5  }
0x6: {  	s0 =	sadd.s32 $0xF200, s4;
	s10 =	sadd.s32 $0x5400, s4;
	s7 =	sand.u32 $0x1, s7  }
0x7: {  	s12 =	sadd.s32 $0xDC600, s4;
	s14 =	sshll.u32 s5, $0x6;
	s19 =	sadd.s32 $0x40000, s4  }
0x8: {  	p0 =	sne.s32 s5, $0x0;
	_ =	strace $0x8000004A;
	[dreg:$0x3] =	wrdreg s0  }
0x9: {  	[dreg:$0x4] =	wrdreg s10;
	s9 =	ssub.s32 $0x2, s7;
	s10 =	smul.u32 $0x4E000, s5  }
0xa: {  	s17 =	sshll.u32 s7, $0x4;
	s18 =	smul.u32 $0x138800, s7;
	[dreg:$0x7] =	wrdreg s19  }
0xb: {  	s7 =	smul.u32 $0x27100, s7;
	s19 =	simm.s32 $0x200;
	s8 =	sshrl.u32 s6, $0x3  }
0xc: {  	s13 =	sshrl.u32 s9, $0x1;
	s20 =	sor.u32 s5, s17;
	s17 =	simm.s32 $0xA  }
0xd: {  	s8 =	sadd.s32 s8, s4;
	s13 =	ssub.s32 s9, s13;
	s11 =	sshrl.u32 s10, $0x2  }
0xe: {  	s6 =	sadd.s32 s6, s18;
	s10 =	sshrl.u32 s18, $0x3;
	s9 =	smul.u32 $0x2710, s20  }
0xf: {  	s20 =	simm.s32 $0xD;
	s18 =	simm.s32 $0x2;
	s16 =	sadd.s32 s11, s1  }
0x10: {  	s15 =	sadd.s32 $0x19000, s8;
	s11 =	sor.u32 $0x1C11, s14;
	s8 =	sadd.s32 $0x138000, s1  }
0x11: {  	s14 =	smul.u32 $0x2710, s5;
	s21 =	sshrl.u32 s6, $0x3;
	s22 =	sadd.s32 s12, s10  }
0x12: {  	s26 =	smax.u32 s13, $0x1;
	s6 =	simm.s32 $0x2C00;
	s10 =	simm.s32 $0x9  }
0x13: {  	[dreg:$0x5] =	wrdreg s15;
	s23 =	sadd.s32 s12, s21;
	s24 =	sadd.s32 $0x27000, s22  }
0x14: {  	[dreg:$0xa] =	wrdreg s26;
	s5 =	sshrl.u32 s16, $0x3;
	s16 =	sshrl.u32 @!p0 s8, $0x3  }
0x15: {  	s21 =	simm.s32 $0x50;
	s22 =	simm.s32 $0x400;
	[dreg:$0x6] =	wrdreg s11  }
0x16: {  	s8 =	simm.s32 $0x1;
	s12 =	simm.s32 $0xF;
	[dreg:$0x8] =	wrdreg s23  }
.Ltmp0:
0x17: {  	s26 =	simm.s32 $0x0;
	[dreg:$0x9] =	wrdreg s24;
	(pc) =	sbr.rel .LBB2_1-.Ltmp0, $4  }
0x18: {  	s25 =	sadd.s32 s14, s7;
	s23 =	simm.s32 $0x4;
	[dreg:$0xb] =	wrdreg s5  }
0x19: {  	s24 =	simm.s32 $0xC;
	[dreg:$0xc] =	wrdreg s16;
	s30 =	sadd.s32 $0xF0, s25  }
0x1a: {  	s7 =	sadd.s32 $0x50, s25;
	s13 =	sshrl.u32 s25, $0x3;
	s25 =	simm.s32 $0x380  }
0x1b: {  	s14 =	sshrl.u32 s30, $0x3;
	s15 =	sshrl.u32 s7, $0x3;
	s7 =	simm.s32 $0x11  }
.LBB2_17:
0x1c: {  	[bflag:$0x0] =	sbarrier.arrive $0xFFFF  }
0x1d: {  	s11 =	rddreg [dreg:$0x6]  }
0x1e: {  	s0 =	rddreg [dreg:$0x8]  }
0x1f: {  	s7 =	simm.s32 $0x11;
	s5 =	rddreg [dreg:$0xb]  }
0x20: {  	[hbm:s0], [sflag:s11] =	dma.local [spmem:s5], $0x2700  }
0x21: {  	_ =	swait.ge [sflag:s7], $0x2700  }
0x22: {  	[sflag:s7] =	ssyncset.done $0x0;
	s0 =	rddreg [dreg:$0x9]  }
0x23: {  	s16 =	rddreg [dreg:$0xc];
	[sflag:s7] =	ssyncadd.s32 $0xFFFFD900  }
0x24: {  	[hbm:s0], [sflag:s11] =	dma.local @!p0 [spmem:s16], $0x100  }
0x25: {  	s0 =	simm.s32 @!p0 $0x11  }
0x26: {  	_ =	swait.ge @!p0 [sflag:s0], $0x100  }
0x27: {  	s26 =	rddreg [dreg:$0xd]  }
0x28: {  	s4 =	rddreg [dreg:$0xa];
	s26 =	sadd.s32 $0x1, s26  }
0x29: {  	p1 =	sne.s32 s26, s4  }
.Ltmp1:
0x2a: {  	_ = 	snop;
	(pc) =	sbr.rel @!p1 .LBB2_18-.Ltmp1, $3  }
0x2b: {  	_ =	sdelay $0x1  }
0x2c: {  	[sflag:s0] =	ssyncset.done @!p0 $0x0  }
0x2d: {  	[sflag:s0] =	ssyncadd.s32 @!p0 $0xFFFFFF00  }
.LBB2_1:
0x2e: {  	[dreg:$0xd] =	wrdreg s26  }
0x2f: {  	s0 =	rddreg [dreg:$0x5]  }
0x30: {  	[spmem:s5], [sflag:s11] =	dma.local [hbm:s0], $0x2700  }
0x31: {  	_ =	swait.ge [sflag:s7], $0x2700  }
0x32: {  	[sflag:s7] =	ssyncset.done $0x0  }
0x33: {  	s4 =	simm.s32 @!p0 $0x11;
	s0 =	rddreg [dreg:$0x7];
	[sflag:s7] =	ssyncadd.s32 $0xFFFFD900  }
0x34: {  	[spmem:s16], [sflag:s11] =	dma.local @!p0 [hbm:s0], $0x100  }
0x35: {  	_ =	swait.ge @!p0 [sflag:s4], $0x100  }
.Ltmp2:
0x36: {  	[sflag:s4] =	ssyncset.done @!p0 $0x0;
	(pc) =	sbr.rel .LBB2_2-.Ltmp2, $4  }
0x37: {  	[sflag:s4] =	ssyncadd.s32 @!p0 $0xFFFFFF00  }
0x38: {  	[bflag:$0x0] =	sbarrier.arrive $0xFFFF  }
0x39: {  	s4 =	rddreg [dreg:$0x3]  }
0x3a: {  	s30 =	simm.s32 $0x3;
	s16 =	simm.s32 $0x0;
	s5 =	rddreg [dreg:$0x4]  }
.LBB2_13:
0x3b: {  	s0 =	sadd.s32 s4, s14;
	s7 =	simm.s32 $0x180  }
0x3c: {  	[tilespmem:s7], [sflag:$0x10] =	stream.linear.gather [hbm4b:s0+s2], $0x50, $0x38;
	[tilespmem:$0x1DC80] =	vst v63  }
0x3d: {  	s11 =	sadd.s32 s5, s14  }
0x3e: {  	[tilespmem:s25], [sflag:$0xC] =	stream.linear.gather [hbm4b:s11+s2], $0x50, $0x38;
	[tilespmem:$0x1DC80] =	vst v63  }
0x3f: {  	_ =	swait.ge [sflag:s12], $0x50  }
0x40: {  	[sflag:s12] =	ssyncset.done $0x0  }
0x41: {  	s26 =	simm.s32 $0x5400;
	[sflag:s12] =	ssyncadd.s32 $0xFFFFFFB0  }
0x42: {  	[tilespmem:s26], [sflag:$0x3] =	stream.indirect.gather [hbm4b:s3+s21], $0x80, s29, s21, $0xb8;
	[tilespmem:$0x1DC80] =	vst v63  }
.LBB2_15:
0x43: {  	_ =	swait.ge [sflag:s18], $0x2800  }
0x44: {  	[sflag:s18] =	ssyncset.done $0x0  }
0x45: {  	[sflag:s18] =	ssyncadd.s32 $0xFFFFD800  }
0x46: {  	_ =	swait.ge [sflag:s17], $0x50  }
0x47: {  	[sflag:s17] =	ssyncset.done $0x0  }
0x48: {  	s0 =	simm.s32 $0x280;
	[sflag:s17] =	ssyncadd.s32 $0xFFFFFFB0  }
0x49: {  	[spmem:s1] =	stream.indirect.scatter.add.f32 [tilespmem:s6], [sflag:$0x6], $0x80, s0, s21, $0xb8;
	[tilespmem:$0x1DC80] =	vst v63  }
.LBB2_16:
0x4a: {  	s16 =	sadd.s32 $0x1, s16  }
0x4b: {  	s5 =	sadd.s32 $0x28, s5;
	s4 =	sadd.s32 $0x28, s4;
	s30 =	sadd.s32 $0x4, s30  }
.LBB2_2:
0x4c: {  	s26 =	sadd.s32 $0xFFFFFFF9, s30;
	p2 =	seq.s32 s30, $0x83  }
.Ltmp3:
0x4d: {  	p1 =	sgt.u32 s26, $0x7C;
	(pc) =	sbr.rel @p2 .LBB2_17-.Ltmp3, $4  }
0x4e: {  	s26 =	simm.s32 @!p1 $0x5  }
0x4f: {  	_ =	swait.ge @!p1 [sflag:s26], $0x2800  }
0x50: {  	[sflag:s26] =	ssyncset.done @!p1 $0x0  }
0x51: {  	[sflag:s26] =	ssyncadd.s32 @!p1 $0xFFFFD800  }
0x52: {  	s26 =	sadd.s32 s4, s13;
	s11 =	sadd.s32 $0xFFFFFFFC, s30  }
0x53: {  	[tilespmem:s2], [sflag:$0xD] =	stream.linear.gather [hbm4b:s26+s2], $0x50, $0x38;
	[tilespmem:$0x1DC80] =	vst v63  }
0x54: {  	p1 =	sgt.u32 s11, $0x7C  }
0x55: {  	s7 =	sadd.s32 s5, s13;
	s26 =	simm.s32 @!p1 $0x10  }
0x56: {  	[tilespmem:s19], [sflag:$0x9] =	stream.linear.gather [hbm4b:s7+s2], $0x50, $0x38;
	[tilespmem:$0x1DC80] =	vst v63  }
0x57: {  	_ =	swait.ge @!p1 [sflag:s26], $0x50  }
0x58: {  	s0 =	simm.s32 @!p1 $0x7C00;
	[sflag:s26] =	ssyncset.done @!p1 $0x0  }
0x59: {  	s7 =	simm.s32 @!p1 $0x180;
	[sflag:s26] =	ssyncadd.s32 @!p1 $0xFFFFFFB0;
	s26 =	simm.s32 @!p1 $0x50  }
0x5a: {  	[tilespmem:s0], [sflag:$0x4] =	stream.indirect.gather @!p1 [hbm4b:s3+s26], $0x80, s7, s26, $0xb8;
	[tilespmem:$0x1DC80] =	vst v63  }
0x5b: {  	s26 =	sadd.s32 $0xFFFFFFFB, s30  }
0x5c: {  	p2 =	sgt.u32 s26, $0x7C  }
0x5d: {  	s0 =	simm.s32 @!p2 $0x3  }
0x5e: {  	_ =	swait.ge @!p2 [sflag:s0], $0x2800  }
0x5f: {  	[sflag:s0] =	ssyncset.done @!p2 $0x0  }
0x60: {  	[sflag:s0] =	ssyncadd.s32 @!p2 $0xFFFFD800;
	s0 =	simm.s32 @!p2 $0xB  }
0x61: {  	_ =	swait.ge @!p2 [sflag:s0], $0x50  }
0x62: {  	s7 =	simm.s32 @!p2 $0x300;
	[sflag:s0] =	ssyncset.done @!p2 $0x0  }
0x63: {  	s26 =	simm.s32 @!p2 $0x5400;
	[sflag:s0] =	ssyncadd.s32 @!p2 $0xFFFFFFB0;
	s0 =	simm.s32 @!p2 $0x50  }
0x64: {  	[spmem:s1] =	stream.indirect.scatter.add.f32 @!p2 [tilespmem:s26], [sflag:$0x7], $0x80, s7, s0, $0xb8;
	[tilespmem:$0x1DC80] =	vst v63  }
0x65: {  	p1 =	seq.s32 s30, $0x3;
	s0 =	sadd.s32 $0xFFFFFFFE, s30  }
0x66: {  	p3 =	sgt.u32 @!p1 s0, $0x80  }
0x67: {  	p3 =	por p3, p1  }
0x68: {  	s7 =	simm.s32 @!p3 $0x6  }
0x69: {  	_ =	swait.ge @!p3 [sflag:s7], $0x2800  }
0x6a: {  	[sflag:s7] =	ssyncset.done @!p3 $0x0  }
0x6b: {  	[sflag:s7] =	ssyncadd.s32 @!p3 $0xFFFFD800;
	p3 =	sgt.u32 s0, $0x7C  }
0x6c: {  	s7 =	sadd.s32 @!p3 s4, s15;
	s26 =	simm.s32 @!p3 $0x0;
	s11 =	simm.s32 @!p3 $0x80  }
0x6d: {  	[tilespmem:s11], [sflag:$0xE] =	stream.linear.gather @!p3 [hbm4b:s7+s26], $0x50, $0x38;
	[tilespmem:$0x1DC80] =	vst v63  }
0x6e: {  	s7 =	sadd.s32 @!p3 s5, s15;
	s11 =	simm.s32 @!p3 $0x280  }
0x6f: {  	[tilespmem:s11], [sflag:$0xA] =	stream.linear.gather @!p3 [hbm4b:s7+s26], $0x50, $0x38;
	[tilespmem:$0x1DC80] =	vst v63  }
0x70: {  	p3 =	sgt.u32 @!p1 s0, $0x7E  }
0x71: {  	p3 =	por p1, p3  }
.Ltmp4:
0x72: {  	_ = 	snop;
	(pc) =	sbr.rel @p3 .LBB2_6-.Ltmp4, $4  }
0x73: {  	_ =	swait.ge [sflag:s20], $0x50  }
0x74: {  	[sflag:s20] =	ssyncset.done $0x0  }
0x75: {  	[sflag:s20] =	ssyncadd.s32 $0xFFFFFFB0  }
0x76: {  	[tilespmem:s22], [sflag:$0x1] =	stream.indirect.gather [hbm4b:s3+s21], $0x80, s2, s21, $0xb8;
	[tilespmem:$0x1DC80] =	vst v63  }
0x77: {  	_ =	swait.ge [sflag:s23], $0x2800  }
0x78: {  	[sflag:s23] =	ssyncset.done $0x0  }
0x79: {  	[sflag:s23] =	ssyncadd.s32 $0xFFFFD800  }
0x7a: {  	_ =	swait.ge [sflag:s24], $0x50  }
0x7b: {  	[sflag:s24] =	ssyncset.done $0x0  }
0x7c: {  	s0 =	simm.s32 $0x7C00;
	[sflag:s24] =	ssyncadd.s32 $0xFFFFFFB0  }
0x7d: {  	[spmem:s1] =	stream.indirect.scatter.add.f32 [tilespmem:s0], [sflag:$0x8], $0x80, s25, s21, $0xb8;
	[tilespmem:$0x1DC80] =	vst v63  }
.LBB2_5:
0x7e: {  	_ =	swait.ge [sflag:s28], $0x2800  }
0x7f: {  	[sflag:s28] =	ssyncset.done $0x0  }
0x80: {  	s26 =	sadd.s32 $0xFFFFFFFF, s30;
	[sflag:s28] =	ssyncadd.s32 $0xFFFFD800  }
.LBB2_8:
0x81: {  	p2 =	sgt.u32 s26, $0x7C  }
.Ltmp5:
0x82: {  	_ = 	snop;
	(pc) =	sbr.rel @p2 .LBB2_10-.Ltmp5, $1  }
0x83: {  	_ =	sdelay $0x3  }
0x84: {  	s0 =	smul.u32 $0x50, s26;
	_ =	sdelay $0x1  }
0x85: {  	s0 =	sadd.s32 s9, s0  }
0x86: {  	s7 =	rddreg [dreg:$0x3];
	s0 =	sshrl.u32 s0, $0x3  }
0x87: {  	s26 =	rddreg [dreg:$0x4];
	s7 =	sadd.s32 s7, s0  }
0x88: {  	[tilespmem:s29], [sflag:$0xF] =	stream.linear.gather [hbm4b:s7+s2], $0x50, $0x38;
	[tilespmem:$0x1DC80] =	vst v63  }
0x89: {  	s11 =	simm.s32 $0x300;
	s0 =	sadd.s32 s26, s0  }
0x8a: {  	[tilespmem:s11], [sflag:$0xB] =	stream.linear.gather [hbm4b:s0+s2], $0x50, $0x38;
	[tilespmem:$0x1DC80] =	vst v63  }
.Ltmp6:
0x8b: {  	_ = 	snop;
	(pc) =	sbr.rel .LBB2_11-.Ltmp6, $4  }
0x8c: {  	_ =	swait.ge [sflag:s31], $0x50  }
0x8d: {  	[sflag:s31] =	ssyncset.done $0x0  }
0x8e: {  	s26 =	simm.s32 $0x80;
	[sflag:s31] =	ssyncadd.s32 $0xFFFFFFB0  }
0x8f: {  	[tilespmem:s6], [sflag:$0x2] =	stream.indirect.gather [hbm4b:s3+s21], $0x80, s26, s21, $0xb8;
	[tilespmem:$0x1DC80] =	vst v63  }
.LBB2_10:
0x90: {  	p2 =	sgt.u32 s26, $0x7E  }
.Ltmp7:
0x91: {  	_ = 	snop;
	(pc) =	sbr.rel @p2 .LBB2_12-.Ltmp7, $1  }
0x92: {  	_ =	sdelay $0x3  }
.LBB2_11:
0x93: {  	_ =	swait.ge [sflag:s8], $0x2800  }
0x94: {  	[sflag:s8] =	ssyncset.done $0x0  }
0x95: {  	[sflag:s8] =	ssyncadd.s32 $0xFFFFD800  }
0x96: {  	_ =	swait.ge [sflag:s10], $0x50  }
0x97: {  	[sflag:s10] =	ssyncset.done $0x0  }
0x98: {  	[sflag:s10] =	ssyncadd.s32 $0xFFFFFFB0  }
0x99: {  	[spmem:s1] =	stream.indirect.scatter.add.f32 [tilespmem:s22], [sflag:$0x5], $0x80, s19, s21, $0xb8;
	[tilespmem:$0x1DC80] =	vst v63  }
.LBB2_12:
0x9a: {  	p2 =	sgt.u32 @!p1 s30, $0x80  }
0x9b: {  	p1 =	por p2, p1;
	p2 =	sgt.u32 s30, $0x7C  }
.Ltmp8:
0x9c: {  	_ = 	snop;
	(pc) =	sbr.rel @!p2 .LBB2_13-.Ltmp8, $4  }
0x9d: {  	s0 =	simm.s32 @!p1 $0x8  }
0x9e: {  	_ =	swait.ge @!p1 [sflag:s0], $0x2800  }
0x9f: {  	[sflag:s0] =	ssyncset.done @!p1 $0x0  }
0xa0: {  	[sflag:s0] =	ssyncadd.s32 @!p1 $0xFFFFD800  }
0xa1: {  	p1 =	sgt.u32 s30, $0x7E  }
.Ltmp9:
0xa2: {  	_ = 	snop;
	(pc) =	sbr.rel @p1 .LBB2_16-.Ltmp9, $4  }
.Ltmp10:
0xa3: {  	_ = 	snop;
	(pc) =	sbr.rel @!p1 .LBB2_15-.Ltmp10, $4  }
0xa4: {  	_ = 	snop  }
0xa5: {  	_ = 	snop  }
0xa6: {  	_ = 	snop  }
0xa7: {  	_ = 	snop  }
.LBB2_6:
.Ltmp11:
0xa8: {  	(pc) =	sbr.rel @!p2 .LBB2_5-.Ltmp11, $1  }
0xa9: {  	_ =	sdelay $0x3  }
.Ltmp12:
0xaa: {  	(pc) =	sbr.rel .LBB2_8-.Ltmp12, $3  }
0xab: {  	_ =	sdelay $0x1  }
0xac: {  	s0 =	sshll.u32 s16, $0x2  }
0xad: {  	s26 =	sor.u32 $0x2, s0  }
.LBB2_18:
0xae: {  	_ =	sfence.sel $0x180000  }
0xaf: {  	[bflag:$0x0] =	sbarrier.arrive $0xFFFF  }
0xb0: {  	_ =	strace $0x9000004A  }
0xb1: {  	[bflag:$0x2] =	sbarrier.arrive $0xFFFF  }
0xb2: {  	s0 =	rddreg [dreg:$0x2]  }
0xb3: {  	s0 =	sadd.s32 @!p0 $0x100000, s0  }
0xb4: {  	[sflag:s0] =	ssyncadd.tile.s32 @!p0 $0x1;
	_ =	shalt  }
.Lfunc_end2:
_tile_overlayer_lowered:
.L_overlay_start_2:
0xb5: {  	(tag) =	ssettag $0x2  }
0xb6: {  	s0 =	rddreg [dreg:$0x0];
	s2 =	stileid.u32  }
0xb7: {  	s1 =	rddreg [dreg:$0x1];
	p0 =	sne.s32 s2, $0x0  }
0xb8: {  	s3 =	rddreg [dreg:$0x2];
	[bflag:$0x3] =	sbarrier.arrive $0xFFFF;
	s2 =	simm.s32 @!p0 $0x1C11  }
0xb9: {  	[timem:s3], [sflag:s2] =	dma.local @!p0 [hbm:s0], s1  }
0xba: {  	s0 =	simm.s32 @!p0 $0x11  }
0xbb: {  	_ =	swait.ge @!p0 [sflag:s0], s1  }
0xbc: {  	s1 =	ssub.s32 @!p0 $0x0, s1;
	[sflag:s0] =	ssyncset.done @!p0 $0x0  }
0xbd: {  	[sflag:s0] =	ssyncadd.s32 @!p0 s1  }
0xbe: {  	[bflag:$0x3] =	sbarrier.arrive $0xFFFF  }
0xbf: {  	_ =	shalt  }

// kernel: kernel.24.cloned.1.call-start
scs
__scs_entry_jumppad:
0x0: {  	(pc) =	sbr.rel $0x88, $3  }
0x1: {  	(tag) =	ssettag $0x0;
	lr =	simm.s32 $0x1  }
0x2: {  	[smem:$0x3F8E] =	sst lr;
	_ =	strace $0xD0000000  }
0x3: {  	_ = 	snop  }
0x4: {  	_ = 	snop  }
0x5: {  	_ = 	snop  }
0x6: {  	_ = 	snop  }
0x7: {  	_ = 	snop  }
__scs_overlays_trampoline_lowered:
0x8: {  	[smem:$0x3F9D] =	sst s0  }
0x9: {  	[smem:$0x3F9E] =	sst s1  }
0xa: {  	[smem:$0x3F9F] =	sst s2  }
0xb: {  	[smem:$0x3FA0] =	sst s3  }
0xc: {  	[smem:$0x3FA1] =	sst s4  }
0xd: {  	[smem:$0x3FA2] =	sst s5  }
0xe: {  	[smem:$0x3FA3] =	sst s6  }
0xf: {  	[smem:$0x3FA4] =	sst s7  }
0x10: {  	[smem:$0x3FA5] =	sst s8  }
0x11: {  	[smem:$0x3FA6] =	sst s9;
	s0 =	simm.s32 @!p0 $0x0  }
0x12: {  	s1 =	sld [smem:$0x3F8C];
	s0 =	simm.s32 @p0 $0x1  }
0x13: {  	[smem:$0x3FA7] =	sst s0;
	s0 =	simm.s32 @!p1 $0x0  }
0x14: {  	s2 =	sld [smem:$0x3F8B];
	s0 =	simm.s32 @p1 $0x1  }
0x15: {  	[smem:$0x3FA8] =	sst s0;
	s0 =	simm.s32 @!p2 $0x0  }
0x16: {  	s3 =	sld [smem:$0x3FDB];
	s0 =	simm.s32 @p2 $0x1  }
0x17: {  	s4 =	simm.s32 $0x1BF5;
	[smem:$0x3FAA] =	sst s0  }
0x18: {  	s0 =	sld [smem:$0x3F8D];
	_ =	swait.ge [sflag:s4], $0x0  }
0x19: {  	s7 =	sld [smem:$0x3F8E]  }
0x1a: {  	s8 =	sadd.s32 $0xFFFFE003, lr  }
0x1b: {  	s9 =	sadd.s32 $0xFFFFFEF7, lr;
	s5 =	simm.s32 $0xFFFFFFFF;
	p2 =	slt.u32 s8, $0xFFFFF086  }
0x1c: {  	p1 =	slt.u32 s9, $0xF7A;
	s5 =	simm.s32 @!p2 $0x0  }
0x1d: {  	s5 =	simm.s32 @p1 $0x1;
	p0 =	seq.s32 s7, s2  }
0x1e: {  	s7 =	smul.u32 @!p0 $0xF7A, s2;
	p2 =	seq.s32 @!p0 s5, $0x0  }
0x1f: {  	s9 =	smul.u32 $0xF7A, s1;
	s8 =	simm.s32 @!p0 $0x1BF5;
	p2 =	por !p2, p0  }
0x20: {  	[sflag:s8] =	ssyncset.s32 @!p0 $0xFFFFF086;
	s6 =	sadd.s32 @!p0 s3, s7;
	s7 =	simm.s32 @!p0 $0x108  }
0x21: {  	s3 =	sadd.s32 s3, s9;
	s6 =	sadd.s32 @!p0 $0x88, s6;
	s7 =	simm.s32 @p2 $0x1082  }
0x22: {  	[simem:s7], [sflag:s8] =	dma.local @!p0 [hbm:s6], $0xF7A  }
0x23: {  	s9 =	sor.u32 $0xD0000000, s2;
	s6 =	simm.s32 $0x108;
	_ =	swait.ge @!p0 [sflag:s8], $0x0  }
0x24: {  	s3 =	sadd.s32 $0x88, s3;
	s6 =	simm.s32 @!p1 $0x1082;
	[sflag:s4] =	ssyncset.s32 $0xFFFFF086  }
0x25: {  	[simem:s6], [sflag:s4] =	dma.local [hbm:s3], $0xF7A  }
0x26: {  	[smem:$0x3F8E] =	sst s1;
	(tag) =	ssettag s2;
	_ =	strace s9  }
0x27: {  	s1 =	sld [smem:$0x3F9E]  }
0x28: {  	s2 =	sld [smem:$0x3F9F]  }
0x29: {  	s4 =	sld [smem:$0x3FA1]  }
0x2a: {  	p0 =	seq.s32 s5, $0x0;
	s5 =	sld [smem:$0x3FA2]  }
0x2b: {  	s6 =	sld [smem:$0x3FA3]  }
0x2c: {  	s7 =	sld [smem:$0x3FA4]  }
0x2d: {  	s3 =	simm.s32 $0x108;
	s8 =	sld [smem:$0x3FA5]  }
0x2e: {  	s3 =	simm.s32 @!p0 $0x1082;
	s9 =	sld [smem:$0x3FA6]  }
0x2f: {  	lr =	sadd.s32 s0, s3;
	s0 =	sld [smem:$0x3F9D]  }
0x30: {  	s3 =	sld [smem:$0x3FA0]  }
0x31: {  	[smem:$0x3FA9] =	sst s10  }
0x32: {  	s10 =	sld [smem:$0x3FA7];
	_ =	sdelay $0x3  }
0x33: {  	p0 =	seq.s32 s10, $0x1;
	s10 =	sld [smem:$0x3FA9];
	_ =	sdelay $0x3  }
0x34: {  	[smem:$0x3FA9] =	sst s10  }
0x35: {  	s10 =	sld [smem:$0x3FA8];
	_ =	sdelay $0x3  }
0x36: {  	p1 =	seq.s32 s10, $0x1;
	s10 =	sld [smem:$0x3FA9];
	_ =	sdelay $0x3  }
0x37: {  	[smem:$0x3FA9] =	sst s10  }
0x38: {  	s10 =	sld [smem:$0x3FAA]  }
0x39: {  	_ = 	snop;
	(pc) =	sbr.ind lr, $3  }
0x3a: {  	_ = 	snop  }
0x3b: {  	_ = 	snop  }
0x3c: {  	p2 =	seq.s32 s10, $0x1;
	s10 =	sld [smem:$0x3FA9]  }
0x3d: {  	_ =	shalt  }
0x3e: {  	_ =	shalt  }
0x3f: {  	_ =	shalt  }
0x40: {  	_ =	shalt  }
0x41: {  	_ =	shalt  }
0x42: {  	_ =	shalt  }
0x43: {  	_ =	shalt  }
0x44: {  	_ =	shalt  }
0x45: {  	_ =	shalt  }
0x46: {  	_ =	shalt  }
0x47: {  	_ =	shalt  }
0x48: {  	_ =	shalt  }
0x49: {  	_ =	shalt  }
0x4a: {  	_ =	shalt  }
0x4b: {  	_ =	shalt  }
0x4c: {  	_ =	shalt  }
0x4d: {  	_ =	shalt  }
0x4e: {  	_ =	shalt  }
0x4f: {  	_ =	shalt  }
0x50: {  	_ =	shalt  }
0x51: {  	_ =	shalt  }
0x52: {  	_ =	shalt  }
0x53: {  	_ =	shalt  }
0x54: {  	_ =	shalt  }
0x55: {  	_ =	shalt  }
0x56: {  	_ =	shalt  }
0x57: {  	_ =	shalt  }
0x58: {  	_ =	shalt  }
0x59: {  	_ =	shalt  }
0x5a: {  	_ =	shalt  }
0x5b: {  	_ =	shalt  }
0x5c: {  	_ =	shalt  }
0x5d: {  	_ =	shalt  }
0x5e: {  	_ =	shalt  }
0x5f: {  	_ =	shalt  }
0x60: {  	_ =	shalt  }
0x61: {  	_ =	shalt  }
0x62: {  	_ =	shalt  }
0x63: {  	_ =	shalt  }
0x64: {  	_ =	shalt  }
0x65: {  	_ =	shalt  }
0x66: {  	_ =	shalt  }
0x67: {  	_ =	shalt  }
0x68: {  	_ =	shalt  }
0x69: {  	_ =	shalt  }
0x6a: {  	_ =	shalt  }
0x6b: {  	_ =	shalt  }
0x6c: {  	_ =	shalt  }
0x6d: {  	_ =	shalt  }
0x6e: {  	_ =	shalt  }
0x6f: {  	_ =	shalt  }
0x70: {  	_ =	shalt  }
0x71: {  	_ =	shalt  }
0x72: {  	_ =	shalt  }
0x73: {  	_ =	shalt  }
0x74: {  	_ =	shalt  }
0x75: {  	_ =	shalt  }
0x76: {  	_ =	shalt  }
0x77: {  	_ =	shalt  }
0x78: {  	_ =	shalt  }
0x79: {  	_ =	shalt  }
0x7a: {  	_ =	shalt  }
0x7b: {  	_ =	shalt  }
0x7c: {  	_ =	shalt  }
0x7d: {  	_ =	shalt  }
0x7e: {  	_ =	shalt  }
0x7f: {  	_ =	shalt  }
0x80: {  	_ =	shalt  }
0x81: {  	_ =	shalt  }
0x82: {  	_ =	shalt  }
0x83: {  	_ =	shalt  }
0x84: {  	_ =	shalt  }
0x85: {  	_ =	shalt  }
0x86: {  	_ =	shalt  }
0x87: {  	_ =	shalt  }
.Lfunc_end0:
.L_simem_size_0:
called_computation.2_lowered:
.L_overlay_start_0:
0x88: {  	s2 =	sld [smem:$0x3FD9]  }
0x89: {  	s3 =	sld [smem:$0x3FFE];
	_ =	sdelay $0x1  }
0x8a: {  	s1 =	srdreg.scid  }
0x8b: {  	s0 =	sand.u32 $0x1, s1  }
0x8c: {  	s16 =	sshll.u32 s0, $0xA;
	s2 =	sadd.s32 s3, s2  }
0x8d: {  	s2 =	sadd.s32 s2, s16  }
0x8e: {  	[smem:$0x3FB5] =	sst s2  }
0x8f: {  	_ = 	snop  }
0x90: {  	(tm) =	ssettm $0x1  }
0x91: {  	s17 =	sld [smem:$0x3FFB];
	_ =	sdelay $0x3  }
0x92: {  	_ =	strace s17  }
0x93: {  	s2 =	sld [smem:$0x3FFC];
	_ =	sdelay $0x3  }
0x94: {  	_ =	strace s2  }
0x95: {  	s2 =	sld [smem:$0x3FFD];
	_ =	sdelay $0x3  }
0x96: {  	_ =	strace s2  }
0x97: {  	_ =	strace $0x8FFFFFFF  }
0x98: {  	s18 =	sld [smem:$0x3FDB];
	_ =	sdelay $0x1  }
0x99: {  	s19 =	simm.s32 $_scs_section_size  }
0x9a: {  	s4 =	simm.s32 $_size__tile_overlayer_lowered;
	s5 =	simm.s32 $_tile_overlayer_lowered  }
0x9b: {  	s22 =	simm.s32 $0x1BFF;
	s21 =	sshll.u32 s5, $0x1;
	s2 =	sadd.s32 s19, s18  }
0x9c: {  	s6 =	simm.s32 $0x0;
	s20 =	sshll.u32 s4, $0x1;
	s4 =	sadd.s32 s21, s2  }
0x9d: {  	[timem:s6], [sflag:s22] =	dma.local [hbm:s4], s20  }
0x9e: {  	_ =	swait.ge [sflag:s22], s20  }
0x9f: {  	s3 =	ssub.s32 $0x0, s20;
	[sflag:s22] =	ssyncset.done $0x0  }
0xa0: {  	[sflag:s22] =	ssyncadd.s32 s3;
	_ =	sdelay $0x1  }
0xa1: {  	s23 =	simm.s32 $0x1B8B  }
0xa2: {  	_ =	swait.ge [sflag:s23], $0x1  }
0xa3: {  	[sflag:s23] =	ssyncset.done $0x0  }
0xa4: {  	s25 =	simm.s32 $0x1B8E;
	s24 =	sld [smem:$0x3FFE];
	[sflag:s23] =	ssyncadd.s32 $0xFFFFFFFF  }
0xa5: {  	s26 =	simm.s32 $execute0_lowered;
	[smem:$0x3FD2] =	sst s25  }
0xa6: {  	s4 =	sshll.u32 s26, $0x1;
	_ =	strace $0x8000004C;
	[dreg:$0x1] =	wrdreg $0xFFFFFFFF  }
0xa7: {  	s28 =	simm.s32 $_size_execute0_lowered;
	s2 =	sadd.s32 s2, s4;
	[dreg:$0x0] =	wrdreg $0x0  }
0xa8: {  	s4 =	sshll.u32 s28, $0x1;
	[dreg:$0x2] =	wrdreg s2  }
0xa9: {  	[dreg:$0x3] =	wrdreg s4  }
0xaa: {  	[dreg:$0x4] =	wrdreg $0xC0  }
0xab: {  	_ =	task [dreg:s6], $0x5FFFF  }
0xac: {  	[dreg:$0x1] =	wrdreg $0xFFFFFFFF  }
0xad: {  	[dreg:$0x0] =	wrdreg $0x60  }
0xae: {  	[dreg:$0x2] =	wrdreg s24  }
0xaf: {  	[dreg:$0x3] =	wrdreg $0xA4000  }
0xb0: {  	[dreg:$0x4] =	wrdreg $0x9  }
0xb1: {  	_ =	task.clear_ibuf [dreg:s6], $0x5FFFF;
	_ =	strace $0x9000004C  }
0xb2: {  	s29 =	simm.s32 $0x9;
	_ =	strace $0x8000004E  }
0xb3: {  	_ =	swait.ge [sflag:s29], $0x1  }
0xb4: {  	[sflag:s29] =	ssyncadd.s32 $0xFFFFFFFF  }
0xb5: {  	_ =	strace $0x9000004E  }
0xb6: {  	_ =	sfence  }
0xb7: {  	s30 =	sld [smem:$0x0];
	_ =	sdelay $0x2  }
0xb8: {  	s31 =	sshll.u32 s1, $0xD;
	s1 =	sshrl.u32 s1, $0x2  }
0xb9: {  	s3 =	sand.u32 $0x4000, s31;
	s1 =	sadd.s32 s1, s30  }
0xba: {  	s0 =	sor.u32 s3, s0;
	s1 =	sshll.u32 s1, $0x11  }
0xbb: {  	s0 =	sor.u32 s1, s0  }
0xbc: {  	s0 =	sadd.s32 $0x8F2B, s0  }
0xbd: {  	[sflag:s0] =	ssyncadd.remote.s32 $0x1  }
0xbe: {  	_ =	sfence.sel $0xFFFF  }
0xbf: {  	[dreg:$0x0] =	wrdreg $0xFFFFFFFF;
	(pc) =	sbr.abs _section_cstart, $3  }
0xc0: {  	[dreg:$0x1] =	wrdreg $0xFFFFFFFF  }
0xc1: {  	_ =	task.clear_ibuf [dreg:s6], $0x2FFFF;
	_ =	strace $0x9FFFFFFF  }
0xc2: {  	(tm) =	ssettm $0x7FFFFFFF  }
0xc3: {  	_ =	shalt  }
tec
execute0_lowered:
.L_overlay_start_1:
0x0: {  	(tag) =	ssettag $0x1  }
0x1: {  	s4 =	rddreg [dreg:$0x0]  }
0x2: {  	s1 =	rddreg [dreg:$0x1]  }
0x3: {  	s2 =	simm.s32 $0x0;
	s5 =	stileid.u32;
	s7 =	srdreg.scid  }
0x4: {  	s28 =	simm.s32 $0x7;
	s29 =	simm.s32 $0x100;
	s31 =	simm.s32 $0xE  }
0x5: {  	[smem:$0x7FF] =	sst s2;
	s3 =	sadd.s32 $0x40200, s4;
	s6 =	smul.u32 $0x13800, s5  }
0x6: {  	s0 =	sadd.s32 $0xF200, s4;
	s10 =	sadd.s32 $0x5400, s4;
	s7 =	sand.u32 $0x1, s7  }
0x7: {  	s12 =	sadd.s32 $0xDC600, s4;
	s14 =	sshll.u32 s5, $0x6;
	s19 =	sadd.s32 $0x40000, s4  }
0x8: {  	p0 =	sne.s32 s5, $0x0;
	_ =	strace $0x8000004D;
	[dreg:$0x3] =	wrdreg s0  }
0x9: {  	[dreg:$0x4] =	wrdreg s10;
	s9 =	ssub.s32 $0x2, s7;
	s10 =	smul.u32 $0x4E000, s5  }
0xa: {  	s17 =	sshll.u32 s7, $0x4;
	s18 =	smul.u32 $0x138800, s7;
	[dreg:$0x7] =	wrdreg s19  }
0xb: {  	s7 =	smul.u32 $0x27100, s7;
	s19 =	simm.s32 $0x200;
	s8 =	sshrl.u32 s6, $0x3  }
0xc: {  	s13 =	sshrl.u32 s9, $0x1;
	s20 =	sor.u32 s5, s17;
	s17 =	simm.s32 $0xA  }
0xd: {  	s8 =	sadd.s32 s8, s4;
	s13 =	ssub.s32 s9, s13;
	s11 =	sshrl.u32 s10, $0x2  }
0xe: {  	s6 =	sadd.s32 s6, s18;
	s10 =	sshrl.u32 s18, $0x3;
	s9 =	smul.u32 $0x2710, s20  }
0xf: {  	s20 =	simm.s32 $0xD;
	s18 =	simm.s32 $0x2;
	s16 =	sadd.s32 s11, s1  }
0x10: {  	s15 =	sadd.s32 $0x19000, s8;
	s11 =	sor.u32 $0x1C11, s14;
	s8 =	sadd.s32 $0x138000, s1  }
0x11: {  	s14 =	smul.u32 $0x2710, s5;
	s21 =	sshrl.u32 s6, $0x3;
	s22 =	sadd.s32 s12, s10  }
0x12: {  	s26 =	smax.u32 s13, $0x1;
	s6 =	simm.s32 $0x2C00;
	s10 =	simm.s32 $0x9  }
0x13: {  	[dreg:$0x5] =	wrdreg s15;
	s23 =	sadd.s32 s12, s21;
	s24 =	sadd.s32 $0x27000, s22  }
0x14: {  	[dreg:$0xa] =	wrdreg s26;
	s5 =	sshrl.u32 s16, $0x3;
	s16 =	sshrl.u32 @!p0 s8, $0x3  }
0x15: {  	s21 =	simm.s32 $0x50;
	s22 =	simm.s32 $0x400;
	[dreg:$0x6] =	wrdreg s11  }
0x16: {  	s8 =	simm.s32 $0x1;
	s12 =	simm.s32 $0xF;
	[dreg:$0x8] =	wrdreg s23  }
.Ltmp0:
0x17: {  	s26 =	simm.s32 $0x0;
	[dreg:$0x9] =	wrdreg s24;
	(pc) =	sbr.rel .LBB2_1-.Ltmp0, $4  }
0x18: {  	s25 =	sadd.s32 s14, s7;
	s23 =	simm.s32 $0x4;
	[dreg:$0xb] =	wrdreg s5  }
0x19: {  	s24 =	simm.s32 $0xC;
	[dreg:$0xc] =	wrdreg s16;
	s30 =	sadd.s32 $0xF0, s25  }
0x1a: {  	s7 =	sadd.s32 $0x50, s25;
	s13 =	sshrl.u32 s25, $0x3;
	s25 =	simm.s32 $0x380  }
0x1b: {  	s14 =	sshrl.u32 s30, $0x3;
	s15 =	sshrl.u32 s7, $0x3;
	s7 =	simm.s32 $0x11  }
.LBB2_17:
0x1c: {  	[bflag:$0x0] =	sbarrier.arrive $0xFFFF  }
0x1d: {  	s11 =	rddreg [dreg:$0x6]  }
0x1e: {  	s0 =	rddreg [dreg:$0x8]  }
0x1f: {  	s7 =	simm.s32 $0x11;
	s5 =	rddreg [dreg:$0xb]  }
0x20: {  	[hbm:s0], [sflag:s11] =	dma.local [spmem:s5], $0x2700  }
0x21: {  	_ =	swait.ge [sflag:s7], $0x2700  }
0x22: {  	[sflag:s7] =	ssyncset.done $0x0;
	s0 =	rddreg [dreg:$0x9]  }
0x23: {  	s16 =	rddreg [dreg:$0xc];
	[sflag:s7] =	ssyncadd.s32 $0xFFFFD900  }
0x24: {  	[hbm:s0], [sflag:s11] =	dma.local @!p0 [spmem:s16], $0x100  }
0x25: {  	s0 =	simm.s32 @!p0 $0x11  }
0x26: {  	_ =	swait.ge @!p0 [sflag:s0], $0x100  }
0x27: {  	s26 =	rddreg [dreg:$0xd]  }
0x28: {  	s4 =	rddreg [dreg:$0xa];
	s26 =	sadd.s32 $0x1, s26  }
0x29: {  	p1 =	sne.s32 s26, s4  }
.Ltmp1:
0x2a: {  	_ = 	snop;
	(pc) =	sbr.rel @!p1 .LBB2_18-.Ltmp1, $3  }
0x2b: {  	_ =	sdelay $0x1  }
0x2c: {  	[sflag:s0] =	ssyncset.done @!p0 $0x0  }
0x2d: {  	[sflag:s0] =	ssyncadd.s32 @!p0 $0xFFFFFF00  }
.LBB2_1:
0x2e: {  	[dreg:$0xd] =	wrdreg s26  }
0x2f: {  	s0 =	rddreg [dreg:$0x5]  }
0x30: {  	[spmem:s5], [sflag:s11] =	dma.local [hbm:s0], $0x2700  }
0x31: {  	_ =	swait.ge [sflag:s7], $0x2700  }
0x32: {  	[sflag:s7] =	ssyncset.done $0x0  }
0x33: {  	s4 =	simm.s32 @!p0 $0x11;
	s0 =	rddreg [dreg:$0x7];
	[sflag:s7] =	ssyncadd.s32 $0xFFFFD900  }
0x34: {  	[spmem:s16], [sflag:s11] =	dma.local @!p0 [hbm:s0], $0x100  }
0x35: {  	_ =	swait.ge @!p0 [sflag:s4], $0x100  }
.Ltmp2:
0x36: {  	[sflag:s4] =	ssyncset.done @!p0 $0x0;
	(pc) =	sbr.rel .LBB2_2-.Ltmp2, $4  }
0x37: {  	[sflag:s4] =	ssyncadd.s32 @!p0 $0xFFFFFF00  }
0x38: {  	[bflag:$0x0] =	sbarrier.arrive $0xFFFF  }
0x39: {  	s4 =	rddreg [dreg:$0x3]  }
0x3a: {  	s30 =	simm.s32 $0x3;
	s16 =	simm.s32 $0x0;
	s5 =	rddreg [dreg:$0x4]  }
.LBB2_13:
0x3b: {  	s0 =	sadd.s32 s4, s14;
	s7 =	simm.s32 $0x180  }
0x3c: {  	[tilespmem:s7], [sflag:$0x10] =	stream.linear.gather [hbm4b:s0+s2], $0x50, $0x38;
	[tilespmem:$0x1DC80] =	vst v63  }
0x3d: {  	s11 =	sadd.s32 s5, s14  }
0x3e: {  	[tilespmem:s25], [sflag:$0xC] =	stream.linear.gather [hbm4b:s11+s2], $0x50, $0x38;
	[tilespmem:$0x1DC80] =	vst v63  }
0x3f: {  	_ =	swait.ge [sflag:s12], $0x50  }
0x40: {  	[sflag:s12] =	ssyncset.done $0x0  }
0x41: {  	s26 =	simm.s32 $0x5400;
	[sflag:s12] =	ssyncadd.s32 $0xFFFFFFB0  }
0x42: {  	[tilespmem:s26], [sflag:$0x3] =	stream.indirect.gather [hbm4b:s3+s21], $0x80, s29, s21, $0xb8;
	[tilespmem:$0x1DC80] =	vst v63  }
.LBB2_15:
0x43: {  	_ =	swait.ge [sflag:s18], $0x2800  }
0x44: {  	[sflag:s18] =	ssyncset.done $0x0  }
0x45: {  	[sflag:s18] =	ssyncadd.s32 $0xFFFFD800  }
0x46: {  	_ =	swait.ge [sflag:s17], $0x50  }
0x47: {  	[sflag:s17] =	ssyncset.done $0x0  }
0x48: {  	s0 =	simm.s32 $0x280;
	[sflag:s17] =	ssyncadd.s32 $0xFFFFFFB0  }
0x49: {  	[spmem:s1] =	stream.indirect.scatter.add.f32 [tilespmem:s6], [sflag:$0x6], $0x80, s0, s21, $0xb8;
	[tilespmem:$0x1DC80] =	vst v63  }
.LBB2_16:
0x4a: {  	s16 =	sadd.s32 $0x1, s16  }
0x4b: {  	s5 =	sadd.s32 $0x28, s5;
	s4 =	sadd.s32 $0x28, s4;
	s30 =	sadd.s32 $0x4, s30  }
.LBB2_2:
0x4c: {  	s26 =	sadd.s32 $0xFFFFFFF9, s30;
	p2 =	seq.s32 s30, $0x83  }
.Ltmp3:
0x4d: {  	p1 =	sgt.u32 s26, $0x7C;
	(pc) =	sbr.rel @p2 .LBB2_17-.Ltmp3, $4  }
0x4e: {  	s26 =	simm.s32 @!p1 $0x5  }
0x4f: {  	_ =	swait.ge @!p1 [sflag:s26], $0x2800  }
0x50: {  	[sflag:s26] =	ssyncset.done @!p1 $0x0  }
0x51: {  	[sflag:s26] =	ssyncadd.s32 @!p1 $0xFFFFD800  }
0x52: {  	s26 =	sadd.s32 s4, s13;
	s11 =	sadd.s32 $0xFFFFFFFC, s30  }
0x53: {  	[tilespmem:s2], [sflag:$0xD] =	stream.linear.gather [hbm4b:s26+s2], $0x50, $0x38;
	[tilespmem:$0x1DC80] =	vst v63  }
0x54: {  	p1 =	sgt.u32 s11, $0x7C  }
0x55: {  	s7 =	sadd.s32 s5, s13;
	s26 =	simm.s32 @!p1 $0x10  }
0x56: {  	[tilespmem:s19], [sflag:$0x9] =	stream.linear.gather [hbm4b:s7+s2], $0x50, $0x38;
	[tilespmem:$0x1DC80] =	vst v63  }
0x57: {  	_ =	swait.ge @!p1 [sflag:s26], $0x50  }
0x58: {  	s0 =	simm.s32 @!p1 $0x7C00;
	[sflag:s26] =	ssyncset.done @!p1 $0x0  }
0x59: {  	s7 =	simm.s32 @!p1 $0x180;
	[sflag:s26] =	ssyncadd.s32 @!p1 $0xFFFFFFB0;
	s26 =	simm.s32 @!p1 $0x50  }
0x5a: {  	[tilespmem:s0], [sflag:$0x4] =	stream.indirect.gather @!p1 [hbm4b:s3+s26], $0x80, s7, s26, $0xb8;
	[tilespmem:$0x1DC80] =	vst v63  }
0x5b: {  	s26 =	sadd.s32 $0xFFFFFFFB, s30  }
0x5c: {  	p2 =	sgt.u32 s26, $0x7C  }
0x5d: {  	s0 =	simm.s32 @!p2 $0x3  }
0x5e: {  	_ =	swait.ge @!p2 [sflag:s0], $0x2800  }
0x5f: {  	[sflag:s0] =	ssyncset.done @!p2 $0x0  }
0x60: {  	[sflag:s0] =	ssyncadd.s32 @!p2 $0xFFFFD800;
	s0 =	simm.s32 @!p2 $0xB  }
0x61: {  	_ =	swait.ge @!p2 [sflag:s0], $0x50  }
0x62: {  	s7 =	simm.s32 @!p2 $0x300;
	[sflag:s0] =	ssyncset.done @!p2 $0x0  }
0x63: {  	s26 =	simm.s32 @!p2 $0x5400;
	[sflag:s0] =	ssyncadd.s32 @!p2 $0xFFFFFFB0;
	s0 =	simm.s32 @!p2 $0x50  }
0x64: {  	[spmem:s1] =	stream.indirect.scatter.add.f32 @!p2 [tilespmem:s26], [sflag:$0x7], $0x80, s7, s0, $0xb8;
	[tilespmem:$0x1DC80] =	vst v63  }
0x65: {  	p1 =	seq.s32 s30, $0x3;
	s0 =	sadd.s32 $0xFFFFFFFE, s30  }
0x66: {  	p3 =	sgt.u32 @!p1 s0, $0x80  }
0x67: {  	p3 =	por p3, p1  }
0x68: {  	s7 =	simm.s32 @!p3 $0x6  }
0x69: {  	_ =	swait.ge @!p3 [sflag:s7], $0x2800  }
0x6a: {  	[sflag:s7] =	ssyncset.done @!p3 $0x0  }
0x6b: {  	[sflag:s7] =	ssyncadd.s32 @!p3 $0xFFFFD800;
	p3 =	sgt.u32 s0, $0x7C  }
0x6c: {  	s7 =	sadd.s32 @!p3 s4, s15;
	s26 =	simm.s32 @!p3 $0x0;
	s11 =	simm.s32 @!p3 $0x80  }
0x6d: {  	[tilespmem:s11], [sflag:$0xE] =	stream.linear.gather @!p3 [hbm4b:s7+s26], $0x50, $0x38;
	[tilespmem:$0x1DC80] =	vst v63  }
0x6e: {  	s7 =	sadd.s32 @!p3 s5, s15;
	s11 =	simm.s32 @!p3 $0x280  }
0x6f: {  	[tilespmem:s11], [sflag:$0xA] =	stream.linear.gather @!p3 [hbm4b:s7+s26], $0x50, $0x38;
	[tilespmem:$0x1DC80] =	vst v63  }
0x70: {  	p3 =	sgt.u32 @!p1 s0, $0x7E  }
0x71: {  	p3 =	por p1, p3  }
.Ltmp4:
0x72: {  	_ = 	snop;
	(pc) =	sbr.rel @p3 .LBB2_6-.Ltmp4, $4  }
0x73: {  	_ =	swait.ge [sflag:s20], $0x50  }
0x74: {  	[sflag:s20] =	ssyncset.done $0x0  }
0x75: {  	[sflag:s20] =	ssyncadd.s32 $0xFFFFFFB0  }
0x76: {  	[tilespmem:s22], [sflag:$0x1] =	stream.indirect.gather [hbm4b:s3+s21], $0x80, s2, s21, $0xb8;
	[tilespmem:$0x1DC80] =	vst v63  }
0x77: {  	_ =	swait.ge [sflag:s23], $0x2800  }
0x78: {  	[sflag:s23] =	ssyncset.done $0x0  }
0x79: {  	[sflag:s23] =	ssyncadd.s32 $0xFFFFD800  }
0x7a: {  	_ =	swait.ge [sflag:s24], $0x50  }
0x7b: {  	[sflag:s24] =	ssyncset.done $0x0  }
0x7c: {  	s0 =	simm.s32 $0x7C00;
	[sflag:s24] =	ssyncadd.s32 $0xFFFFFFB0  }
0x7d: {  	[spmem:s1] =	stream.indirect.scatter.add.f32 [tilespmem:s0], [sflag:$0x8], $0x80, s25, s21, $0xb8;
	[tilespmem:$0x1DC80] =	vst v63  }
.LBB2_5:
0x7e: {  	_ =	swait.ge [sflag:s28], $0x2800  }
0x7f: {  	[sflag:s28] =	ssyncset.done $0x0  }
0x80: {  	s26 =	sadd.s32 $0xFFFFFFFF, s30;
	[sflag:s28] =	ssyncadd.s32 $0xFFFFD800  }
.LBB2_8:
0x81: {  	p2 =	sgt.u32 s26, $0x7C  }
.Ltmp5:
0x82: {  	_ = 	snop;
	(pc) =	sbr.rel @p2 .LBB2_10-.Ltmp5, $1  }
0x83: {  	_ =	sdelay $0x3  }
0x84: {  	s0 =	smul.u32 $0x50, s26;
	_ =	sdelay $0x1  }
0x85: {  	s0 =	sadd.s32 s9, s0  }
0x86: {  	s7 =	rddreg [dreg:$0x3];
	s0 =	sshrl.u32 s0, $0x3  }
0x87: {  	s26 =	rddreg [dreg:$0x4];
	s7 =	sadd.s32 s7, s0  }
0x88: {  	[tilespmem:s29], [sflag:$0xF] =	stream.linear.gather [hbm4b:s7+s2], $0x50, $0x38;
	[tilespmem:$0x1DC80] =	vst v63  }
0x89: {  	s11 =	simm.s32 $0x300;
	s0 =	sadd.s32 s26, s0  }
0x8a: {  	[tilespmem:s11], [sflag:$0xB] =	stream.linear.gather [hbm4b:s0+s2], $0x50, $0x38;
	[tilespmem:$0x1DC80] =	vst v63  }
.Ltmp6:
0x8b: {  	_ = 	snop;
	(pc) =	sbr.rel .LBB2_11-.Ltmp6, $4  }
0x8c: {  	_ =	swait.ge [sflag:s31], $0x50  }
0x8d: {  	[sflag:s31] =	ssyncset.done $0x0  }
0x8e: {  	s26 =	simm.s32 $0x80;
	[sflag:s31] =	ssyncadd.s32 $0xFFFFFFB0  }
0x8f: {  	[tilespmem:s6], [sflag:$0x2] =	stream.indirect.gather [hbm4b:s3+s21], $0x80, s26, s21, $0xb8;
	[tilespmem:$0x1DC80] =	vst v63  }
.LBB2_10:
0x90: {  	p2 =	sgt.u32 s26, $0x7E  }
.Ltmp7:
0x91: {  	_ = 	snop;
	(pc) =	sbr.rel @p2 .LBB2_12-.Ltmp7, $1  }
0x92: {  	_ =	sdelay $0x3  }
.LBB2_11:
0x93: {  	_ =	swait.ge [sflag:s8], $0x2800  }
0x94: {  	[sflag:s8] =	ssyncset.done $0x0  }
0x95: {  	[sflag:s8] =	ssyncadd.s32 $0xFFFFD800  }
0x96: {  	_ =	swait.ge [sflag:s10], $0x50  }
0x97: {  	[sflag:s10] =	ssyncset.done $0x0  }
0x98: {  	[sflag:s10] =	ssyncadd.s32 $0xFFFFFFB0  }
0x99: {  	[spmem:s1] =	stream.indirect.scatter.add.f32 [tilespmem:s22], [sflag:$0x5], $0x80, s19, s21, $0xb8;
	[tilespmem:$0x1DC80] =	vst v63  }
.LBB2_12:
0x9a: {  	p2 =	sgt.u32 @!p1 s30, $0x80  }
0x9b: {  	p1 =	por p2, p1;
	p2 =	sgt.u32 s30, $0x7C  }
.Ltmp8:
0x9c: {  	_ = 	snop;
	(pc) =	sbr.rel @!p2 .LBB2_13-.Ltmp8, $4  }
0x9d: {  	s0 =	simm.s32 @!p1 $0x8  }
0x9e: {  	_ =	swait.ge @!p1 [sflag:s0], $0x2800  }
0x9f: {  	[sflag:s0] =	ssyncset.done @!p1 $0x0  }
0xa0: {  	[sflag:s0] =	ssyncadd.s32 @!p1 $0xFFFFD800  }
0xa1: {  	p1 =	sgt.u32 s30, $0x7E  }
.Ltmp9:
0xa2: {  	_ = 	snop;
	(pc) =	sbr.rel @p1 .LBB2_16-.Ltmp9, $4  }
.Ltmp10:
0xa3: {  	_ = 	snop;
	(pc) =	sbr.rel @!p1 .LBB2_15-.Ltmp10, $4  }
0xa4: {  	_ = 	snop  }
0xa5: {  	_ = 	snop  }
0xa6: {  	_ = 	snop  }
0xa7: {  	_ = 	snop  }
.LBB2_6:
.Ltmp11:
0xa8: {  	(pc) =	sbr.rel @!p2 .LBB2_5-.Ltmp11, $1  }
0xa9: {  	_ =	sdelay $0x3  }
.Ltmp12:
0xaa: {  	(pc) =	sbr.rel .LBB2_8-.Ltmp12, $3  }
0xab: {  	_ =	sdelay $0x1  }
0xac: {  	s0 =	sshll.u32 s16, $0x2  }
0xad: {  	s26 =	sor.u32 $0x2, s0  }
.LBB2_18:
0xae: {  	_ =	sfence.sel $0x180000  }
0xaf: {  	[bflag:$0x0] =	sbarrier.arrive $0xFFFF  }
0xb0: {  	_ =	strace $0x9000004D  }
0xb1: {  	[bflag:$0x2] =	sbarrier.arrive $0xFFFF  }
0xb2: {  	s0 =	rddreg [dreg:$0x2]  }
0xb3: {  	s0 =	sadd.s32 @!p0 $0x100000, s0  }
0xb4: {  	[sflag:s0] =	ssyncadd.tile.s32 @!p0 $0x1;
	_ =	shalt  }
.Lfunc_end2:
_tile_overlayer_lowered:
.L_overlay_start_2:
0xb5: {  	(tag) =	ssettag $0x2  }
0xb6: {  	s0 =	rddreg [dreg:$0x0];
	s2 =	stileid.u32  }
0xb7: {  	s1 =	rddreg [dreg:$0x1];
	p0 =	sne.s32 s2, $0x0  }
0xb8: {  	s3 =	rddreg [dreg:$0x2];
	[bflag:$0x3] =	sbarrier.arrive $0xFFFF;
	s2 =	simm.s32 @!p0 $0x1C11  }
0xb9: {  	[timem:s3], [sflag:s2] =	dma.local @!p0 [hbm:s0], s1  }
0xba: {  	s0 =	simm.s32 @!p0 $0x11  }
0xbb: {  	_ =	swait.ge @!p0 [sflag:s0], s1  }
0xbc: {  	s1 =	ssub.s32 @!p0 $0x0, s1;
	[sflag:s0] =	ssyncset.done @!p0 $0x0  }
0xbd: {  	[sflag:s0] =	ssyncadd.s32 @!p0 s1  }
0xbe: {  	[bflag:$0x3] =	sbarrier.arrive $0xFFFF  }
0xbf: {  	_ =	shalt  }

// kernel: kernel.27.cloned.1.call-start
scs
__scs_entry_jumppad:
0x0: {  	(pc) =	sbr.rel $0x88, $3  }
0x1: {  	(tag) =	ssettag $0x0;
	lr =	simm.s32 $0x1  }
0x2: {  	[smem:$0x3F8E] =	sst lr;
	_ =	strace $0xD0000000  }
0x3: {  	_ = 	snop  }
0x4: {  	_ = 	snop  }
0x5: {  	_ = 	snop  }
0x6: {  	_ = 	snop  }
0x7: {  	_ = 	snop  }
__scs_overlays_trampoline_lowered:
0x8: {  	[smem:$0x3F9D] =	sst s0  }
0x9: {  	[smem:$0x3F9E] =	sst s1  }
0xa: {  	[smem:$0x3F9F] =	sst s2  }
0xb: {  	[smem:$0x3FA0] =	sst s3  }
0xc: {  	[smem:$0x3FA1] =	sst s4  }
0xd: {  	[smem:$0x3FA2] =	sst s5  }
0xe: {  	[smem:$0x3FA3] =	sst s6  }
0xf: {  	[smem:$0x3FA4] =	sst s7  }
0x10: {  	[smem:$0x3FA5] =	sst s8  }
0x11: {  	[smem:$0x3FA6] =	sst s9;
	s0 =	simm.s32 @!p0 $0x0  }
0x12: {  	s1 =	sld [smem:$0x3F8C];
	s0 =	simm.s32 @p0 $0x1  }
0x13: {  	[smem:$0x3FA7] =	sst s0;
	s0 =	simm.s32 @!p1 $0x0  }
0x14: {  	s2 =	sld [smem:$0x3F8B];
	s0 =	simm.s32 @p1 $0x1  }
0x15: {  	[smem:$0x3FA8] =	sst s0;
	s0 =	simm.s32 @!p2 $0x0  }
0x16: {  	s3 =	sld [smem:$0x3FDB];
	s0 =	simm.s32 @p2 $0x1  }
0x17: {  	s4 =	simm.s32 $0x1BF5;
	[smem:$0x3FAA] =	sst s0  }
0x18: {  	s0 =	sld [smem:$0x3F8D];
	_ =	swait.ge [sflag:s4], $0x0  }
0x19: {  	s7 =	sld [smem:$0x3F8E]  }
0x1a: {  	s8 =	sadd.s32 $0xFFFFE003, lr  }
0x1b: {  	s9 =	sadd.s32 $0xFFFFFEF7, lr;
	s5 =	simm.s32 $0xFFFFFFFF;
	p2 =	slt.u32 s8, $0xFFFFF086  }
0x1c: {  	p1 =	slt.u32 s9, $0xF7A;
	s5 =	simm.s32 @!p2 $0x0  }
0x1d: {  	s5 =	simm.s32 @p1 $0x1;
	p0 =	seq.s32 s7, s2  }
0x1e: {  	s7 =	smul.u32 @!p0 $0xF7A, s2;
	p2 =	seq.s32 @!p0 s5, $0x0  }
0x1f: {  	s9 =	smul.u32 $0xF7A, s1;
	s8 =	simm.s32 @!p0 $0x1BF5;
	p2 =	por !p2, p0  }
0x20: {  	[sflag:s8] =	ssyncset.s32 @!p0 $0xFFFFF086;
	s6 =	sadd.s32 @!p0 s3, s7;
	s7 =	simm.s32 @!p0 $0x108  }
0x21: {  	s3 =	sadd.s32 s3, s9;
	s6 =	sadd.s32 @!p0 $0x88, s6;
	s7 =	simm.s32 @p2 $0x1082  }
0x22: {  	[simem:s7], [sflag:s8] =	dma.local @!p0 [hbm:s6], $0xF7A  }
0x23: {  	s9 =	sor.u32 $0xD0000000, s2;
	s6 =	simm.s32 $0x108;
	_ =	swait.ge @!p0 [sflag:s8], $0x0  }
0x24: {  	s3 =	sadd.s32 $0x88, s3;
	s6 =	simm.s32 @!p1 $0x1082;
	[sflag:s4] =	ssyncset.s32 $0xFFFFF086  }
0x25: {  	[simem:s6], [sflag:s4] =	dma.local [hbm:s3], $0xF7A  }
0x26: {  	[smem:$0x3F8E] =	sst s1;
	(tag) =	ssettag s2;
	_ =	strace s9  }
0x27: {  	s1 =	sld [smem:$0x3F9E]  }
0x28: {  	s2 =	sld [smem:$0x3F9F]  }
0x29: {  	s4 =	sld [smem:$0x3FA1]  }
0x2a: {  	p0 =	seq.s32 s5, $0x0;
	s5 =	sld [smem:$0x3FA2]  }
0x2b: {  	s6 =	sld [smem:$0x3FA3]  }
0x2c: {  	s7 =	sld [smem:$0x3FA4]  }
0x2d: {  	s3 =	simm.s32 $0x108;
	s8 =	sld [smem:$0x3FA5]  }
0x2e: {  	s3 =	simm.s32 @!p0 $0x1082;
	s9 =	sld [smem:$0x3FA6]  }
0x2f: {  	lr =	sadd.s32 s0, s3;
	s0 =	sld [smem:$0x3F9D]  }
0x30: {  	s3 =	sld [smem:$0x3FA0]  }
0x31: {  	[smem:$0x3FA9] =	sst s10  }
0x32: {  	s10 =	sld [smem:$0x3FA7];
	_ =	sdelay $0x3  }
0x33: {  	p0 =	seq.s32 s10, $0x1;
	s10 =	sld [smem:$0x3FA9];
	_ =	sdelay $0x3  }
0x34: {  	[smem:$0x3FA9] =	sst s10  }
0x35: {  	s10 =	sld [smem:$0x3FA8];
	_ =	sdelay $0x3  }
0x36: {  	p1 =	seq.s32 s10, $0x1;
	s10 =	sld [smem:$0x3FA9];
	_ =	sdelay $0x3  }
0x37: {  	[smem:$0x3FA9] =	sst s10  }
0x38: {  	s10 =	sld [smem:$0x3FAA]  }
0x39: {  	_ = 	snop;
	(pc) =	sbr.ind lr, $3  }
0x3a: {  	_ = 	snop  }
0x3b: {  	_ = 	snop  }
0x3c: {  	p2 =	seq.s32 s10, $0x1;
	s10 =	sld [smem:$0x3FA9]  }
0x3d: {  	_ =	shalt  }
0x3e: {  	_ =	shalt  }
0x3f: {  	_ =	shalt  }
0x40: {  	_ =	shalt  }
0x41: {  	_ =	shalt  }
0x42: {  	_ =	shalt  }
0x43: {  	_ =	shalt  }
0x44: {  	_ =	shalt  }
0x45: {  	_ =	shalt  }
0x46: {  	_ =	shalt  }
0x47: {  	_ =	shalt  }
0x48: {  	_ =	shalt  }
0x49: {  	_ =	shalt  }
0x4a: {  	_ =	shalt  }
0x4b: {  	_ =	shalt  }
0x4c: {  	_ =	shalt  }
0x4d: {  	_ =	shalt  }
0x4e: {  	_ =	shalt  }
0x4f: {  	_ =	shalt  }
0x50: {  	_ =	shalt  }
0x51: {  	_ =	shalt  }
0x52: {  	_ =	shalt  }
0x53: {  	_ =	shalt  }
0x54: {  	_ =	shalt  }
0x55: {  	_ =	shalt  }
0x56: {  	_ =	shalt  }
0x57: {  	_ =	shalt  }
0x58: {  	_ =	shalt  }
0x59: {  	_ =	shalt  }
0x5a: {  	_ =	shalt  }
0x5b: {  	_ =	shalt  }
0x5c: {  	_ =	shalt  }
0x5d: {  	_ =	shalt  }
0x5e: {  	_ =	shalt  }
0x5f: {  	_ =	shalt  }
0x60: {  	_ =	shalt  }
0x61: {  	_ =	shalt  }
0x62: {  	_ =	shalt  }
0x63: {  	_ =	shalt  }
0x64: {  	_ =	shalt  }
0x65: {  	_ =	shalt  }
0x66: {  	_ =	shalt  }
0x67: {  	_ =	shalt  }
0x68: {  	_ =	shalt  }
0x69: {  	_ =	shalt  }
0x6a: {  	_ =	shalt  }
0x6b: {  	_ =	shalt  }
0x6c: {  	_ =	shalt  }
0x6d: {  	_ =	shalt  }
0x6e: {  	_ =	shalt  }
0x6f: {  	_ =	shalt  }
0x70: {  	_ =	shalt  }
0x71: {  	_ =	shalt  }
0x72: {  	_ =	shalt  }
0x73: {  	_ =	shalt  }
0x74: {  	_ =	shalt  }
0x75: {  	_ =	shalt  }
0x76: {  	_ =	shalt  }
0x77: {  	_ =	shalt  }
0x78: {  	_ =	shalt  }
0x79: {  	_ =	shalt  }
0x7a: {  	_ =	shalt  }
0x7b: {  	_ =	shalt  }
0x7c: {  	_ =	shalt  }
0x7d: {  	_ =	shalt  }
0x7e: {  	_ =	shalt  }
0x7f: {  	_ =	shalt  }
0x80: {  	_ =	shalt  }
0x81: {  	_ =	shalt  }
0x82: {  	_ =	shalt  }
0x83: {  	_ =	shalt  }
0x84: {  	_ =	shalt  }
0x85: {  	_ =	shalt  }
0x86: {  	_ =	shalt  }
0x87: {  	_ =	shalt  }
.Lfunc_end0:
.L_simem_size_0:
called_computation.3_lowered:
.L_overlay_start_0:
0x88: {  	s2 =	sld [smem:$0x3FD9]  }
0x89: {  	s3 =	sld [smem:$0x3FFE];
	_ =	sdelay $0x1  }
0x8a: {  	s1 =	srdreg.scid  }
0x8b: {  	s0 =	sand.u32 $0x1, s1  }
0x8c: {  	s16 =	sshll.u32 s0, $0xA;
	s2 =	sadd.s32 s3, s2  }
0x8d: {  	s2 =	sadd.s32 s2, s16  }
0x8e: {  	[smem:$0x3FB5] =	sst s2  }
0x8f: {  	_ = 	snop  }
0x90: {  	(tm) =	ssettm $0x1  }
0x91: {  	s17 =	sld [smem:$0x3FFB];
	_ =	sdelay $0x3  }
0x92: {  	_ =	strace s17  }
0x93: {  	s2 =	sld [smem:$0x3FFC];
	_ =	sdelay $0x3  }
0x94: {  	_ =	strace s2  }
0x95: {  	s2 =	sld [smem:$0x3FFD];
	_ =	sdelay $0x3  }
0x96: {  	_ =	strace s2  }
0x97: {  	_ =	strace $0x8FFFFFFF  }
0x98: {  	s18 =	sld [smem:$0x3FDB];
	_ =	sdelay $0x1  }
0x99: {  	s19 =	simm.s32 $_scs_section_size  }
0x9a: {  	s4 =	simm.s32 $_size__tile_overlayer_lowered;
	s5 =	simm.s32 $_tile_overlayer_lowered  }
0x9b: {  	s22 =	simm.s32 $0x1BFF;
	s21 =	sshll.u32 s5, $0x1;
	s2 =	sadd.s32 s19, s18  }
0x9c: {  	s6 =	simm.s32 $0x0;
	s20 =	sshll.u32 s4, $0x1;
	s4 =	sadd.s32 s21, s2  }
0x9d: {  	[timem:s6], [sflag:s22] =	dma.local [hbm:s4], s20  }
0x9e: {  	_ =	swait.ge [sflag:s22], s20  }
0x9f: {  	s3 =	ssub.s32 $0x0, s20;
	[sflag:s22] =	ssyncset.done $0x0  }
0xa0: {  	[sflag:s22] =	ssyncadd.s32 s3;
	_ =	sdelay $0x1  }
0xa1: {  	s23 =	simm.s32 $0x1B8B  }
0xa2: {  	_ =	swait.ge [sflag:s23], $0x1  }
0xa3: {  	[sflag:s23] =	ssyncset.done $0x0  }
0xa4: {  	s25 =	simm.s32 $0x1B8E;
	s24 =	sld [smem:$0x3FFE];
	[sflag:s23] =	ssyncadd.s32 $0xFFFFFFFF  }
0xa5: {  	s26 =	simm.s32 $execute0_lowered;
	[smem:$0x3FD2] =	sst s25  }
0xa6: {  	s4 =	sshll.u32 s26, $0x1;
	_ =	strace $0x8000004F;
	[dreg:$0x1] =	wrdreg $0xFFFFFFFF  }
0xa7: {  	s28 =	simm.s32 $_size_execute0_lowered;
	s2 =	sadd.s32 s2, s4;
	[dreg:$0x0] =	wrdreg $0x0  }
0xa8: {  	s4 =	sshll.u32 s28, $0x1;
	[dreg:$0x2] =	wrdreg s2  }
0xa9: {  	[dreg:$0x3] =	wrdreg s4  }
0xaa: {  	[dreg:$0x4] =	wrdreg $0xC0  }
0xab: {  	_ =	task [dreg:s6], $0x5FFFF  }
0xac: {  	[dreg:$0x1] =	wrdreg $0xFFFFFFFF  }
0xad: {  	[dreg:$0x0] =	wrdreg $0x60  }
0xae: {  	[dreg:$0x2] =	wrdreg s24  }
0xaf: {  	[dreg:$0x3] =	wrdreg $0xA4000  }
0xb0: {  	[dreg:$0x4] =	wrdreg $0x9  }
0xb1: {  	_ =	task.clear_ibuf [dreg:s6], $0x5FFFF;
	_ =	strace $0x9000004F  }
0xb2: {  	s29 =	simm.s32 $0x9;
	_ =	strace $0x80000051  }
0xb3: {  	_ =	swait.ge [sflag:s29], $0x1  }
0xb4: {  	[sflag:s29] =	ssyncadd.s32 $0xFFFFFFFF  }
0xb5: {  	_ =	strace $0x90000051  }
0xb6: {  	_ =	sfence  }
0xb7: {  	s30 =	sld [smem:$0x0];
	_ =	sdelay $0x2  }
0xb8: {  	s31 =	sshll.u32 s1, $0xD;
	s1 =	sshrl.u32 s1, $0x2  }
0xb9: {  	s3 =	sand.u32 $0x4000, s31;
	s1 =	sadd.s32 s1, s30  }
0xba: {  	s0 =	sor.u32 s3, s0;
	s1 =	sshll.u32 s1, $0x11  }
0xbb: {  	s0 =	sor.u32 s1, s0  }
0xbc: {  	s0 =	sadd.s32 $0x8F2B, s0  }
0xbd: {  	[sflag:s0] =	ssyncadd.remote.s32 $0x1  }
0xbe: {  	_ =	sfence.sel $0xFFFF  }
0xbf: {  	[dreg:$0x0] =	wrdreg $0xFFFFFFFF;
	(pc) =	sbr.abs _section_cstart, $3  }
0xc0: {  	[dreg:$0x1] =	wrdreg $0xFFFFFFFF  }
0xc1: {  	_ =	task.clear_ibuf [dreg:s6], $0x2FFFF;
	_ =	strace $0x9FFFFFFF  }
0xc2: {  	(tm) =	ssettm $0x7FFFFFFF  }
0xc3: {  	_ =	shalt  }
tec
execute0_lowered:
.L_overlay_start_1:
0x0: {  	(tag) =	ssettag $0x1  }
0x1: {  	s4 =	rddreg [dreg:$0x0]  }
0x2: {  	s1 =	rddreg [dreg:$0x1]  }
0x3: {  	s2 =	simm.s32 $0x0;
	s5 =	stileid.u32;
	s7 =	srdreg.scid  }
0x4: {  	s28 =	simm.s32 $0x7;
	s29 =	simm.s32 $0x100;
	s31 =	simm.s32 $0xE  }
0x5: {  	[smem:$0x7FF] =	sst s2;
	s3 =	sadd.s32 $0x40200, s4;
	s6 =	smul.u32 $0x13800, s5  }
0x6: {  	s0 =	sadd.s32 $0xF200, s4;
	s10 =	sadd.s32 $0x5400, s4;
	s7 =	sand.u32 $0x1, s7  }
0x7: {  	s12 =	sadd.s32 $0xDC600, s4;
	s14 =	sshll.u32 s5, $0x6;
	s19 =	sadd.s32 $0x40000, s4  }
0x8: {  	p0 =	sne.s32 s5, $0x0;
	_ =	strace $0x80000050;
	[dreg:$0x3] =	wrdreg s0  }
0x9: {  	[dreg:$0x4] =	wrdreg s10;
	s9 =	ssub.s32 $0x2, s7;
	s10 =	smul.u32 $0x4E000, s5  }
0xa: {  	s17 =	sshll.u32 s7, $0x4;
	s18 =	smul.u32 $0x138800, s7;
	[dreg:$0x7] =	wrdreg s19  }
0xb: {  	s7 =	smul.u32 $0x27100, s7;
	s19 =	simm.s32 $0x200;
	s8 =	sshrl.u32 s6, $0x3  }
0xc: {  	s13 =	sshrl.u32 s9, $0x1;
	s20 =	sor.u32 s5, s17;
	s17 =	simm.s32 $0xA  }
0xd: {  	s8 =	sadd.s32 s8, s4;
	s13 =	ssub.s32 s9, s13;
	s11 =	sshrl.u32 s10, $0x2  }
0xe: {  	s6 =	sadd.s32 s6, s18;
	s10 =	sshrl.u32 s18, $0x3;
	s9 =	smul.u32 $0x2710, s20  }
0xf: {  	s20 =	simm.s32 $0xD;
	s18 =	simm.s32 $0x2;
	s16 =	sadd.s32 s11, s1  }
0x10: {  	s15 =	sadd.s32 $0x19000, s8;
	s11 =	sor.u32 $0x1C11, s14;
	s8 =	sadd.s32 $0x138000, s1  }
0x11: {  	s14 =	smul.u32 $0x2710, s5;
	s21 =	sshrl.u32 s6, $0x3;
	s22 =	sadd.s32 s12, s10  }
0x12: {  	s26 =	smax.u32 s13, $0x1;
	s6 =	simm.s32 $0x2C00;
	s10 =	simm.s32 $0x9  }
0x13: {  	[dreg:$0x5] =	wrdreg s15;
	s23 =	sadd.s32 s12, s21;
	s24 =	sadd.s32 $0x27000, s22  }
0x14: {  	[dreg:$0xa] =	wrdreg s26;
	s5 =	sshrl.u32 s16, $0x3;
	s16 =	sshrl.u32 @!p0 s8, $0x3  }
0x15: {  	s21 =	simm.s32 $0x50;
	s22 =	simm.s32 $0x400;
	[dreg:$0x6] =	wrdreg s11  }
0x16: {  	s8 =	simm.s32 $0x1;
	s12 =	simm.s32 $0xF;
	[dreg:$0x8] =	wrdreg s23  }
.Ltmp0:
0x17: {  	s26 =	simm.s32 $0x0;
	[dreg:$0x9] =	wrdreg s24;
	(pc) =	sbr.rel .LBB2_1-.Ltmp0, $4  }
0x18: {  	s25 =	sadd.s32 s14, s7;
	s23 =	simm.s32 $0x4;
	[dreg:$0xb] =	wrdreg s5  }
0x19: {  	s24 =	simm.s32 $0xC;
	[dreg:$0xc] =	wrdreg s16;
	s30 =	sadd.s32 $0xF0, s25  }
0x1a: {  	s7 =	sadd.s32 $0x50, s25;
	s13 =	sshrl.u32 s25, $0x3;
	s25 =	simm.s32 $0x380  }
0x1b: {  	s14 =	sshrl.u32 s30, $0x3;
	s15 =	sshrl.u32 s7, $0x3;
	s7 =	simm.s32 $0x11  }
.LBB2_17:
0x1c: {  	[bflag:$0x0] =	sbarrier.arrive $0xFFFF  }
0x1d: {  	s11 =	rddreg [dreg:$0x6]  }
0x1e: {  	s0 =	rddreg [dreg:$0x8]  }
0x1f: {  	s7 =	simm.s32 $0x11;
	s5 =	rddreg [dreg:$0xb]  }
0x20: {  	[hbm:s0], [sflag:s11] =	dma.local [spmem:s5], $0x2700  }
0x21: {  	_ =	swait.ge [sflag:s7], $0x2700  }
0x22: {  	[sflag:s7] =	ssyncset.done $0x0;
	s0 =	rddreg [dreg:$0x9]  }
0x23: {  	s16 =	rddreg [dreg:$0xc];
	[sflag:s7] =	ssyncadd.s32 $0xFFFFD900  }
0x24: {  	[hbm:s0], [sflag:s11] =	dma.local @!p0 [spmem:s16], $0x100  }
0x25: {  	s0 =	simm.s32 @!p0 $0x11  }
0x26: {  	_ =	swait.ge @!p0 [sflag:s0], $0x100  }
0x27: {  	s26 =	rddreg [dreg:$0xd]  }
0x28: {  	s4 =	rddreg [dreg:$0xa];
	s26 =	sadd.s32 $0x1, s26  }
0x29: {  	p1 =	sne.s32 s26, s4  }
.Ltmp1:
0x2a: {  	_ = 	snop;
	(pc) =	sbr.rel @!p1 .LBB2_18-.Ltmp1, $3  }
0x2b: {  	_ =	sdelay $0x1  }
0x2c: {  	[sflag:s0] =	ssyncset.done @!p0 $0x0  }
0x2d: {  	[sflag:s0] =	ssyncadd.s32 @!p0 $0xFFFFFF00  }
.LBB2_1:
0x2e: {  	[dreg:$0xd] =	wrdreg s26  }
0x2f: {  	s0 =	rddreg [dreg:$0x5]  }
0x30: {  	[spmem:s5], [sflag:s11] =	dma.local [hbm:s0], $0x2700  }
0x31: {  	_ =	swait.ge [sflag:s7], $0x2700  }
0x32: {  	[sflag:s7] =	ssyncset.done $0x0  }
0x33: {  	s4 =	simm.s32 @!p0 $0x11;
	s0 =	rddreg [dreg:$0x7];
	[sflag:s7] =	ssyncadd.s32 $0xFFFFD900  }
0x34: {  	[spmem:s16], [sflag:s11] =	dma.local @!p0 [hbm:s0], $0x100  }
0x35: {  	_ =	swait.ge @!p0 [sflag:s4], $0x100  }
.Ltmp2:
0x36: {  	[sflag:s4] =	ssyncset.done @!p0 $0x0;
	(pc) =	sbr.rel .LBB2_2-.Ltmp2, $4  }
0x37: {  	[sflag:s4] =	ssyncadd.s32 @!p0 $0xFFFFFF00  }
0x38: {  	[bflag:$0x0] =	sbarrier.arrive $0xFFFF  }
0x39: {  	s4 =	rddreg [dreg:$0x3]  }
0x3a: {  	s30 =	simm.s32 $0x3;
	s16 =	simm.s32 $0x0;
	s5 =	rddreg [dreg:$0x4]  }
.LBB2_13:
0x3b: {  	s0 =	sadd.s32 s4, s14;
	s7 =	simm.s32 $0x180  }
0x3c: {  	[tilespmem:s7], [sflag:$0x10] =	stream.linear.gather [hbm4b:s0+s2], $0x50, $0x38;
	[tilespmem:$0x1DC80] =	vst v63  }
0x3d: {  	s11 =	sadd.s32 s5, s14  }
0x3e: {  	[tilespmem:s25], [sflag:$0xC] =	stream.linear.gather [hbm4b:s11+s2], $0x50, $0x38;
	[tilespmem:$0x1DC80] =	vst v63  }
0x3f: {  	_ =	swait.ge [sflag:s12], $0x50  }
0x40: {  	[sflag:s12] =	ssyncset.done $0x0  }
0x41: {  	s26 =	simm.s32 $0x5400;
	[sflag:s12] =	ssyncadd.s32 $0xFFFFFFB0  }
0x42: {  	[tilespmem:s26], [sflag:$0x3] =	stream.indirect.gather [hbm4b:s3+s21], $0x80, s29, s21, $0xb8;
	[tilespmem:$0x1DC80] =	vst v63  }
.LBB2_15:
0x43: {  	_ =	swait.ge [sflag:s18], $0x2800  }
0x44: {  	[sflag:s18] =	ssyncset.done $0x0  }
0x45: {  	[sflag:s18] =	ssyncadd.s32 $0xFFFFD800  }
0x46: {  	_ =	swait.ge [sflag:s17], $0x50  }
0x47: {  	[sflag:s17] =	ssyncset.done $0x0  }
0x48: {  	s0 =	simm.s32 $0x280;
	[sflag:s17] =	ssyncadd.s32 $0xFFFFFFB0  }
0x49: {  	[spmem:s1] =	stream.indirect.scatter.add.f32 [tilespmem:s6], [sflag:$0x6], $0x80, s0, s21, $0xb8;
	[tilespmem:$0x1DC80] =	vst v63  }
.LBB2_16:
0x4a: {  	s16 =	sadd.s32 $0x1, s16  }
0x4b: {  	s5 =	sadd.s32 $0x28, s5;
	s4 =	sadd.s32 $0x28, s4;
	s30 =	sadd.s32 $0x4, s30  }
.LBB2_2:
0x4c: {  	s26 =	sadd.s32 $0xFFFFFFF9, s30;
	p2 =	seq.s32 s30, $0x83  }
.Ltmp3:
0x4d: {  	p1 =	sgt.u32 s26, $0x7C;
	(pc) =	sbr.rel @p2 .LBB2_17-.Ltmp3, $4  }
0x4e: {  	s26 =	simm.s32 @!p1 $0x5  }
0x4f: {  	_ =	swait.ge @!p1 [sflag:s26], $0x2800  }
0x50: {  	[sflag:s26] =	ssyncset.done @!p1 $0x0  }
0x51: {  	[sflag:s26] =	ssyncadd.s32 @!p1 $0xFFFFD800  }
0x52: {  	s26 =	sadd.s32 s4, s13;
	s11 =	sadd.s32 $0xFFFFFFFC, s30  }
0x53: {  	[tilespmem:s2], [sflag:$0xD] =	stream.linear.gather [hbm4b:s26+s2], $0x50, $0x38;
	[tilespmem:$0x1DC80] =	vst v63  }
0x54: {  	p1 =	sgt.u32 s11, $0x7C  }
0x55: {  	s7 =	sadd.s32 s5, s13;
	s26 =	simm.s32 @!p1 $0x10  }
0x56: {  	[tilespmem:s19], [sflag:$0x9] =	stream.linear.gather [hbm4b:s7+s2], $0x50, $0x38;
	[tilespmem:$0x1DC80] =	vst v63  }
0x57: {  	_ =	swait.ge @!p1 [sflag:s26], $0x50  }
0x58: {  	s0 =	simm.s32 @!p1 $0x7C00;
	[sflag:s26] =	ssyncset.done @!p1 $0x0  }
0x59: {  	s7 =	simm.s32 @!p1 $0x180;
	[sflag:s26] =	ssyncadd.s32 @!p1 $0xFFFFFFB0;
	s26 =	simm.s32 @!p1 $0x50  }
0x5a: {  	[tilespmem:s0], [sflag:$0x4] =	stream.indirect.gather @!p1 [hbm4b:s3+s26], $0x80, s7, s26, $0xb8;
	[tilespmem:$0x1DC80] =	vst v63  }
0x5b: {  	s26 =	sadd.s32 $0xFFFFFFFB, s30  }
0x5c: {  	p2 =	sgt.u32 s26, $0x7C  }
0x5d: {  	s0 =	simm.s32 @!p2 $0x3  }
0x5e: {  	_ =	swait.ge @!p2 [sflag:s0], $0x2800  }
0x5f: {  	[sflag:s0] =	ssyncset.done @!p2 $0x0  }
0x60: {  	[sflag:s0] =	ssyncadd.s32 @!p2 $0xFFFFD800;
	s0 =	simm.s32 @!p2 $0xB  }
0x61: {  	_ =	swait.ge @!p2 [sflag:s0], $0x50  }
0x62: {  	s7 =	simm.s32 @!p2 $0x300;
	[sflag:s0] =	ssyncset.done @!p2 $0x0  }
0x63: {  	s26 =	simm.s32 @!p2 $0x5400;
	[sflag:s0] =	ssyncadd.s32 @!p2 $0xFFFFFFB0;
	s0 =	simm.s32 @!p2 $0x50  }
0x64: {  	[spmem:s1] =	stream.indirect.scatter.add.f32 @!p2 [tilespmem:s26], [sflag:$0x7], $0x80, s7, s0, $0xb8;
	[tilespmem:$0x1DC80] =	vst v63  }
0x65: {  	p1 =	seq.s32 s30, $0x3;
	s0 =	sadd.s32 $0xFFFFFFFE, s30  }
0x66: {  	p3 =	sgt.u32 @!p1 s0, $0x80  }
0x67: {  	p3 =	por p3, p1  }
0x68: {  	s7 =	simm.s32 @!p3 $0x6  }
0x69: {  	_ =	swait.ge @!p3 [sflag:s7], $0x2800  }
0x6a: {  	[sflag:s7] =	ssyncset.done @!p3 $0x0  }
0x6b: {  	[sflag:s7] =	ssyncadd.s32 @!p3 $0xFFFFD800;
	p3 =	sgt.u32 s0, $0x7C  }
0x6c: {  	s7 =	sadd.s32 @!p3 s4, s15;
	s26 =	simm.s32 @!p3 $0x0;
	s11 =	simm.s32 @!p3 $0x80  }
0x6d: {  	[tilespmem:s11], [sflag:$0xE] =	stream.linear.gather @!p3 [hbm4b:s7+s26], $0x50, $0x38;
	[tilespmem:$0x1DC80] =	vst v63  }
0x6e: {  	s7 =	sadd.s32 @!p3 s5, s15;
	s11 =	simm.s32 @!p3 $0x280  }
0x6f: {  	[tilespmem:s11], [sflag:$0xA] =	stream.linear.gather @!p3 [hbm4b:s7+s26], $0x50, $0x38;
	[tilespmem:$0x1DC80] =	vst v63  }
0x70: {  	p3 =	sgt.u32 @!p1 s0, $0x7E  }
0x71: {  	p3 =	por p1, p3  }
.Ltmp4:
0x72: {  	_ = 	snop;
	(pc) =	sbr.rel @p3 .LBB2_6-.Ltmp4, $4  }
0x73: {  	_ =	swait.ge [sflag:s20], $0x50  }
0x74: {  	[sflag:s20] =	ssyncset.done $0x0  }
0x75: {  	[sflag:s20] =	ssyncadd.s32 $0xFFFFFFB0  }
0x76: {  	[tilespmem:s22], [sflag:$0x1] =	stream.indirect.gather [hbm4b:s3+s21], $0x80, s2, s21, $0xb8;
	[tilespmem:$0x1DC80] =	vst v63  }
0x77: {  	_ =	swait.ge [sflag:s23], $0x2800  }
0x78: {  	[sflag:s23] =	ssyncset.done $0x0  }
0x79: {  	[sflag:s23] =	ssyncadd.s32 $0xFFFFD800  }
0x7a: {  	_ =	swait.ge [sflag:s24], $0x50  }
0x7b: {  	[sflag:s24] =	ssyncset.done $0x0  }
0x7c: {  	s0 =	simm.s32 $0x7C00;
	[sflag:s24] =	ssyncadd.s32 $0xFFFFFFB0  }
0x7d: {  	[spmem:s1] =	stream.indirect.scatter.add.f32 [tilespmem:s0], [sflag:$0x8], $0x80, s25, s21, $0xb8;
	[tilespmem:$0x1DC80] =	vst v63  }
.LBB2_5:
0x7e: {  	_ =	swait.ge [sflag:s28], $0x2800  }
0x7f: {  	[sflag:s28] =	ssyncset.done $0x0  }
0x80: {  	s26 =	sadd.s32 $0xFFFFFFFF, s30;
	[sflag:s28] =	ssyncadd.s32 $0xFFFFD800  }
.LBB2_8:
0x81: {  	p2 =	sgt.u32 s26, $0x7C  }
.Ltmp5:
0x82: {  	_ = 	snop;
	(pc) =	sbr.rel @p2 .LBB2_10-.Ltmp5, $1  }
0x83: {  	_ =	sdelay $0x3  }
0x84: {  	s0 =	smul.u32 $0x50, s26;
	_ =	sdelay $0x1  }
0x85: {  	s0 =	sadd.s32 s9, s0  }
0x86: {  	s7 =	rddreg [dreg:$0x3];
	s0 =	sshrl.u32 s0, $0x3  }
0x87: {  	s26 =	rddreg [dreg:$0x4];
	s7 =	sadd.s32 s7, s0  }
0x88: {  	[tilespmem:s29], [sflag:$0xF] =	stream.linear.gather [hbm4b:s7+s2], $0x50, $0x38;
	[tilespmem:$0x1DC80] =	vst v63  }
0x89: {  	s11 =	simm.s32 $0x300;
	s0 =	sadd.s32 s26, s0  }
0x8a: {  	[tilespmem:s11], [sflag:$0xB] =	stream.linear.gather [hbm4b:s0+s2], $0x50, $0x38;
	[tilespmem:$0x1DC80] =	vst v63  }
.Ltmp6:
0x8b: {  	_ = 	snop;
	(pc) =	sbr.rel .LBB2_11-.Ltmp6, $4  }
0x8c: {  	_ =	swait.ge [sflag:s31], $0x50  }
0x8d: {  	[sflag:s31] =	ssyncset.done $0x0  }
0x8e: {  	s26 =	simm.s32 $0x80;
	[sflag:s31] =	ssyncadd.s32 $0xFFFFFFB0  }
0x8f: {  	[tilespmem:s6], [sflag:$0x2] =	stream.indirect.gather [hbm4b:s3+s21], $0x80, s26, s21, $0xb8;
	[tilespmem:$0x1DC80] =	vst v63  }
.LBB2_10:
0x90: {  	p2 =	sgt.u32 s26, $0x7E  }
.Ltmp7:
0x91: {  	_ = 	snop;
	(pc) =	sbr.rel @p2 .LBB2_12-.Ltmp7, $1  }
0x92: {  	_ =	sdelay $0x3  }
.LBB2_11:
0x93: {  	_ =	swait.ge [sflag:s8], $0x2800  }
0x94: {  	[sflag:s8] =	ssyncset.done $0x0  }
0x95: {  	[sflag:s8] =	ssyncadd.s32 $0xFFFFD800  }
0x96: {  	_ =	swait.ge [sflag:s10], $0x50  }
0x97: {  	[sflag:s10] =	ssyncset.done $0x0  }
0x98: {  	[sflag:s10] =	ssyncadd.s32 $0xFFFFFFB0  }
0x99: {  	[spmem:s1] =	stream.indirect.scatter.add.f32 [tilespmem:s22], [sflag:$0x5], $0x80, s19, s21, $0xb8;
	[tilespmem:$0x1DC80] =	vst v63  }
.LBB2_12:
0x9a: {  	p2 =	sgt.u32 @!p1 s30, $0x80  }
0x9b: {  	p1 =	por p2, p1;
	p2 =	sgt.u32 s30, $0x7C  }
.Ltmp8:
0x9c: {  	_ = 	snop;
	(pc) =	sbr.rel @!p2 .LBB2_13-.Ltmp8, $4  }
0x9d: {  	s0 =	simm.s32 @!p1 $0x8  }
0x9e: {  	_ =	swait.ge @!p1 [sflag:s0], $0x2800  }
0x9f: {  	[sflag:s0] =	ssyncset.done @!p1 $0x0  }
0xa0: {  	[sflag:s0] =	ssyncadd.s32 @!p1 $0xFFFFD800  }
0xa1: {  	p1 =	sgt.u32 s30, $0x7E  }
.Ltmp9:
0xa2: {  	_ = 	snop;
	(pc) =	sbr.rel @p1 .LBB2_16-.Ltmp9, $4  }
.Ltmp10:
0xa3: {  	_ = 	snop;
	(pc) =	sbr.rel @!p1 .LBB2_15-.Ltmp10, $4  }
0xa4: {  	_ = 	snop  }
0xa5: {  	_ = 	snop  }
0xa6: {  	_ = 	snop  }
0xa7: {  	_ = 	snop  }
.LBB2_6:
.Ltmp11:
0xa8: {  	(pc) =	sbr.rel @!p2 .LBB2_5-.Ltmp11, $1  }
0xa9: {  	_ =	sdelay $0x3  }
.Ltmp12:
0xaa: {  	(pc) =	sbr.rel .LBB2_8-.Ltmp12, $3  }
0xab: {  	_ =	sdelay $0x1  }
0xac: {  	s0 =	sshll.u32 s16, $0x2  }
0xad: {  	s26 =	sor.u32 $0x2, s0  }
.LBB2_18:
0xae: {  	_ =	sfence.sel $0x180000  }
0xaf: {  	[bflag:$0x0] =	sbarrier.arrive $0xFFFF  }
0xb0: {  	_ =	strace $0x90000050  }
0xb1: {  	[bflag:$0x2] =	sbarrier.arrive $0xFFFF  }
0xb2: {  	s0 =	rddreg [dreg:$0x2]  }
0xb3: {  	s0 =	sadd.s32 @!p0 $0x100000, s0  }
0xb4: {  	[sflag:s0] =	ssyncadd.tile.s32 @!p0 $0x1;
	_ =	shalt  }
.Lfunc_end2:
_tile_overlayer_lowered:
.L_overlay_start_2:
0xb5: {  	(tag) =	ssettag $0x2  }
0xb6: {  	s0 =	rddreg [dreg:$0x0];
	s2 =	stileid.u32  }
0xb7: {  	s1 =	rddreg [dreg:$0x1];
	p0 =	sne.s32 s2, $0x0  }
0xb8: {  	s3 =	rddreg [dreg:$0x2];
	[bflag:$0x3] =	sbarrier.arrive $0xFFFF;
	s2 =	simm.s32 @!p0 $0x1C11  }
0xb9: {  	[timem:s3], [sflag:s2] =	dma.local @!p0 [hbm:s0], s1  }
0xba: {  	s0 =	simm.s32 @!p0 $0x11  }
0xbb: {  	_ =	swait.ge @!p0 [sflag:s0], s1  }
0xbc: {  	s1 =	ssub.s32 @!p0 $0x0, s1;
	[sflag:s0] =	ssyncset.done @!p0 $0x0  }
0xbd: {  	[sflag:s0] =	ssyncadd.s32 @!p0 s1  }
0xbe: {  	[bflag:$0x3] =	sbarrier.arrive $0xFFFF  }
0xbf: {  	_ =	shalt  }

// kernel: kernel.30.cloned.1.call-start
scs
__scs_entry_jumppad:
0x0: {  	(pc) =	sbr.rel $0x88, $3  }
0x1: {  	(tag) =	ssettag $0x0;
	lr =	simm.s32 $0x1  }
0x2: {  	[smem:$0x3F8E] =	sst lr;
	_ =	strace $0xD0000000  }
0x3: {  	_ = 	snop  }
0x4: {  	_ = 	snop  }
0x5: {  	_ = 	snop  }
0x6: {  	_ = 	snop  }
0x7: {  	_ = 	snop  }
__scs_overlays_trampoline_lowered:
0x8: {  	[smem:$0x3F9D] =	sst s0  }
0x9: {  	[smem:$0x3F9E] =	sst s1  }
0xa: {  	[smem:$0x3F9F] =	sst s2  }
0xb: {  	[smem:$0x3FA0] =	sst s3  }
0xc: {  	[smem:$0x3FA1] =	sst s4  }
0xd: {  	[smem:$0x3FA2] =	sst s5  }
0xe: {  	[smem:$0x3FA3] =	sst s6  }
0xf: {  	[smem:$0x3FA4] =	sst s7  }
0x10: {  	[smem:$0x3FA5] =	sst s8  }
0x11: {  	[smem:$0x3FA6] =	sst s9;
	s0 =	simm.s32 @!p0 $0x0  }
0x12: {  	s1 =	sld [smem:$0x3F8C];
	s0 =	simm.s32 @p0 $0x1  }
0x13: {  	[smem:$0x3FA7] =	sst s0;
	s0 =	simm.s32 @!p1 $0x0  }
0x14: {  	s2 =	sld [smem:$0x3F8B];
	s0 =	simm.s32 @p1 $0x1  }
0x15: {  	[smem:$0x3FA8] =	sst s0;
	s0 =	simm.s32 @!p2 $0x0  }
0x16: {  	s3 =	sld [smem:$0x3FDB];
	s0 =	simm.s32 @p2 $0x1  }
0x17: {  	s4 =	simm.s32 $0x1BF5;
	[smem:$0x3FAA] =	sst s0  }
0x18: {  	s0 =	sld [smem:$0x3F8D];
	_ =	swait.ge [sflag:s4], $0x0  }
0x19: {  	s7 =	sld [smem:$0x3F8E]  }
0x1a: {  	s8 =	sadd.s32 $0xFFFFE003, lr  }
0x1b: {  	s9 =	sadd.s32 $0xFFFFFEF7, lr;
	s5 =	simm.s32 $0xFFFFFFFF;
	p2 =	slt.u32 s8, $0xFFFFF086  }
0x1c: {  	p1 =	slt.u32 s9, $0xF7A;
	s5 =	simm.s32 @!p2 $0x0  }
0x1d: {  	s5 =	simm.s32 @p1 $0x1;
	p0 =	seq.s32 s7, s2  }
0x1e: {  	s7 =	smul.u32 @!p0 $0xF7A, s2;
	p2 =	seq.s32 @!p0 s5, $0x0  }
0x1f: {  	s9 =	smul.u32 $0xF7A, s1;
	s8 =	simm.s32 @!p0 $0x1BF5;
	p2 =	por !p2, p0  }
0x20: {  	[sflag:s8] =	ssyncset.s32 @!p0 $0xFFFFF086;
	s6 =	sadd.s32 @!p0 s3, s7;
	s7 =	simm.s32 @!p0 $0x108  }
0x21: {  	s3 =	sadd.s32 s3, s9;
	s6 =	sadd.s32 @!p0 $0x88, s6;
	s7 =	simm.s32 @p2 $0x1082  }
0x22: {  	[simem:s7], [sflag:s8] =	dma.local @!p0 [hbm:s6], $0xF7A  }
0x23: {  	s9 =	sor.u32 $0xD0000000, s2;
	s6 =	simm.s32 $0x108;
	_ =	swait.ge @!p0 [sflag:s8], $0x0  }
0x24: {  	s3 =	sadd.s32 $0x88, s3;
	s6 =	simm.s32 @!p1 $0x1082;
	[sflag:s4] =	ssyncset.s32 $0xFFFFF086  }
0x25: {  	[simem:s6], [sflag:s4] =	dma.local [hbm:s3], $0xF7A  }
0x26: {  	[smem:$0x3F8E] =	sst s1;
	(tag) =	ssettag s2;
	_ =	strace s9  }
0x27: {  	s1 =	sld [smem:$0x3F9E]  }
0x28: {  	s2 =	sld [smem:$0x3F9F]  }
0x29: {  	s4 =	sld [smem:$0x3FA1]  }
0x2a: {  	p0 =	seq.s32 s5, $0x0;
	s5 =	sld [smem:$0x3FA2]  }
0x2b: {  	s6 =	sld [smem:$0x3FA3]  }
0x2c: {  	s7 =	sld [smem:$0x3FA4]  }
0x2d: {  	s3 =	simm.s32 $0x108;
	s8 =	sld [smem:$0x3FA5]  }
0x2e: {  	s3 =	simm.s32 @!p0 $0x1082;
	s9 =	sld [smem:$0x3FA6]  }
0x2f: {  	lr =	sadd.s32 s0, s3;
	s0 =	sld [smem:$0x3F9D]  }
0x30: {  	s3 =	sld [smem:$0x3FA0]  }
0x31: {  	[smem:$0x3FA9] =	sst s10  }
0x32: {  	s10 =	sld [smem:$0x3FA7];
	_ =	sdelay $0x3  }
0x33: {  	p0 =	seq.s32 s10, $0x1;
	s10 =	sld [smem:$0x3FA9];
	_ =	sdelay $0x3  }
0x34: {  	[smem:$0x3FA9] =	sst s10  }
0x35: {  	s10 =	sld [smem:$0x3FA8];
	_ =	sdelay $0x3  }
0x36: {  	p1 =	seq.s32 s10, $0x1;
	s10 =	sld [smem:$0x3FA9];
	_ =	sdelay $0x3  }
0x37: {  	[smem:$0x3FA9] =	sst s10  }
0x38: {  	s10 =	sld [smem:$0x3FAA]  }
0x39: {  	_ = 	snop;
	(pc) =	sbr.ind lr, $3  }
0x3a: {  	_ = 	snop  }
0x3b: {  	_ = 	snop  }
0x3c: {  	p2 =	seq.s32 s10, $0x1;
	s10 =	sld [smem:$0x3FA9]  }
0x3d: {  	_ =	shalt  }
0x3e: {  	_ =	shalt  }
0x3f: {  	_ =	shalt  }
0x40: {  	_ =	shalt  }
0x41: {  	_ =	shalt  }
0x42: {  	_ =	shalt  }
0x43: {  	_ =	shalt  }
0x44: {  	_ =	shalt  }
0x45: {  	_ =	shalt  }
0x46: {  	_ =	shalt  }
0x47: {  	_ =	shalt  }
0x48: {  	_ =	shalt  }
0x49: {  	_ =	shalt  }
0x4a: {  	_ =	shalt  }
0x4b: {  	_ =	shalt  }
0x4c: {  	_ =	shalt  }
0x4d: {  	_ =	shalt  }
0x4e: {  	_ =	shalt  }
0x4f: {  	_ =	shalt  }
0x50: {  	_ =	shalt  }
0x51: {  	_ =	shalt  }
0x52: {  	_ =	shalt  }
0x53: {  	_ =	shalt  }
0x54: {  	_ =	shalt  }
0x55: {  	_ =	shalt  }
0x56: {  	_ =	shalt  }
0x57: {  	_ =	shalt  }
0x58: {  	_ =	shalt  }
0x59: {  	_ =	shalt  }
0x5a: {  	_ =	shalt  }
0x5b: {  	_ =	shalt  }
0x5c: {  	_ =	shalt  }
0x5d: {  	_ =	shalt  }
0x5e: {  	_ =	shalt  }
0x5f: {  	_ =	shalt  }
0x60: {  	_ =	shalt  }
0x61: {  	_ =	shalt  }
0x62: {  	_ =	shalt  }
0x63: {  	_ =	shalt  }
0x64: {  	_ =	shalt  }
0x65: {  	_ =	shalt  }
0x66: {  	_ =	shalt  }
0x67: {  	_ =	shalt  }
0x68: {  	_ =	shalt  }
0x69: {  	_ =	shalt  }
0x6a: {  	_ =	shalt  }
0x6b: {  	_ =	shalt  }
0x6c: {  	_ =	shalt  }
0x6d: {  	_ =	shalt  }
0x6e: {  	_ =	shalt  }
0x6f: {  	_ =	shalt  }
0x70: {  	_ =	shalt  }
0x71: {  	_ =	shalt  }
0x72: {  	_ =	shalt  }
0x73: {  	_ =	shalt  }
0x74: {  	_ =	shalt  }
0x75: {  	_ =	shalt  }
0x76: {  	_ =	shalt  }
0x77: {  	_ =	shalt  }
0x78: {  	_ =	shalt  }
0x79: {  	_ =	shalt  }
0x7a: {  	_ =	shalt  }
0x7b: {  	_ =	shalt  }
0x7c: {  	_ =	shalt  }
0x7d: {  	_ =	shalt  }
0x7e: {  	_ =	shalt  }
0x7f: {  	_ =	shalt  }
0x80: {  	_ =	shalt  }
0x81: {  	_ =	shalt  }
0x82: {  	_ =	shalt  }
0x83: {  	_ =	shalt  }
0x84: {  	_ =	shalt  }
0x85: {  	_ =	shalt  }
0x86: {  	_ =	shalt  }
0x87: {  	_ =	shalt  }
.Lfunc_end0:
.L_simem_size_0:
called_computation.4_lowered:
.L_overlay_start_0:
0x88: {  	s2 =	sld [smem:$0x3FD9]  }
0x89: {  	s3 =	sld [smem:$0x3FFE];
	_ =	sdelay $0x1  }
0x8a: {  	s1 =	srdreg.scid  }
0x8b: {  	s0 =	sand.u32 $0x1, s1  }
0x8c: {  	s16 =	sshll.u32 s0, $0xA;
	s2 =	sadd.s32 s3, s2  }
0x8d: {  	s2 =	sadd.s32 s2, s16  }
0x8e: {  	[smem:$0x3FB5] =	sst s2  }
0x8f: {  	_ = 	snop  }
0x90: {  	(tm) =	ssettm $0x1  }
0x91: {  	s17 =	sld [smem:$0x3FFB];
	_ =	sdelay $0x3  }
0x92: {  	_ =	strace s17  }
0x93: {  	s2 =	sld [smem:$0x3FFC];
	_ =	sdelay $0x3  }
0x94: {  	_ =	strace s2  }
0x95: {  	s2 =	sld [smem:$0x3FFD];
	_ =	sdelay $0x3  }
0x96: {  	_ =	strace s2  }
0x97: {  	_ =	strace $0x8FFFFFFF  }
0x98: {  	s18 =	sld [smem:$0x3FDB];
	_ =	sdelay $0x1  }
0x99: {  	s19 =	simm.s32 $_scs_section_size  }
0x9a: {  	s4 =	simm.s32 $_size__tile_overlayer_lowered;
	s5 =	simm.s32 $_tile_overlayer_lowered  }
0x9b: {  	s22 =	simm.s32 $0x1BFF;
	s21 =	sshll.u32 s5, $0x1;
	s2 =	sadd.s32 s19, s18  }
0x9c: {  	s6 =	simm.s32 $0x0;
	s20 =	sshll.u32 s4, $0x1;
	s4 =	sadd.s32 s21, s2  }
0x9d: {  	[timem:s6], [sflag:s22] =	dma.local [hbm:s4], s20  }
0x9e: {  	_ =	swait.ge [sflag:s22], s20  }
0x9f: {  	s3 =	ssub.s32 $0x0, s20;
	[sflag:s22] =	ssyncset.done $0x0  }
0xa0: {  	[sflag:s22] =	ssyncadd.s32 s3;
	_ =	sdelay $0x1  }
0xa1: {  	s23 =	simm.s32 $0x1B8B  }
0xa2: {  	_ =	swait.ge [sflag:s23], $0x1  }
0xa3: {  	[sflag:s23] =	ssyncset.done $0x0  }
0xa4: {  	s25 =	simm.s32 $0x1B8E;
	s24 =	sld [smem:$0x3FFE];
	[sflag:s23] =	ssyncadd.s32 $0xFFFFFFFF  }
0xa5: {  	s26 =	simm.s32 $execute0_lowered;
	[smem:$0x3FD2] =	sst s25  }
0xa6: {  	s4 =	sshll.u32 s26, $0x1;
	_ =	strace $0x80000052;
	[dreg:$0x1] =	wrdreg $0xFFFFFFFF  }
0xa7: {  	s28 =	simm.s32 $_size_execute0_lowered;
	s2 =	sadd.s32 s2, s4;
	[dreg:$0x0] =	wrdreg $0x0  }
0xa8: {  	s4 =	sshll.u32 s28, $0x1;
	[dreg:$0x2] =	wrdreg s2  }
0xa9: {  	[dreg:$0x3] =	wrdreg s4  }
0xaa: {  	[dreg:$0x4] =	wrdreg $0xC0  }
0xab: {  	_ =	task [dreg:s6], $0x5FFFF  }
0xac: {  	[dreg:$0x1] =	wrdreg $0xFFFFFFFF  }
0xad: {  	[dreg:$0x0] =	wrdreg $0x60  }
0xae: {  	[dreg:$0x2] =	wrdreg s24  }
0xaf: {  	[dreg:$0x3] =	wrdreg $0xA4000  }
0xb0: {  	[dreg:$0x4] =	wrdreg $0x9  }
0xb1: {  	_ =	task.clear_ibuf [dreg:s6], $0x5FFFF;
	_ =	strace $0x90000052  }
0xb2: {  	s29 =	simm.s32 $0x9;
	_ =	strace $0x80000054  }
0xb3: {  	_ =	swait.ge [sflag:s29], $0x1  }
0xb4: {  	[sflag:s29] =	ssyncadd.s32 $0xFFFFFFFF  }
0xb5: {  	_ =	strace $0x90000054  }
0xb6: {  	_ =	sfence  }
0xb7: {  	s30 =	sld [smem:$0x0];
	_ =	sdelay $0x2  }
0xb8: {  	s31 =	sshll.u32 s1, $0xD;
	s1 =	sshrl.u32 s1, $0x2  }
0xb9: {  	s3 =	sand.u32 $0x4000, s31;
	s1 =	sadd.s32 s1, s30  }
0xba: {  	s0 =	sor.u32 s3, s0;
	s1 =	sshll.u32 s1, $0x11  }
0xbb: {  	s0 =	sor.u32 s1, s0  }
0xbc: {  	s0 =	sadd.s32 $0x8F2B, s0  }
0xbd: {  	[sflag:s0] =	ssyncadd.remote.s32 $0x1  }
0xbe: {  	_ =	sfence.sel $0xFFFF  }
0xbf: {  	[dreg:$0x0] =	wrdreg $0xFFFFFFFF;
	(pc) =	sbr.abs _section_cstart, $3  }
0xc0: {  	[dreg:$0x1] =	wrdreg $0xFFFFFFFF  }
0xc1: {  	_ =	task.clear_ibuf [dreg:s6], $0x2FFFF;
	_ =	strace $0x9FFFFFFF  }
0xc2: {  	(tm) =	ssettm $0x7FFFFFFF  }
0xc3: {  	_ =	shalt  }
tec
execute0_lowered:
.L_overlay_start_1:
0x0: {  	(tag) =	ssettag $0x1  }
0x1: {  	s4 =	rddreg [dreg:$0x0]  }
0x2: {  	s1 =	rddreg [dreg:$0x1]  }
0x3: {  	s2 =	simm.s32 $0x0;
	s5 =	stileid.u32;
	s7 =	srdreg.scid  }
0x4: {  	s28 =	simm.s32 $0x7;
	s29 =	simm.s32 $0x100;
	s31 =	simm.s32 $0xE  }
0x5: {  	[smem:$0x7FF] =	sst s2;
	s3 =	sadd.s32 $0x40200, s4;
	s6 =	smul.u32 $0x13800, s5  }
0x6: {  	s0 =	sadd.s32 $0xF200, s4;
	s10 =	sadd.s32 $0x5400, s4;
	s7 =	sand.u32 $0x1, s7  }
0x7: {  	s12 =	sadd.s32 $0xDC600, s4;
	s14 =	sshll.u32 s5, $0x6;
	s19 =	sadd.s32 $0x40000, s4  }
0x8: {  	p0 =	sne.s32 s5, $0x0;
	_ =	strace $0x80000053;
	[dreg:$0x3] =	wrdreg s0  }
0x9: {  	[dreg:$0x4] =	wrdreg s10;
	s9 =	ssub.s32 $0x2, s7;
	s10 =	smul.u32 $0x4E000, s5  }
0xa: {  	s17 =	sshll.u32 s7, $0x4;
	s18 =	smul.u32 $0x138800, s7;
	[dreg:$0x7] =	wrdreg s19  }
0xb: {  	s7 =	smul.u32 $0x27100, s7;
	s19 =	simm.s32 $0x200;
	s8 =	sshrl.u32 s6, $0x3  }
0xc: {  	s13 =	sshrl.u32 s9, $0x1;
	s20 =	sor.u32 s5, s17;
	s17 =	simm.s32 $0xA  }
0xd: {  	s8 =	sadd.s32 s8, s4;
	s13 =	ssub.s32 s9, s13;
	s11 =	sshrl.u32 s10, $0x2  }
0xe: {  	s6 =	sadd.s32 s6, s18;
	s10 =	sshrl.u32 s18, $0x3;
	s9 =	smul.u32 $0x2710, s20  }
0xf: {  	s20 =	simm.s32 $0xD;
	s18 =	simm.s32 $0x2;
	s16 =	sadd.s32 s11, s1  }
0x10: {  	s15 =	sadd.s32 $0x19000, s8;
	s11 =	sor.u32 $0x1C11, s14;
	s8 =	sadd.s32 $0x138000, s1  }
0x11: {  	s14 =	smul.u32 $0x2710, s5;
	s21 =	sshrl.u32 s6, $0x3;
	s22 =	sadd.s32 s12, s10  }
0x12: {  	s26 =	smax.u32 s13, $0x1;
	s6 =	simm.s32 $0x2C00;
	s10 =	simm.s32 $0x9  }
0x13: {  	[dreg:$0x5] =	wrdreg s15;
	s23 =	sadd.s32 s12, s21;
	s24 =	sadd.s32 $0x27000, s22  }
0x14: {  	[dreg:$0xa] =	wrdreg s26;
	s5 =	sshrl.u32 s16, $0x3;
	s16 =	sshrl.u32 @!p0 s8, $0x3  }
0x15: {  	s21 =	simm.s32 $0x50;
	s22 =	simm.s32 $0x400;
	[dreg:$0x6] =	wrdreg s11  }
0x16: {  	s8 =	simm.s32 $0x1;
	s12 =	simm.s32 $0xF;
	[dreg:$0x8] =	wrdreg s23  }
.Ltmp0:
0x17: {  	s26 =	simm.s32 $0x0;
	[dreg:$0x9] =	wrdreg s24;
	(pc) =	sbr.rel .LBB2_1-.Ltmp0, $4  }
0x18: {  	s25 =	sadd.s32 s14, s7;
	s23 =	simm.s32 $0x4;
	[dreg:$0xb] =	wrdreg s5  }
0x19: {  	s24 =	simm.s32 $0xC;
	[dreg:$0xc] =	wrdreg s16;
	s30 =	sadd.s32 $0xF0, s25  }
0x1a: {  	s7 =	sadd.s32 $0x50, s25;
	s13 =	sshrl.u32 s25, $0x3;
	s25 =	simm.s32 $0x380  }
0x1b: {  	s14 =	sshrl.u32 s30, $0x3;
	s15 =	sshrl.u32 s7, $0x3;
	s7 =	simm.s32 $0x11  }
.LBB2_17:
0x1c: {  	[bflag:$0x0] =	sbarrier.arrive $0xFFFF  }
0x1d: {  	s11 =	rddreg [dreg:$0x6]  }
0x1e: {  	s0 =	rddreg [dreg:$0x8]  }
0x1f: {  	s7 =	simm.s32 $0x11;
	s5 =	rddreg [dreg:$0xb]  }
0x20: {  	[hbm:s0], [sflag:s11] =	dma.local [spmem:s5], $0x2700  }
0x21: {  	_ =	swait.ge [sflag:s7], $0x2700  }
0x22: {  	[sflag:s7] =	ssyncset.done $0x0;
	s0 =	rddreg [dreg:$0x9]  }
0x23: {  	s16 =	rddreg [dreg:$0xc];
	[sflag:s7] =	ssyncadd.s32 $0xFFFFD900  }
0x24: {  	[hbm:s0], [sflag:s11] =	dma.local @!p0 [spmem:s16], $0x100  }
0x25: {  	s0 =	simm.s32 @!p0 $0x11  }
0x26: {  	_ =	swait.ge @!p0 [sflag:s0], $0x100  }
0x27: {  	s26 =	rddreg [dreg:$0xd]  }
0x28: {  	s4 =	rddreg [dreg:$0xa];
	s26 =	sadd.s32 $0x1, s26  }
0x29: {  	p1 =	sne.s32 s26, s4  }
.Ltmp1:
0x2a: {  	_ = 	snop;
	(pc) =	sbr.rel @!p1 .LBB2_18-.Ltmp1, $3  }
0x2b: {  	_ =	sdelay $0x1  }
0x2c: {  	[sflag:s0] =	ssyncset.done @!p0 $0x0  }
0x2d: {  	[sflag:s0] =	ssyncadd.s32 @!p0 $0xFFFFFF00  }
.LBB2_1:
0x2e: {  	[dreg:$0xd] =	wrdreg s26  }
0x2f: {  	s0 =	rddreg [dreg:$0x5]  }
0x30: {  	[spmem:s5], [sflag:s11] =	dma.local [hbm:s0], $0x2700  }
0x31: {  	_ =	swait.ge [sflag:s7], $0x2700  }
0x32: {  	[sflag:s7] =	ssyncset.done $0x0  }
0x33: {  	s4 =	simm.s32 @!p0 $0x11;
	s0 =	rddreg [dreg:$0x7];
	[sflag:s7] =	ssyncadd.s32 $0xFFFFD900  }
0x34: {  	[spmem:s16], [sflag:s11] =	dma.local @!p0 [hbm:s0], $0x100  }
0x35: {  	_ =	swait.ge @!p0 [sflag:s4], $0x100  }
.Ltmp2:
0x36: {  	[sflag:s4] =	ssyncset.done @!p0 $0x0;
	(pc) =	sbr.rel .LBB2_2-.Ltmp2, $4  }
0x37: {  	[sflag:s4] =	ssyncadd.s32 @!p0 $0xFFFFFF00  }
0x38: {  	[bflag:$0x0] =	sbarrier.arrive $0xFFFF  }
0x39: {  	s4 =	rddreg [dreg:$0x3]  }
0x3a: {  	s30 =	simm.s32 $0x3;
	s16 =	simm.s32 $0x0;
	s5 =	rddreg [dreg:$0x4]  }
.LBB2_13:
0x3b: {  	s0 =	sadd.s32 s4, s14;
	s7 =	simm.s32 $0x180  }
0x3c: {  	[tilespmem:s7], [sflag:$0x10] =	stream.linear.gather [hbm4b:s0+s2], $0x50, $0x38;
	[tilespmem:$0x1DC80] =	vst v63  }
0x3d: {  	s11 =	sadd.s32 s5, s14  }
0x3e: {  	[tilespmem:s25], [sflag:$0xC] =	stream.linear.gather [hbm4b:s11+s2], $0x50, $0x38;
	[tilespmem:$0x1DC80] =	vst v63  }
0x3f: {  	_ =	swait.ge [sflag:s12], $0x50  }
0x40: {  	[sflag:s12] =	ssyncset.done $0x0  }
0x41: {  	s26 =	simm.s32 $0x5400;
	[sflag:s12] =	ssyncadd.s32 $0xFFFFFFB0  }
0x42: {  	[tilespmem:s26], [sflag:$0x3] =	stream.indirect.gather [hbm4b:s3+s21], $0x80, s29, s21, $0xb8;
	[tilespmem:$0x1DC80] =	vst v63  }
.LBB2_15:
0x43: {  	_ =	swait.ge [sflag:s18], $0x2800  }
0x44: {  	[sflag:s18] =	ssyncset.done $0x0  }
0x45: {  	[sflag:s18] =	ssyncadd.s32 $0xFFFFD800  }
0x46: {  	_ =	swait.ge [sflag:s17], $0x50  }
0x47: {  	[sflag:s17] =	ssyncset.done $0x0  }
0x48: {  	s0 =	simm.s32 $0x280;
	[sflag:s17] =	ssyncadd.s32 $0xFFFFFFB0  }
0x49: {  	[spmem:s1] =	stream.indirect.scatter.add.f32 [tilespmem:s6], [sflag:$0x6], $0x80, s0, s21, $0xb8;
	[tilespmem:$0x1DC80] =	vst v63  }
.LBB2_16:
0x4a: {  	s16 =	sadd.s32 $0x1, s16  }
0x4b: {  	s5 =	sadd.s32 $0x28, s5;
	s4 =	sadd.s32 $0x28, s4;
	s30 =	sadd.s32 $0x4, s30  }
.LBB2_2:
0x4c: {  	s26 =	sadd.s32 $0xFFFFFFF9, s30;
	p2 =	seq.s32 s30, $0x83  }
.Ltmp3:
0x4d: {  	p1 =	sgt.u32 s26, $0x7C;
	(pc) =	sbr.rel @p2 .LBB2_17-.Ltmp3, $4  }
0x4e: {  	s26 =	simm.s32 @!p1 $0x5  }
0x4f: {  	_ =	swait.ge @!p1 [sflag:s26], $0x2800  }
0x50: {  	[sflag:s26] =	ssyncset.done @!p1 $0x0  }
0x51: {  	[sflag:s26] =	ssyncadd.s32 @!p1 $0xFFFFD800  }
0x52: {  	s26 =	sadd.s32 s4, s13;
	s11 =	sadd.s32 $0xFFFFFFFC, s30  }
0x53: {  	[tilespmem:s2], [sflag:$0xD] =	stream.linear.gather [hbm4b:s26+s2], $0x50, $0x38;
	[tilespmem:$0x1DC80] =	vst v63  }
0x54: {  	p1 =	sgt.u32 s11, $0x7C  }
0x55: {  	s7 =	sadd.s32 s5, s13;
	s26 =	simm.s32 @!p1 $0x10  }
0x56: {  	[tilespmem:s19], [sflag:$0x9] =	stream.linear.gather [hbm4b:s7+s2], $0x50, $0x38;
	[tilespmem:$0x1DC80] =	vst v63  }
0x57: {  	_ =	swait.ge @!p1 [sflag:s26], $0x50  }
0x58: {  	s0 =	simm.s32 @!p1 $0x7C00;
	[sflag:s26] =	ssyncset.done @!p1 $0x0  }
0x59: {  	s7 =	simm.s32 @!p1 $0x180;
	[sflag:s26] =	ssyncadd.s32 @!p1 $0xFFFFFFB0;
	s26 =	simm.s32 @!p1 $0x50  }
0x5a: {  	[tilespmem:s0], [sflag:$0x4] =	stream.indirect.gather @!p1 [hbm4b:s3+s26], $0x80, s7, s26, $0xb8;
	[tilespmem:$0x1DC80] =	vst v63  }
0x5b: {  	s26 =	sadd.s32 $0xFFFFFFFB, s30  }
0x5c: {  	p2 =	sgt.u32 s26, $0x7C  }
0x5d: {  	s0 =	simm.s32 @!p2 $0x3  }
0x5e: {  	_ =	swait.ge @!p2 [sflag:s0], $0x2800  }
0x5f: {  	[sflag:s0] =	ssyncset.done @!p2 $0x0  }
0x60: {  	[sflag:s0] =	ssyncadd.s32 @!p2 $0xFFFFD800;
	s0 =	simm.s32 @!p2 $0xB  }
0x61: {  	_ =	swait.ge @!p2 [sflag:s0], $0x50  }
0x62: {  	s7 =	simm.s32 @!p2 $0x300;
	[sflag:s0] =	ssyncset.done @!p2 $0x0  }
0x63: {  	s26 =	simm.s32 @!p2 $0x5400;
	[sflag:s0] =	ssyncadd.s32 @!p2 $0xFFFFFFB0;
	s0 =	simm.s32 @!p2 $0x50  }
0x64: {  	[spmem:s1] =	stream.indirect.scatter.add.f32 @!p2 [tilespmem:s26], [sflag:$0x7], $0x80, s7, s0, $0xb8;
	[tilespmem:$0x1DC80] =	vst v63  }
0x65: {  	p1 =	seq.s32 s30, $0x3;
	s0 =	sadd.s32 $0xFFFFFFFE, s30  }
0x66: {  	p3 =	sgt.u32 @!p1 s0, $0x80  }
0x67: {  	p3 =	por p3, p1  }
0x68: {  	s7 =	simm.s32 @!p3 $0x6  }
0x69: {  	_ =	swait.ge @!p3 [sflag:s7], $0x2800  }
0x6a: {  	[sflag:s7] =	ssyncset.done @!p3 $0x0  }
0x6b: {  	[sflag:s7] =	ssyncadd.s32 @!p3 $0xFFFFD800;
	p3 =	sgt.u32 s0, $0x7C  }
0x6c: {  	s7 =	sadd.s32 @!p3 s4, s15;
	s26 =	simm.s32 @!p3 $0x0;
	s11 =	simm.s32 @!p3 $0x80  }
0x6d: {  	[tilespmem:s11], [sflag:$0xE] =	stream.linear.gather @!p3 [hbm4b:s7+s26], $0x50, $0x38;
	[tilespmem:$0x1DC80] =	vst v63  }
0x6e: {  	s7 =	sadd.s32 @!p3 s5, s15;
	s11 =	simm.s32 @!p3 $0x280  }
0x6f: {  	[tilespmem:s11], [sflag:$0xA] =	stream.linear.gather @!p3 [hbm4b:s7+s26], $0x50, $0x38;
	[tilespmem:$0x1DC80] =	vst v63  }
0x70: {  	p3 =	sgt.u32 @!p1 s0, $0x7E  }
0x71: {  	p3 =	por p1, p3  }
.Ltmp4:
0x72: {  	_ = 	snop;
	(pc) =	sbr.rel @p3 .LBB2_6-.Ltmp4, $4  }
0x73: {  	_ =	swait.ge [sflag:s20], $0x50  }
0x74: {  	[sflag:s20] =	ssyncset.done $0x0  }
0x75: {  	[sflag:s20] =	ssyncadd.s32 $0xFFFFFFB0  }
0x76: {  	[tilespmem:s22], [sflag:$0x1] =	stream.indirect.gather [hbm4b:s3+s21], $0x80, s2, s21, $0xb8;
	[tilespmem:$0x1DC80] =	vst v63  }
0x77: {  	_ =	swait.ge [sflag:s23], $0x2800  }
0x78: {  	[sflag:s23] =	ssyncset.done $0x0  }
0x79: {  	[sflag:s23] =	ssyncadd.s32 $0xFFFFD800  }
0x7a: {  	_ =	swait.ge [sflag:s24], $0x50  }
0x7b: {  	[sflag:s24] =	ssyncset.done $0x0  }
0x7c: {  	s0 =	simm.s32 $0x7C00;
	[sflag:s24] =	ssyncadd.s32 $0xFFFFFFB0  }
0x7d: {  	[spmem:s1] =	stream.indirect.scatter.add.f32 [tilespmem:s0], [sflag:$0x8], $0x80, s25, s21, $0xb8;
	[tilespmem:$0x1DC80] =	vst v63  }
.LBB2_5:
0x7e: {  	_ =	swait.ge [sflag:s28], $0x2800  }
0x7f: {  	[sflag:s28] =	ssyncset.done $0x0  }
0x80: {  	s26 =	sadd.s32 $0xFFFFFFFF, s30;
	[sflag:s28] =	ssyncadd.s32 $0xFFFFD800  }
.LBB2_8:
0x81: {  	p2 =	sgt.u32 s26, $0x7C  }
.Ltmp5:
0x82: {  	_ = 	snop;
	(pc) =	sbr.rel @p2 .LBB2_10-.Ltmp5, $1  }
0x83: {  	_ =	sdelay $0x3  }
0x84: {  	s0 =	smul.u32 $0x50, s26;
	_ =	sdelay $0x1  }
0x85: {  	s0 =	sadd.s32 s9, s0  }
0x86: {  	s7 =	rddreg [dreg:$0x3];
	s0 =	sshrl.u32 s0, $0x3  }
0x87: {  	s26 =	rddreg [dreg:$0x4];
	s7 =	sadd.s32 s7, s0  }
0x88: {  	[tilespmem:s29], [sflag:$0xF] =	stream.linear.gather [hbm4b:s7+s2], $0x50, $0x38;
	[tilespmem:$0x1DC80] =	vst v63  }
0x89: {  	s11 =	simm.s32 $0x300;
	s0 =	sadd.s32 s26, s0  }
0x8a: {  	[tilespmem:s11], [sflag:$0xB] =	stream.linear.gather [hbm4b:s0+s2], $0x50, $0x38;
	[tilespmem:$0x1DC80] =	vst v63  }
.Ltmp6:
0x8b: {  	_ = 	snop;
	(pc) =	sbr.rel .LBB2_11-.Ltmp6, $4  }
0x8c: {  	_ =	swait.ge [sflag:s31], $0x50  }
0x8d: {  	[sflag:s31] =	ssyncset.done $0x0  }
0x8e: {  	s26 =	simm.s32 $0x80;
	[sflag:s31] =	ssyncadd.s32 $0xFFFFFFB0  }
0x8f: {  	[tilespmem:s6], [sflag:$0x2] =	stream.indirect.gather [hbm4b:s3+s21], $0x80, s26, s21, $0xb8;
	[tilespmem:$0x1DC80] =	vst v63  }
.LBB2_10:
0x90: {  	p2 =	sgt.u32 s26, $0x7E  }
.Ltmp7:
0x91: {  	_ = 	snop;
	(pc) =	sbr.rel @p2 .LBB2_12-.Ltmp7, $1  }
0x92: {  	_ =	sdelay $0x3  }
.LBB2_11:
0x93: {  	_ =	swait.ge [sflag:s8], $0x2800  }
0x94: {  	[sflag:s8] =	ssyncset.done $0x0  }
0x95: {  	[sflag:s8] =	ssyncadd.s32 $0xFFFFD800  }
0x96: {  	_ =	swait.ge [sflag:s10], $0x50  }
0x97: {  	[sflag:s10] =	ssyncset.done $0x0  }
0x98: {  	[sflag:s10] =	ssyncadd.s32 $0xFFFFFFB0  }
0x99: {  	[spmem:s1] =	stream.indirect.scatter.add.f32 [tilespmem:s22], [sflag:$0x5], $0x80, s19, s21, $0xb8;
	[tilespmem:$0x1DC80] =	vst v63  }
.LBB2_12:
0x9a: {  	p2 =	sgt.u32 @!p1 s30, $0x80  }
0x9b: {  	p1 =	por p2, p1;
	p2 =	sgt.u32 s30, $0x7C  }
.Ltmp8:
0x9c: {  	_ = 	snop;
	(pc) =	sbr.rel @!p2 .LBB2_13-.Ltmp8, $4  }
0x9d: {  	s0 =	simm.s32 @!p1 $0x8  }
0x9e: {  	_ =	swait.ge @!p1 [sflag:s0], $0x2800  }
0x9f: {  	[sflag:s0] =	ssyncset.done @!p1 $0x0  }
0xa0: {  	[sflag:s0] =	ssyncadd.s32 @!p1 $0xFFFFD800  }
0xa1: {  	p1 =	sgt.u32 s30, $0x7E  }
.Ltmp9:
0xa2: {  	_ = 	snop;
	(pc) =	sbr.rel @p1 .LBB2_16-.Ltmp9, $4  }
.Ltmp10:
0xa3: {  	_ = 	snop;
	(pc) =	sbr.rel @!p1 .LBB2_15-.Ltmp10, $4  }
0xa4: {  	_ = 	snop  }
0xa5: {  	_ = 	snop  }
0xa6: {  	_ = 	snop  }
0xa7: {  	_ = 	snop  }
.LBB2_6:
.Ltmp11:
0xa8: {  	(pc) =	sbr.rel @!p2 .LBB2_5-.Ltmp11, $1  }
0xa9: {  	_ =	sdelay $0x3  }
.Ltmp12:
0xaa: {  	(pc) =	sbr.rel .LBB2_8-.Ltmp12, $3  }
0xab: {  	_ =	sdelay $0x1  }
0xac: {  	s0 =	sshll.u32 s16, $0x2  }
0xad: {  	s26 =	sor.u32 $0x2, s0  }
.LBB2_18:
0xae: {  	_ =	sfence.sel $0x180000  }
0xaf: {  	[bflag:$0x0] =	sbarrier.arrive $0xFFFF  }
0xb0: {  	_ =	strace $0x90000053  }
0xb1: {  	[bflag:$0x2] =	sbarrier.arrive $0xFFFF  }
0xb2: {  	s0 =	rddreg [dreg:$0x2]  }
0xb3: {  	s0 =	sadd.s32 @!p0 $0x100000, s0  }
0xb4: {  	[sflag:s0] =	ssyncadd.tile.s32 @!p0 $0x1;
	_ =	shalt  }
.Lfunc_end2:
_tile_overlayer_lowered:
.L_overlay_start_2:
0xb5: {  	(tag) =	ssettag $0x2  }
0xb6: {  	s0 =	rddreg [dreg:$0x0];
	s2 =	stileid.u32  }
0xb7: {  	s1 =	rddreg [dreg:$0x1];
	p0 =	sne.s32 s2, $0x0  }
0xb8: {  	s3 =	rddreg [dreg:$0x2];
	[bflag:$0x3] =	sbarrier.arrive $0xFFFF;
	s2 =	simm.s32 @!p0 $0x1C11  }
0xb9: {  	[timem:s3], [sflag:s2] =	dma.local @!p0 [hbm:s0], s1  }
0xba: {  	s0 =	simm.s32 @!p0 $0x11  }
0xbb: {  	_ =	swait.ge @!p0 [sflag:s0], s1  }
0xbc: {  	s1 =	ssub.s32 @!p0 $0x0, s1;
	[sflag:s0] =	ssyncset.done @!p0 $0x0  }
0xbd: {  	[sflag:s0] =	ssyncadd.s32 @!p0 s1  }
0xbe: {  	[bflag:$0x3] =	sbarrier.arrive $0xFFFF  }
0xbf: {  	_ =	shalt  }

</sc_bundles>
